<compile_context>
chip_gen: v7x
topology: tpu7x:2x2x1
jax: 0.10.2.dev20260603
libtpu: 0.0.44.dev20260713+nightly
codegen_flags: <defaults>
</compile_context>

<pallas_src>
import functools

import jax
import jax.numpy as jnp
from jax import lax
from jax.experimental import pallas as pl
from jax.experimental.pallas import tpu as pltpu
from jax.experimental.pallas import tpu_sc as plsc

_N = 10000
_E = 320000
_H = 128
_HH = 64

_CE = 64
_NCHUNK = _E // _CE
_NS = 16
_ITERS = -(-_NCHUNK // _NS)
_NROW = _N // _NS
_RC = 125

_EB = 512
_NB = 512



def _embed_edge_body(e_ref, we_ref, be_ref, he_ref):
    o = e_ref[...] * we_ref[...] + be_ref[...]
    he_ref[0, :, :] = o[:, :_HH]
    he_ref[1, :, :] = o[:, _HH:]


def _embed_edge(e2, we, be):
    grid = _E // _EB
    return pl.pallas_call(
        _embed_edge_body,
        grid=(grid,),
        in_specs=[
            pl.BlockSpec((_EB, 1), lambda i: (i, 0)),
            pl.BlockSpec((1, _H), lambda i: (0, 0)),
            pl.BlockSpec((1, _H), lambda i: (0, 0)),
        ],
        out_specs=pl.BlockSpec((2, _EB, _HH), lambda i: (0, i, 0)),
        out_shape=jax.ShapeDtypeStruct((2, _E, _HH), jnp.float32),
    )(e2, we, be)


def _node_tf_body(h_ref, w_ref, b_ref, ux_ref, tsa_ref, tsb_ref, tdc_ref):
    h = h_ref[...]
    o = jnp.dot(h, w_ref[...], preferred_element_type=jnp.float32) + b_ref[...]
    vx = o[:, _H:2 * _H]
    hb = o[:, 2 * _H:3 * _H]
    hc = o[:, 3 * _H:]
    ux_ref[...] = o[:, :_H]
    tsa_ref[...] = jnp.concatenate([vx[:, :_HH], hb[:, :_HH]], axis=1)
    tsb_ref[...] = jnp.concatenate([vx[:, _HH:], hb[:, _HH:]], axis=1)
    tdc_ref[...] = hc


def _node_tf0_body(x_ref, wx_ref, bx_ref, w_ref, b_ref, h0_ref, ux_ref,
                   tsa_ref, tsb_ref, tdc_ref):
    h = (jnp.dot(x_ref[...], wx_ref[...], preferred_element_type=jnp.float32)
         + bx_ref[...])
    h0_ref[...] = h
    o = jnp.dot(h, w_ref[...], preferred_element_type=jnp.float32) + b_ref[...]
    vx = o[:, _H:2 * _H]
    hb = o[:, 2 * _H:3 * _H]
    hc = o[:, 3 * _H:]
    ux_ref[...] = o[:, :_H]
    tsa_ref[...] = jnp.concatenate([vx[:, :_HH], hb[:, :_HH]], axis=1)
    tsb_ref[...] = jnp.concatenate([vx[:, _HH:], hb[:, _HH:]], axis=1)
    tdc_ref[...] = hc


_NODE_OUT_SHAPES = [
    jax.ShapeDtypeStruct((_N, _H), jnp.float32),
    jax.ShapeDtypeStruct((_N, _H), jnp.float32),
    jax.ShapeDtypeStruct((_N, _H), jnp.float32),
    jax.ShapeDtypeStruct((_N, _H), jnp.float32),
]
_NODE_OUT_SPECS = [
    pl.BlockSpec((_NB, _H), lambda i: (i, 0)),
    pl.BlockSpec((_NB, _H), lambda i: (i, 0)),
    pl.BlockSpec((_NB, _H), lambda i: (i, 0)),
    pl.BlockSpec((_NB, _H), lambda i: (i, 0)),
]
_W_SPEC = pl.BlockSpec((_H, 4 * _H), lambda i: (0, 0))
_B_SPEC = pl.BlockSpec((1, 4 * _H), lambda i: (0, 0))
_H_SPEC = pl.BlockSpec((_NB, _H), lambda i: (i, 0))


def _node_tf(h, wcat, bcat):
    grid = -(-_N // _NB)
    return pl.pallas_call(
        _node_tf_body,
        grid=(grid,),
        in_specs=[_H_SPEC, _W_SPEC, _B_SPEC],
        out_specs=_NODE_OUT_SPECS,
        out_shape=_NODE_OUT_SHAPES,
    )(h, wcat, bcat)


def _node_tf0(x, wx, bx, wcat, bcat):
    grid = -(-_N // _NB)
    return pl.pallas_call(
        _node_tf0_body,
        grid=(grid,),
        in_specs=[
            pl.BlockSpec((_NB, 2), lambda i: (i, 0)),
            pl.BlockSpec((2, _H), lambda i: (0, 0)),
            pl.BlockSpec((1, _H), lambda i: (0, 0)),
            _W_SPEC, _B_SPEC,
        ],
        out_specs=[_H_SPEC] + _NODE_OUT_SPECS,
        out_shape=[jax.ShapeDtypeStruct((_N, _H), jnp.float32)]
        + _NODE_OUT_SHAPES,
    )(x, wx, bx, wcat, bcat)


def _ln_relu(v, g, b):
    m = jnp.mean(v, axis=-1, keepdims=True)
    d = v - m
    s = jnp.mean(d * d, axis=-1, keepdims=True)
    ln = d * lax.rsqrt(s + 1e-5) * g + b
    return jnp.maximum(ln, 0.0)


def _node_up_body(nd0_ref, nd1_ref, ux_ref, h_ref, g_ref, b_ref, ho_ref):
    nd0 = nd0_ref[...]
    nd1 = nd1_ref[...]
    num = jnp.concatenate([nd0[:, :_HH], nd1[:, :_HH]], axis=1)
    den = jnp.concatenate([nd0[:, _HH:], nd1[:, _HH:]], axis=1)
    v = ux_ref[...] + num / (den + 1e-6)
    ho_ref[...] = h_ref[...] + _ln_relu(v, g_ref[...], b_ref[...])


def _node_up(nd0, nd1, ux, h, g, b):
    grid = -(-_N // _NB)
    return pl.pallas_call(
        _node_up_body,
        grid=(grid,),
        in_specs=[_H_SPEC, _H_SPEC, _H_SPEC, _H_SPEC,
                  pl.BlockSpec((1, _H), lambda i: (0, 0)),
                  pl.BlockSpec((1, _H), lambda i: (0, 0))],
        out_specs=_H_SPEC,
        out_shape=jax.ShapeDtypeStruct((_N, _H), jnp.float32),
    )(nd0, nd1, ux, h, g, b)


def _edge_body(he_ref, p_ref, a_ref, ba_ref, g_ref, b_ref, heo_ref):
    he = jnp.concatenate([he_ref[0], he_ref[1]], axis=1)
    p = jnp.concatenate([p_ref[0], p_ref[1]], axis=1)
    ein = (jnp.dot(he, a_ref[...], preferred_element_type=jnp.float32)
           + ba_ref[...] + p)
    heo = he + _ln_relu(ein, g_ref[...], b_ref[...])
    heo_ref[0, :, :] = heo[:, :_HH]
    heo_ref[1, :, :] = heo[:, _HH:]


_HE_SPEC = pl.BlockSpec((2, _EB, _HH), lambda i: (0, i, 0))
_HB_SPEC = pl.BlockSpec((_H, _H), lambda i: (0, 0))
_H1_SPEC = pl.BlockSpec((1, _H), lambda i: (0, 0))


def _tc_edge(he, p, a, ba, g, b):
    grid = _E // _EB
    return pl.pallas_call(
        _edge_body,
        grid=(grid,),
        in_specs=[_HE_SPEC, _HE_SPEC, _HB_SPEC, _H1_SPEC, _H1_SPEC, _H1_SPEC],
        out_specs=_HE_SPEC,
        out_shape=jax.ShapeDtypeStruct((2, _E, _HH), jnp.float32),
    )(he, p, a, ba, g, b)


def _edge_final_body(he_ref, p_ref, a_ref, ba_ref, g_ref, b_ref, wo_ref,
                     bo_ref, wl_ref, bl_ref, out_ref):
    he = jnp.concatenate([he_ref[0], he_ref[1]], axis=1)
    p = jnp.concatenate([p_ref[0], p_ref[1]], axis=1)
    ein = (jnp.dot(he, a_ref[...], preferred_element_type=jnp.float32)
           + ba_ref[...] + p)
    heo = he + _ln_relu(ein, g_ref[...], b_ref[...])
    z = jnp.maximum(
        jnp.dot(heo, wo_ref[...], preferred_element_type=jnp.float32)
        + bo_ref[...], 0.0)
    logit = jnp.sum(z * wl_ref[...], axis=1, keepdims=True) + bl_ref[...]
    out_ref[...] = jax.nn.sigmoid(logit)


def _tc_edge_final(he, p, a, ba, g, b, wo, bo, wl_row, bl):
    grid = _E // _EB
    return pl.pallas_call(
        _edge_final_body,
        grid=(grid,),
        in_specs=[_HE_SPEC, _HE_SPEC, _HB_SPEC, _H1_SPEC, _H1_SPEC, _H1_SPEC,
                  _HB_SPEC, _H1_SPEC, _H1_SPEC,
                  pl.BlockSpec((1, 1), lambda i: (0, 0))],
        out_specs=pl.BlockSpec((_EB, 1), lambda i: (i, 0)),
        out_shape=jax.ShapeDtypeStruct((_E, 1), jnp.float32),
    )(he, p, a, ba, g, b, wo, bo, wl_row, bl)



def _sc_body(he_hbm, tsrc_hbm, tdst_hbm, src_hbm, dst_hbm, nd_hbm, p_hbm,
             heb, sib, dib, tsb, tdb, vb, pb, zb, accum, sem1, sem2):
    c = lax.axis_index("c")
    s = lax.axis_index("s")
    cn = c * _N

    def _zrow(r, carry):
        for k in range(_H // 16):
            zb[r, pl.ds(k * 16, 16)] = jnp.zeros((16,), jnp.float32)
        return carry
    lax.fori_loop(0, _RC, _zrow, 0)
    for t in range(_NROW // _RC):
        pltpu.sync_copy(zb, accum.at[pl.ds(s * _NROW + t * _RC, _RC)])
    plsc.subcore_barrier()

    def _chunk(i, carry):
        cid = s + _NS * i

        @pl.when(cid < _NCHUNK)
        def _():
            base = cid * _CE
            pltpu.sync_copy(he_hbm.at[c, pl.ds(base, _CE)], heb)
            pltpu.sync_copy(src_hbm.at[pl.ds(base, _CE)], sib)
            pltpu.sync_copy(dst_hbm.at[pl.ds(base, _CE)], dib)

            def _addcn(r, carry2):
                sib[pl.ds(r * 16, 16)] = sib[pl.ds(r * 16, 16)] + cn
                return carry2
            lax.fori_loop(0, _CE // 16, _addcn, 0)

            cp1 = pltpu.async_copy(tsrc_hbm.at[sib], tsb, sem1)
            cp2 = pltpu.async_copy(tdst_hbm.at[dib], tdb, sem2)
            cp1.wait()
            cp2.wait()

            def _row(r, carry2):
                for k in range(_HH // 16):
                    x = heb[r, pl.ds(k * 16, 16)]
                    g = 1.0 / (1.0 + jnp.exp(-x))
                    vx = tsb[r, pl.ds(k * 16, 16)]
                    hb = tsb[r, pl.ds(_HH + k * 16, 16)]
                    hc = tdb[r, pl.ds(c * _HH + k * 16, 16)]
                    vb[r, pl.ds(k * 16, 16)] = g * vx
                    vb[r, pl.ds(_HH + k * 16, 16)] = g
                    pb[r, pl.ds(k * 16, 16)] = hb + hc
                return carry2
            lax.fori_loop(0, _CE, _row, 0)

            pltpu.sync_copy(vb, accum.at[dib], add=True)
            pltpu.sync_copy(pb, p_hbm.at[c, pl.ds(base, _CE)])
        return carry
    lax.fori_loop(0, _ITERS, _chunk, 0)

    plsc.subcore_barrier()
    for t in range(_NROW // _RC):
        r0 = s * _NROW + t * _RC
        pltpu.sync_copy(accum.at[pl.ds(r0, _RC)], nd_hbm.at[c, pl.ds(r0, _RC)])


@functools.lru_cache(maxsize=None)
def _build_sc_edge_pass():
    return pl.kernel(
        _sc_body,
        out_type=[
            jax.ShapeDtypeStruct((2, _N, _H), jnp.float32),
            jax.ShapeDtypeStruct((2, _E, _HH), jnp.float32),
        ],
        mesh=plsc.VectorSubcoreMesh(core_axis_name="c", subcore_axis_name="s"),
        compiler_params=pltpu.CompilerParams(use_tc_tiling_on_sc=False),
        scratch_types=[
            pltpu.VMEM((_CE, _HH), jnp.float32),
            pltpu.VMEM((_CE,), jnp.int32),
            pltpu.VMEM((_CE,), jnp.int32),
            pltpu.VMEM((_CE, _H), jnp.float32),
            pltpu.VMEM((_CE, _H), jnp.float32),
            pltpu.VMEM((_CE, _H), jnp.float32),
            pltpu.VMEM((_CE, _HH), jnp.float32),
            pltpu.VMEM((_RC, _H), jnp.float32),
            pltpu.VMEM_SHARED((_N, _H), jnp.float32),
            pltpu.SemaphoreType.DMA,
            pltpu.SemaphoreType.DMA,
        ],
    )


def _sc_edge_pass(he, tsrc, tdst, src, dst):
    return _build_sc_edge_pass()(he, tsrc, tdst, src, dst)



def kernel(x, e, edge_index, We_x, be_x, We_e, be_e, U, bU, V, bV, A, bA,
           B, bB, C, bC, gx, bx, ge, bep, Wo, bo, Wl, bl):
    src = edge_index[0]
    dst = edge_index[1]

    he = _embed_edge(e.reshape(_E, 1), We_e, be_e.reshape(1, _H))

    h = None
    out = None
    for l in range(3):
        wcat = jnp.concatenate([U[l], V[l], B[l], C[l]], axis=1)
        bcat = jnp.concatenate([bU[l], bV[l], bB[l], bC[l]]).reshape(1, 4 * _H)
        if l == 0:
            h, ux, tsa, tsb, tdst = _node_tf0(
                x, We_x, be_x.reshape(1, _H), wcat, bcat)
        else:
            ux, tsa, tsb, tdst = _node_tf(h, wcat, bcat)
        tsrc = jnp.concatenate([tsa, tsb], axis=0)

        nd, p = _sc_edge_pass(he, tsrc, tdst, src, dst)

        h = _node_up(nd[0], nd[1], ux, h, gx[l].reshape(1, _H),
                     bx[l].reshape(1, _H))
        if l < 2:
            he = _tc_edge(he, p, A[l], bA[l].reshape(1, _H),
                          ge[l].reshape(1, _H), bep[l].reshape(1, _H))
        else:
            out = _tc_edge_final(
                he, p, A[l], bA[l].reshape(1, _H), ge[l].reshape(1, _H),
                bep[l].reshape(1, _H), Wo, bo.reshape(1, _H),
                Wl.reshape(1, _H), bl.reshape(1, 1))
    return out.reshape(_E)

# --- scband reference (transcript-rebuilt; emitter-appended) ---
"""Pipeline reference for scband-gcnencoder-37632503447747 (READ-ONLY COPY).

The authoritative reference and input builder live on the scoring server;
editing this copy changes nothing except your own understanding.
"""

import jax, jax.numpy as jnp
import numpy as np

N = 10000
E = 320000
H = 128
L = 3

def _ln(v, g, b):
    m = jnp.mean(v, axis=-1, keepdims=True)
    s = jnp.var(v, axis=-1, keepdims=True)
    return (v - m) / jnp.sqrt(s + 1e-5) * g + b

def setup_inputs(seed: int = 0):
    key = jax.random.key(seed)
    ks = jax.random.split(key, 24)
    p = lambda k, shape: jax.random.normal(k, shape, dtype=jnp.float32) * 0.05
    inp = {}
    inp["x"] = jax.random.normal(ks[0], (N, 2), dtype=jnp.float32)
    inp["e"] = jax.random.uniform(ks[1], (E,), dtype=jnp.float32)
    inp["edge_index"] = jax.random.randint(ks[2], (2, E), 0, N, dtype=jnp.int32)
    inp["We_x"] = p(ks[3], (2, H)); inp["be_x"] = jnp.zeros((H,), jnp.float32)
    inp["We_e"] = p(ks[4], (1, H)); inp["be_e"] = jnp.zeros((H,), jnp.float32)
    inp["U"] = p(ks[5], (L, H, H)); inp["bU"] = jnp.zeros((L, H), jnp.float32)
    inp["V"] = p(ks[6], (L, H, H)); inp["bV"] = jnp.zeros((L, H), jnp.float32)
    inp["A"] = p(ks[7], (L, H, H)); inp["bA"] = jnp.zeros((L, H), jnp.float32)
    inp["B"] = p(ks[8], (L, H, H)); inp["bB"] = jnp.zeros((L, H), jnp.float32)
    inp["C"] = p(ks[9], (L, H, H)); inp["bC"] = jnp.zeros((L, H), jnp.float32)
    inp["gx"] = jnp.ones((L, H), jnp.float32); inp["bx"] = jnp.zeros((L, H), jnp.float32)
    inp["ge"] = jnp.ones((L, H), jnp.float32); inp["bep"] = jnp.zeros((L, H), jnp.float32)
    inp["Wo"] = p(ks[10], (H, H)); inp["bo"] = jnp.zeros((H,), jnp.float32)
    inp["Wl"] = p(ks[11], (H, 1)); inp["bl"] = jnp.zeros((1,), jnp.float32)
    return inp

def reference(x, e, edge_index, We_x, be_x, We_e, be_e, U, bU, V, bV, A, bA, B, bB, C, bC, gx, bx, ge, bep, Wo, bo, Wl, bl):
    src = edge_index[0]
    dst = edge_index[1]
    # Embedder: node coords (V,2) -> (V,H); edge distances (E,) -> (E,H)
    h = x @ We_x + be_x
    he = e[:, None] @ We_e + be_e
    # Stacked GNN layers (Joshi-style residual gated GCN for TSP)
    for l in range(L):
        Ux = h @ U[l] + bU[l]
        Vx = h @ V[l] + bV[l]
        gate = jax.nn.sigmoid(he)
        msg = gate * Vx[src]
        num = jax.ops.segment_sum(msg, dst, num_segments=N)
        den = jax.ops.segment_sum(gate, dst, num_segments=N)
        agg = num / (den + 1e-6)
        e_in = he @ A[l] + bA[l] + h[src] @ B[l] + bB[l] + h[dst] @ C[l] + bC[l]
        h = h + jax.nn.relu(_ln(Ux + agg, gx[l], bx[l]))
        he = he + jax.nn.relu(_ln(e_in, ge[l], bep[l]))
    # OutLayer: MLP on edge features -> scalar logit per edge
    z = jax.nn.relu(he @ Wo + bo)
    logits = (z @ Wl + bl)[:, 0]
    return jax.nn.sigmoid(logits)

if __name__ == "__main__":
    import jax
    _d = setup_inputs()
    print(jax.jit(kernel)(*tuple(_d.values())))

</pallas_src>

<mosaic_0001>
#map = affine_map<(d0, d1) -> (0, 0, 0)>
#map1 = affine_map<(d0, d1) -> (0, 0)>
#map2 = affine_map<(d0, d1) -> (0)>
module attributes {stable_mosaic.version = 14 : i64} {
  func.func @_sc_body(%arg0: i32, %arg1: i32, %arg2: memref<2x320000x64xf32, #tpu.memory_space<hbm>>, %arg3: memref<20000x128xf32, #tpu.memory_space<hbm>>, %arg4: memref<10000x128xf32, #tpu.memory_space<hbm>>, %arg5: memref<320000xi32, #tpu.memory_space<hbm>>, %arg6: memref<320000xi32, #tpu.memory_space<hbm>>, %arg7: memref<2x10000x128xf32, #tpu.memory_space<hbm>>, %arg8: memref<2x320000x64xf32, #tpu.memory_space<hbm>>, %arg9: memref<64x64xf32, #tpu.memory_space<vmem>>, %arg10: memref<64xi32, #tpu.memory_space<vmem>>, %arg11: memref<64xi32, #tpu.memory_space<vmem>>, %arg12: memref<64x128xf32, #tpu.memory_space<vmem>>, %arg13: memref<64x128xf32, #tpu.memory_space<vmem>>, %arg14: memref<64x128xf32, #tpu.memory_space<vmem>>, %arg15: memref<64x64xf32, #tpu.memory_space<vmem>>, %arg16: memref<125x128xf32, #tpu.memory_space<vmem>>, %arg17: memref<10000x128xf32, #tpu.memory_space<vmem_shared>>, %arg18: memref<!tpu.dma_semaphore, #tpu.memory_space<semaphore_mem>>, %arg19: memref<!tpu.dma_semaphore, #tpu.memory_space<semaphore_mem>>) attributes {dimension_semantics = [#tpu.dimension_semantics<core_parallel>, #tpu.dimension_semantics<subcore_parallel>], iteration_bounds = array<i64: 2, 16>, scalar_prefetch = 0 : i64, scratch_operands = 11 : i64, tpu.core_type = #tpu.core_type<sc_vector_subcore>, window_params = [{transform_indices = #map}, {transform_indices = #map1}, {transform_indices = #map1}, {transform_indices = #map2}, {transform_indices = #map2}, {transform_indices = #map}, {transform_indices = #map}]} {
    %mul3A = arith.constant 10000 : i32
    %mul3A_0 = arith.muli %arg0, %mul3A : i32
    %scan3A = arith.constant 0 : i32
    %scan3A_1 = arith.constant 0 : i32
    %scan3A_2 = arith.constant 125 : i32
    %scan3A_3 = arith.addi %scan3A_1, %scan3A_2 : i32
    %scan3A_4 = arith.constant 1 : i32
    scf.for %scan3A_52 = %scan3A_1 to %scan3A_3 step %scan3A_4  : i32 {
      %broadcast_in_dim3A = arith.constant 0.000000e+00 : f32
      %broadcast_in_dim3A_53 = vector.broadcast %broadcast_in_dim3A : f32 to vector<16xf32>
      %swap3A = arith.index_cast %scan3A_52 : i32 to index
      %swap3A_54 = arith.constant 0 : index
      %swap3A_55 = tpu.vector_load %arg16[%swap3A, %swap3A_54] {strides = array<i32>} : memref<125x128xf32, #tpu.memory_space<vmem>>, vector<1x16xf32>,
      %swap3A_56 = vector.shape_cast %swap3A_55 : vector<1x16xf32> to vector<16xf32>
      %swap3A_57 = vector.shape_cast %broadcast_in_dim3A_53 : vector<16xf32> to vector<1x16xf32>
      tpu.vector_store %arg16[%swap3A, %swap3A_54], %swap3A_57 {strides = array<i32>} : memref<125x128xf32, #tpu.memory_space<vmem>>, vector<1x16xf32>,
      %broadcast_in_dim3A_58 = arith.constant 0.000000e+00 : f32
      %broadcast_in_dim3A_59 = vector.broadcast %broadcast_in_dim3A_58 : f32 to vector<16xf32>
      %swap3A_60 = arith.index_cast %scan3A_52 : i32 to index
      %swap3A_61 = arith.constant 16 : index
      %swap3A_62 = tpu.vector_load %arg16[%swap3A_60, %swap3A_61] {strides = array<i32>} : memref<125x128xf32, #tpu.memory_space<vmem>>, vector<1x16xf32>,
      %swap3A_63 = vector.shape_cast %swap3A_62 : vector<1x16xf32> to vector<16xf32>
      %swap3A_64 = vector.shape_cast %broadcast_in_dim3A_59 : vector<16xf32> to vector<1x16xf32>
      tpu.vector_store %arg16[%swap3A_60, %swap3A_61], %swap3A_64 {strides = array<i32>} : memref<125x128xf32, #tpu.memory_space<vmem>>, vector<1x16xf32>,
      %broadcast_in_dim3A_65 = arith.constant 0.000000e+00 : f32
      %broadcast_in_dim3A_66 = vector.broadcast %broadcast_in_dim3A_65 : f32 to vector<16xf32>
      %swap3A_67 = arith.index_cast %scan3A_52 : i32 to index
      %swap3A_68 = arith.constant 32 : index
      %swap3A_69 = tpu.vector_load %arg16[%swap3A_67, %swap3A_68] {strides = array<i32>} : memref<125x128xf32, #tpu.memory_space<vmem>>, vector<1x16xf32>,
      %swap3A_70 = vector.shape_cast %swap3A_69 : vector<1x16xf32> to vector<16xf32>
      %swap3A_71 = vector.shape_cast %broadcast_in_dim3A_66 : vector<16xf32> to vector<1x16xf32>
      tpu.vector_store %arg16[%swap3A_67, %swap3A_68], %swap3A_71 {strides = array<i32>} : memref<125x128xf32, #tpu.memory_space<vmem>>, vector<1x16xf32>,
      %broadcast_in_dim3A_72 = arith.constant 0.000000e+00 : f32
      %broadcast_in_dim3A_73 = vector.broadcast %broadcast_in_dim3A_72 : f32 to vector<16xf32>
      %swap3A_74 = arith.index_cast %scan3A_52 : i32 to index
      %swap3A_75 = arith.constant 48 : index
      %swap3A_76 = tpu.vector_load %arg16[%swap3A_74, %swap3A_75] {strides = array<i32>} : memref<125x128xf32, #tpu.memory_space<vmem>>, vector<1x16xf32>,
      %swap3A_77 = vector.shape_cast %swap3A_76 : vector<1x16xf32> to vector<16xf32>
      %swap3A_78 = vector.shape_cast %broadcast_in_dim3A_73 : vector<16xf32> to vector<1x16xf32>
      tpu.vector_store %arg16[%swap3A_74, %swap3A_75], %swap3A_78 {strides = array<i32>} : memref<125x128xf32, #tpu.memory_space<vmem>>, vector<1x16xf32>,
      %broadcast_in_dim3A_79 = arith.constant 0.000000e+00 : f32
      %broadcast_in_dim3A_80 = vector.broadcast %broadcast_in_dim3A_79 : f32 to vector<16xf32>
      %swap3A_81 = arith.index_cast %scan3A_52 : i32 to index
      %swap3A_82 = arith.constant 64 : index
      %swap3A_83 = tpu.vector_load %arg16[%swap3A_81, %swap3A_82] {strides = array<i32>} : memref<125x128xf32, #tpu.memory_space<vmem>>, vector<1x16xf32>,
      %swap3A_84 = vector.shape_cast %swap3A_83 : vector<1x16xf32> to vector<16xf32>
      %swap3A_85 = vector.shape_cast %broadcast_in_dim3A_80 : vector<16xf32> to vector<1x16xf32>
      tpu.vector_store %arg16[%swap3A_81, %swap3A_82], %swap3A_85 {strides = array<i32>} : memref<125x128xf32, #tpu.memory_space<vmem>>, vector<1x16xf32>,
      %broadcast_in_dim3A_86 = arith.constant 0.000000e+00 : f32
      %broadcast_in_dim3A_87 = vector.broadcast %broadcast_in_dim3A_86 : f32 to vector<16xf32>
      %swap3A_88 = arith.index_cast %scan3A_52 : i32 to index
      %swap3A_89 = arith.constant 80 : index
      %swap3A_90 = tpu.vector_load %arg16[%swap3A_88, %swap3A_89] {strides = array<i32>} : memref<125x128xf32, #tpu.memory_space<vmem>>, vector<1x16xf32>,
      %swap3A_91 = vector.shape_cast %swap3A_90 : vector<1x16xf32> to vector<16xf32>
      %swap3A_92 = vector.shape_cast %broadcast_in_dim3A_87 : vector<16xf32> to vector<1x16xf32>
      tpu.vector_store %arg16[%swap3A_88, %swap3A_89], %swap3A_92 {strides = array<i32>} : memref<125x128xf32, #tpu.memory_space<vmem>>, vector<1x16xf32>,
      %broadcast_in_dim3A_93 = arith.constant 0.000000e+00 : f32
      %broadcast_in_dim3A_94 = vector.broadcast %broadcast_in_dim3A_93 : f32 to vector<16xf32>
      %swap3A_95 = arith.index_cast %scan3A_52 : i32 to index
      %swap3A_96 = arith.constant 96 : index
      %swap3A_97 = tpu.vector_load %arg16[%swap3A_95, %swap3A_96] {strides = array<i32>} : memref<125x128xf32, #tpu.memory_space<vmem>>, vector<1x16xf32>,
      %swap3A_98 = vector.shape_cast %swap3A_97 : vector<1x16xf32> to vector<16xf32>
      %swap3A_99 = vector.shape_cast %broadcast_in_dim3A_94 : vector<16xf32> to vector<1x16xf32>
      tpu.vector_store %arg16[%swap3A_95, %swap3A_96], %swap3A_99 {strides = array<i32>} : memref<125x128xf32, #tpu.memory_space<vmem>>, vector<1x16xf32>,
      %broadcast_in_dim3A_100 = arith.constant 0.000000e+00 : f32
      %broadcast_in_dim3A_101 = vector.broadcast %broadcast_in_dim3A_100 : f32 to vector<16xf32>
      %swap3A_102 = arith.index_cast %scan3A_52 : i32 to index
      %swap3A_103 = arith.constant 112 : index
      %swap3A_104 = tpu.vector_load %arg16[%swap3A_102, %swap3A_103] {strides = array<i32>} : memref<125x128xf32, #tpu.memory_space<vmem>>, vector<1x16xf32>,
      %swap3A_105 = vector.shape_cast %swap3A_104 : vector<1x16xf32> to vector<16xf32>
      %swap3A_106 = vector.shape_cast %broadcast_in_dim3A_101 : vector<16xf32> to vector<1x16xf32>
      tpu.vector_store %arg16[%swap3A_102, %swap3A_103], %swap3A_106 {strides = array<i32>} : memref<125x128xf32, #tpu.memory_space<vmem>>, vector<1x16xf32>,
    }
    %scan3A_5 = arith.constant 125 : i32
    %mul3A_6 = arith.constant 625 : i32
    %mul3A_7 = arith.muli %arg1, %mul3A_6 : i32
    %add3A = arith.constant 0 : i32
    %add3A_8 = arith.addi %mul3A_7, %add3A : i32
    "tpu.region"() ({
      %run_scoped3A = tpu.sem_alloc : memref<!tpu.dma_semaphore, #tpu.memory_space<semaphore_mem>>
      %dma_start3A = arith.constant 0 : i32
      %dma_start3A_52 = tpu.memref_slice %arg17[%add3A_8, %dma_start3A] : memref<10000x128xf32, #tpu.memory_space<vmem_shared>> -> memref<125x128xf32, #tpu.memory_space<vmem_shared>>
      %dma_start3A_53 = arith.constant 0 : i32
      %dma_start3A_54 = tpu.memref_slice %arg17[%add3A_8, %dma_start3A_53] : memref<10000x128xf32, #tpu.memory_space<vmem_shared>> -> memref<125x128xf32, #tpu.memory_space<vmem_shared>>
      tpu.enqueue_dma source(%arg16 : memref<125x128xf32, #tpu.memory_space<vmem>>) target(%dma_start3A_54 : memref<125x128xf32, #tpu.memory_space<vmem_shared>>) target_semaphore(%run_scoped3A : memref<!tpu.dma_semaphore, #tpu.memory_space<semaphore_mem>>)
      %dma_wait3A = arith.constant 0 : i32
      %dma_wait3A_55 = tpu.memref_slice %arg17[%add3A_8, %dma_wait3A] : memref<10000x128xf32, #tpu.memory_space<vmem_shared>> -> memref<125x128xf32, #tpu.memory_space<vmem_shared>>
      %dma_wait3A_56 = arith.constant 0 : i32
      %dma_wait3A_57 = tpu.memref_slice %arg17[%add3A_8, %dma_wait3A_56] : memref<10000x128xf32, #tpu.memory_space<vmem_shared>> -> memref<125x128xf32, #tpu.memory_space<vmem_shared>>
      tpu.wait_dma2 semaphore(%run_scoped3A : memref<!tpu.dma_semaphore, #tpu.memory_space<semaphore_mem>>) src(%arg16 : memref<125x128xf32, #tpu.memory_space<vmem>>) dst(%dma_wait3A_57 : memref<125x128xf32, #tpu.memory_space<vmem_shared>>)
      tpu.yield
    }) : () -> ()
    %mul3A_9 = arith.constant 625 : i32
    %mul3A_10 = arith.muli %arg1, %mul3A_9 : i32
    %add3A_11 = arith.constant 125 : i32
    %add3A_12 = arith.addi %mul3A_10, %add3A_11 : i32
    "tpu.region"() ({
      %run_scoped3A = tpu.sem_alloc : memref<!tpu.dma_semaphore, #tpu.memory_space<semaphore_mem>>
      %dma_start3A = arith.constant 0 : i32
      %dma_start3A_52 = tpu.memref_slice %arg17[%add3A_12, %dma_start3A] : memref<10000x128xf32, #tpu.memory_space<vmem_shared>> -> memref<125x128xf32, #tpu.memory_space<vmem_shared>>
      %dma_start3A_53 = arith.constant 0 : i32
      %dma_start3A_54 = tpu.memref_slice %arg17[%add3A_12, %dma_start3A_53] : memref<10000x128xf32, #tpu.memory_space<vmem_shared>> -> memref<125x128xf32, #tpu.memory_space<vmem_shared>>
      tpu.enqueue_dma source(%arg16 : memref<125x128xf32, #tpu.memory_space<vmem>>) target(%dma_start3A_54 : memref<125x128xf32, #tpu.memory_space<vmem_shared>>) target_semaphore(%run_scoped3A : memref<!tpu.dma_semaphore, #tpu.memory_space<semaphore_mem>>)
      %dma_wait3A = arith.constant 0 : i32
      %dma_wait3A_55 = tpu.memref_slice %arg17[%add3A_12, %dma_wait3A] : memref<10000x128xf32, #tpu.memory_space<vmem_shared>> -> memref<125x128xf32, #tpu.memory_space<vmem_shared>>
      %dma_wait3A_56 = arith.constant 0 : i32
      %dma_wait3A_57 = tpu.memref_slice %arg17[%add3A_12, %dma_wait3A_56] : memref<10000x128xf32, #tpu.memory_space<vmem_shared>> -> memref<125x128xf32, #tpu.memory_space<vmem_shared>>
      tpu.wait_dma2 semaphore(%run_scoped3A : memref<!tpu.dma_semaphore, #tpu.memory_space<semaphore_mem>>) src(%arg16 : memref<125x128xf32, #tpu.memory_space<vmem>>) dst(%dma_wait3A_57 : memref<125x128xf32, #tpu.memory_space<vmem_shared>>)
      tpu.yield
    }) : () -> ()
    %mul3A_13 = arith.constant 625 : i32
    %mul3A_14 = arith.muli %arg1, %mul3A_13 : i32
    %add3A_15 = arith.constant 250 : i32
    %add3A_16 = arith.addi %mul3A_14, %add3A_15 : i32
    "tpu.region"() ({
      %run_scoped3A = tpu.sem_alloc : memref<!tpu.dma_semaphore, #tpu.memory_space<semaphore_mem>>
      %dma_start3A = arith.constant 0 : i32
      %dma_start3A_52 = tpu.memref_slice %arg17[%add3A_16, %dma_start3A] : memref<10000x128xf32, #tpu.memory_space<vmem_shared>> -> memref<125x128xf32, #tpu.memory_space<vmem_shared>>
      %dma_start3A_53 = arith.constant 0 : i32
      %dma_start3A_54 = tpu.memref_slice %arg17[%add3A_16, %dma_start3A_53] : memref<10000x128xf32, #tpu.memory_space<vmem_shared>> -> memref<125x128xf32, #tpu.memory_space<vmem_shared>>
      tpu.enqueue_dma source(%arg16 : memref<125x128xf32, #tpu.memory_space<vmem>>) target(%dma_start3A_54 : memref<125x128xf32, #tpu.memory_space<vmem_shared>>) target_semaphore(%run_scoped3A : memref<!tpu.dma_semaphore, #tpu.memory_space<semaphore_mem>>)
      %dma_wait3A = arith.constant 0 : i32
      %dma_wait3A_55 = tpu.memref_slice %arg17[%add3A_16, %dma_wait3A] : memref<10000x128xf32, #tpu.memory_space<vmem_shared>> -> memref<125x128xf32, #tpu.memory_space<vmem_shared>>
      %dma_wait3A_56 = arith.constant 0 : i32
      %dma_wait3A_57 = tpu.memref_slice %arg17[%add3A_16, %dma_wait3A_56] : memref<10000x128xf32, #tpu.memory_space<vmem_shared>> -> memref<125x128xf32, #tpu.memory_space<vmem_shared>>
      tpu.wait_dma2 semaphore(%run_scoped3A : memref<!tpu.dma_semaphore, #tpu.memory_space<semaphore_mem>>) src(%arg16 : memref<125x128xf32, #tpu.memory_space<vmem>>) dst(%dma_wait3A_57 : memref<125x128xf32, #tpu.memory_space<vmem_shared>>)
      tpu.yield
    }) : () -> ()
    %mul3A_17 = arith.constant 625 : i32
    %mul3A_18 = arith.muli %arg1, %mul3A_17 : i32
    %add3A_19 = arith.constant 375 : i32
    %add3A_20 = arith.addi %mul3A_18, %add3A_19 : i32
    "tpu.region"() ({
      %run_scoped3A = tpu.sem_alloc : memref<!tpu.dma_semaphore, #tpu.memory_space<semaphore_mem>>
      %dma_start3A = arith.constant 0 : i32
      %dma_start3A_52 = tpu.memref_slice %arg17[%add3A_20, %dma_start3A] : memref<10000x128xf32, #tpu.memory_space<vmem_shared>> -> memref<125x128xf32, #tpu.memory_space<vmem_shared>>
      %dma_start3A_53 = arith.constant 0 : i32
      %dma_start3A_54 = tpu.memref_slice %arg17[%add3A_20, %dma_start3A_53] : memref<10000x128xf32, #tpu.memory_space<vmem_shared>> -> memref<125x128xf32, #tpu.memory_space<vmem_shared>>
      tpu.enqueue_dma source(%arg16 : memref<125x128xf32, #tpu.memory_space<vmem>>) target(%dma_start3A_54 : memref<125x128xf32, #tpu.memory_space<vmem_shared>>) target_semaphore(%run_scoped3A : memref<!tpu.dma_semaphore, #tpu.memory_space<semaphore_mem>>)
      %dma_wait3A = arith.constant 0 : i32
      %dma_wait3A_55 = tpu.memref_slice %arg17[%add3A_20, %dma_wait3A] : memref<10000x128xf32, #tpu.memory_space<vmem_shared>> -> memref<125x128xf32, #tpu.memory_space<vmem_shared>>
      %dma_wait3A_56 = arith.constant 0 : i32
      %dma_wait3A_57 = tpu.memref_slice %arg17[%add3A_20, %dma_wait3A_56] : memref<10000x128xf32, #tpu.memory_space<vmem_shared>> -> memref<125x128xf32, #tpu.memory_space<vmem_shared>>
      tpu.wait_dma2 semaphore(%run_scoped3A : memref<!tpu.dma_semaphore, #tpu.memory_space<semaphore_mem>>) src(%arg16 : memref<125x128xf32, #tpu.memory_space<vmem>>) dst(%dma_wait3A_57 : memref<125x128xf32, #tpu.memory_space<vmem_shared>>)
      tpu.yield
    }) : () -> ()
    %mul3A_21 = arith.constant 625 : i32
    %mul3A_22 = arith.muli %arg1, %mul3A_21 : i32
    %add3A_23 = arith.constant 500 : i32
    %add3A_24 = arith.addi %mul3A_22, %add3A_23 : i32
    "tpu.region"() ({
      %run_scoped3A = tpu.sem_alloc : memref<!tpu.dma_semaphore, #tpu.memory_space<semaphore_mem>>
      %dma_start3A = arith.constant 0 : i32
      %dma_start3A_52 = tpu.memref_slice %arg17[%add3A_24, %dma_start3A] : memref<10000x128xf32, #tpu.memory_space<vmem_shared>> -> memref<125x128xf32, #tpu.memory_space<vmem_shared>>
      %dma_start3A_53 = arith.constant 0 : i32
      %dma_start3A_54 = tpu.memref_slice %arg17[%add3A_24, %dma_start3A_53] : memref<10000x128xf32, #tpu.memory_space<vmem_shared>> -> memref<125x128xf32, #tpu.memory_space<vmem_shared>>
      tpu.enqueue_dma source(%arg16 : memref<125x128xf32, #tpu.memory_space<vmem>>) target(%dma_start3A_54 : memref<125x128xf32, #tpu.memory_space<vmem_shared>>) target_semaphore(%run_scoped3A : memref<!tpu.dma_semaphore, #tpu.memory_space<semaphore_mem>>)
      %dma_wait3A = arith.constant 0 : i32
      %dma_wait3A_55 = tpu.memref_slice %arg17[%add3A_24, %dma_wait3A] : memref<10000x128xf32, #tpu.memory_space<vmem_shared>> -> memref<125x128xf32, #tpu.memory_space<vmem_shared>>
      %dma_wait3A_56 = arith.constant 0 : i32
      %dma_wait3A_57 = tpu.memref_slice %arg17[%add3A_24, %dma_wait3A_56] : memref<10000x128xf32, #tpu.memory_space<vmem_shared>> -> memref<125x128xf32, #tpu.memory_space<vmem_shared>>
      tpu.wait_dma2 semaphore(%run_scoped3A : memref<!tpu.dma_semaphore, #tpu.memory_space<semaphore_mem>>) src(%arg16 : memref<125x128xf32, #tpu.memory_space<vmem>>) dst(%dma_wait3A_57 : memref<125x128xf32, #tpu.memory_space<vmem_shared>>)
      tpu.yield
    }) : () -> ()
    %barrier3A = arith.constant 0 : index
    tpu.barrier barrier_id(%barrier3A)
    %scan3A_25 = arith.constant 0 : i32
    %scan3A_26 = arith.constant 0 : i32
    %scan3A_27 = arith.constant 313 : i32
    %scan3A_28 = arith.addi %scan3A_26, %scan3A_27 : i32
    %scan3A_29 = arith.constant 1 : i32
    scf.for %scan3A_52 = %scan3A_26 to %scan3A_28 step %scan3A_29  : i32 {
      %mul3A_53 = arith.constant 16 : i32
      %mul3A_54 = arith.muli %mul3A_53, %scan3A_52 : i32
      %add3A_55 = arith.addi %arg1, %mul3A_54 : i32
      %lt3A = arith.constant 5000 : i32
      %lt3A_56 = arith.cmpi slt, %add3A_55, %lt3A : i32
      %convert_element_type3A = arith.extui %lt3A_56 : i1 to i32
      %cond3A = arith.constant 0 : i32
      %cond3A_57 = arith.cmpi ne, %convert_element_type3A, %cond3A : i32
      scf.if %cond3A_57 {
        %mul3A_58 = arith.constant 64 : i32
        %mul3A_59 = arith.muli %add3A_55, %mul3A_58 : i32
        "tpu.region"() ({
          %run_scoped3A = tpu.sem_alloc : memref<!tpu.dma_semaphore, #tpu.memory_space<semaphore_mem>>
          %dma_start3A_82 = arith.constant 0 : i32
          %dma_start3A_83 = tpu.memref_slice %arg2[%arg0, %mul3A_59, %dma_start3A_82] : memref<2x320000x64xf32, #tpu.memory_space<hbm>> -> memref<1x64x64xf32, #tpu.memory_space<hbm>>
          %dma_start3A_84 = tpu.memref_squeeze %dma_start3A_83 : memref<1x64x64xf32, #tpu.memory_space<hbm>> -> memref<64x64xf32, #tpu.memory_space<hbm>>
          %dma_start3A_85 = arith.constant 0 : i32
          %dma_start3A_86 = tpu.memref_slice %arg2[%arg0, %mul3A_59, %dma_start3A_85] : memref<2x320000x64xf32, #tpu.memory_space<hbm>> -> memref<1x64x64xf32, #tpu.memory_space<hbm>>
          %dma_start3A_87 = tpu.memref_squeeze %dma_start3A_86 : memref<1x64x64xf32, #tpu.memory_space<hbm>> -> memref<64x64xf32, #tpu.memory_space<hbm>>
          tpu.enqueue_dma source(%dma_start3A_87 : memref<64x64xf32, #tpu.memory_space<hbm>>) target(%arg9 : memref<64x64xf32, #tpu.memory_space<vmem>>) target_semaphore(%run_scoped3A : memref<!tpu.dma_semaphore, #tpu.memory_space<semaphore_mem>>)
          %dma_wait3A_88 = arith.constant 0 : i32
          %dma_wait3A_89 = tpu.memref_slice %arg2[%arg0, %mul3A_59, %dma_wait3A_88] : memref<2x320000x64xf32, #tpu.memory_space<hbm>> -> memref<1x64x64xf32, #tpu.memory_space<hbm>>
          %dma_wait3A_90 = tpu.memref_squeeze %dma_wait3A_89 : memref<1x64x64xf32, #tpu.memory_space<hbm>> -> memref<64x64xf32, #tpu.memory_space<hbm>>
          %dma_wait3A_91 = arith.constant 0 : i32
          %dma_wait3A_92 = tpu.memref_slice %arg2[%arg0, %mul3A_59, %dma_wait3A_91] : memref<2x320000x64xf32, #tpu.memory_space<hbm>> -> memref<1x64x64xf32, #tpu.memory_space<hbm>>
          %dma_wait3A_93 = tpu.memref_squeeze %dma_wait3A_92 : memref<1x64x64xf32, #tpu.memory_space<hbm>> -> memref<64x64xf32, #tpu.memory_space<hbm>>
          tpu.wait_dma2 semaphore(%run_scoped3A : memref<!tpu.dma_semaphore, #tpu.memory_space<semaphore_mem>>) src(%dma_wait3A_93 : memref<64x64xf32, #tpu.memory_space<hbm>>) dst(%arg9 : memref<64x64xf32, #tpu.memory_space<vmem>>)
          tpu.yield
        }) : () -> ()
        "tpu.region"() ({
          %run_scoped3A = tpu.sem_alloc : memref<!tpu.dma_semaphore, #tpu.memory_space<semaphore_mem>>
          %dma_start3A_82 = tpu.memref_slice %arg5[%mul3A_59] : memref<320000xi32, #tpu.memory_space<hbm>> -> memref<64xi32, #tpu.memory_space<hbm>>
          %dma_start3A_83 = tpu.memref_slice %arg5[%mul3A_59] : memref<320000xi32, #tpu.memory_space<hbm>> -> memref<64xi32, #tpu.memory_space<hbm>>
          tpu.enqueue_dma source(%dma_start3A_83 : memref<64xi32, #tpu.memory_space<hbm>>) target(%arg10 : memref<64xi32, #tpu.memory_space<vmem>>) target_semaphore(%run_scoped3A : memref<!tpu.dma_semaphore, #tpu.memory_space<semaphore_mem>>)
          %dma_wait3A_84 = tpu.memref_slice %arg5[%mul3A_59] : memref<320000xi32, #tpu.memory_space<hbm>> -> memref<64xi32, #tpu.memory_space<hbm>>
          %dma_wait3A_85 = tpu.memref_slice %arg5[%mul3A_59] : memref<320000xi32, #tpu.memory_space<hbm>> -> memref<64xi32, #tpu.memory_space<hbm>>
          tpu.wait_dma2 semaphore(%run_scoped3A : memref<!tpu.dma_semaphore, #tpu.memory_space<semaphore_mem>>) src(%dma_wait3A_85 : memref<64xi32, #tpu.memory_space<hbm>>) dst(%arg10 : memref<64xi32, #tpu.memory_space<vmem>>)
          tpu.yield
        }) : () -> ()
        "tpu.region"() ({
          %run_scoped3A = tpu.sem_alloc : memref<!tpu.dma_semaphore, #tpu.memory_space<semaphore_mem>>
          %dma_start3A_82 = tpu.memref_slice %arg6[%mul3A_59] : memref<320000xi32, #tpu.memory_space<hbm>> -> memref<64xi32, #tpu.memory_space<hbm>>
          %dma_start3A_83 = tpu.memref_slice %arg6[%mul3A_59] : memref<320000xi32, #tpu.memory_space<hbm>> -> memref<64xi32, #tpu.memory_space<hbm>>
          tpu.enqueue_dma source(%dma_start3A_83 : memref<64xi32, #tpu.memory_space<hbm>>) target(%arg11 : memref<64xi32, #tpu.memory_space<vmem>>) target_semaphore(%run_scoped3A : memref<!tpu.dma_semaphore, #tpu.memory_space<semaphore_mem>>)
          %dma_wait3A_84 = tpu.memref_slice %arg6[%mul3A_59] : memref<320000xi32, #tpu.memory_space<hbm>> -> memref<64xi32, #tpu.memory_space<hbm>>
          %dma_wait3A_85 = tpu.memref_slice %arg6[%mul3A_59] : memref<320000xi32, #tpu.memory_space<hbm>> -> memref<64xi32, #tpu.memory_space<hbm>>
          tpu.wait_dma2 semaphore(%run_scoped3A : memref<!tpu.dma_semaphore, #tpu.memory_space<semaphore_mem>>) src(%dma_wait3A_85 : memref<64xi32, #tpu.memory_space<hbm>>) dst(%arg11 : memref<64xi32, #tpu.memory_space<vmem>>)
          tpu.yield
        }) : () -> ()
        %scan3A_60 = arith.constant 0 : i32
        %scan3A_61 = arith.constant 0 : i32
        %scan3A_62 = arith.constant 4 : i32
        %scan3A_63 = arith.addi %scan3A_61, %scan3A_62 : i32
        %scan3A_64 = arith.constant 1 : i32
        scf.for %scan3A_82 = %scan3A_61 to %scan3A_63 step %scan3A_64  : i32 {
          %mul3A_83 = arith.constant 16 : i32
          %mul3A_84 = arith.muli %scan3A_82, %mul3A_83 : i32
          %get3A = arith.index_cast %mul3A_84 : i32 to index
          %get3A_85 = tpu.vector_load %arg10[%get3A] {strides = array<i32>} : memref<64xi32, #tpu.memory_space<vmem>>, vector<16xi32>,
          %get3A_86 = vector.shape_cast %get3A_85 : vector<16xi32> to vector<16xi32>
          %add3A_87 = vector.broadcast %mul3A_0 : i32 to vector<16xi32>
          %add3A_88 = arith.addi %get3A_86, %add3A_87 : vector<16xi32>
          %mul3A_89 = arith.constant 16 : i32
          %mul3A_90 = arith.muli %scan3A_82, %mul3A_89 : i32
          %swap3A = arith.index_cast %mul3A_90 : i32 to index
          %swap3A_91 = tpu.vector_load %arg10[%swap3A] {strides = array<i32>} : memref<64xi32, #tpu.memory_space<vmem>>, vector<16xi32>,
          %swap3A_92 = vector.shape_cast %swap3A_91 : vector<16xi32> to vector<16xi32>
          %swap3A_93 = vector.shape_cast %add3A_88 : vector<16xi32> to vector<16xi32>
          tpu.vector_store %arg10[%swap3A], %swap3A_93 {strides = array<i32>} : memref<64xi32, #tpu.memory_space<vmem>>, vector<16xi32>,
        }
        %scan3A_65 = arith.constant 4 : i32
        %dma_start3A = arith.constant 0 : i32
        %dma_start3A_66 = arith.constant 0 : i32
        %dma_start3A_67 = tpu.memref_slice %arg3[%dma_start3A, %dma_start3A_66] : memref<20000x128xf32, #tpu.memory_space<hbm>> -> memref<20000x128xf32, #tpu.memory_space<hbm>>
        tpu.enqueue_indirect_dma source(%dma_start3A_67 : memref<20000x128xf32, #tpu.memory_space<hbm>>) target(%arg12 : memref<64x128xf32, #tpu.memory_space<vmem>>) offsets(%arg10 : memref<64xi32, #tpu.memory_space<vmem>>) semaphore(%arg18 : memref<!tpu.dma_semaphore, #tpu.memory_space<semaphore_mem>>)
        %dma_start3A_68 = arith.constant 0 : i32
        %dma_start3A_69 = arith.constant 0 : i32
        %dma_start3A_70 = tpu.memref_slice %arg4[%dma_start3A_68, %dma_start3A_69] : memref<10000x128xf32, #tpu.memory_space<hbm>> -> memref<10000x128xf32, #tpu.memory_space<hbm>>
        tpu.enqueue_indirect_dma source(%dma_start3A_70 : memref<10000x128xf32, #tpu.memory_space<hbm>>) target(%arg13 : memref<64x128xf32, #tpu.memory_space<vmem>>) offsets(%arg11 : memref<64xi32, #tpu.memory_space<vmem>>) semaphore(%arg19 : memref<!tpu.dma_semaphore, #tpu.memory_space<semaphore_mem>>)
        %dma_wait3A = arith.constant 0 : i32
        %dma_wait3A_71 = arith.constant 0 : i32
        %dma_wait3A_72 = tpu.memref_slice %arg3[%dma_wait3A, %dma_wait3A_71] : memref<20000x128xf32, #tpu.memory_space<hbm>> -> memref<20000x128xf32, #tpu.memory_space<hbm>>
        tpu.wait_indirect_dma semaphore(%arg18 : memref<!tpu.dma_semaphore, #tpu.memory_space<semaphore_mem>>) src(%dma_wait3A_72 : memref<20000x128xf32, #tpu.memory_space<hbm>>) dst(%arg12 : memref<64x128xf32, #tpu.memory_space<vmem>>)
        %dma_wait3A_73 = arith.constant 0 : i32
        %dma_wait3A_74 = arith.constant 0 : i32
        %dma_wait3A_75 = tpu.memref_slice %arg4[%dma_wait3A_73, %dma_wait3A_74] : memref<10000x128xf32, #tpu.memory_space<hbm>> -> memref<10000x128xf32, #tpu.memory_space<hbm>>
        tpu.wait_indirect_dma semaphore(%arg19 : memref<!tpu.dma_semaphore, #tpu.memory_space<semaphore_mem>>) src(%dma_wait3A_75 : memref<10000x128xf32, #tpu.memory_space<hbm>>) dst(%arg13 : memref<64x128xf32, #tpu.memory_space<vmem>>)
        %scan3A_76 = arith.constant 0 : i32
        %scan3A_77 = arith.constant 0 : i32
        %scan3A_78 = arith.constant 64 : i32
        %scan3A_79 = arith.addi %scan3A_77, %scan3A_78 : i32
        %scan3A_80 = arith.constant 1 : i32
        scf.for %scan3A_82 = %scan3A_77 to %scan3A_79 step %scan3A_80  : i32 {
          %get3A = arith.index_cast %scan3A_82 : i32 to index
          %get3A_83 = arith.constant 0 : index
          %get3A_84 = tpu.vector_load %arg9[%get3A, %get3A_83] {strides = array<i32>} : memref<64x64xf32, #tpu.memory_space<vmem>>, vector<1x16xf32>,
          %get3A_85 = vector.shape_cast %get3A_84 : vector<1x16xf32> to vector<16xf32>
          %neg3A = arith.constant 0.000000e+00 : f32
          %neg3A_86 = vector.broadcast %neg3A : f32 to vector<16xf32>
          %neg3A_87 = arith.subf %neg3A_86, %get3A_85 : vector<16xf32>
          %exp3A = math.exp %neg3A_87 : vector<16xf32>
          %add3A_88 = arith.constant 1.000000e+00 : f32
          %add3A_89 = vector.broadcast %add3A_88 : f32 to vector<16xf32>
          %add3A_90 = arith.addf %add3A_89, %exp3A : vector<16xf32>
          %div3A = arith.constant 1.000000e+00 : f32
          %div3A_91 = vector.broadcast %div3A : f32 to vector<16xf32>
          %div3A_92 = arith.divf %div3A_91, %add3A_90 : vector<16xf32>
          %get3A_93 = arith.index_cast %scan3A_82 : i32 to index
          %get3A_94 = arith.constant 0 : index
          %get3A_95 = tpu.vector_load %arg12[%get3A_93, %get3A_94] {strides = array<i32>} : memref<64x128xf32, #tpu.memory_space<vmem>>, vector<1x16xf32>,
          %get3A_96 = vector.shape_cast %get3A_95 : vector<1x16xf32> to vector<16xf32>
          %get3A_97 = arith.index_cast %scan3A_82 : i32 to index
          %get3A_98 = arith.constant 64 : index
          %get3A_99 = tpu.vector_load %arg12[%get3A_97, %get3A_98] {strides = array<i32>} : memref<64x128xf32, #tpu.memory_space<vmem>>, vector<1x16xf32>,
          %get3A_100 = vector.shape_cast %get3A_99 : vector<1x16xf32> to vector<16xf32>
          %mul3A_101 = arith.constant 64 : i32
          %mul3A_102 = arith.muli %arg0, %mul3A_101 : i32
          %add3A_103 = arith.constant 0 : i32
          %add3A_104 = arith.addi %mul3A_102, %add3A_103 : i32
          %get3A_105 = arith.index_cast %scan3A_82 : i32 to index
          %get3A_106 = arith.index_cast %add3A_104 : i32 to index
          %get3A_107 = tpu.vector_load %arg13[%get3A_105, %get3A_106] {strides = array<i32>} : memref<64x128xf32, #tpu.memory_space<vmem>>, vector<1x16xf32>,
          %get3A_108 = vector.shape_cast %get3A_107 : vector<1x16xf32> to vector<16xf32>
          %mul3A_109 = arith.mulf %div3A_92, %get3A_96 : vector<16xf32>
          %swap3A = arith.index_cast %scan3A_82 : i32 to index
          %swap3A_110 = arith.constant 0 : index
          %swap3A_111 = tpu.vector_load %arg14[%swap3A, %swap3A_110] {strides = array<i32>} : memref<64x128xf32, #tpu.memory_space<vmem>>, vector<1x16xf32>,
          %swap3A_112 = vector.shape_cast %swap3A_111 : vector<1x16xf32> to vector<16xf32>
          %swap3A_113 = vector.shape_cast %mul3A_109 : vector<16xf32> to vector<1x16xf32>
          tpu.vector_store %arg14[%swap3A, %swap3A_110], %swap3A_113 {strides = array<i32>} : memref<64x128xf32, #tpu.memory_space<vmem>>, vector<1x16xf32>,
          %swap3A_114 = arith.index_cast %scan3A_82 : i32 to index
          %swap3A_115 = arith.constant 64 : index
          %swap3A_116 = tpu.vector_load %arg14[%swap3A_114, %swap3A_115] {strides = array<i32>} : memref<64x128xf32, #tpu.memory_space<vmem>>, vector<1x16xf32>,
          %swap3A_117 = vector.shape_cast %swap3A_116 : vector<1x16xf32> to vector<16xf32>
          %swap3A_118 = vector.shape_cast %div3A_92 : vector<16xf32> to vector<1x16xf32>
          tpu.vector_store %arg14[%swap3A_114, %swap3A_115], %swap3A_118 {strides = array<i32>} : memref<64x128xf32, #tpu.memory_space<vmem>>, vector<1x16xf32>,
          %add3A_119 = arith.addf %get3A_100, %get3A_108 : vector<16xf32>
          %swap3A_120 = arith.index_cast %scan3A_82 : i32 to index
          %swap3A_121 = arith.constant 0 : index
          %swap3A_122 = tpu.vector_load %arg15[%swap3A_120, %swap3A_121] {strides = array<i32>} : memref<64x64xf32, #tpu.memory_space<vmem>>, vector<1x16xf32>,
          %swap3A_123 = vector.shape_cast %swap3A_122 : vector<1x16xf32> to vector<16xf32>
          %swap3A_124 = vector.shape_cast %add3A_119 : vector<16xf32> to vector<1x16xf32>
          tpu.vector_store %arg15[%swap3A_120, %swap3A_121], %swap3A_124 {strides = array<i32>} : memref<64x64xf32, #tpu.memory_space<vmem>>, vector<1x16xf32>,
          %get3A_125 = arith.index_cast %scan3A_82 : i32 to index
          %get3A_126 = arith.constant 16 : index
          %get3A_127 = tpu.vector_load %arg9[%get3A_125, %get3A_126] {strides = array<i32>} : memref<64x64xf32, #tpu.memory_space<vmem>>, vector<1x16xf32>,
          %get3A_128 = vector.shape_cast %get3A_127 : vector<1x16xf32> to vector<16xf32>
          %neg3A_129 = arith.constant 0.000000e+00 : f32
          %neg3A_130 = vector.broadcast %neg3A_129 : f32 to vector<16xf32>
          %neg3A_131 = arith.subf %neg3A_130, %get3A_128 : vector<16xf32>
          %exp3A_132 = math.exp %neg3A_131 : vector<16xf32>
          %add3A_133 = arith.constant 1.000000e+00 : f32
          %add3A_134 = vector.broadcast %add3A_133 : f32 to vector<16xf32>
          %add3A_135 = arith.addf %add3A_134, %exp3A_132 : vector<16xf32>
          %div3A_136 = arith.constant 1.000000e+00 : f32
          %div3A_137 = vector.broadcast %div3A_136 : f32 to vector<16xf32>
          %div3A_138 = arith.divf %div3A_137, %add3A_135 : vector<16xf32>
          %get3A_139 = arith.index_cast %scan3A_82 : i32 to index
          %get3A_140 = arith.constant 16 : index
          %get3A_141 = tpu.vector_load %arg12[%get3A_139, %get3A_140] {strides = array<i32>} : memref<64x128xf32, #tpu.memory_space<vmem>>, vector<1x16xf32>,
          %get3A_142 = vector.shape_cast %get3A_141 : vector<1x16xf32> to vector<16xf32>
          %get3A_143 = arith.index_cast %scan3A_82 : i32 to index
          %get3A_144 = arith.constant 80 : index
          %get3A_145 = tpu.vector_load %arg12[%get3A_143, %get3A_144] {strides = array<i32>} : memref<64x128xf32, #tpu.memory_space<vmem>>, vector<1x16xf32>,
          %get3A_146 = vector.shape_cast %get3A_145 : vector<1x16xf32> to vector<16xf32>
          %mul3A_147 = arith.constant 64 : i32
          %mul3A_148 = arith.muli %arg0, %mul3A_147 : i32
          %add3A_149 = arith.constant 16 : i32
          %add3A_150 = arith.addi %mul3A_148, %add3A_149 : i32
          %get3A_151 = arith.index_cast %scan3A_82 : i32 to index
          %get3A_152 = arith.index_cast %add3A_150 : i32 to index
          %get3A_153 = tpu.vector_load %arg13[%get3A_151, %get3A_152] {strides = array<i32>} : memref<64x128xf32, #tpu.memory_space<vmem>>, vector<1x16xf32>,
          %get3A_154 = vector.shape_cast %get3A_153 : vector<1x16xf32> to vector<16xf32>
          %mul3A_155 = arith.mulf %div3A_138, %get3A_142 : vector<16xf32>
          %swap3A_156 = arith.index_cast %scan3A_82 : i32 to index
          %swap3A_157 = arith.constant 16 : index
          %swap3A_158 = tpu.vector_load %arg14[%swap3A_156, %swap3A_157] {strides = array<i32>} : memref<64x128xf32, #tpu.memory_space<vmem>>, vector<1x16xf32>,
          %swap3A_159 = vector.shape_cast %swap3A_158 : vector<1x16xf32> to vector<16xf32>
          %swap3A_160 = vector.shape_cast %mul3A_155 : vector<16xf32> to vector<1x16xf32>
          tpu.vector_store %arg14[%swap3A_156, %swap3A_157], %swap3A_160 {strides = array<i32>} : memref<64x128xf32, #tpu.memory_space<vmem>>, vector<1x16xf32>,
          %swap3A_161 = arith.index_cast %scan3A_82 : i32 to index
          %swap3A_162 = arith.constant 80 : index
          %swap3A_163 = tpu.vector_load %arg14[%swap3A_161, %swap3A_162] {strides = array<i32>} : memref<64x128xf32, #tpu.memory_space<vmem>>, vector<1x16xf32>,
          %swap3A_164 = vector.shape_cast %swap3A_163 : vector<1x16xf32> to vector<16xf32>
          %swap3A_165 = vector.shape_cast %div3A_138 : vector<16xf32> to vector<1x16xf32>
          tpu.vector_store %arg14[%swap3A_161, %swap3A_162], %swap3A_165 {strides = array<i32>} : memref<64x128xf32, #tpu.memory_space<vmem>>, vector<1x16xf32>,
          %add3A_166 = arith.addf %get3A_146, %get3A_154 : vector<16xf32>
          %swap3A_167 = arith.index_cast %scan3A_82 : i32 to index
          %swap3A_168 = arith.constant 16 : index
          %swap3A_169 = tpu.vector_load %arg15[%swap3A_167, %swap3A_168] {strides = array<i32>} : memref<64x64xf32, #tpu.memory_space<vmem>>, vector<1x16xf32>,
          %swap3A_170 = vector.shape_cast %swap3A_169 : vector<1x16xf32> to vector<16xf32>
          %swap3A_171 = vector.shape_cast %add3A_166 : vector<16xf32> to vector<1x16xf32>
          tpu.vector_store %arg15[%swap3A_167, %swap3A_168], %swap3A_171 {strides = array<i32>} : memref<64x64xf32, #tpu.memory_space<vmem>>, vector<1x16xf32>,
          %get3A_172 = arith.index_cast %scan3A_82 : i32 to index
          %get3A_173 = arith.constant 32 : index
          %get3A_174 = tpu.vector_load %arg9[%get3A_172, %get3A_173] {strides = array<i32>} : memref<64x64xf32, #tpu.memory_space<vmem>>, vector<1x16xf32>,
          %get3A_175 = vector.shape_cast %get3A_174 : vector<1x16xf32> to vector<16xf32>
          %neg3A_176 = arith.constant 0.000000e+00 : f32
          %neg3A_177 = vector.broadcast %neg3A_176 : f32 to vector<16xf32>
          %neg3A_178 = arith.subf %neg3A_177, %get3A_175 : vector<16xf32>
          %exp3A_179 = math.exp %neg3A_178 : vector<16xf32>
          %add3A_180 = arith.constant 1.000000e+00 : f32
          %add3A_181 = vector.broadcast %add3A_180 : f32 to vector<16xf32>
          %add3A_182 = arith.addf %add3A_181, %exp3A_179 : vector<16xf32>
          %div3A_183 = arith.constant 1.000000e+00 : f32
          %div3A_184 = vector.broadcast %div3A_183 : f32 to vector<16xf32>
          %div3A_185 = arith.divf %div3A_184, %add3A_182 : vector<16xf32>
          %get3A_186 = arith.index_cast %scan3A_82 : i32 to index
          %get3A_187 = arith.constant 32 : index
          %get3A_188 = tpu.vector_load %arg12[%get3A_186, %get3A_187] {strides = array<i32>} : memref<64x128xf32, #tpu.memory_space<vmem>>, vector<1x16xf32>,
          %get3A_189 = vector.shape_cast %get3A_188 : vector<1x16xf32> to vector<16xf32>
          %get3A_190 = arith.index_cast %scan3A_82 : i32 to index
          %get3A_191 = arith.constant 96 : index
          %get3A_192 = tpu.vector_load %arg12[%get3A_190, %get3A_191] {strides = array<i32>} : memref<64x128xf32, #tpu.memory_space<vmem>>, vector<1x16xf32>,
          %get3A_193 = vector.shape_cast %get3A_192 : vector<1x16xf32> to vector<16xf32>
          %mul3A_194 = arith.constant 64 : i32
          %mul3A_195 = arith.muli %arg0, %mul3A_194 : i32
          %add3A_196 = arith.constant 32 : i32
          %add3A_197 = arith.addi %mul3A_195, %add3A_196 : i32
          %get3A_198 = arith.index_cast %scan3A_82 : i32 to index
          %get3A_199 = arith.index_cast %add3A_197 : i32 to index
          %get3A_200 = tpu.vector_load %arg13[%get3A_198, %get3A_199] {strides = array<i32>} : memref<64x128xf32, #tpu.memory_space<vmem>>, vector<1x16xf32>,
          %get3A_201 = vector.shape_cast %get3A_200 : vector<1x16xf32> to vector<16xf32>
          %mul3A_202 = arith.mulf %div3A_185, %get3A_189 : vector<16xf32>
          %swap3A_203 = arith.index_cast %scan3A_82 : i32 to index
          %swap3A_204 = arith.constant 32 : index
          %swap3A_205 = tpu.vector_load %arg14[%swap3A_203, %swap3A_204] {strides = array<i32>} : memref<64x128xf32, #tpu.memory_space<vmem>>, vector<1x16xf32>,
          %swap3A_206 = vector.shape_cast %swap3A_205 : vector<1x16xf32> to vector<16xf32>
          %swap3A_207 = vector.shape_cast %mul3A_202 : vector<16xf32> to vector<1x16xf32>
          tpu.vector_store %arg14[%swap3A_203, %swap3A_204], %swap3A_207 {strides = array<i32>} : memref<64x128xf32, #tpu.memory_space<vmem>>, vector<1x16xf32>,
          %swap3A_208 = arith.index_cast %scan3A_82 : i32 to index
          %swap3A_209 = arith.constant 96 : index
          %swap3A_210 = tpu.vector_load %arg14[%swap3A_208, %swap3A_209] {strides = array<i32>} : memref<64x128xf32, #tpu.memory_space<vmem>>, vector<1x16xf32>,
          %swap3A_211 = vector.shape_cast %swap3A_210 : vector<1x16xf32> to vector<16xf32>
          %swap3A_212 = vector.shape_cast %div3A_185 : vector<16xf32> to vector<1x16xf32>
          tpu.vector_store %arg14[%swap3A_208, %swap3A_209], %swap3A_212 {strides = array<i32>} : memref<64x128xf32, #tpu.memory_space<vmem>>, vector<1x16xf32>,
          %add3A_213 = arith.addf %get3A_193, %get3A_201 : vector<16xf32>
          %swap3A_214 = arith.index_cast %scan3A_82 : i32 to index
          %swap3A_215 = arith.constant 32 : index
          %swap3A_216 = tpu.vector_load %arg15[%swap3A_214, %swap3A_215] {strides = array<i32>} : memref<64x64xf32, #tpu.memory_space<vmem>>, vector<1x16xf32>,
          %swap3A_217 = vector.shape_cast %swap3A_216 : vector<1x16xf32> to vector<16xf32>
          %swap3A_218 = vector.shape_cast %add3A_213 : vector<16xf32> to vector<1x16xf32>
          tpu.vector_store %arg15[%swap3A_214, %swap3A_215], %swap3A_218 {strides = array<i32>} : memref<64x64xf32, #tpu.memory_space<vmem>>, vector<1x16xf32>,
          %get3A_219 = arith.index_cast %scan3A_82 : i32 to index
          %get3A_220 = arith.constant 48 : index
          %get3A_221 = tpu.vector_load %arg9[%get3A_219, %get3A_220] {strides = array<i32>} : memref<64x64xf32, #tpu.memory_space<vmem>>, vector<1x16xf32>,
          %get3A_222 = vector.shape_cast %get3A_221 : vector<1x16xf32> to vector<16xf32>
          %neg3A_223 = arith.constant 0.000000e+00 : f32
          %neg3A_224 = vector.broadcast %neg3A_223 : f32 to vector<16xf32>
          %neg3A_225 = arith.subf %neg3A_224, %get3A_222 : vector<16xf32>
          %exp3A_226 = math.exp %neg3A_225 : vector<16xf32>
          %add3A_227 = arith.constant 1.000000e+00 : f32
          %add3A_228 = vector.broadcast %add3A_227 : f32 to vector<16xf32>
          %add3A_229 = arith.addf %add3A_228, %exp3A_226 : vector<16xf32>
          %div3A_230 = arith.constant 1.000000e+00 : f32
          %div3A_231 = vector.broadcast %div3A_230 : f32 to vector<16xf32>
          %div3A_232 = arith.divf %div3A_231, %add3A_229 : vector<16xf32>
          %get3A_233 = arith.index_cast %scan3A_82 : i32 to index
          %get3A_234 = arith.constant 48 : index
          %get3A_235 = tpu.vector_load %arg12[%get3A_233, %get3A_234] {strides = array<i32>} : memref<64x128xf32, #tpu.memory_space<vmem>>, vector<1x16xf32>,
          %get3A_236 = vector.shape_cast %get3A_235 : vector<1x16xf32> to vector<16xf32>
          %get3A_237 = arith.index_cast %scan3A_82 : i32 to index
          %get3A_238 = arith.constant 112 : index
          %get3A_239 = tpu.vector_load %arg12[%get3A_237, %get3A_238] {strides = array<i32>} : memref<64x128xf32, #tpu.memory_space<vmem>>, vector<1x16xf32>,
          %get3A_240 = vector.shape_cast %get3A_239 : vector<1x16xf32> to vector<16xf32>
          %mul3A_241 = arith.constant 64 : i32
          %mul3A_242 = arith.muli %arg0, %mul3A_241 : i32
          %add3A_243 = arith.constant 48 : i32
          %add3A_244 = arith.addi %mul3A_242, %add3A_243 : i32
          %get3A_245 = arith.index_cast %scan3A_82 : i32 to index
          %get3A_246 = arith.index_cast %add3A_244 : i32 to index
          %get3A_247 = tpu.vector_load %arg13[%get3A_245, %get3A_246] {strides = array<i32>} : memref<64x128xf32, #tpu.memory_space<vmem>>, vector<1x16xf32>,
          %get3A_248 = vector.shape_cast %get3A_247 : vector<1x16xf32> to vector<16xf32>
          %mul3A_249 = arith.mulf %div3A_232, %get3A_236 : vector<16xf32>
          %swap3A_250 = arith.index_cast %scan3A_82 : i32 to index
          %swap3A_251 = arith.constant 48 : index
          %swap3A_252 = tpu.vector_load %arg14[%swap3A_250, %swap3A_251] {strides = array<i32>} : memref<64x128xf32, #tpu.memory_space<vmem>>, vector<1x16xf32>,
          %swap3A_253 = vector.shape_cast %swap3A_252 : vector<1x16xf32> to vector<16xf32>
          %swap3A_254 = vector.shape_cast %mul3A_249 : vector<16xf32> to vector<1x16xf32>
          tpu.vector_store %arg14[%swap3A_250, %swap3A_251], %swap3A_254 {strides = array<i32>} : memref<64x128xf32, #tpu.memory_space<vmem>>, vector<1x16xf32>,
          %swap3A_255 = arith.index_cast %scan3A_82 : i32 to index
          %swap3A_256 = arith.constant 112 : index
          %swap3A_257 = tpu.vector_load %arg14[%swap3A_255, %swap3A_256] {strides = array<i32>} : memref<64x128xf32, #tpu.memory_space<vmem>>, vector<1x16xf32>,
          %swap3A_258 = vector.shape_cast %swap3A_257 : vector<1x16xf32> to vector<16xf32>
          %swap3A_259 = vector.shape_cast %div3A_232 : vector<16xf32> to vector<1x16xf32>
          tpu.vector_store %arg14[%swap3A_255, %swap3A_256], %swap3A_259 {strides = array<i32>} : memref<64x128xf32, #tpu.memory_space<vmem>>, vector<1x16xf32>,
          %add3A_260 = arith.addf %get3A_240, %get3A_248 : vector<16xf32>
          %swap3A_261 = arith.index_cast %scan3A_82 : i32 to index
          %swap3A_262 = arith.constant 48 : index
          %swap3A_263 = tpu.vector_load %arg15[%swap3A_261, %swap3A_262] {strides = array<i32>} : memref<64x64xf32, #tpu.memory_space<vmem>>, vector<1x16xf32>,
          %swap3A_264 = vector.shape_cast %swap3A_263 : vector<1x16xf32> to vector<16xf32>
          %swap3A_265 = vector.shape_cast %add3A_260 : vector<16xf32> to vector<1x16xf32>
          tpu.vector_store %arg15[%swap3A_261, %swap3A_262], %swap3A_265 {strides = array<i32>} : memref<64x64xf32, #tpu.memory_space<vmem>>, vector<1x16xf32>,
        }
        %scan3A_81 = arith.constant 64 : i32
        "tpu.region"() ({
          %run_scoped3A = tpu.sem_alloc : memref<!tpu.dma_semaphore, #tpu.memory_space<semaphore_mem>>
          %dma_start3A_82 = arith.constant 0 : i32
          %dma_start3A_83 = arith.constant 0 : i32
          %dma_start3A_84 = tpu.memref_slice %arg17[%dma_start3A_82, %dma_start3A_83] : memref<10000x128xf32, #tpu.memory_space<vmem_shared>> -> memref<10000x128xf32, #tpu.memory_space<vmem_shared>>
          tpu.enqueue_indirect_dma source(%arg14 : memref<64x128xf32, #tpu.memory_space<vmem>>) target(%dma_start3A_84 : memref<10000x128xf32, #tpu.memory_space<vmem_shared>>) offsets(%arg11 : memref<64xi32, #tpu.memory_space<vmem>>) semaphore(%run_scoped3A : memref<!tpu.dma_semaphore, #tpu.memory_space<semaphore_mem>>) {add = true}
          %dma_wait3A_85 = arith.constant 0 : i32
          %dma_wait3A_86 = arith.constant 0 : i32
          %dma_wait3A_87 = tpu.memref_slice %arg17[%dma_wait3A_85, %dma_wait3A_86] : memref<10000x128xf32, #tpu.memory_space<vmem_shared>> -> memref<10000x128xf32, #tpu.memory_space<vmem_shared>>
          tpu.wait_indirect_dma semaphore(%run_scoped3A : memref<!tpu.dma_semaphore, #tpu.memory_space<semaphore_mem>>) src(%arg14 : memref<64x128xf32, #tpu.memory_space<vmem>>) dst(%dma_wait3A_87 : memref<10000x128xf32, #tpu.memory_space<vmem_shared>>)
          tpu.yield
        }) : () -> ()
        "tpu.region"() ({
          %run_scoped3A = tpu.sem_alloc : memref<!tpu.dma_semaphore, #tpu.memory_space<semaphore_mem>>
          %dma_start3A_82 = arith.constant 0 : i32
          %dma_start3A_83 = tpu.memref_slice %arg8[%arg0, %mul3A_59, %dma_start3A_82] : memref<2x320000x64xf32, #tpu.memory_space<hbm>> -> memref<1x64x64xf32, #tpu.memory_space<hbm>>
          %dma_start3A_84 = tpu.memref_squeeze %dma_start3A_83 : memref<1x64x64xf32, #tpu.memory_space<hbm>> -> memref<64x64xf32, #tpu.memory_space<hbm>>
          %dma_start3A_85 = arith.constant 0 : i32
          %dma_start3A_86 = tpu.memref_slice %arg8[%arg0, %mul3A_59, %dma_start3A_85] : memref<2x320000x64xf32, #tpu.memory_space<hbm>> -> memref<1x64x64xf32, #tpu.memory_space<hbm>>
          %dma_start3A_87 = tpu.memref_squeeze %dma_start3A_86 : memref<1x64x64xf32, #tpu.memory_space<hbm>> -> memref<64x64xf32, #tpu.memory_space<hbm>>
          tpu.enqueue_dma source(%arg15 : memref<64x64xf32, #tpu.memory_space<vmem>>) target(%dma_start3A_87 : memref<64x64xf32, #tpu.memory_space<hbm>>) target_semaphore(%run_scoped3A : memref<!tpu.dma_semaphore, #tpu.memory_space<semaphore_mem>>)
          %dma_wait3A_88 = arith.constant 0 : i32
          %dma_wait3A_89 = tpu.memref_slice %arg8[%arg0, %mul3A_59, %dma_wait3A_88] : memref<2x320000x64xf32, #tpu.memory_space<hbm>> -> memref<1x64x64xf32, #tpu.memory_space<hbm>>
          %dma_wait3A_90 = tpu.memref_squeeze %dma_wait3A_89 : memref<1x64x64xf32, #tpu.memory_space<hbm>> -> memref<64x64xf32, #tpu.memory_space<hbm>>
          %dma_wait3A_91 = arith.constant 0 : i32
          %dma_wait3A_92 = tpu.memref_slice %arg8[%arg0, %mul3A_59, %dma_wait3A_91] : memref<2x320000x64xf32, #tpu.memory_space<hbm>> -> memref<1x64x64xf32, #tpu.memory_space<hbm>>
          %dma_wait3A_93 = tpu.memref_squeeze %dma_wait3A_92 : memref<1x64x64xf32, #tpu.memory_space<hbm>> -> memref<64x64xf32, #tpu.memory_space<hbm>>
          tpu.wait_dma2 semaphore(%run_scoped3A : memref<!tpu.dma_semaphore, #tpu.memory_space<semaphore_mem>>) src(%arg15 : memref<64x64xf32, #tpu.memory_space<vmem>>) dst(%dma_wait3A_93 : memref<64x64xf32, #tpu.memory_space<hbm>>)
          tpu.yield
        }) : () -> ()
      } else {
      }
    }
    %scan3A_30 = arith.constant 313 : i32
    %barrier3A_31 = arith.constant 0 : index
    tpu.barrier barrier_id(%barrier3A_31)
    %mul3A_32 = arith.constant 625 : i32
    %mul3A_33 = arith.muli %arg1, %mul3A_32 : i32
    %add3A_34 = arith.constant 0 : i32
    %add3A_35 = arith.addi %mul3A_33, %add3A_34 : i32
    "tpu.region"() ({
      %run_scoped3A = tpu.sem_alloc : memref<!tpu.dma_semaphore, #tpu.memory_space<semaphore_mem>>
      %dma_start3A = arith.constant 0 : i32
      %dma_start3A_52 = tpu.memref_slice %arg7[%arg0, %add3A_35, %dma_start3A] : memref<2x10000x128xf32, #tpu.memory_space<hbm>> -> memref<1x125x128xf32, #tpu.memory_space<hbm>>
      %dma_start3A_53 = tpu.memref_squeeze %dma_start3A_52 : memref<1x125x128xf32, #tpu.memory_space<hbm>> -> memref<125x128xf32, #tpu.memory_space<hbm>>
      %dma_start3A_54 = arith.constant 0 : i32
      %dma_start3A_55 = tpu.memref_slice %arg17[%add3A_35, %dma_start3A_54] : memref<10000x128xf32, #tpu.memory_space<vmem_shared>> -> memref<125x128xf32, #tpu.memory_space<vmem_shared>>
      tpu.enqueue_dma source(%dma_start3A_55 : memref<125x128xf32, #tpu.memory_space<vmem_shared>>) target(%dma_start3A_53 : memref<125x128xf32, #tpu.memory_space<hbm>>) target_semaphore(%run_scoped3A : memref<!tpu.dma_semaphore, #tpu.memory_space<semaphore_mem>>)
      %dma_wait3A = arith.constant 0 : i32
      %dma_wait3A_56 = tpu.memref_slice %arg7[%arg0, %add3A_35, %dma_wait3A] : memref<2x10000x128xf32, #tpu.memory_space<hbm>> -> memref<1x125x128xf32, #tpu.memory_space<hbm>>
      %dma_wait3A_57 = tpu.memref_squeeze %dma_wait3A_56 : memref<1x125x128xf32, #tpu.memory_space<hbm>> -> memref<125x128xf32, #tpu.memory_space<hbm>>
      %dma_wait3A_58 = arith.constant 0 : i32
      %dma_wait3A_59 = tpu.memref_slice %arg17[%add3A_35, %dma_wait3A_58] : memref<10000x128xf32, #tpu.memory_space<vmem_shared>> -> memref<125x128xf32, #tpu.memory_space<vmem_shared>>
      tpu.wait_dma2 semaphore(%run_scoped3A : memref<!tpu.dma_semaphore, #tpu.memory_space<semaphore_mem>>) src(%dma_wait3A_59 : memref<125x128xf32, #tpu.memory_space<vmem_shared>>) dst(%dma_wait3A_57 : memref<125x128xf32, #tpu.memory_space<hbm>>)
      tpu.yield
    }) : () -> ()
    %mul3A_36 = arith.constant 625 : i32
    %mul3A_37 = arith.muli %arg1, %mul3A_36 : i32
    %add3A_38 = arith.constant 125 : i32
    %add3A_39 = arith.addi %mul3A_37, %add3A_38 : i32
    "tpu.region"() ({
      %run_scoped3A = tpu.sem_alloc : memref<!tpu.dma_semaphore, #tpu.memory_space<semaphore_mem>>
      %dma_start3A = arith.constant 0 : i32
      %dma_start3A_52 = tpu.memref_slice %arg7[%arg0, %add3A_39, %dma_start3A] : memref<2x10000x128xf32, #tpu.memory_space<hbm>> -> memref<1x125x128xf32, #tpu.memory_space<hbm>>
      %dma_start3A_53 = tpu.memref_squeeze %dma_start3A_52 : memref<1x125x128xf32, #tpu.memory_space<hbm>> -> memref<125x128xf32, #tpu.memory_space<hbm>>
      %dma_start3A_54 = arith.constant 0 : i32
      %dma_start3A_55 = tpu.memref_slice %arg17[%add3A_39, %dma_start3A_54] : memref<10000x128xf32, #tpu.memory_space<vmem_shared>> -> memref<125x128xf32, #tpu.memory_space<vmem_shared>>
      tpu.enqueue_dma source(%dma_start3A_55 : memref<125x128xf32, #tpu.memory_space<vmem_shared>>) target(%dma_start3A_53 : memref<125x128xf32, #tpu.memory_space<hbm>>) target_semaphore(%run_scoped3A : memref<!tpu.dma_semaphore, #tpu.memory_space<semaphore_mem>>)
      %dma_wait3A = arith.constant 0 : i32
      %dma_wait3A_56 = tpu.memref_slice %arg7[%arg0, %add3A_39, %dma_wait3A] : memref<2x10000x128xf32, #tpu.memory_space<hbm>> -> memref<1x125x128xf32, #tpu.memory_space<hbm>>
      %dma_wait3A_57 = tpu.memref_squeeze %dma_wait3A_56 : memref<1x125x128xf32, #tpu.memory_space<hbm>> -> memref<125x128xf32, #tpu.memory_space<hbm>>
      %dma_wait3A_58 = arith.constant 0 : i32
      %dma_wait3A_59 = tpu.memref_slice %arg17[%add3A_39, %dma_wait3A_58] : memref<10000x128xf32, #tpu.memory_space<vmem_shared>> -> memref<125x128xf32, #tpu.memory_space<vmem_shared>>
      tpu.wait_dma2 semaphore(%run_scoped3A : memref<!tpu.dma_semaphore, #tpu.memory_space<semaphore_mem>>) src(%dma_wait3A_59 : memref<125x128xf32, #tpu.memory_space<vmem_shared>>) dst(%dma_wait3A_57 : memref<125x128xf32, #tpu.memory_space<hbm>>)
      tpu.yield
    }) : () -> ()
    %mul3A_40 = arith.constant 625 : i32
    %mul3A_41 = arith.muli %arg1, %mul3A_40 : i32
    %add3A_42 = arith.constant 250 : i32
    %add3A_43 = arith.addi %mul3A_41, %add3A_42 : i32
    "tpu.region"() ({
      %run_scoped3A = tpu.sem_alloc : memref<!tpu.dma_semaphore, #tpu.memory_space<semaphore_mem>>
      %dma_start3A = arith.constant 0 : i32
      %dma_start3A_52 = tpu.memref_slice %arg7[%arg0, %add3A_43, %dma_start3A] : memref<2x10000x128xf32, #tpu.memory_space<hbm>> -> memref<1x125x128xf32, #tpu.memory_space<hbm>>
      %dma_start3A_53 = tpu.memref_squeeze %dma_start3A_52 : memref<1x125x128xf32, #tpu.memory_space<hbm>> -> memref<125x128xf32, #tpu.memory_space<hbm>>
      %dma_start3A_54 = arith.constant 0 : i32
      %dma_start3A_55 = tpu.memref_slice %arg17[%add3A_43, %dma_start3A_54] : memref<10000x128xf32, #tpu.memory_space<vmem_shared>> -> memref<125x128xf32, #tpu.memory_space<vmem_shared>>
      tpu.enqueue_dma source(%dma_start3A_55 : memref<125x128xf32, #tpu.memory_space<vmem_shared>>) target(%dma_start3A_53 : memref<125x128xf32, #tpu.memory_space<hbm>>) target_semaphore(%run_scoped3A : memref<!tpu.dma_semaphore, #tpu.memory_space<semaphore_mem>>)
      %dma_wait3A = arith.constant 0 : i32
      %dma_wait3A_56 = tpu.memref_slice %arg7[%arg0, %add3A_43, %dma_wait3A] : memref<2x10000x128xf32, #tpu.memory_space<hbm>> -> memref<1x125x128xf32, #tpu.memory_space<hbm>>
      %dma_wait3A_57 = tpu.memref_squeeze %dma_wait3A_56 : memref<1x125x128xf32, #tpu.memory_space<hbm>> -> memref<125x128xf32, #tpu.memory_space<hbm>>
      %dma_wait3A_58 = arith.constant 0 : i32
      %dma_wait3A_59 = tpu.memref_slice %arg17[%add3A_43, %dma_wait3A_58] : memref<10000x128xf32, #tpu.memory_space<vmem_shared>> -> memref<125x128xf32, #tpu.memory_space<vmem_shared>>
      tpu.wait_dma2 semaphore(%run_scoped3A : memref<!tpu.dma_semaphore, #tpu.memory_space<semaphore_mem>>) src(%dma_wait3A_59 : memref<125x128xf32, #tpu.memory_space<vmem_shared>>) dst(%dma_wait3A_57 : memref<125x128xf32, #tpu.memory_space<hbm>>)
      tpu.yield
    }) : () -> ()
    %mul3A_44 = arith.constant 625 : i32
    %mul3A_45 = arith.muli %arg1, %mul3A_44 : i32
    %add3A_46 = arith.constant 375 : i32
    %add3A_47 = arith.addi %mul3A_45, %add3A_46 : i32
    "tpu.region"() ({
      %run_scoped3A = tpu.sem_alloc : memref<!tpu.dma_semaphore, #tpu.memory_space<semaphore_mem>>
      %dma_start3A = arith.constant 0 : i32
      %dma_start3A_52 = tpu.memref_slice %arg7[%arg0, %add3A_47, %dma_start3A] : memref<2x10000x128xf32, #tpu.memory_space<hbm>> -> memref<1x125x128xf32, #tpu.memory_space<hbm>>
      %dma_start3A_53 = tpu.memref_squeeze %dma_start3A_52 : memref<1x125x128xf32, #tpu.memory_space<hbm>> -> memref<125x128xf32, #tpu.memory_space<hbm>>
      %dma_start3A_54 = arith.constant 0 : i32
      %dma_start3A_55 = tpu.memref_slice %arg17[%add3A_47, %dma_start3A_54] : memref<10000x128xf32, #tpu.memory_space<vmem_shared>> -> memref<125x128xf32, #tpu.memory_space<vmem_shared>>
      tpu.enqueue_dma source(%dma_start3A_55 : memref<125x128xf32, #tpu.memory_space<vmem_shared>>) target(%dma_start3A_53 : memref<125x128xf32, #tpu.memory_space<hbm>>) target_semaphore(%run_scoped3A : memref<!tpu.dma_semaphore, #tpu.memory_space<semaphore_mem>>)
      %dma_wait3A = arith.constant 0 : i32
      %dma_wait3A_56 = tpu.memref_slice %arg7[%arg0, %add3A_47, %dma_wait3A] : memref<2x10000x128xf32, #tpu.memory_space<hbm>> -> memref<1x125x128xf32, #tpu.memory_space<hbm>>
      %dma_wait3A_57 = tpu.memref_squeeze %dma_wait3A_56 : memref<1x125x128xf32, #tpu.memory_space<hbm>> -> memref<125x128xf32, #tpu.memory_space<hbm>>
      %dma_wait3A_58 = arith.constant 0 : i32
      %dma_wait3A_59 = tpu.memref_slice %arg17[%add3A_47, %dma_wait3A_58] : memref<10000x128xf32, #tpu.memory_space<vmem_shared>> -> memref<125x128xf32, #tpu.memory_space<vmem_shared>>
      tpu.wait_dma2 semaphore(%run_scoped3A : memref<!tpu.dma_semaphore, #tpu.memory_space<semaphore_mem>>) src(%dma_wait3A_59 : memref<125x128xf32, #tpu.memory_space<vmem_shared>>) dst(%dma_wait3A_57 : memref<125x128xf32, #tpu.memory_space<hbm>>)
      tpu.yield
    }) : () -> ()
    %mul3A_48 = arith.constant 625 : i32
    %mul3A_49 = arith.muli %arg1, %mul3A_48 : i32
    %add3A_50 = arith.constant 500 : i32
    %add3A_51 = arith.addi %mul3A_49, %add3A_50 : i32
    "tpu.region"() ({
      %run_scoped3A = tpu.sem_alloc : memref<!tpu.dma_semaphore, #tpu.memory_space<semaphore_mem>>
      %dma_start3A = arith.constant 0 : i32
      %dma_start3A_52 = tpu.memref_slice %arg7[%arg0, %add3A_51, %dma_start3A] : memref<2x10000x128xf32, #tpu.memory_space<hbm>> -> memref<1x125x128xf32, #tpu.memory_space<hbm>>
      %dma_start3A_53 = tpu.memref_squeeze %dma_start3A_52 : memref<1x125x128xf32, #tpu.memory_space<hbm>> -> memref<125x128xf32, #tpu.memory_space<hbm>>
      %dma_start3A_54 = arith.constant 0 : i32
      %dma_start3A_55 = tpu.memref_slice %arg17[%add3A_51, %dma_start3A_54] : memref<10000x128xf32, #tpu.memory_space<vmem_shared>> -> memref<125x128xf32, #tpu.memory_space<vmem_shared>>
      tpu.enqueue_dma source(%dma_start3A_55 : memref<125x128xf32, #tpu.memory_space<vmem_shared>>) target(%dma_start3A_53 : memref<125x128xf32, #tpu.memory_space<hbm>>) target_semaphore(%run_scoped3A : memref<!tpu.dma_semaphore, #tpu.memory_space<semaphore_mem>>)
      %dma_wait3A = arith.constant 0 : i32
      %dma_wait3A_56 = tpu.memref_slice %arg7[%arg0, %add3A_51, %dma_wait3A] : memref<2x10000x128xf32, #tpu.memory_space<hbm>> -> memref<1x125x128xf32, #tpu.memory_space<hbm>>
      %dma_wait3A_57 = tpu.memref_squeeze %dma_wait3A_56 : memref<1x125x128xf32, #tpu.memory_space<hbm>> -> memref<125x128xf32, #tpu.memory_space<hbm>>
      %dma_wait3A_58 = arith.constant 0 : i32
      %dma_wait3A_59 = tpu.memref_slice %arg17[%add3A_51, %dma_wait3A_58] : memref<10000x128xf32, #tpu.memory_space<vmem_shared>> -> memref<125x128xf32, #tpu.memory_space<vmem_shared>>
      tpu.wait_dma2 semaphore(%run_scoped3A : memref<!tpu.dma_semaphore, #tpu.memory_space<semaphore_mem>>) src(%dma_wait3A_59 : memref<125x128xf32, #tpu.memory_space<vmem_shared>>) dst(%dma_wait3A_57 : memref<125x128xf32, #tpu.memory_space<hbm>>)
      tpu.yield
    }) : () -> ()
    return
  }
}

#map = affine_map<(d0, d1) -> (0, 0, 0)>
#map1 = affine_map<(d0, d1) -> (0, 0)>
#map2 = affine_map<(d0, d1) -> (0)>
module attributes {stable_mosaic.version = 14 : i64} {
  func.func @_sc_body(%arg0: i32, %arg1: i32, %arg2: memref<2x320000x64xf32, #tpu.memory_space<hbm>>, %arg3: memref<20000x128xf32, #tpu.memory_space<hbm>>, %arg4: memref<10000x128xf32, #tpu.memory_space<hbm>>, %arg5: memref<320000xi32, #tpu.memory_space<hbm>>, %arg6: memref<320000xi32, #tpu.memory_space<hbm>>, %arg7: memref<2x10000x128xf32, #tpu.memory_space<hbm>>, %arg8: memref<2x320000x64xf32, #tpu.memory_space<hbm>>, %arg9: memref<64x64xf32, #tpu.memory_space<vmem>>, %arg10: memref<64xi32, #tpu.memory_space<vmem>>, %arg11: memref<64xi32, #tpu.memory_space<vmem>>, %arg12: memref<64x128xf32, #tpu.memory_space<vmem>>, %arg13: memref<64x128xf32, #tpu.memory_space<vmem>>, %arg14: memref<64x128xf32, #tpu.memory_space<vmem>>, %arg15: memref<64x64xf32, #tpu.memory_space<vmem>>, %arg16: memref<125x128xf32, #tpu.memory_space<vmem>>, %arg17: memref<10000x128xf32, #tpu.memory_space<vmem_shared>>, %arg18: memref<!tpu.dma_semaphore, #tpu.memory_space<semaphore_mem>>, %arg19: memref<!tpu.dma_semaphore, #tpu.memory_space<semaphore_mem>>) attributes {dimension_semantics = [#tpu.dimension_semantics<core_parallel>, #tpu.dimension_semantics<subcore_parallel>], iteration_bounds = array<i64: 2, 16>, scalar_prefetch = 0 : i64, scratch_operands = 11 : i64, tpu.core_type = #tpu.core_type<sc_vector_subcore>, window_params = [{transform_indices = #map}, {transform_indices = #map1}, {transform_indices = #map1}, {transform_indices = #map2}, {transform_indices = #map2}, {transform_indices = #map}, {transform_indices = #map}]} {
    %mul3A = arith.constant 10000 : i32
    %mul3A_0 = arith.muli %arg0, %mul3A : i32
    %scan3A = arith.constant 0 : i32
    %scan3A_1 = arith.constant 0 : i32
    %scan3A_2 = arith.constant 125 : i32
    %scan3A_3 = arith.addi %scan3A_1, %scan3A_2 : i32
    %scan3A_4 = arith.constant 1 : i32
    scf.for %scan3A_52 = %scan3A_1 to %scan3A_3 step %scan3A_4  : i32 {
      %broadcast_in_dim3A = arith.constant 0.000000e+00 : f32
      %broadcast_in_dim3A_53 = vector.broadcast %broadcast_in_dim3A : f32 to vector<16xf32>
      %swap3A = arith.index_cast %scan3A_52 : i32 to index
      %swap3A_54 = arith.constant 0 : index
      %swap3A_55 = tpu.vector_load %arg16[%swap3A, %swap3A_54] {strides = array<i32>} : memref<125x128xf32, #tpu.memory_space<vmem>>, vector<1x16xf32>,
      %swap3A_56 = vector.shape_cast %swap3A_55 : vector<1x16xf32> to vector<16xf32>
      %swap3A_57 = vector.shape_cast %broadcast_in_dim3A_53 : vector<16xf32> to vector<1x16xf32>
      tpu.vector_store %arg16[%swap3A, %swap3A_54], %swap3A_57 {strides = array<i32>} : memref<125x128xf32, #tpu.memory_space<vmem>>, vector<1x16xf32>,
      %broadcast_in_dim3A_58 = arith.constant 0.000000e+00 : f32
      %broadcast_in_dim3A_59 = vector.broadcast %broadcast_in_dim3A_58 : f32 to vector<16xf32>
      %swap3A_60 = arith.index_cast %scan3A_52 : i32 to index
      %swap3A_61 = arith.constant 16 : index
      %swap3A_62 = tpu.vector_load %arg16[%swap3A_60, %swap3A_61] {strides = array<i32>} : memref<125x128xf32, #tpu.memory_space<vmem>>, vector<1x16xf32>,
      %swap3A_63 = vector.shape_cast %swap3A_62 : vector<1x16xf32> to vector<16xf32>
      %swap3A_64 = vector.shape_cast %broadcast_in_dim3A_59 : vector<16xf32> to vector<1x16xf32>
      tpu.vector_store %arg16[%swap3A_60, %swap3A_61], %swap3A_64 {strides = array<i32>} : memref<125x128xf32, #tpu.memory_space<vmem>>, vector<1x16xf32>,
      %broadcast_in_dim3A_65 = arith.constant 0.000000e+00 : f32
      %broadcast_in_dim3A_66 = vector.broadcast %broadcast_in_dim3A_65 : f32 to vector<16xf32>
      %swap3A_67 = arith.index_cast %scan3A_52 : i32 to index
      %swap3A_68 = arith.constant 32 : index
      %swap3A_69 = tpu.vector_load %arg16[%swap3A_67, %swap3A_68] {strides = array<i32>} : memref<125x128xf32, #tpu.memory_space<vmem>>, vector<1x16xf32>,
      %swap3A_70 = vector.shape_cast %swap3A_69 : vector<1x16xf32> to vector<16xf32>
      %swap3A_71 = vector.shape_cast %broadcast_in_dim3A_66 : vector<16xf32> to vector<1x16xf32>
      tpu.vector_store %arg16[%swap3A_67, %swap3A_68], %swap3A_71 {strides = array<i32>} : memref<125x128xf32, #tpu.memory_space<vmem>>, vector<1x16xf32>,
      %broadcast_in_dim3A_72 = arith.constant 0.000000e+00 : f32
      %broadcast_in_dim3A_73 = vector.broadcast %broadcast_in_dim3A_72 : f32 to vector<16xf32>
      %swap3A_74 = arith.index_cast %scan3A_52 : i32 to index
      %swap3A_75 = arith.constant 48 : index
      %swap3A_76 = tpu.vector_load %arg16[%swap3A_74, %swap3A_75] {strides = array<i32>} : memref<125x128xf32, #tpu.memory_space<vmem>>, vector<1x16xf32>,
      %swap3A_77 = vector.shape_cast %swap3A_76 : vector<1x16xf32> to vector<16xf32>
      %swap3A_78 = vector.shape_cast %broadcast_in_dim3A_73 : vector<16xf32> to vector<1x16xf32>
      tpu.vector_store %arg16[%swap3A_74, %swap3A_75], %swap3A_78 {strides = array<i32>} : memref<125x128xf32, #tpu.memory_space<vmem>>, vector<1x16xf32>,
      %broadcast_in_dim3A_79 = arith.constant 0.000000e+00 : f32
      %broadcast_in_dim3A_80 = vector.broadcast %broadcast_in_dim3A_79 : f32 to vector<16xf32>
      %swap3A_81 = arith.index_cast %scan3A_52 : i32 to index
      %swap3A_82 = arith.constant 64 : index
      %swap3A_83 = tpu.vector_load %arg16[%swap3A_81, %swap3A_82] {strides = array<i32>} : memref<125x128xf32, #tpu.memory_space<vmem>>, vector<1x16xf32>,
      %swap3A_84 = vector.shape_cast %swap3A_83 : vector<1x16xf32> to vector<16xf32>
      %swap3A_85 = vector.shape_cast %broadcast_in_dim3A_80 : vector<16xf32> to vector<1x16xf32>
      tpu.vector_store %arg16[%swap3A_81, %swap3A_82], %swap3A_85 {strides = array<i32>} : memref<125x128xf32, #tpu.memory_space<vmem>>, vector<1x16xf32>,
      %broadcast_in_dim3A_86 = arith.constant 0.000000e+00 : f32
      %broadcast_in_dim3A_87 = vector.broadcast %broadcast_in_dim3A_86 : f32 to vector<16xf32>
      %swap3A_88 = arith.index_cast %scan3A_52 : i32 to index
      %swap3A_89 = arith.constant 80 : index
      %swap3A_90 = tpu.vector_load %arg16[%swap3A_88, %swap3A_89] {strides = array<i32>} : memref<125x128xf32, #tpu.memory_space<vmem>>, vector<1x16xf32>,
      %swap3A_91 = vector.shape_cast %swap3A_90 : vector<1x16xf32> to vector<16xf32>
      %swap3A_92 = vector.shape_cast %broadcast_in_dim3A_87 : vector<16xf32> to vector<1x16xf32>
      tpu.vector_store %arg16[%swap3A_88, %swap3A_89], %swap3A_92 {strides = array<i32>} : memref<125x128xf32, #tpu.memory_space<vmem>>, vector<1x16xf32>,
      %broadcast_in_dim3A_93 = arith.constant 0.000000e+00 : f32
      %broadcast_in_dim3A_94 = vector.broadcast %broadcast_in_dim3A_93 : f32 to vector<16xf32>
      %swap3A_95 = arith.index_cast %scan3A_52 : i32 to index
      %swap3A_96 = arith.constant 96 : index
      %swap3A_97 = tpu.vector_load %arg16[%swap3A_95, %swap3A_96] {strides = array<i32>} : memref<125x128xf32, #tpu.memory_space<vmem>>, vector<1x16xf32>,
      %swap3A_98 = vector.shape_cast %swap3A_97 : vector<1x16xf32> to vector<16xf32>
      %swap3A_99 = vector.shape_cast %broadcast_in_dim3A_94 : vector<16xf32> to vector<1x16xf32>
      tpu.vector_store %arg16[%swap3A_95, %swap3A_96], %swap3A_99 {strides = array<i32>} : memref<125x128xf32, #tpu.memory_space<vmem>>, vector<1x16xf32>,
      %broadcast_in_dim3A_100 = arith.constant 0.000000e+00 : f32
      %broadcast_in_dim3A_101 = vector.broadcast %broadcast_in_dim3A_100 : f32 to vector<16xf32>
      %swap3A_102 = arith.index_cast %scan3A_52 : i32 to index
      %swap3A_103 = arith.constant 112 : index
      %swap3A_104 = tpu.vector_load %arg16[%swap3A_102, %swap3A_103] {strides = array<i32>} : memref<125x128xf32, #tpu.memory_space<vmem>>, vector<1x16xf32>,
      %swap3A_105 = vector.shape_cast %swap3A_104 : vector<1x16xf32> to vector<16xf32>
      %swap3A_106 = vector.shape_cast %broadcast_in_dim3A_101 : vector<16xf32> to vector<1x16xf32>
      tpu.vector_store %arg16[%swap3A_102, %swap3A_103], %swap3A_106 {strides = array<i32>} : memref<125x128xf32, #tpu.memory_space<vmem>>, vector<1x16xf32>,
    }
    %scan3A_5 = arith.constant 125 : i32
    %mul3A_6 = arith.constant 625 : i32
    %mul3A_7 = arith.muli %arg1, %mul3A_6 : i32
    %add3A = arith.constant 0 : i32
    %add3A_8 = arith.addi %mul3A_7, %add3A : i32
    "tpu.region"() ({
      %run_scoped3A = tpu.sem_alloc : memref<!tpu.dma_semaphore, #tpu.memory_space<semaphore_mem>>
      %dma_start3A = arith.constant 0 : i32
      %dma_start3A_52 = tpu.memref_slice %arg17[%add3A_8, %dma_start3A] : memref<10000x128xf32, #tpu.memory_space<vmem_shared>> -> memref<125x128xf32, #tpu.memory_space<vmem_shared>>
      %dma_start3A_53 = arith.constant 0 : i32
      %dma_start3A_54 = tpu.memref_slice %arg17[%add3A_8, %dma_start3A_53] : memref<10000x128xf32, #tpu.memory_space<vmem_shared>> -> memref<125x128xf32, #tpu.memory_space<vmem_shared>>
      tpu.enqueue_dma source(%arg16 : memref<125x128xf32, #tpu.memory_space<vmem>>) target(%dma_start3A_54 : memref<125x128xf32, #tpu.memory_space<vmem_shared>>) target_semaphore(%run_scoped3A : memref<!tpu.dma_semaphore, #tpu.memory_space<semaphore_mem>>)
      %dma_wait3A = arith.constant 0 : i32
      %dma_wait3A_55 = tpu.memref_slice %arg17[%add3A_8, %dma_wait3A] : memref<10000x128xf32, #tpu.memory_space<vmem_shared>> -> memref<125x128xf32, #tpu.memory_space<vmem_shared>>
      %dma_wait3A_56 = arith.constant 0 : i32
      %dma_wait3A_57 = tpu.memref_slice %arg17[%add3A_8, %dma_wait3A_56] : memref<10000x128xf32, #tpu.memory_space<vmem_shared>> -> memref<125x128xf32, #tpu.memory_space<vmem_shared>>
      tpu.wait_dma2 semaphore(%run_scoped3A : memref<!tpu.dma_semaphore, #tpu.memory_space<semaphore_mem>>) src(%arg16 : memref<125x128xf32, #tpu.memory_space<vmem>>) dst(%dma_wait3A_57 : memref<125x128xf32, #tpu.memory_space<vmem_shared>>)
      tpu.yield
    }) : () -> ()
    %mul3A_9 = arith.constant 625 : i32
    %mul3A_10 = arith.muli %arg1, %mul3A_9 : i32
    %add3A_11 = arith.constant 125 : i32
    %add3A_12 = arith.addi %mul3A_10, %add3A_11 : i32
    "tpu.region"() ({
      %run_scoped3A = tpu.sem_alloc : memref<!tpu.dma_semaphore, #tpu.memory_space<semaphore_mem>>
      %dma_start3A = arith.constant 0 : i32
      %dma_start3A_52 = tpu.memref_slice %arg17[%add3A_12, %dma_start3A] : memref<10000x128xf32, #tpu.memory_space<vmem_shared>> -> memref<125x128xf32, #tpu.memory_space<vmem_shared>>
      %dma_start3A_53 = arith.constant 0 : i32
      %dma_start3A_54 = tpu.memref_slice %arg17[%add3A_12, %dma_start3A_53] : memref<10000x128xf32, #tpu.memory_space<vmem_shared>> -> memref<125x128xf32, #tpu.memory_space<vmem_shared>>
      tpu.enqueue_dma source(%arg16 : memref<125x128xf32, #tpu.memory_space<vmem>>) target(%dma_start3A_54 : memref<125x128xf32, #tpu.memory_space<vmem_shared>>) target_semaphore(%run_scoped3A : memref<!tpu.dma_semaphore, #tpu.memory_space<semaphore_mem>>)
      %dma_wait3A = arith.constant 0 : i32
      %dma_wait3A_55 = tpu.memref_slice %arg17[%add3A_12, %dma_wait3A] : memref<10000x128xf32, #tpu.memory_space<vmem_shared>> -> memref<125x128xf32, #tpu.memory_space<vmem_shared>>
      %dma_wait3A_56 = arith.constant 0 : i32
      %dma_wait3A_57 = tpu.memref_slice %arg17[%add3A_12, %dma_wait3A_56] : memref<10000x128xf32, #tpu.memory_space<vmem_shared>> -> memref<125x128xf32, #tpu.memory_space<vmem_shared>>
      tpu.wait_dma2 semaphore(%run_scoped3A : memref<!tpu.dma_semaphore, #tpu.memory_space<semaphore_mem>>) src(%arg16 : memref<125x128xf32, #tpu.memory_space<vmem>>) dst(%dma_wait3A_57 : memref<125x128xf32, #tpu.memory_space<vmem_shared>>)
      tpu.yield
    }) : () -> ()
    %mul3A_13 = arith.constant 625 : i32
    %mul3A_14 = arith.muli %arg1, %mul3A_13 : i32
    %add3A_15 = arith.constant 250 : i32
    %add3A_16 = arith.addi %mul3A_14, %add3A_15 : i32
    "tpu.region"() ({
      %run_scoped3A = tpu.sem_alloc : memref<!tpu.dma_semaphore, #tpu.memory_space<semaphore_mem>>
      %dma_start3A = arith.constant 0 : i32
      %dma_start3A_52 = tpu.memref_slice %arg17[%add3A_16, %dma_start3A] : memref<10000x128xf32, #tpu.memory_space<vmem_shared>> -> memref<125x128xf32, #tpu.memory_space<vmem_shared>>
      %dma_start3A_53 = arith.constant 0 : i32
      %dma_start3A_54 = tpu.memref_slice %arg17[%add3A_16, %dma_start3A_53] : memref<10000x128xf32, #tpu.memory_space<vmem_shared>> -> memref<125x128xf32, #tpu.memory_space<vmem_shared>>
      tpu.enqueue_dma source(%arg16 : memref<125x128xf32, #tpu.memory_space<vmem>>) target(%dma_start3A_54 : memref<125x128xf32, #tpu.memory_space<vmem_shared>>) target_semaphore(%run_scoped3A : memref<!tpu.dma_semaphore, #tpu.memory_space<semaphore_mem>>)
      %dma_wait3A = arith.constant 0 : i32
      %dma_wait3A_55 = tpu.memref_slice %arg17[%add3A_16, %dma_wait3A] : memref<10000x128xf32, #tpu.memory_space<vmem_shared>> -> memref<125x128xf32, #tpu.memory_space<vmem_shared>>
      %dma_wait3A_56 = arith.constant 0 : i32
      %dma_wait3A_57 = tpu.memref_slice %arg17[%add3A_16, %dma_wait3A_56] : memref<10000x128xf32, #tpu.memory_space<vmem_shared>> -> memref<125x128xf32, #tpu.memory_space<vmem_shared>>
      tpu.wait_dma2 semaphore(%run_scoped3A : memref<!tpu.dma_semaphore, #tpu.memory_space<semaphore_mem>>) src(%arg16 : memref<125x128xf32, #tpu.memory_space<vmem>>) dst(%dma_wait3A_57 : memref<125x128xf32, #tpu.memory_space<vmem_shared>>)
      tpu.yield
    }) : () -> ()
    %mul3A_17 = arith.constant 625 : i32
    %mul3A_18 = arith.muli %arg1, %mul3A_17 : i32
    %add3A_19 = arith.constant 375 : i32
    %add3A_20 = arith.addi %mul3A_18, %add3A_19 : i32
    "tpu.region"() ({
      %run_scoped3A = tpu.sem_alloc : memref<!tpu.dma_semaphore, #tpu.memory_space<semaphore_mem>>
      %dma_start3A = arith.constant 0 : i32
      %dma_start3A_52 = tpu.memref_slice %arg17[%add3A_20, %dma_start3A] : memref<10000x128xf32, #tpu.memory_space<vmem_shared>> -> memref<125x128xf32, #tpu.memory_space<vmem_shared>>
      %dma_start3A_53 = arith.constant 0 : i32
      %dma_start3A_54 = tpu.memref_slice %arg17[%add3A_20, %dma_start3A_53] : memref<10000x128xf32, #tpu.memory_space<vmem_shared>> -> memref<125x128xf32, #tpu.memory_space<vmem_shared>>
      tpu.enqueue_dma source(%arg16 : memref<125x128xf32, #tpu.memory_space<vmem>>) target(%dma_start3A_54 : memref<125x128xf32, #tpu.memory_space<vmem_shared>>) target_semaphore(%run_scoped3A : memref<!tpu.dma_semaphore, #tpu.memory_space<semaphore_mem>>)
      %dma_wait3A = arith.constant 0 : i32
      %dma_wait3A_55 = tpu.memref_slice %arg17[%add3A_20, %dma_wait3A] : memref<10000x128xf32, #tpu.memory_space<vmem_shared>> -> memref<125x128xf32, #tpu.memory_space<vmem_shared>>
      %dma_wait3A_56 = arith.constant 0 : i32
      %dma_wait3A_57 = tpu.memref_slice %arg17[%add3A_20, %dma_wait3A_56] : memref<10000x128xf32, #tpu.memory_space<vmem_shared>> -> memref<125x128xf32, #tpu.memory_space<vmem_shared>>
      tpu.wait_dma2 semaphore(%run_scoped3A : memref<!tpu.dma_semaphore, #tpu.memory_space<semaphore_mem>>) src(%arg16 : memref<125x128xf32, #tpu.memory_space<vmem>>) dst(%dma_wait3A_57 : memref<125x128xf32, #tpu.memory_space<vmem_shared>>)
      tpu.yield
    }) : () -> ()
    %mul3A_21 = arith.constant 625 : i32
    %mul3A_22 = arith.muli %arg1, %mul3A_21 : i32
    %add3A_23 = arith.constant 500 : i32
    %add3A_24 = arith.addi %mul3A_22, %add3A_23 : i32
    "tpu.region"() ({
      %run_scoped3A = tpu.sem_alloc : memref<!tpu.dma_semaphore, #tpu.memory_space<semaphore_mem>>
      %dma_start3A = arith.constant 0 : i32
      %dma_start3A_52 = tpu.memref_slice %arg17[%add3A_24, %dma_start3A] : memref<10000x128xf32, #tpu.memory_space<vmem_shared>> -> memref<125x128xf32, #tpu.memory_space<vmem_shared>>
      %dma_start3A_53 = arith.constant 0 : i32
      %dma_start3A_54 = tpu.memref_slice %arg17[%add3A_24, %dma_start3A_53] : memref<10000x128xf32, #tpu.memory_space<vmem_shared>> -> memref<125x128xf32, #tpu.memory_space<vmem_shared>>
      tpu.enqueue_dma source(%arg16 : memref<125x128xf32, #tpu.memory_space<vmem>>) target(%dma_start3A_54 : memref<125x128xf32, #tpu.memory_space<vmem_shared>>) target_semaphore(%run_scoped3A : memref<!tpu.dma_semaphore, #tpu.memory_space<semaphore_mem>>)
      %dma_wait3A = arith.constant 0 : i32
      %dma_wait3A_55 = tpu.memref_slice %arg17[%add3A_24, %dma_wait3A] : memref<10000x128xf32, #tpu.memory_space<vmem_shared>> -> memref<125x128xf32, #tpu.memory_space<vmem_shared>>
      %dma_wait3A_56 = arith.constant 0 : i32
      %dma_wait3A_57 = tpu.memref_slice %arg17[%add3A_24, %dma_wait3A_56] : memref<10000x128xf32, #tpu.memory_space<vmem_shared>> -> memref<125x128xf32, #tpu.memory_space<vmem_shared>>
      tpu.wait_dma2 semaphore(%run_scoped3A : memref<!tpu.dma_semaphore, #tpu.memory_space<semaphore_mem>>) src(%arg16 : memref<125x128xf32, #tpu.memory_space<vmem>>) dst(%dma_wait3A_57 : memref<125x128xf32, #tpu.memory_space<vmem_shared>>)
      tpu.yield
    }) : () -> ()
    %barrier3A = arith.constant 0 : index
    tpu.barrier barrier_id(%barrier3A)
    %scan3A_25 = arith.constant 0 : i32
    %scan3A_26 = arith.constant 0 : i32
    %scan3A_27 = arith.constant 313 : i32
    %scan3A_28 = arith.addi %scan3A_26, %scan3A_27 : i32
    %scan3A_29 = arith.constant 1 : i32
    scf.for %scan3A_52 = %scan3A_26 to %scan3A_28 step %scan3A_29  : i32 {
      %mul3A_53 = arith.constant 16 : i32
      %mul3A_54 = arith.muli %mul3A_53, %scan3A_52 : i32
      %add3A_55 = arith.addi %arg1, %mul3A_54 : i32
      %lt3A = arith.constant 5000 : i32
      %lt3A_56 = arith.cmpi slt, %add3A_55, %lt3A : i32
      %convert_element_type3A = arith.extui %lt3A_56 : i1 to i32
      %cond3A = arith.constant 0 : i32
      %cond3A_57 = arith.cmpi ne, %convert_element_type3A, %cond3A : i32
      scf.if %cond3A_57 {
        %mul3A_58 = arith.constant 64 : i32
        %mul3A_59 = arith.muli %add3A_55, %mul3A_58 : i32
        "tpu.region"() ({
          %run_scoped3A = tpu.sem_alloc : memref<!tpu.dma_semaphore, #tpu.memory_space<semaphore_mem>>
          %dma_start3A_82 = arith.constant 0 : i32
          %dma_start3A_83 = tpu.memref_slice %arg2[%arg0, %mul3A_59, %dma_start3A_82] : memref<2x320000x64xf32, #tpu.memory_space<hbm>> -> memref<1x64x64xf32, #tpu.memory_space<hbm>>
          %dma_start3A_84 = tpu.memref_squeeze %dma_start3A_83 : memref<1x64x64xf32, #tpu.memory_space<hbm>> -> memref<64x64xf32, #tpu.memory_space<hbm>>
          %dma_start3A_85 = arith.constant 0 : i32
          %dma_start3A_86 = tpu.memref_slice %arg2[%arg0, %mul3A_59, %dma_start3A_85] : memref<2x320000x64xf32, #tpu.memory_space<hbm>> -> memref<1x64x64xf32, #tpu.memory_space<hbm>>
          %dma_start3A_87 = tpu.memref_squeeze %dma_start3A_86 : memref<1x64x64xf32, #tpu.memory_space<hbm>> -> memref<64x64xf32, #tpu.memory_space<hbm>>
          tpu.enqueue_dma source(%dma_start3A_87 : memref<64x64xf32, #tpu.memory_space<hbm>>) target(%arg9 : memref<64x64xf32, #tpu.memory_space<vmem>>) target_semaphore(%run_scoped3A : memref<!tpu.dma_semaphore, #tpu.memory_space<semaphore_mem>>)
          %dma_wait3A_88 = arith.constant 0 : i32
          %dma_wait3A_89 = tpu.memref_slice %arg2[%arg0, %mul3A_59, %dma_wait3A_88] : memref<2x320000x64xf32, #tpu.memory_space<hbm>> -> memref<1x64x64xf32, #tpu.memory_space<hbm>>
          %dma_wait3A_90 = tpu.memref_squeeze %dma_wait3A_89 : memref<1x64x64xf32, #tpu.memory_space<hbm>> -> memref<64x64xf32, #tpu.memory_space<hbm>>
          %dma_wait3A_91 = arith.constant 0 : i32
          %dma_wait3A_92 = tpu.memref_slice %arg2[%arg0, %mul3A_59, %dma_wait3A_91] : memref<2x320000x64xf32, #tpu.memory_space<hbm>> -> memref<1x64x64xf32, #tpu.memory_space<hbm>>
          %dma_wait3A_93 = tpu.memref_squeeze %dma_wait3A_92 : memref<1x64x64xf32, #tpu.memory_space<hbm>> -> memref<64x64xf32, #tpu.memory_space<hbm>>
          tpu.wait_dma2 semaphore(%run_scoped3A : memref<!tpu.dma_semaphore, #tpu.memory_space<semaphore_mem>>) src(%dma_wait3A_93 : memref<64x64xf32, #tpu.memory_space<hbm>>) dst(%arg9 : memref<64x64xf32, #tpu.memory_space<vmem>>)
          tpu.yield
        }) : () -> ()
        "tpu.region"() ({
          %run_scoped3A = tpu.sem_alloc : memref<!tpu.dma_semaphore, #tpu.memory_space<semaphore_mem>>
          %dma_start3A_82 = tpu.memref_slice %arg5[%mul3A_59] : memref<320000xi32, #tpu.memory_space<hbm>> -> memref<64xi32, #tpu.memory_space<hbm>>
          %dma_start3A_83 = tpu.memref_slice %arg5[%mul3A_59] : memref<320000xi32, #tpu.memory_space<hbm>> -> memref<64xi32, #tpu.memory_space<hbm>>
          tpu.enqueue_dma source(%dma_start3A_83 : memref<64xi32, #tpu.memory_space<hbm>>) target(%arg10 : memref<64xi32, #tpu.memory_space<vmem>>) target_semaphore(%run_scoped3A : memref<!tpu.dma_semaphore, #tpu.memory_space<semaphore_mem>>)
          %dma_wait3A_84 = tpu.memref_slice %arg5[%mul3A_59] : memref<320000xi32, #tpu.memory_space<hbm>> -> memref<64xi32, #tpu.memory_space<hbm>>
          %dma_wait3A_85 = tpu.memref_slice %arg5[%mul3A_59] : memref<320000xi32, #tpu.memory_space<hbm>> -> memref<64xi32, #tpu.memory_space<hbm>>
          tpu.wait_dma2 semaphore(%run_scoped3A : memref<!tpu.dma_semaphore, #tpu.memory_space<semaphore_mem>>) src(%dma_wait3A_85 : memref<64xi32, #tpu.memory_space<hbm>>) dst(%arg10 : memref<64xi32, #tpu.memory_space<vmem>>)
          tpu.yield
        }) : () -> ()
        "tpu.region"() ({
          %run_scoped3A = tpu.sem_alloc : memref<!tpu.dma_semaphore, #tpu.memory_space<semaphore_mem>>
          %dma_start3A_82 = tpu.memref_slice %arg6[%mul3A_59] : memref<320000xi32, #tpu.memory_space<hbm>> -> memref<64xi32, #tpu.memory_space<hbm>>
          %dma_start3A_83 = tpu.memref_slice %arg6[%mul3A_59] : memref<320000xi32, #tpu.memory_space<hbm>> -> memref<64xi32, #tpu.memory_space<hbm>>
          tpu.enqueue_dma source(%dma_start3A_83 : memref<64xi32, #tpu.memory_space<hbm>>) target(%arg11 : memref<64xi32, #tpu.memory_space<vmem>>) target_semaphore(%run_scoped3A : memref<!tpu.dma_semaphore, #tpu.memory_space<semaphore_mem>>)
          %dma_wait3A_84 = tpu.memref_slice %arg6[%mul3A_59] : memref<320000xi32, #tpu.memory_space<hbm>> -> memref<64xi32, #tpu.memory_space<hbm>>
          %dma_wait3A_85 = tpu.memref_slice %arg6[%mul3A_59] : memref<320000xi32, #tpu.memory_space<hbm>> -> memref<64xi32, #tpu.memory_space<hbm>>
          tpu.wait_dma2 semaphore(%run_scoped3A : memref<!tpu.dma_semaphore, #tpu.memory_space<semaphore_mem>>) src(%dma_wait3A_85 : memref<64xi32, #tpu.memory_space<hbm>>) dst(%arg11 : memref<64xi32, #tpu.memory_space<vmem>>)
          tpu.yield
        }) : () -> ()
        %scan3A_60 = arith.constant 0 : i32
        %scan3A_61 = arith.constant 0 : i32
        %scan3A_62 = arith.constant 4 : i32
        %scan3A_63 = arith.addi %scan3A_61, %scan3A_62 : i32
        %scan3A_64 = arith.constant 1 : i32
        scf.for %scan3A_82 = %scan3A_61 to %scan3A_63 step %scan3A_64  : i32 {
          %mul3A_83 = arith.constant 16 : i32
          %mul3A_84 = arith.muli %scan3A_82, %mul3A_83 : i32
          %get3A = arith.index_cast %mul3A_84 : i32 to index
          %get3A_85 = tpu.vector_load %arg10[%get3A] {strides = array<i32>} : memref<64xi32, #tpu.memory_space<vmem>>, vector<16xi32>,
          %get3A_86 = vector.shape_cast %get3A_85 : vector<16xi32> to vector<16xi32>
          %add3A_87 = vector.broadcast %mul3A_0 : i32 to vector<16xi32>
          %add3A_88 = arith.addi %get3A_86, %add3A_87 : vector<16xi32>
          %mul3A_89 = arith.constant 16 : i32
          %mul3A_90 = arith.muli %scan3A_82, %mul3A_89 : i32
          %swap3A = arith.index_cast %mul3A_90 : i32 to index
          %swap3A_91 = tpu.vector_load %arg10[%swap3A] {strides = array<i32>} : memref<64xi32, #tpu.memory_space<vmem>>, vector<16xi32>,
          %swap3A_92 = vector.shape_cast %swap3A_91 : vector<16xi32> to vector<16xi32>
          %swap3A_93 = vector.shape_cast %add3A_88 : vector<16xi32> to vector<16xi32>
          tpu.vector_store %arg10[%swap3A], %swap3A_93 {strides = array<i32>} : memref<64xi32, #tpu.memory_space<vmem>>, vector<16xi32>,
        }
        %scan3A_65 = arith.constant 4 : i32
        %dma_start3A = arith.constant 0 : i32
        %dma_start3A_66 = arith.constant 0 : i32
        %dma_start3A_67 = tpu.memref_slice %arg3[%dma_start3A, %dma_start3A_66] : memref<20000x128xf32, #tpu.memory_space<hbm>> -> memref<20000x128xf32, #tpu.memory_space<hbm>>
        tpu.enqueue_indirect_dma source(%dma_start3A_67 : memref<20000x128xf32, #tpu.memory_space<hbm>>) target(%arg12 : memref<64x128xf32, #tpu.memory_space<vmem>>) offsets(%arg10 : memref<64xi32, #tpu.memory_space<vmem>>) semaphore(%arg18 : memref<!tpu.dma_semaphore, #tpu.memory_space<semaphore_mem>>)
        %dma_start3A_68 = arith.constant 0 : i32
        %dma_start3A_69 = arith.constant 0 : i32
        %dma_start3A_70 = tpu.memref_slice %arg4[%dma_start3A_68, %dma_start3A_69] : memref<10000x128xf32, #tpu.memory_space<hbm>> -> memref<10000x128xf32, #tpu.memory_space<hbm>>
        tpu.enqueue_indirect_dma source(%dma_start3A_70 : memref<10000x128xf32, #tpu.memory_space<hbm>>) target(%arg13 : memref<64x128xf32, #tpu.memory_space<vmem>>) offsets(%arg11 : memref<64xi32, #tpu.memory_space<vmem>>) semaphore(%arg19 : memref<!tpu.dma_semaphore, #tpu.memory_space<semaphore_mem>>)
        %dma_wait3A = arith.constant 0 : i32
        %dma_wait3A_71 = arith.constant 0 : i32
        %dma_wait3A_72 = tpu.memref_slice %arg3[%dma_wait3A, %dma_wait3A_71] : memref<20000x128xf32, #tpu.memory_space<hbm>> -> memref<20000x128xf32, #tpu.memory_space<hbm>>
        tpu.wait_indirect_dma semaphore(%arg18 : memref<!tpu.dma_semaphore, #tpu.memory_space<semaphore_mem>>) src(%dma_wait3A_72 : memref<20000x128xf32, #tpu.memory_space<hbm>>) dst(%arg12 : memref<64x128xf32, #tpu.memory_space<vmem>>)
        %dma_wait3A_73 = arith.constant 0 : i32
        %dma_wait3A_74 = arith.constant 0 : i32
        %dma_wait3A_75 = tpu.memref_slice %arg4[%dma_wait3A_73, %dma_wait3A_74] : memref<10000x128xf32, #tpu.memory_space<hbm>> -> memref<10000x128xf32, #tpu.memory_space<hbm>>
        tpu.wait_indirect_dma semaphore(%arg19 : memref<!tpu.dma_semaphore, #tpu.memory_space<semaphore_mem>>) src(%dma_wait3A_75 : memref<10000x128xf32, #tpu.memory_space<hbm>>) dst(%arg13 : memref<64x128xf32, #tpu.memory_space<vmem>>)
        %scan3A_76 = arith.constant 0 : i32
        %scan3A_77 = arith.constant 0 : i32
        %scan3A_78 = arith.constant 64 : i32
        %scan3A_79 = arith.addi %scan3A_77, %scan3A_78 : i32
        %scan3A_80 = arith.constant 1 : i32
        scf.for %scan3A_82 = %scan3A_77 to %scan3A_79 step %scan3A_80  : i32 {
          %get3A = arith.index_cast %scan3A_82 : i32 to index
          %get3A_83 = arith.constant 0 : index
          %get3A_84 = tpu.vector_load %arg9[%get3A, %get3A_83] {strides = array<i32>} : memref<64x64xf32, #tpu.memory_space<vmem>>, vector<1x16xf32>,
          %get3A_85 = vector.shape_cast %get3A_84 : vector<1x16xf32> to vector<16xf32>
          %neg3A = arith.constant 0.000000e+00 : f32
          %neg3A_86 = vector.broadcast %neg3A : f32 to vector<16xf32>
          %neg3A_87 = arith.subf %neg3A_86, %get3A_85 : vector<16xf32>
          %exp3A = math.exp %neg3A_87 : vector<16xf32>
          %add3A_88 = arith.constant 1.000000e+00 : f32
          %add3A_89 = vector.broadcast %add3A_88 : f32 to vector<16xf32>
          %add3A_90 = arith.addf %add3A_89, %exp3A : vector<16xf32>
          %div3A = arith.constant 1.000000e+00 : f32
          %div3A_91 = vector.broadcast %div3A : f32 to vector<16xf32>
          %div3A_92 = arith.divf %div3A_91, %add3A_90 : vector<16xf32>
          %get3A_93 = arith.index_cast %scan3A_82 : i32 to index
          %get3A_94 = arith.constant 0 : index
          %get3A_95 = tpu.vector_load %arg12[%get3A_93, %get3A_94] {strides = array<i32>} : memref<64x128xf32, #tpu.memory_space<vmem>>, vector<1x16xf32>,
          %get3A_96 = vector.shape_cast %get3A_95 : vector<1x16xf32> to vector<16xf32>
          %get3A_97 = arith.index_cast %scan3A_82 : i32 to index
          %get3A_98 = arith.constant 64 : index
          %get3A_99 = tpu.vector_load %arg12[%get3A_97, %get3A_98] {strides = array<i32>} : memref<64x128xf32, #tpu.memory_space<vmem>>, vector<1x16xf32>,
          %get3A_100 = vector.shape_cast %get3A_99 : vector<1x16xf32> to vector<16xf32>
          %mul3A_101 = arith.constant 64 : i32
          %mul3A_102 = arith.muli %arg0, %mul3A_101 : i32
          %add3A_103 = arith.constant 0 : i32
          %add3A_104 = arith.addi %mul3A_102, %add3A_103 : i32
          %get3A_105 = arith.index_cast %scan3A_82 : i32 to index
          %get3A_106 = arith.index_cast %add3A_104 : i32 to index
          %get3A_107 = tpu.vector_load %arg13[%get3A_105, %get3A_106] {strides = array<i32>} : memref<64x128xf32, #tpu.memory_space<vmem>>, vector<1x16xf32>,
          %get3A_108 = vector.shape_cast %get3A_107 : vector<1x16xf32> to vector<16xf32>
          %mul3A_109 = arith.mulf %div3A_92, %get3A_96 : vector<16xf32>
          %swap3A = arith.index_cast %scan3A_82 : i32 to index
          %swap3A_110 = arith.constant 0 : index
          %swap3A_111 = tpu.vector_load %arg14[%swap3A, %swap3A_110] {strides = array<i32>} : memref<64x128xf32, #tpu.memory_space<vmem>>, vector<1x16xf32>,
          %swap3A_112 = vector.shape_cast %swap3A_111 : vector<1x16xf32> to vector<16xf32>
          %swap3A_113 = vector.shape_cast %mul3A_109 : vector<16xf32> to vector<1x16xf32>
          tpu.vector_store %arg14[%swap3A, %swap3A_110], %swap3A_113 {strides = array<i32>} : memref<64x128xf32, #tpu.memory_space<vmem>>, vector<1x16xf32>,
          %swap3A_114 = arith.index_cast %scan3A_82 : i32 to index
          %swap3A_115 = arith.constant 64 : index
          %swap3A_116 = tpu.vector_load %arg14[%swap3A_114, %swap3A_115] {strides = array<i32>} : memref<64x128xf32, #tpu.memory_space<vmem>>, vector<1x16xf32>,
          %swap3A_117 = vector.shape_cast %swap3A_116 : vector<1x16xf32> to vector<16xf32>
          %swap3A_118 = vector.shape_cast %div3A_92 : vector<16xf32> to vector<1x16xf32>
          tpu.vector_store %arg14[%swap3A_114, %swap3A_115], %swap3A_118 {strides = array<i32>} : memref<64x128xf32, #tpu.memory_space<vmem>>, vector<1x16xf32>,
          %add3A_119 = arith.addf %get3A_100, %get3A_108 : vector<16xf32>
          %swap3A_120 = arith.index_cast %scan3A_82 : i32 to index
          %swap3A_121 = arith.constant 0 : index
          %swap3A_122 = tpu.vector_load %arg15[%swap3A_120, %swap3A_121] {strides = array<i32>} : memref<64x64xf32, #tpu.memory_space<vmem>>, vector<1x16xf32>,
          %swap3A_123 = vector.shape_cast %swap3A_122 : vector<1x16xf32> to vector<16xf32>
          %swap3A_124 = vector.shape_cast %add3A_119 : vector<16xf32> to vector<1x16xf32>
          tpu.vector_store %arg15[%swap3A_120, %swap3A_121], %swap3A_124 {strides = array<i32>} : memref<64x64xf32, #tpu.memory_space<vmem>>, vector<1x16xf32>,
          %get3A_125 = arith.index_cast %scan3A_82 : i32 to index
          %get3A_126 = arith.constant 16 : index
          %get3A_127 = tpu.vector_load %arg9[%get3A_125, %get3A_126] {strides = array<i32>} : memref<64x64xf32, #tpu.memory_space<vmem>>, vector<1x16xf32>,
          %get3A_128 = vector.shape_cast %get3A_127 : vector<1x16xf32> to vector<16xf32>
          %neg3A_129 = arith.constant 0.000000e+00 : f32
          %neg3A_130 = vector.broadcast %neg3A_129 : f32 to vector<16xf32>
          %neg3A_131 = arith.subf %neg3A_130, %get3A_128 : vector<16xf32>
          %exp3A_132 = math.exp %neg3A_131 : vector<16xf32>
          %add3A_133 = arith.constant 1.000000e+00 : f32
          %add3A_134 = vector.broadcast %add3A_133 : f32 to vector<16xf32>
          %add3A_135 = arith.addf %add3A_134, %exp3A_132 : vector<16xf32>
          %div3A_136 = arith.constant 1.000000e+00 : f32
          %div3A_137 = vector.broadcast %div3A_136 : f32 to vector<16xf32>
          %div3A_138 = arith.divf %div3A_137, %add3A_135 : vector<16xf32>
          %get3A_139 = arith.index_cast %scan3A_82 : i32 to index
          %get3A_140 = arith.constant 16 : index
          %get3A_141 = tpu.vector_load %arg12[%get3A_139, %get3A_140] {strides = array<i32>} : memref<64x128xf32, #tpu.memory_space<vmem>>, vector<1x16xf32>,
          %get3A_142 = vector.shape_cast %get3A_141 : vector<1x16xf32> to vector<16xf32>
          %get3A_143 = arith.index_cast %scan3A_82 : i32 to index
          %get3A_144 = arith.constant 80 : index
          %get3A_145 = tpu.vector_load %arg12[%get3A_143, %get3A_144] {strides = array<i32>} : memref<64x128xf32, #tpu.memory_space<vmem>>, vector<1x16xf32>,
          %get3A_146 = vector.shape_cast %get3A_145 : vector<1x16xf32> to vector<16xf32>
          %mul3A_147 = arith.constant 64 : i32
          %mul3A_148 = arith.muli %arg0, %mul3A_147 : i32
          %add3A_149 = arith.constant 16 : i32
          %add3A_150 = arith.addi %mul3A_148, %add3A_149 : i32
          %get3A_151 = arith.index_cast %scan3A_82 : i32 to index
          %get3A_152 = arith.index_cast %add3A_150 : i32 to index
          %get3A_153 = tpu.vector_load %arg13[%get3A_151, %get3A_152] {strides = array<i32>} : memref<64x128xf32, #tpu.memory_space<vmem>>, vector<1x16xf32>,
          %get3A_154 = vector.shape_cast %get3A_153 : vector<1x16xf32> to vector<16xf32>
          %mul3A_155 = arith.mulf %div3A_138, %get3A_142 : vector<16xf32>
          %swap3A_156 = arith.index_cast %scan3A_82 : i32 to index
          %swap3A_157 = arith.constant 16 : index
          %swap3A_158 = tpu.vector_load %arg14[%swap3A_156, %swap3A_157] {strides = array<i32>} : memref<64x128xf32, #tpu.memory_space<vmem>>, vector<1x16xf32>,
          %swap3A_159 = vector.shape_cast %swap3A_158 : vector<1x16xf32> to vector<16xf32>
          %swap3A_160 = vector.shape_cast %mul3A_155 : vector<16xf32> to vector<1x16xf32>
          tpu.vector_store %arg14[%swap3A_156, %swap3A_157], %swap3A_160 {strides = array<i32>} : memref<64x128xf32, #tpu.memory_space<vmem>>, vector<1x16xf32>,
          %swap3A_161 = arith.index_cast %scan3A_82 : i32 to index
          %swap3A_162 = arith.constant 80 : index
          %swap3A_163 = tpu.vector_load %arg14[%swap3A_161, %swap3A_162] {strides = array<i32>} : memref<64x128xf32, #tpu.memory_space<vmem>>, vector<1x16xf32>,
          %swap3A_164 = vector.shape_cast %swap3A_163 : vector<1x16xf32> to vector<16xf32>
          %swap3A_165 = vector.shape_cast %div3A_138 : vector<16xf32> to vector<1x16xf32>
          tpu.vector_store %arg14[%swap3A_161, %swap3A_162], %swap3A_165 {strides = array<i32>} : memref<64x128xf32, #tpu.memory_space<vmem>>, vector<1x16xf32>,
          %add3A_166 = arith.addf %get3A_146, %get3A_154 : vector<16xf32>
          %swap3A_167 = arith.index_cast %scan3A_82 : i32 to index
          %swap3A_168 = arith.constant 16 : index
          %swap3A_169 = tpu.vector_load %arg15[%swap3A_167, %swap3A_168] {strides = array<i32>} : memref<64x64xf32, #tpu.memory_space<vmem>>, vector<1x16xf32>,
          %swap3A_170 = vector.shape_cast %swap3A_169 : vector<1x16xf32> to vector<16xf32>
          %swap3A_171 = vector.shape_cast %add3A_166 : vector<16xf32> to vector<1x16xf32>
          tpu.vector_store %arg15[%swap3A_167, %swap3A_168], %swap3A_171 {strides = array<i32>} : memref<64x64xf32, #tpu.memory_space<vmem>>, vector<1x16xf32>,
          %get3A_172 = arith.index_cast %scan3A_82 : i32 to index
          %get3A_173 = arith.constant 32 : index
          %get3A_174 = tpu.vector_load %arg9[%get3A_172, %get3A_173] {strides = array<i32>} : memref<64x64xf32, #tpu.memory_space<vmem>>, vector<1x16xf32>,
          %get3A_175 = vector.shape_cast %get3A_174 : vector<1x16xf32> to vector<16xf32>
          %neg3A_176 = arith.constant 0.000000e+00 : f32
          %neg3A_177 = vector.broadcast %neg3A_176 : f32 to vector<16xf32>
          %neg3A_178 = arith.subf %neg3A_177, %get3A_175 : vector<16xf32>
          %exp3A_179 = math.exp %neg3A_178 : vector<16xf32>
          %add3A_180 = arith.constant 1.000000e+00 : f32
          %add3A_181 = vector.broadcast %add3A_180 : f32 to vector<16xf32>
          %add3A_182 = arith.addf %add3A_181, %exp3A_179 : vector<16xf32>
          %div3A_183 = arith.constant 1.000000e+00 : f32
          %div3A_184 = vector.broadcast %div3A_183 : f32 to vector<16xf32>
          %div3A_185 = arith.divf %div3A_184, %add3A_182 : vector<16xf32>
          %get3A_186 = arith.index_cast %scan3A_82 : i32 to index
          %get3A_187 = arith.constant 32 : index
          %get3A_188 = tpu.vector_load %arg12[%get3A_186, %get3A_187] {strides = array<i32>} : memref<64x128xf32, #tpu.memory_space<vmem>>, vector<1x16xf32>,
          %get3A_189 = vector.shape_cast %get3A_188 : vector<1x16xf32> to vector<16xf32>
          %get3A_190 = arith.index_cast %scan3A_82 : i32 to index
          %get3A_191 = arith.constant 96 : index
          %get3A_192 = tpu.vector_load %arg12[%get3A_190, %get3A_191] {strides = array<i32>} : memref<64x128xf32, #tpu.memory_space<vmem>>, vector<1x16xf32>,
          %get3A_193 = vector.shape_cast %get3A_192 : vector<1x16xf32> to vector<16xf32>
          %mul3A_194 = arith.constant 64 : i32
          %mul3A_195 = arith.muli %arg0, %mul3A_194 : i32
          %add3A_196 = arith.constant 32 : i32
          %add3A_197 = arith.addi %mul3A_195, %add3A_196 : i32
          %get3A_198 = arith.index_cast %scan3A_82 : i32 to index
          %get3A_199 = arith.index_cast %add3A_197 : i32 to index
          %get3A_200 = tpu.vector_load %arg13[%get3A_198, %get3A_199] {strides = array<i32>} : memref<64x128xf32, #tpu.memory_space<vmem>>, vector<1x16xf32>,
          %get3A_201 = vector.shape_cast %get3A_200 : vector<1x16xf32> to vector<16xf32>
          %mul3A_202 = arith.mulf %div3A_185, %get3A_189 : vector<16xf32>
          %swap3A_203 = arith.index_cast %scan3A_82 : i32 to index
          %swap3A_204 = arith.constant 32 : index
          %swap3A_205 = tpu.vector_load %arg14[%swap3A_203, %swap3A_204] {strides = array<i32>} : memref<64x128xf32, #tpu.memory_space<vmem>>, vector<1x16xf32>,
          %swap3A_206 = vector.shape_cast %swap3A_205 : vector<1x16xf32> to vector<16xf32>
          %swap3A_207 = vector.shape_cast %mul3A_202 : vector<16xf32> to vector<1x16xf32>
          tpu.vector_store %arg14[%swap3A_203, %swap3A_204], %swap3A_207 {strides = array<i32>} : memref<64x128xf32, #tpu.memory_space<vmem>>, vector<1x16xf32>,
          %swap3A_208 = arith.index_cast %scan3A_82 : i32 to index
          %swap3A_209 = arith.constant 96 : index
          %swap3A_210 = tpu.vector_load %arg14[%swap3A_208, %swap3A_209] {strides = array<i32>} : memref<64x128xf32, #tpu.memory_space<vmem>>, vector<1x16xf32>,
          %swap3A_211 = vector.shape_cast %swap3A_210 : vector<1x16xf32> to vector<16xf32>
          %swap3A_212 = vector.shape_cast %div3A_185 : vector<16xf32> to vector<1x16xf32>
          tpu.vector_store %arg14[%swap3A_208, %swap3A_209], %swap3A_212 {strides = array<i32>} : memref<64x128xf32, #tpu.memory_space<vmem>>, vector<1x16xf32>,
          %add3A_213 = arith.addf %get3A_193, %get3A_201 : vector<16xf32>
          %swap3A_214 = arith.index_cast %scan3A_82 : i32 to index
          %swap3A_215 = arith.constant 32 : index
          %swap3A_216 = tpu.vector_load %arg15[%swap3A_214, %swap3A_215] {strides = array<i32>} : memref<64x64xf32, #tpu.memory_space<vmem>>, vector<1x16xf32>,
          %swap3A_217 = vector.shape_cast %swap3A_216 : vector<1x16xf32> to vector<16xf32>
          %swap3A_218 = vector.shape_cast %add3A_213 : vector<16xf32> to vector<1x16xf32>
          tpu.vector_store %arg15[%swap3A_214, %swap3A_215], %swap3A_218 {strides = array<i32>} : memref<64x64xf32, #tpu.memory_space<vmem>>, vector<1x16xf32>,
          %get3A_219 = arith.index_cast %scan3A_82 : i32 to index
          %get3A_220 = arith.constant 48 : index
          %get3A_221 = tpu.vector_load %arg9[%get3A_219, %get3A_220] {strides = array<i32>} : memref<64x64xf32, #tpu.memory_space<vmem>>, vector<1x16xf32>,
          %get3A_222 = vector.shape_cast %get3A_221 : vector<1x16xf32> to vector<16xf32>
          %neg3A_223 = arith.constant 0.000000e+00 : f32
          %neg3A_224 = vector.broadcast %neg3A_223 : f32 to vector<16xf32>
          %neg3A_225 = arith.subf %neg3A_224, %get3A_222 : vector<16xf32>
          %exp3A_226 = math.exp %neg3A_225 : vector<16xf32>
          %add3A_227 = arith.constant 1.000000e+00 : f32
          %add3A_228 = vector.broadcast %add3A_227 : f32 to vector<16xf32>
          %add3A_229 = arith.addf %add3A_228, %exp3A_226 : vector<16xf32>
          %div3A_230 = arith.constant 1.000000e+00 : f32
          %div3A_231 = vector.broadcast %div3A_230 : f32 to vector<16xf32>
          %div3A_232 = arith.divf %div3A_231, %add3A_229 : vector<16xf32>
          %get3A_233 = arith.index_cast %scan3A_82 : i32 to index
          %get3A_234 = arith.constant 48 : index
          %get3A_235 = tpu.vector_load %arg12[%get3A_233, %get3A_234] {strides = array<i32>} : memref<64x128xf32, #tpu.memory_space<vmem>>, vector<1x16xf32>,
          %get3A_236 = vector.shape_cast %get3A_235 : vector<1x16xf32> to vector<16xf32>
          %get3A_237 = arith.index_cast %scan3A_82 : i32 to index
          %get3A_238 = arith.constant 112 : index
          %get3A_239 = tpu.vector_load %arg12[%get3A_237, %get3A_238] {strides = array<i32>} : memref<64x128xf32, #tpu.memory_space<vmem>>, vector<1x16xf32>,
          %get3A_240 = vector.shape_cast %get3A_239 : vector<1x16xf32> to vector<16xf32>
          %mul3A_241 = arith.constant 64 : i32
          %mul3A_242 = arith.muli %arg0, %mul3A_241 : i32
          %add3A_243 = arith.constant 48 : i32
          %add3A_244 = arith.addi %mul3A_242, %add3A_243 : i32
          %get3A_245 = arith.index_cast %scan3A_82 : i32 to index
          %get3A_246 = arith.index_cast %add3A_244 : i32 to index
          %get3A_247 = tpu.vector_load %arg13[%get3A_245, %get3A_246] {strides = array<i32>} : memref<64x128xf32, #tpu.memory_space<vmem>>, vector<1x16xf32>,
          %get3A_248 = vector.shape_cast %get3A_247 : vector<1x16xf32> to vector<16xf32>
          %mul3A_249 = arith.mulf %div3A_232, %get3A_236 : vector<16xf32>
          %swap3A_250 = arith.index_cast %scan3A_82 : i32 to index
          %swap3A_251 = arith.constant 48 : index
          %swap3A_252 = tpu.vector_load %arg14[%swap3A_250, %swap3A_251] {strides = array<i32>} : memref<64x128xf32, #tpu.memory_space<vmem>>, vector<1x16xf32>,
          %swap3A_253 = vector.shape_cast %swap3A_252 : vector<1x16xf32> to vector<16xf32>
          %swap3A_254 = vector.shape_cast %mul3A_249 : vector<16xf32> to vector<1x16xf32>
          tpu.vector_store %arg14[%swap3A_250, %swap3A_251], %swap3A_254 {strides = array<i32>} : memref<64x128xf32, #tpu.memory_space<vmem>>, vector<1x16xf32>,
          %swap3A_255 = arith.index_cast %scan3A_82 : i32 to index
          %swap3A_256 = arith.constant 112 : index
          %swap3A_257 = tpu.vector_load %arg14[%swap3A_255, %swap3A_256] {strides = array<i32>} : memref<64x128xf32, #tpu.memory_space<vmem>>, vector<1x16xf32>,
          %swap3A_258 = vector.shape_cast %swap3A_257 : vector<1x16xf32> to vector<16xf32>
          %swap3A_259 = vector.shape_cast %div3A_232 : vector<16xf32> to vector<1x16xf32>
          tpu.vector_store %arg14[%swap3A_255, %swap3A_256], %swap3A_259 {strides = array<i32>} : memref<64x128xf32, #tpu.memory_space<vmem>>, vector<1x16xf32>,
          %add3A_260 = arith.addf %get3A_240, %get3A_248 : vector<16xf32>
          %swap3A_261 = arith.index_cast %scan3A_82 : i32 to index
          %swap3A_262 = arith.constant 48 : index
          %swap3A_263 = tpu.vector_load %arg15[%swap3A_261, %swap3A_262] {strides = array<i32>} : memref<64x64xf32, #tpu.memory_space<vmem>>, vector<1x16xf32>,
          %swap3A_264 = vector.shape_cast %swap3A_263 : vector<1x16xf32> to vector<16xf32>
          %swap3A_265 = vector.shape_cast %add3A_260 : vector<16xf32> to vector<1x16xf32>
          tpu.vector_store %arg15[%swap3A_261, %swap3A_262], %swap3A_265 {strides = array<i32>} : memref<64x64xf32, #tpu.memory_space<vmem>>, vector<1x16xf32>,
        }
        %scan3A_81 = arith.constant 64 : i32
        "tpu.region"() ({
          %run_scoped3A = tpu.sem_alloc : memref<!tpu.dma_semaphore, #tpu.memory_space<semaphore_mem>>
          %dma_start3A_82 = arith.constant 0 : i32
          %dma_start3A_83 = arith.constant 0 : i32
          %dma_start3A_84 = tpu.memref_slice %arg17[%dma_start3A_82, %dma_start3A_83] : memref<10000x128xf32, #tpu.memory_space<vmem_shared>> -> memref<10000x128xf32, #tpu.memory_space<vmem_shared>>
          tpu.enqueue_indirect_dma source(%arg14 : memref<64x128xf32, #tpu.memory_space<vmem>>) target(%dma_start3A_84 : memref<10000x128xf32, #tpu.memory_space<vmem_shared>>) offsets(%arg11 : memref<64xi32, #tpu.memory_space<vmem>>) semaphore(%run_scoped3A : memref<!tpu.dma_semaphore, #tpu.memory_space<semaphore_mem>>) {add = true}
          %dma_wait3A_85 = arith.constant 0 : i32
          %dma_wait3A_86 = arith.constant 0 : i32
          %dma_wait3A_87 = tpu.memref_slice %arg17[%dma_wait3A_85, %dma_wait3A_86] : memref<10000x128xf32, #tpu.memory_space<vmem_shared>> -> memref<10000x128xf32, #tpu.memory_space<vmem_shared>>
          tpu.wait_indirect_dma semaphore(%run_scoped3A : memref<!tpu.dma_semaphore, #tpu.memory_space<semaphore_mem>>) src(%arg14 : memref<64x128xf32, #tpu.memory_space<vmem>>) dst(%dma_wait3A_87 : memref<10000x128xf32, #tpu.memory_space<vmem_shared>>)
          tpu.yield
        }) : () -> ()
        "tpu.region"() ({
          %run_scoped3A = tpu.sem_alloc : memref<!tpu.dma_semaphore, #tpu.memory_space<semaphore_mem>>
          %dma_start3A_82 = arith.constant 0 : i32
          %dma_start3A_83 = tpu.memref_slice %arg8[%arg0, %mul3A_59, %dma_start3A_82] : memref<2x320000x64xf32, #tpu.memory_space<hbm>> -> memref<1x64x64xf32, #tpu.memory_space<hbm>>
          %dma_start3A_84 = tpu.memref_squeeze %dma_start3A_83 : memref<1x64x64xf32, #tpu.memory_space<hbm>> -> memref<64x64xf32, #tpu.memory_space<hbm>>
          %dma_start3A_85 = arith.constant 0 : i32
          %dma_start3A_86 = tpu.memref_slice %arg8[%arg0, %mul3A_59, %dma_start3A_85] : memref<2x320000x64xf32, #tpu.memory_space<hbm>> -> memref<1x64x64xf32, #tpu.memory_space<hbm>>
          %dma_start3A_87 = tpu.memref_squeeze %dma_start3A_86 : memref<1x64x64xf32, #tpu.memory_space<hbm>> -> memref<64x64xf32, #tpu.memory_space<hbm>>
          tpu.enqueue_dma source(%arg15 : memref<64x64xf32, #tpu.memory_space<vmem>>) target(%dma_start3A_87 : memref<64x64xf32, #tpu.memory_space<hbm>>) target_semaphore(%run_scoped3A : memref<!tpu.dma_semaphore, #tpu.memory_space<semaphore_mem>>)
          %dma_wait3A_88 = arith.constant 0 : i32
          %dma_wait3A_89 = tpu.memref_slice %arg8[%arg0, %mul3A_59, %dma_wait3A_88] : memref<2x320000x64xf32, #tpu.memory_space<hbm>> -> memref<1x64x64xf32, #tpu.memory_space<hbm>>
          %dma_wait3A_90 = tpu.memref_squeeze %dma_wait3A_89 : memref<1x64x64xf32, #tpu.memory_space<hbm>> -> memref<64x64xf32, #tpu.memory_space<hbm>>
          %dma_wait3A_91 = arith.constant 0 : i32
          %dma_wait3A_92 = tpu.memref_slice %arg8[%arg0, %mul3A_59, %dma_wait3A_91] : memref<2x320000x64xf32, #tpu.memory_space<hbm>> -> memref<1x64x64xf32, #tpu.memory_space<hbm>>
          %dma_wait3A_93 = tpu.memref_squeeze %dma_wait3A_92 : memref<1x64x64xf32, #tpu.memory_space<hbm>> -> memref<64x64xf32, #tpu.memory_space<hbm>>
          tpu.wait_dma2 semaphore(%run_scoped3A : memref<!tpu.dma_semaphore, #tpu.memory_space<semaphore_mem>>) src(%arg15 : memref<64x64xf32, #tpu.memory_space<vmem>>) dst(%dma_wait3A_93 : memref<64x64xf32, #tpu.memory_space<hbm>>)
          tpu.yield
        }) : () -> ()
      } else {
      }
    }
    %scan3A_30 = arith.constant 313 : i32
    %barrier3A_31 = arith.constant 0 : index
    tpu.barrier barrier_id(%barrier3A_31)
    %mul3A_32 = arith.constant 625 : i32
    %mul3A_33 = arith.muli %arg1, %mul3A_32 : i32
    %add3A_34 = arith.constant 0 : i32
    %add3A_35 = arith.addi %mul3A_33, %add3A_34 : i32
    "tpu.region"() ({
      %run_scoped3A = tpu.sem_alloc : memref<!tpu.dma_semaphore, #tpu.memory_space<semaphore_mem>>
      %dma_start3A = arith.constant 0 : i32
      %dma_start3A_52 = tpu.memref_slice %arg7[%arg0, %add3A_35, %dma_start3A] : memref<2x10000x128xf32, #tpu.memory_space<hbm>> -> memref<1x125x128xf32, #tpu.memory_space<hbm>>
      %dma_start3A_53 = tpu.memref_squeeze %dma_start3A_52 : memref<1x125x128xf32, #tpu.memory_space<hbm>> -> memref<125x128xf32, #tpu.memory_space<hbm>>
      %dma_start3A_54 = arith.constant 0 : i32
      %dma_start3A_55 = tpu.memref_slice %arg17[%add3A_35, %dma_start3A_54] : memref<10000x128xf32, #tpu.memory_space<vmem_shared>> -> memref<125x128xf32, #tpu.memory_space<vmem_shared>>
      tpu.enqueue_dma source(%dma_start3A_55 : memref<125x128xf32, #tpu.memory_space<vmem_shared>>) target(%dma_start3A_53 : memref<125x128xf32, #tpu.memory_space<hbm>>) target_semaphore(%run_scoped3A : memref<!tpu.dma_semaphore, #tpu.memory_space<semaphore_mem>>)
      %dma_wait3A = arith.constant 0 : i32
      %dma_wait3A_56 = tpu.memref_slice %arg7[%arg0, %add3A_35, %dma_wait3A] : memref<2x10000x128xf32, #tpu.memory_space<hbm>> -> memref<1x125x128xf32, #tpu.memory_space<hbm>>
      %dma_wait3A_57 = tpu.memref_squeeze %dma_wait3A_56 : memref<1x125x128xf32, #tpu.memory_space<hbm>> -> memref<125x128xf32, #tpu.memory_space<hbm>>
      %dma_wait3A_58 = arith.constant 0 : i32
      %dma_wait3A_59 = tpu.memref_slice %arg17[%add3A_35, %dma_wait3A_58] : memref<10000x128xf32, #tpu.memory_space<vmem_shared>> -> memref<125x128xf32, #tpu.memory_space<vmem_shared>>
      tpu.wait_dma2 semaphore(%run_scoped3A : memref<!tpu.dma_semaphore, #tpu.memory_space<semaphore_mem>>) src(%dma_wait3A_59 : memref<125x128xf32, #tpu.memory_space<vmem_shared>>) dst(%dma_wait3A_57 : memref<125x128xf32, #tpu.memory_space<hbm>>)
      tpu.yield
    }) : () -> ()
    %mul3A_36 = arith.constant 625 : i32
    %mul3A_37 = arith.muli %arg1, %mul3A_36 : i32
    %add3A_38 = arith.constant 125 : i32
    %add3A_39 = arith.addi %mul3A_37, %add3A_38 : i32
    "tpu.region"() ({
      %run_scoped3A = tpu.sem_alloc : memref<!tpu.dma_semaphore, #tpu.memory_space<semaphore_mem>>
      %dma_start3A = arith.constant 0 : i32
      %dma_start3A_52 = tpu.memref_slice %arg7[%arg0, %add3A_39, %dma_start3A] : memref<2x10000x128xf32, #tpu.memory_space<hbm>> -> memref<1x125x128xf32, #tpu.memory_space<hbm>>
      %dma_start3A_53 = tpu.memref_squeeze %dma_start3A_52 : memref<1x125x128xf32, #tpu.memory_space<hbm>> -> memref<125x128xf32, #tpu.memory_space<hbm>>
      %dma_start3A_54 = arith.constant 0 : i32
      %dma_start3A_55 = tpu.memref_slice %arg17[%add3A_39, %dma_start3A_54] : memref<10000x128xf32, #tpu.memory_space<vmem_shared>> -> memref<125x128xf32, #tpu.memory_space<vmem_shared>>
      tpu.enqueue_dma source(%dma_start3A_55 : memref<125x128xf32, #tpu.memory_space<vmem_shared>>) target(%dma_start3A_53 : memref<125x128xf32, #tpu.memory_space<hbm>>) target_semaphore(%run_scoped3A : memref<!tpu.dma_semaphore, #tpu.memory_space<semaphore_mem>>)
      %dma_wait3A = arith.constant 0 : i32
      %dma_wait3A_56 = tpu.memref_slice %arg7[%arg0, %add3A_39, %dma_wait3A] : memref<2x10000x128xf32, #tpu.memory_space<hbm>> -> memref<1x125x128xf32, #tpu.memory_space<hbm>>
      %dma_wait3A_57 = tpu.memref_squeeze %dma_wait3A_56 : memref<1x125x128xf32, #tpu.memory_space<hbm>> -> memref<125x128xf32, #tpu.memory_space<hbm>>
      %dma_wait3A_58 = arith.constant 0 : i32
      %dma_wait3A_59 = tpu.memref_slice %arg17[%add3A_39, %dma_wait3A_58] : memref<10000x128xf32, #tpu.memory_space<vmem_shared>> -> memref<125x128xf32, #tpu.memory_space<vmem_shared>>
      tpu.wait_dma2 semaphore(%run_scoped3A : memref<!tpu.dma_semaphore, #tpu.memory_space<semaphore_mem>>) src(%dma_wait3A_59 : memref<125x128xf32, #tpu.memory_space<vmem_shared>>) dst(%dma_wait3A_57 : memref<125x128xf32, #tpu.memory_space<hbm>>)
      tpu.yield
    }) : () -> ()
    %mul3A_40 = arith.constant 625 : i32
    %mul3A_41 = arith.muli %arg1, %mul3A_40 : i32
    %add3A_42 = arith.constant 250 : i32
    %add3A_43 = arith.addi %mul3A_41, %add3A_42 : i32
    "tpu.region"() ({
      %run_scoped3A = tpu.sem_alloc : memref<!tpu.dma_semaphore, #tpu.memory_space<semaphore_mem>>
      %dma_start3A = arith.constant 0 : i32
      %dma_start3A_52 = tpu.memref_slice %arg7[%arg0, %add3A_43, %dma_start3A] : memref<2x10000x128xf32, #tpu.memory_space<hbm>> -> memref<1x125x128xf32, #tpu.memory_space<hbm>>
      %dma_start3A_53 = tpu.memref_squeeze %dma_start3A_52 : memref<1x125x128xf32, #tpu.memory_space<hbm>> -> memref<125x128xf32, #tpu.memory_space<hbm>>
      %dma_start3A_54 = arith.constant 0 : i32
      %dma_start3A_55 = tpu.memref_slice %arg17[%add3A_43, %dma_start3A_54] : memref<10000x128xf32, #tpu.memory_space<vmem_shared>> -> memref<125x128xf32, #tpu.memory_space<vmem_shared>>
      tpu.enqueue_dma source(%dma_start3A_55 : memref<125x128xf32, #tpu.memory_space<vmem_shared>>) target(%dma_start3A_53 : memref<125x128xf32, #tpu.memory_space<hbm>>) target_semaphore(%run_scoped3A : memref<!tpu.dma_semaphore, #tpu.memory_space<semaphore_mem>>)
      %dma_wait3A = arith.constant 0 : i32
      %dma_wait3A_56 = tpu.memref_slice %arg7[%arg0, %add3A_43, %dma_wait3A] : memref<2x10000x128xf32, #tpu.memory_space<hbm>> -> memref<1x125x128xf32, #tpu.memory_space<hbm>>
      %dma_wait3A_57 = tpu.memref_squeeze %dma_wait3A_56 : memref<1x125x128xf32, #tpu.memory_space<hbm>> -> memref<125x128xf32, #tpu.memory_space<hbm>>
      %dma_wait3A_58 = arith.constant 0 : i32
      %dma_wait3A_59 = tpu.memref_slice %arg17[%add3A_43, %dma_wait3A_58] : memref<10000x128xf32, #tpu.memory_space<vmem_shared>> -> memref<125x128xf32, #tpu.memory_space<vmem_shared>>
      tpu.wait_dma2 semaphore(%run_scoped3A : memref<!tpu.dma_semaphore, #tpu.memory_space<semaphore_mem>>) src(%dma_wait3A_59 : memref<125x128xf32, #tpu.memory_space<vmem_shared>>) dst(%dma_wait3A_57 : memref<125x128xf32, #tpu.memory_space<hbm>>)
      tpu.yield
    }) : () -> ()
    %mul3A_44 = arith.constant 625 : i32
    %mul3A_45 = arith.muli %arg1, %mul3A_44 : i32
    %add3A_46 = arith.constant 375 : i32
    %add3A_47 = arith.addi %mul3A_45, %add3A_46 : i32
    "tpu.region"() ({
      %run_scoped3A = tpu.sem_alloc : memref<!tpu.dma_semaphore, #tpu.memory_space<semaphore_mem>>
      %dma_start3A = arith.constant 0 : i32
      %dma_start3A_52 = tpu.memref_slice %arg7[%arg0, %add3A_47, %dma_start3A] : memref<2x10000x128xf32, #tpu.memory_space<hbm>> -> memref<1x125x128xf32, #tpu.memory_space<hbm>>
      %dma_start3A_53 = tpu.memref_squeeze %dma_start3A_52 : memref<1x125x128xf32, #tpu.memory_space<hbm>> -> memref<125x128xf32, #tpu.memory_space<hbm>>
      %dma_start3A_54 = arith.constant 0 : i32
      %dma_start3A_55 = tpu.memref_slice %arg17[%add3A_47, %dma_start3A_54] : memref<10000x128xf32, #tpu.memory_space<vmem_shared>> -> memref<125x128xf32, #tpu.memory_space<vmem_shared>>
      tpu.enqueue_dma source(%dma_start3A_55 : memref<125x128xf32, #tpu.memory_space<vmem_shared>>) target(%dma_start3A_53 : memref<125x128xf32, #tpu.memory_space<hbm>>) target_semaphore(%run_scoped3A : memref<!tpu.dma_semaphore, #tpu.memory_space<semaphore_mem>>)
      %dma_wait3A = arith.constant 0 : i32
      %dma_wait3A_56 = tpu.memref_slice %arg7[%arg0, %add3A_47, %dma_wait3A] : memref<2x10000x128xf32, #tpu.memory_space<hbm>> -> memref<1x125x128xf32, #tpu.memory_space<hbm>>
      %dma_wait3A_57 = tpu.memref_squeeze %dma_wait3A_56 : memref<1x125x128xf32, #tpu.memory_space<hbm>> -> memref<125x128xf32, #tpu.memory_space<hbm>>
      %dma_wait3A_58 = arith.constant 0 : i32
      %dma_wait3A_59 = tpu.memref_slice %arg17[%add3A_47, %dma_wait3A_58] : memref<10000x128xf32, #tpu.memory_space<vmem_shared>> -> memref<125x128xf32, #tpu.memory_space<vmem_shared>>
      tpu.wait_dma2 semaphore(%run_scoped3A : memref<!tpu.dma_semaphore, #tpu.memory_space<semaphore_mem>>) src(%dma_wait3A_59 : memref<125x128xf32, #tpu.memory_space<vmem_shared>>) dst(%dma_wait3A_57 : memref<125x128xf32, #tpu.memory_space<hbm>>)
      tpu.yield
    }) : () -> ()
    %mul3A_48 = arith.constant 625 : i32
    %mul3A_49 = arith.muli %arg1, %mul3A_48 : i32
    %add3A_50 = arith.constant 500 : i32
    %add3A_51 = arith.addi %mul3A_49, %add3A_50 : i32
    "tpu.region"() ({
      %run_scoped3A = tpu.sem_alloc : memref<!tpu.dma_semaphore, #tpu.memory_space<semaphore_mem>>
      %dma_start3A = arith.constant 0 : i32
      %dma_start3A_52 = tpu.memref_slice %arg7[%arg0, %add3A_51, %dma_start3A] : memref<2x10000x128xf32, #tpu.memory_space<hbm>> -> memref<1x125x128xf32, #tpu.memory_space<hbm>>
      %dma_start3A_53 = tpu.memref_squeeze %dma_start3A_52 : memref<1x125x128xf32, #tpu.memory_space<hbm>> -> memref<125x128xf32, #tpu.memory_space<hbm>>
      %dma_start3A_54 = arith.constant 0 : i32
      %dma_start3A_55 = tpu.memref_slice %arg17[%add3A_51, %dma_start3A_54] : memref<10000x128xf32, #tpu.memory_space<vmem_shared>> -> memref<125x128xf32, #tpu.memory_space<vmem_shared>>
      tpu.enqueue_dma source(%dma_start3A_55 : memref<125x128xf32, #tpu.memory_space<vmem_shared>>) target(%dma_start3A_53 : memref<125x128xf32, #tpu.memory_space<hbm>>) target_semaphore(%run_scoped3A : memref<!tpu.dma_semaphore, #tpu.memory_space<semaphore_mem>>)
      %dma_wait3A = arith.constant 0 : i32
      %dma_wait3A_56 = tpu.memref_slice %arg7[%arg0, %add3A_51, %dma_wait3A] : memref<2x10000x128xf32, #tpu.memory_space<hbm>> -> memref<1x125x128xf32, #tpu.memory_space<hbm>>
      %dma_wait3A_57 = tpu.memref_squeeze %dma_wait3A_56 : memref<1x125x128xf32, #tpu.memory_space<hbm>> -> memref<125x128xf32, #tpu.memory_space<hbm>>
      %dma_wait3A_58 = arith.constant 0 : i32
      %dma_wait3A_59 = tpu.memref_slice %arg17[%add3A_51, %dma_wait3A_58] : memref<10000x128xf32, #tpu.memory_space<vmem_shared>> -> memref<125x128xf32, #tpu.memory_space<vmem_shared>>
      tpu.wait_dma2 semaphore(%run_scoped3A : memref<!tpu.dma_semaphore, #tpu.memory_space<semaphore_mem>>) src(%dma_wait3A_59 : memref<125x128xf32, #tpu.memory_space<vmem_shared>>) dst(%dma_wait3A_57 : memref<125x128xf32, #tpu.memory_space<hbm>>)
      tpu.yield
    }) : () -> ()
    return
  }
}

#map = affine_map<(d0, d1) -> (0, 0, 0)>
#map1 = affine_map<(d0, d1) -> (0, 0)>
#map2 = affine_map<(d0, d1) -> (0)>
module attributes {stable_mosaic.version = 14 : i64} {
  func.func @_sc_body(%arg0: i32, %arg1: i32, %arg2: memref<2x320000x64xf32, #tpu.memory_space<hbm>>, %arg3: memref<20000x128xf32, #tpu.memory_space<hbm>>, %arg4: memref<10000x128xf32, #tpu.memory_space<hbm>>, %arg5: memref<320000xi32, #tpu.memory_space<hbm>>, %arg6: memref<320000xi32, #tpu.memory_space<hbm>>, %arg7: memref<2x10000x128xf32, #tpu.memory_space<hbm>>, %arg8: memref<2x320000x64xf32, #tpu.memory_space<hbm>>, %arg9: memref<64x64xf32, #tpu.memory_space<vmem>>, %arg10: memref<64xi32, #tpu.memory_space<vmem>>, %arg11: memref<64xi32, #tpu.memory_space<vmem>>, %arg12: memref<64x128xf32, #tpu.memory_space<vmem>>, %arg13: memref<64x128xf32, #tpu.memory_space<vmem>>, %arg14: memref<64x128xf32, #tpu.memory_space<vmem>>, %arg15: memref<64x64xf32, #tpu.memory_space<vmem>>, %arg16: memref<125x128xf32, #tpu.memory_space<vmem>>, %arg17: memref<10000x128xf32, #tpu.memory_space<vmem_shared>>, %arg18: memref<!tpu.dma_semaphore, #tpu.memory_space<semaphore_mem>>, %arg19: memref<!tpu.dma_semaphore, #tpu.memory_space<semaphore_mem>>) attributes {dimension_semantics = [#tpu.dimension_semantics<core_parallel>, #tpu.dimension_semantics<subcore_parallel>], iteration_bounds = array<i64: 2, 16>, scalar_prefetch = 0 : i64, scratch_operands = 11 : i64, tpu.core_type = #tpu.core_type<sc_vector_subcore>, window_params = [{transform_indices = #map}, {transform_indices = #map1}, {transform_indices = #map1}, {transform_indices = #map2}, {transform_indices = #map2}, {transform_indices = #map}, {transform_indices = #map}]} {
    %mul3A = arith.constant 10000 : i32
    %mul3A_0 = arith.muli %arg0, %mul3A : i32
    %scan3A = arith.constant 0 : i32
    %scan3A_1 = arith.constant 0 : i32
    %scan3A_2 = arith.constant 125 : i32
    %scan3A_3 = arith.addi %scan3A_1, %scan3A_2 : i32
    %scan3A_4 = arith.constant 1 : i32
    scf.for %scan3A_52 = %scan3A_1 to %scan3A_3 step %scan3A_4  : i32 {
      %broadcast_in_dim3A = arith.constant 0.000000e+00 : f32
      %broadcast_in_dim3A_53 = vector.broadcast %broadcast_in_dim3A : f32 to vector<16xf32>
      %swap3A = arith.index_cast %scan3A_52 : i32 to index
      %swap3A_54 = arith.constant 0 : index
      %swap3A_55 = tpu.vector_load %arg16[%swap3A, %swap3A_54] {strides = array<i32>} : memref<125x128xf32, #tpu.memory_space<vmem>>, vector<1x16xf32>,
      %swap3A_56 = vector.shape_cast %swap3A_55 : vector<1x16xf32> to vector<16xf32>
      %swap3A_57 = vector.shape_cast %broadcast_in_dim3A_53 : vector<16xf32> to vector<1x16xf32>
      tpu.vector_store %arg16[%swap3A, %swap3A_54], %swap3A_57 {strides = array<i32>} : memref<125x128xf32, #tpu.memory_space<vmem>>, vector<1x16xf32>,
      %broadcast_in_dim3A_58 = arith.constant 0.000000e+00 : f32
      %broadcast_in_dim3A_59 = vector.broadcast %broadcast_in_dim3A_58 : f32 to vector<16xf32>
      %swap3A_60 = arith.index_cast %scan3A_52 : i32 to index
      %swap3A_61 = arith.constant 16 : index
      %swap3A_62 = tpu.vector_load %arg16[%swap3A_60, %swap3A_61] {strides = array<i32>} : memref<125x128xf32, #tpu.memory_space<vmem>>, vector<1x16xf32>,
      %swap3A_63 = vector.shape_cast %swap3A_62 : vector<1x16xf32> to vector<16xf32>
      %swap3A_64 = vector.shape_cast %broadcast_in_dim3A_59 : vector<16xf32> to vector<1x16xf32>
      tpu.vector_store %arg16[%swap3A_60, %swap3A_61], %swap3A_64 {strides = array<i32>} : memref<125x128xf32, #tpu.memory_space<vmem>>, vector<1x16xf32>,
      %broadcast_in_dim3A_65 = arith.constant 0.000000e+00 : f32
      %broadcast_in_dim3A_66 = vector.broadcast %broadcast_in_dim3A_65 : f32 to vector<16xf32>
      %swap3A_67 = arith.index_cast %scan3A_52 : i32 to index
      %swap3A_68 = arith.constant 32 : index
      %swap3A_69 = tpu.vector_load %arg16[%swap3A_67, %swap3A_68] {strides = array<i32>} : memref<125x128xf32, #tpu.memory_space<vmem>>, vector<1x16xf32>,
      %swap3A_70 = vector.shape_cast %swap3A_69 : vector<1x16xf32> to vector<16xf32>
      %swap3A_71 = vector.shape_cast %broadcast_in_dim3A_66 : vector<16xf32> to vector<1x16xf32>
      tpu.vector_store %arg16[%swap3A_67, %swap3A_68], %swap3A_71 {strides = array<i32>} : memref<125x128xf32, #tpu.memory_space<vmem>>, vector<1x16xf32>,
      %broadcast_in_dim3A_72 = arith.constant 0.000000e+00 : f32
      %broadcast_in_dim3A_73 = vector.broadcast %broadcast_in_dim3A_72 : f32 to vector<16xf32>
      %swap3A_74 = arith.index_cast %scan3A_52 : i32 to index
      %swap3A_75 = arith.constant 48 : index
      %swap3A_76 = tpu.vector_load %arg16[%swap3A_74, %swap3A_75] {strides = array<i32>} : memref<125x128xf32, #tpu.memory_space<vmem>>, vector<1x16xf32>,
      %swap3A_77 = vector.shape_cast %swap3A_76 : vector<1x16xf32> to vector<16xf32>
      %swap3A_78 = vector.shape_cast %broadcast_in_dim3A_73 : vector<16xf32> to vector<1x16xf32>
      tpu.vector_store %arg16[%swap3A_74, %swap3A_75], %swap3A_78 {strides = array<i32>} : memref<125x128xf32, #tpu.memory_space<vmem>>, vector<1x16xf32>,
      %broadcast_in_dim3A_79 = arith.constant 0.000000e+00 : f32
      %broadcast_in_dim3A_80 = vector.broadcast %broadcast_in_dim3A_79 : f32 to vector<16xf32>
      %swap3A_81 = arith.index_cast %scan3A_52 : i32 to index
      %swap3A_82 = arith.constant 64 : index
      %swap3A_83 = tpu.vector_load %arg16[%swap3A_81, %swap3A_82] {strides = array<i32>} : memref<125x128xf32, #tpu.memory_space<vmem>>, vector<1x16xf32>,
      %swap3A_84 = vector.shape_cast %swap3A_83 : vector<1x16xf32> to vector<16xf32>
      %swap3A_85 = vector.shape_cast %broadcast_in_dim3A_80 : vector<16xf32> to vector<1x16xf32>
      tpu.vector_store %arg16[%swap3A_81, %swap3A_82], %swap3A_85 {strides = array<i32>} : memref<125x128xf32, #tpu.memory_space<vmem>>, vector<1x16xf32>,
      %broadcast_in_dim3A_86 = arith.constant 0.000000e+00 : f32
      %broadcast_in_dim3A_87 = vector.broadcast %broadcast_in_dim3A_86 : f32 to vector<16xf32>
      %swap3A_88 = arith.index_cast %scan3A_52 : i32 to index
      %swap3A_89 = arith.constant 80 : index
      %swap3A_90 = tpu.vector_load %arg16[%swap3A_88, %swap3A_89] {strides = array<i32>} : memref<125x128xf32, #tpu.memory_space<vmem>>, vector<1x16xf32>,
      %swap3A_91 = vector.shape_cast %swap3A_90 : vector<1x16xf32> to vector<16xf32>
      %swap3A_92 = vector.shape_cast %broadcast_in_dim3A_87 : vector<16xf32> to vector<1x16xf32>
      tpu.vector_store %arg16[%swap3A_88, %swap3A_89], %swap3A_92 {strides = array<i32>} : memref<125x128xf32, #tpu.memory_space<vmem>>, vector<1x16xf32>,
      %broadcast_in_dim3A_93 = arith.constant 0.000000e+00 : f32
      %broadcast_in_dim3A_94 = vector.broadcast %broadcast_in_dim3A_93 : f32 to vector<16xf32>
      %swap3A_95 = arith.index_cast %scan3A_52 : i32 to index
      %swap3A_96 = arith.constant 96 : index
      %swap3A_97 = tpu.vector_load %arg16[%swap3A_95, %swap3A_96] {strides = array<i32>} : memref<125x128xf32, #tpu.memory_space<vmem>>, vector<1x16xf32>,
      %swap3A_98 = vector.shape_cast %swap3A_97 : vector<1x16xf32> to vector<16xf32>
      %swap3A_99 = vector.shape_cast %broadcast_in_dim3A_94 : vector<16xf32> to vector<1x16xf32>
      tpu.vector_store %arg16[%swap3A_95, %swap3A_96], %swap3A_99 {strides = array<i32>} : memref<125x128xf32, #tpu.memory_space<vmem>>, vector<1x16xf32>,
      %broadcast_in_dim3A_100 = arith.constant 0.000000e+00 : f32
      %broadcast_in_dim3A_101 = vector.broadcast %broadcast_in_dim3A_100 : f32 to vector<16xf32>
      %swap3A_102 = arith.index_cast %scan3A_52 : i32 to index
      %swap3A_103 = arith.constant 112 : index
      %swap3A_104 = tpu.vector_load %arg16[%swap3A_102, %swap3A_103] {strides = array<i32>} : memref<125x128xf32, #tpu.memory_space<vmem>>, vector<1x16xf32>,
      %swap3A_105 = vector.shape_cast %swap3A_104 : vector<1x16xf32> to vector<16xf32>
      %swap3A_106 = vector.shape_cast %broadcast_in_dim3A_101 : vector<16xf32> to vector<1x16xf32>
      tpu.vector_store %arg16[%swap3A_102, %swap3A_103], %swap3A_106 {strides = array<i32>} : memref<125x128xf32, #tpu.memory_space<vmem>>, vector<1x16xf32>,
    }
    %scan3A_5 = arith.constant 125 : i32
    %mul3A_6 = arith.constant 625 : i32
    %mul3A_7 = arith.muli %arg1, %mul3A_6 : i32
    %add3A = arith.constant 0 : i32
    %add3A_8 = arith.addi %mul3A_7, %add3A : i32
    "tpu.region"() ({
      %run_scoped3A = tpu.sem_alloc : memref<!tpu.dma_semaphore, #tpu.memory_space<semaphore_mem>>
      %dma_start3A = arith.constant 0 : i32
      %dma_start3A_52 = tpu.memref_slice %arg17[%add3A_8, %dma_start3A] : memref<10000x128xf32, #tpu.memory_space<vmem_shared>> -> memref<125x128xf32, #tpu.memory_space<vmem_shared>>
      %dma_start3A_53 = arith.constant 0 : i32
      %dma_start3A_54 = tpu.memref_slice %arg17[%add3A_8, %dma_start3A_53] : memref<10000x128xf32, #tpu.memory_space<vmem_shared>> -> memref<125x128xf32, #tpu.memory_space<vmem_shared>>
      tpu.enqueue_dma source(%arg16 : memref<125x128xf32, #tpu.memory_space<vmem>>) target(%dma_start3A_54 : memref<125x128xf32, #tpu.memory_space<vmem_shared>>) target_semaphore(%run_scoped3A : memref<!tpu.dma_semaphore, #tpu.memory_space<semaphore_mem>>)
      %dma_wait3A = arith.constant 0 : i32
      %dma_wait3A_55 = tpu.memref_slice %arg17[%add3A_8, %dma_wait3A] : memref<10000x128xf32, #tpu.memory_space<vmem_shared>> -> memref<125x128xf32, #tpu.memory_space<vmem_shared>>
      %dma_wait3A_56 = arith.constant 0 : i32
      %dma_wait3A_57 = tpu.memref_slice %arg17[%add3A_8, %dma_wait3A_56] : memref<10000x128xf32, #tpu.memory_space<vmem_shared>> -> memref<125x128xf32, #tpu.memory_space<vmem_shared>>
      tpu.wait_dma2 semaphore(%run_scoped3A : memref<!tpu.dma_semaphore, #tpu.memory_space<semaphore_mem>>) src(%arg16 : memref<125x128xf32, #tpu.memory_space<vmem>>) dst(%dma_wait3A_57 : memref<125x128xf32, #tpu.memory_space<vmem_shared>>)
      tpu.yield
    }) : () -> ()
    %mul3A_9 = arith.constant 625 : i32
    %mul3A_10 = arith.muli %arg1, %mul3A_9 : i32
    %add3A_11 = arith.constant 125 : i32
    %add3A_12 = arith.addi %mul3A_10, %add3A_11 : i32
    "tpu.region"() ({
      %run_scoped3A = tpu.sem_alloc : memref<!tpu.dma_semaphore, #tpu.memory_space<semaphore_mem>>
      %dma_start3A = arith.constant 0 : i32
      %dma_start3A_52 = tpu.memref_slice %arg17[%add3A_12, %dma_start3A] : memref<10000x128xf32, #tpu.memory_space<vmem_shared>> -> memref<125x128xf32, #tpu.memory_space<vmem_shared>>
      %dma_start3A_53 = arith.constant 0 : i32
      %dma_start3A_54 = tpu.memref_slice %arg17[%add3A_12, %dma_start3A_53] : memref<10000x128xf32, #tpu.memory_space<vmem_shared>> -> memref<125x128xf32, #tpu.memory_space<vmem_shared>>
      tpu.enqueue_dma source(%arg16 : memref<125x128xf32, #tpu.memory_space<vmem>>) target(%dma_start3A_54 : memref<125x128xf32, #tpu.memory_space<vmem_shared>>) target_semaphore(%run_scoped3A : memref<!tpu.dma_semaphore, #tpu.memory_space<semaphore_mem>>)
      %dma_wait3A = arith.constant 0 : i32
      %dma_wait3A_55 = tpu.memref_slice %arg17[%add3A_12, %dma_wait3A] : memref<10000x128xf32, #tpu.memory_space<vmem_shared>> -> memref<125x128xf32, #tpu.memory_space<vmem_shared>>
      %dma_wait3A_56 = arith.constant 0 : i32
      %dma_wait3A_57 = tpu.memref_slice %arg17[%add3A_12, %dma_wait3A_56] : memref<10000x128xf32, #tpu.memory_space<vmem_shared>> -> memref<125x128xf32, #tpu.memory_space<vmem_shared>>
      tpu.wait_dma2 semaphore(%run_scoped3A : memref<!tpu.dma_semaphore, #tpu.memory_space<semaphore_mem>>) src(%arg16 : memref<125x128xf32, #tpu.memory_space<vmem>>) dst(%dma_wait3A_57 : memref<125x128xf32, #tpu.memory_space<vmem_shared>>)
      tpu.yield
    }) : () -> ()
    %mul3A_13 = arith.constant 625 : i32
    %mul3A_14 = arith.muli %arg1, %mul3A_13 : i32
    %add3A_15 = arith.constant 250 : i32
    %add3A_16 = arith.addi %mul3A_14, %add3A_15 : i32
    "tpu.region"() ({
      %run_scoped3A = tpu.sem_alloc : memref<!tpu.dma_semaphore, #tpu.memory_space<semaphore_mem>>
      %dma_start3A = arith.constant 0 : i32
      %dma_start3A_52 = tpu.memref_slice %arg17[%add3A_16, %dma_start3A] : memref<10000x128xf32, #tpu.memory_space<vmem_shared>> -> memref<125x128xf32, #tpu.memory_space<vmem_shared>>
      %dma_start3A_53 = arith.constant 0 : i32
      %dma_start3A_54 = tpu.memref_slice %arg17[%add3A_16, %dma_start3A_53] : memref<10000x128xf32, #tpu.memory_space<vmem_shared>> -> memref<125x128xf32, #tpu.memory_space<vmem_shared>>
      tpu.enqueue_dma source(%arg16 : memref<125x128xf32, #tpu.memory_space<vmem>>) target(%dma_start3A_54 : memref<125x128xf32, #tpu.memory_space<vmem_shared>>) target_semaphore(%run_scoped3A : memref<!tpu.dma_semaphore, #tpu.memory_space<semaphore_mem>>)
      %dma_wait3A = arith.constant 0 : i32
      %dma_wait3A_55 = tpu.memref_slice %arg17[%add3A_16, %dma_wait3A] : memref<10000x128xf32, #tpu.memory_space<vmem_shared>> -> memref<125x128xf32, #tpu.memory_space<vmem_shared>>
      %dma_wait3A_56 = arith.constant 0 : i32
      %dma_wait3A_57 = tpu.memref_slice %arg17[%add3A_16, %dma_wait3A_56] : memref<10000x128xf32, #tpu.memory_space<vmem_shared>> -> memref<125x128xf32, #tpu.memory_space<vmem_shared>>
      tpu.wait_dma2 semaphore(%run_scoped3A : memref<!tpu.dma_semaphore, #tpu.memory_space<semaphore_mem>>) src(%arg16 : memref<125x128xf32, #tpu.memory_space<vmem>>) dst(%dma_wait3A_57 : memref<125x128xf32, #tpu.memory_space<vmem_shared>>)
      tpu.yield
    }) : () -> ()
    %mul3A_17 = arith.constant 625 : i32
    %mul3A_18 = arith.muli %arg1, %mul3A_17 : i32
    %add3A_19 = arith.constant 375 : i32
    %add3A_20 = arith.addi %mul3A_18, %add3A_19 : i32
    "tpu.region"() ({
      %run_scoped3A = tpu.sem_alloc : memref<!tpu.dma_semaphore, #tpu.memory_space<semaphore_mem>>
      %dma_start3A = arith.constant 0 : i32
      %dma_start3A_52 = tpu.memref_slice %arg17[%add3A_20, %dma_start3A] : memref<10000x128xf32, #tpu.memory_space<vmem_shared>> -> memref<125x128xf32, #tpu.memory_space<vmem_shared>>
      %dma_start3A_53 = arith.constant 0 : i32
      %dma_start3A_54 = tpu.memref_slice %arg17[%add3A_20, %dma_start3A_53] : memref<10000x128xf32, #tpu.memory_space<vmem_shared>> -> memref<125x128xf32, #tpu.memory_space<vmem_shared>>
      tpu.enqueue_dma source(%arg16 : memref<125x128xf32, #tpu.memory_space<vmem>>) target(%dma_start3A_54 : memref<125x128xf32, #tpu.memory_space<vmem_shared>>) target_semaphore(%run_scoped3A : memref<!tpu.dma_semaphore, #tpu.memory_space<semaphore_mem>>)
      %dma_wait3A = arith.constant 0 : i32
      %dma_wait3A_55 = tpu.memref_slice %arg17[%add3A_20, %dma_wait3A] : memref<10000x128xf32, #tpu.memory_space<vmem_shared>> -> memref<125x128xf32, #tpu.memory_space<vmem_shared>>
      %dma_wait3A_56 = arith.constant 0 : i32
      %dma_wait3A_57 = tpu.memref_slice %arg17[%add3A_20, %dma_wait3A_56] : memref<10000x128xf32, #tpu.memory_space<vmem_shared>> -> memref<125x128xf32, #tpu.memory_space<vmem_shared>>
      tpu.wait_dma2 semaphore(%run_scoped3A : memref<!tpu.dma_semaphore, #tpu.memory_space<semaphore_mem>>) src(%arg16 : memref<125x128xf32, #tpu.memory_space<vmem>>) dst(%dma_wait3A_57 : memref<125x128xf32, #tpu.memory_space<vmem_shared>>)
      tpu.yield
    }) : () -> ()
    %mul3A_21 = arith.constant 625 : i32
    %mul3A_22 = arith.muli %arg1, %mul3A_21 : i32
    %add3A_23 = arith.constant 500 : i32
    %add3A_24 = arith.addi %mul3A_22, %add3A_23 : i32
    "tpu.region"() ({
      %run_scoped3A = tpu.sem_alloc : memref<!tpu.dma_semaphore, #tpu.memory_space<semaphore_mem>>
      %dma_start3A = arith.constant 0 : i32
      %dma_start3A_52 = tpu.memref_slice %arg17[%add3A_24, %dma_start3A] : memref<10000x128xf32, #tpu.memory_space<vmem_shared>> -> memref<125x128xf32, #tpu.memory_space<vmem_shared>>
      %dma_start3A_53 = arith.constant 0 : i32
      %dma_start3A_54 = tpu.memref_slice %arg17[%add3A_24, %dma_start3A_53] : memref<10000x128xf32, #tpu.memory_space<vmem_shared>> -> memref<125x128xf32, #tpu.memory_space<vmem_shared>>
      tpu.enqueue_dma source(%arg16 : memref<125x128xf32, #tpu.memory_space<vmem>>) target(%dma_start3A_54 : memref<125x128xf32, #tpu.memory_space<vmem_shared>>) target_semaphore(%run_scoped3A : memref<!tpu.dma_semaphore, #tpu.memory_space<semaphore_mem>>)
      %dma_wait3A = arith.constant 0 : i32
      %dma_wait3A_55 = tpu.memref_slice %arg17[%add3A_24, %dma_wait3A] : memref<10000x128xf32, #tpu.memory_space<vmem_shared>> -> memref<125x128xf32, #tpu.memory_space<vmem_shared>>
      %dma_wait3A_56 = arith.constant 0 : i32
      %dma_wait3A_57 = tpu.memref_slice %arg17[%add3A_24, %dma_wait3A_56] : memref<10000x128xf32, #tpu.memory_space<vmem_shared>> -> memref<125x128xf32, #tpu.memory_space<vmem_shared>>
      tpu.wait_dma2 semaphore(%run_scoped3A : memref<!tpu.dma_semaphore, #tpu.memory_space<semaphore_mem>>) src(%arg16 : memref<125x128xf32, #tpu.memory_space<vmem>>) dst(%dma_wait3A_57 : memref<125x128xf32, #tpu.memory_space<vmem_shared>>)
      tpu.yield
    }) : () -> ()
    %barrier3A = arith.constant 0 : index
    tpu.barrier barrier_id(%barrier3A)
    %scan3A_25 = arith.constant 0 : i32
    %scan3A_26 = arith.constant 0 : i32
    %scan3A_27 = arith.constant 313 : i32
    %scan3A_28 = arith.addi %scan3A_26, %scan3A_27 : i32
    %scan3A_29 = arith.constant 1 : i32
    scf.for %scan3A_52 = %scan3A_26 to %scan3A_28 step %scan3A_29  : i32 {
      %mul3A_53 = arith.constant 16 : i32
      %mul3A_54 = arith.muli %mul3A_53, %scan3A_52 : i32
      %add3A_55 = arith.addi %arg1, %mul3A_54 : i32
      %lt3A = arith.constant 5000 : i32
      %lt3A_56 = arith.cmpi slt, %add3A_55, %lt3A : i32
      %convert_element_type3A = arith.extui %lt3A_56 : i1 to i32
      %cond3A = arith.constant 0 : i32
      %cond3A_57 = arith.cmpi ne, %convert_element_type3A, %cond3A : i32
      scf.if %cond3A_57 {
        %mul3A_58 = arith.constant 64 : i32
        %mul3A_59 = arith.muli %add3A_55, %mul3A_58 : i32
        "tpu.region"() ({
          %run_scoped3A = tpu.sem_alloc : memref<!tpu.dma_semaphore, #tpu.memory_space<semaphore_mem>>
          %dma_start3A_82 = arith.constant 0 : i32
          %dma_start3A_83 = tpu.memref_slice %arg2[%arg0, %mul3A_59, %dma_start3A_82] : memref<2x320000x64xf32, #tpu.memory_space<hbm>> -> memref<1x64x64xf32, #tpu.memory_space<hbm>>
          %dma_start3A_84 = tpu.memref_squeeze %dma_start3A_83 : memref<1x64x64xf32, #tpu.memory_space<hbm>> -> memref<64x64xf32, #tpu.memory_space<hbm>>
          %dma_start3A_85 = arith.constant 0 : i32
          %dma_start3A_86 = tpu.memref_slice %arg2[%arg0, %mul3A_59, %dma_start3A_85] : memref<2x320000x64xf32, #tpu.memory_space<hbm>> -> memref<1x64x64xf32, #tpu.memory_space<hbm>>
          %dma_start3A_87 = tpu.memref_squeeze %dma_start3A_86 : memref<1x64x64xf32, #tpu.memory_space<hbm>> -> memref<64x64xf32, #tpu.memory_space<hbm>>
          tpu.enqueue_dma source(%dma_start3A_87 : memref<64x64xf32, #tpu.memory_space<hbm>>) target(%arg9 : memref<64x64xf32, #tpu.memory_space<vmem>>) target_semaphore(%run_scoped3A : memref<!tpu.dma_semaphore, #tpu.memory_space<semaphore_mem>>)
          %dma_wait3A_88 = arith.constant 0 : i32
          %dma_wait3A_89 = tpu.memref_slice %arg2[%arg0, %mul3A_59, %dma_wait3A_88] : memref<2x320000x64xf32, #tpu.memory_space<hbm>> -> memref<1x64x64xf32, #tpu.memory_space<hbm>>
          %dma_wait3A_90 = tpu.memref_squeeze %dma_wait3A_89 : memref<1x64x64xf32, #tpu.memory_space<hbm>> -> memref<64x64xf32, #tpu.memory_space<hbm>>
          %dma_wait3A_91 = arith.constant 0 : i32
          %dma_wait3A_92 = tpu.memref_slice %arg2[%arg0, %mul3A_59, %dma_wait3A_91] : memref<2x320000x64xf32, #tpu.memory_space<hbm>> -> memref<1x64x64xf32, #tpu.memory_space<hbm>>
          %dma_wait3A_93 = tpu.memref_squeeze %dma_wait3A_92 : memref<1x64x64xf32, #tpu.memory_space<hbm>> -> memref<64x64xf32, #tpu.memory_space<hbm>>
          tpu.wait_dma2 semaphore(%run_scoped3A : memref<!tpu.dma_semaphore, #tpu.memory_space<semaphore_mem>>) src(%dma_wait3A_93 : memref<64x64xf32, #tpu.memory_space<hbm>>) dst(%arg9 : memref<64x64xf32, #tpu.memory_space<vmem>>)
          tpu.yield
        }) : () -> ()
        "tpu.region"() ({
          %run_scoped3A = tpu.sem_alloc : memref<!tpu.dma_semaphore, #tpu.memory_space<semaphore_mem>>
          %dma_start3A_82 = tpu.memref_slice %arg5[%mul3A_59] : memref<320000xi32, #tpu.memory_space<hbm>> -> memref<64xi32, #tpu.memory_space<hbm>>
          %dma_start3A_83 = tpu.memref_slice %arg5[%mul3A_59] : memref<320000xi32, #tpu.memory_space<hbm>> -> memref<64xi32, #tpu.memory_space<hbm>>
          tpu.enqueue_dma source(%dma_start3A_83 : memref<64xi32, #tpu.memory_space<hbm>>) target(%arg10 : memref<64xi32, #tpu.memory_space<vmem>>) target_semaphore(%run_scoped3A : memref<!tpu.dma_semaphore, #tpu.memory_space<semaphore_mem>>)
          %dma_wait3A_84 = tpu.memref_slice %arg5[%mul3A_59] : memref<320000xi32, #tpu.memory_space<hbm>> -> memref<64xi32, #tpu.memory_space<hbm>>
          %dma_wait3A_85 = tpu.memref_slice %arg5[%mul3A_59] : memref<320000xi32, #tpu.memory_space<hbm>> -> memref<64xi32, #tpu.memory_space<hbm>>
          tpu.wait_dma2 semaphore(%run_scoped3A : memref<!tpu.dma_semaphore, #tpu.memory_space<semaphore_mem>>) src(%dma_wait3A_85 : memref<64xi32, #tpu.memory_space<hbm>>) dst(%arg10 : memref<64xi32, #tpu.memory_space<vmem>>)
          tpu.yield
        }) : () -> ()
        "tpu.region"() ({
          %run_scoped3A = tpu.sem_alloc : memref<!tpu.dma_semaphore, #tpu.memory_space<semaphore_mem>>
          %dma_start3A_82 = tpu.memref_slice %arg6[%mul3A_59] : memref<320000xi32, #tpu.memory_space<hbm>> -> memref<64xi32, #tpu.memory_space<hbm>>
          %dma_start3A_83 = tpu.memref_slice %arg6[%mul3A_59] : memref<320000xi32, #tpu.memory_space<hbm>> -> memref<64xi32, #tpu.memory_space<hbm>>
          tpu.enqueue_dma source(%dma_start3A_83 : memref<64xi32, #tpu.memory_space<hbm>>) target(%arg11 : memref<64xi32, #tpu.memory_space<vmem>>) target_semaphore(%run_scoped3A : memref<!tpu.dma_semaphore, #tpu.memory_space<semaphore_mem>>)
          %dma_wait3A_84 = tpu.memref_slice %arg6[%mul3A_59] : memref<320000xi32, #tpu.memory_space<hbm>> -> memref<64xi32, #tpu.memory_space<hbm>>
          %dma_wait3A_85 = tpu.memref_slice %arg6[%mul3A_59] : memref<320000xi32, #tpu.memory_space<hbm>> -> memref<64xi32, #tpu.memory_space<hbm>>
          tpu.wait_dma2 semaphore(%run_scoped3A : memref<!tpu.dma_semaphore, #tpu.memory_space<semaphore_mem>>) src(%dma_wait3A_85 : memref<64xi32, #tpu.memory_space<hbm>>) dst(%arg11 : memref<64xi32, #tpu.memory_space<vmem>>)
          tpu.yield
        }) : () -> ()
        %scan3A_60 = arith.constant 0 : i32
        %scan3A_61 = arith.constant 0 : i32
        %scan3A_62 = arith.constant 4 : i32
        %scan3A_63 = arith.addi %scan3A_61, %scan3A_62 : i32
        %scan3A_64 = arith.constant 1 : i32
        scf.for %scan3A_82 = %scan3A_61 to %scan3A_63 step %scan3A_64  : i32 {
          %mul3A_83 = arith.constant 16 : i32
          %mul3A_84 = arith.muli %scan3A_82, %mul3A_83 : i32
          %get3A = arith.index_cast %mul3A_84 : i32 to index
          %get3A_85 = tpu.vector_load %arg10[%get3A] {strides = array<i32>} : memref<64xi32, #tpu.memory_space<vmem>>, vector<16xi32>,
          %get3A_86 = vector.shape_cast %get3A_85 : vector<16xi32> to vector<16xi32>
          %add3A_87 = vector.broadcast %mul3A_0 : i32 to vector<16xi32>
          %add3A_88 = arith.addi %get3A_86, %add3A_87 : vector<16xi32>
          %mul3A_89 = arith.constant 16 : i32
          %mul3A_90 = arith.muli %scan3A_82, %mul3A_89 : i32
          %swap3A = arith.index_cast %mul3A_90 : i32 to index
          %swap3A_91 = tpu.vector_load %arg10[%swap3A] {strides = array<i32>} : memref<64xi32, #tpu.memory_space<vmem>>, vector<16xi32>,
          %swap3A_92 = vector.shape_cast %swap3A_91 : vector<16xi32> to vector<16xi32>
          %swap3A_93 = vector.shape_cast %add3A_88 : vector<16xi32> to vector<16xi32>
          tpu.vector_store %arg10[%swap3A], %swap3A_93 {strides = array<i32>} : memref<64xi32, #tpu.memory_space<vmem>>, vector<16xi32>,
        }
        %scan3A_65 = arith.constant 4 : i32
        %dma_start3A = arith.constant 0 : i32
        %dma_start3A_66 = arith.constant 0 : i32
        %dma_start3A_67 = tpu.memref_slice %arg3[%dma_start3A, %dma_start3A_66] : memref<20000x128xf32, #tpu.memory_space<hbm>> -> memref<20000x128xf32, #tpu.memory_space<hbm>>
        tpu.enqueue_indirect_dma source(%dma_start3A_67 : memref<20000x128xf32, #tpu.memory_space<hbm>>) target(%arg12 : memref<64x128xf32, #tpu.memory_space<vmem>>) offsets(%arg10 : memref<64xi32, #tpu.memory_space<vmem>>) semaphore(%arg18 : memref<!tpu.dma_semaphore, #tpu.memory_space<semaphore_mem>>)
        %dma_start3A_68 = arith.constant 0 : i32
        %dma_start3A_69 = arith.constant 0 : i32
        %dma_start3A_70 = tpu.memref_slice %arg4[%dma_start3A_68, %dma_start3A_69] : memref<10000x128xf32, #tpu.memory_space<hbm>> -> memref<10000x128xf32, #tpu.memory_space<hbm>>
        tpu.enqueue_indirect_dma source(%dma_start3A_70 : memref<10000x128xf32, #tpu.memory_space<hbm>>) target(%arg13 : memref<64x128xf32, #tpu.memory_space<vmem>>) offsets(%arg11 : memref<64xi32, #tpu.memory_space<vmem>>) semaphore(%arg19 : memref<!tpu.dma_semaphore, #tpu.memory_space<semaphore_mem>>)
        %dma_wait3A = arith.constant 0 : i32
        %dma_wait3A_71 = arith.constant 0 : i32
        %dma_wait3A_72 = tpu.memref_slice %arg3[%dma_wait3A, %dma_wait3A_71] : memref<20000x128xf32, #tpu.memory_space<hbm>> -> memref<20000x128xf32, #tpu.memory_space<hbm>>
        tpu.wait_indirect_dma semaphore(%arg18 : memref<!tpu.dma_semaphore, #tpu.memory_space<semaphore_mem>>) src(%dma_wait3A_72 : memref<20000x128xf32, #tpu.memory_space<hbm>>) dst(%arg12 : memref<64x128xf32, #tpu.memory_space<vmem>>)
        %dma_wait3A_73 = arith.constant 0 : i32
        %dma_wait3A_74 = arith.constant 0 : i32
        %dma_wait3A_75 = tpu.memref_slice %arg4[%dma_wait3A_73, %dma_wait3A_74] : memref<10000x128xf32, #tpu.memory_space<hbm>> -> memref<10000x128xf32, #tpu.memory_space<hbm>>
        tpu.wait_indirect_dma semaphore(%arg19 : memref<!tpu.dma_semaphore, #tpu.memory_space<semaphore_mem>>) src(%dma_wait3A_75 : memref<10000x128xf32, #tpu.memory_space<hbm>>) dst(%arg13 : memref<64x128xf32, #tpu.memory_space<vmem>>)
        %scan3A_76 = arith.constant 0 : i32
        %scan3A_77 = arith.constant 0 : i32
        %scan3A_78 = arith.constant 64 : i32
        %scan3A_79 = arith.addi %scan3A_77, %scan3A_78 : i32
        %scan3A_80 = arith.constant 1 : i32
        scf.for %scan3A_82 = %scan3A_77 to %scan3A_79 step %scan3A_80  : i32 {
          %get3A = arith.index_cast %scan3A_82 : i32 to index
          %get3A_83 = arith.constant 0 : index
          %get3A_84 = tpu.vector_load %arg9[%get3A, %get3A_83] {strides = array<i32>} : memref<64x64xf32, #tpu.memory_space<vmem>>, vector<1x16xf32>,
          %get3A_85 = vector.shape_cast %get3A_84 : vector<1x16xf32> to vector<16xf32>
          %neg3A = arith.constant 0.000000e+00 : f32
          %neg3A_86 = vector.broadcast %neg3A : f32 to vector<16xf32>
          %neg3A_87 = arith.subf %neg3A_86, %get3A_85 : vector<16xf32>
          %exp3A = math.exp %neg3A_87 : vector<16xf32>
          %add3A_88 = arith.constant 1.000000e+00 : f32
          %add3A_89 = vector.broadcast %add3A_88 : f32 to vector<16xf32>
          %add3A_90 = arith.addf %add3A_89, %exp3A : vector<16xf32>
          %div3A = arith.constant 1.000000e+00 : f32
          %div3A_91 = vector.broadcast %div3A : f32 to vector<16xf32>
          %div3A_92 = arith.divf %div3A_91, %add3A_90 : vector<16xf32>
          %get3A_93 = arith.index_cast %scan3A_82 : i32 to index
          %get3A_94 = arith.constant 0 : index
          %get3A_95 = tpu.vector_load %arg12[%get3A_93, %get3A_94] {strides = array<i32>} : memref<64x128xf32, #tpu.memory_space<vmem>>, vector<1x16xf32>,
          %get3A_96 = vector.shape_cast %get3A_95 : vector<1x16xf32> to vector<16xf32>
          %get3A_97 = arith.index_cast %scan3A_82 : i32 to index
          %get3A_98 = arith.constant 64 : index
          %get3A_99 = tpu.vector_load %arg12[%get3A_97, %get3A_98] {strides = array<i32>} : memref<64x128xf32, #tpu.memory_space<vmem>>, vector<1x16xf32>,
          %get3A_100 = vector.shape_cast %get3A_99 : vector<1x16xf32> to vector<16xf32>
          %mul3A_101 = arith.constant 64 : i32
          %mul3A_102 = arith.muli %arg0, %mul3A_101 : i32
          %add3A_103 = arith.constant 0 : i32
          %add3A_104 = arith.addi %mul3A_102, %add3A_103 : i32
          %get3A_105 = arith.index_cast %scan3A_82 : i32 to index
          %get3A_106 = arith.index_cast %add3A_104 : i32 to index
          %get3A_107 = tpu.vector_load %arg13[%get3A_105, %get3A_106] {strides = array<i32>} : memref<64x128xf32, #tpu.memory_space<vmem>>, vector<1x16xf32>,
          %get3A_108 = vector.shape_cast %get3A_107 : vector<1x16xf32> to vector<16xf32>
          %mul3A_109 = arith.mulf %div3A_92, %get3A_96 : vector<16xf32>
          %swap3A = arith.index_cast %scan3A_82 : i32 to index
          %swap3A_110 = arith.constant 0 : index
          %swap3A_111 = tpu.vector_load %arg14[%swap3A, %swap3A_110] {strides = array<i32>} : memref<64x128xf32, #tpu.memory_space<vmem>>, vector<1x16xf32>,
          %swap3A_112 = vector.shape_cast %swap3A_111 : vector<1x16xf32> to vector<16xf32>
          %swap3A_113 = vector.shape_cast %mul3A_109 : vector<16xf32> to vector<1x16xf32>
          tpu.vector_store %arg14[%swap3A, %swap3A_110], %swap3A_113 {strides = array<i32>} : memref<64x128xf32, #tpu.memory_space<vmem>>, vector<1x16xf32>,
          %swap3A_114 = arith.index_cast %scan3A_82 : i32 to index
          %swap3A_115 = arith.constant 64 : index
          %swap3A_116 = tpu.vector_load %arg14[%swap3A_114, %swap3A_115] {strides = array<i32>} : memref<64x128xf32, #tpu.memory_space<vmem>>, vector<1x16xf32>,
          %swap3A_117 = vector.shape_cast %swap3A_116 : vector<1x16xf32> to vector<16xf32>
          %swap3A_118 = vector.shape_cast %div3A_92 : vector<16xf32> to vector<1x16xf32>
          tpu.vector_store %arg14[%swap3A_114, %swap3A_115], %swap3A_118 {strides = array<i32>} : memref<64x128xf32, #tpu.memory_space<vmem>>, vector<1x16xf32>,
          %add3A_119 = arith.addf %get3A_100, %get3A_108 : vector<16xf32>
          %swap3A_120 = arith.index_cast %scan3A_82 : i32 to index
          %swap3A_121 = arith.constant 0 : index
          %swap3A_122 = tpu.vector_load %arg15[%swap3A_120, %swap3A_121] {strides = array<i32>} : memref<64x64xf32, #tpu.memory_space<vmem>>, vector<1x16xf32>,
          %swap3A_123 = vector.shape_cast %swap3A_122 : vector<1x16xf32> to vector<16xf32>
          %swap3A_124 = vector.shape_cast %add3A_119 : vector<16xf32> to vector<1x16xf32>
          tpu.vector_store %arg15[%swap3A_120, %swap3A_121], %swap3A_124 {strides = array<i32>} : memref<64x64xf32, #tpu.memory_space<vmem>>, vector<1x16xf32>,
          %get3A_125 = arith.index_cast %scan3A_82 : i32 to index
          %get3A_126 = arith.constant 16 : index
          %get3A_127 = tpu.vector_load %arg9[%get3A_125, %get3A_126] {strides = array<i32>} : memref<64x64xf32, #tpu.memory_space<vmem>>, vector<1x16xf32>,
          %get3A_128 = vector.shape_cast %get3A_127 : vector<1x16xf32> to vector<16xf32>
          %neg3A_129 = arith.constant 0.000000e+00 : f32
          %neg3A_130 = vector.broadcast %neg3A_129 : f32 to vector<16xf32>
          %neg3A_131 = arith.subf %neg3A_130, %get3A_128 : vector<16xf32>
          %exp3A_132 = math.exp %neg3A_131 : vector<16xf32>
          %add3A_133 = arith.constant 1.000000e+00 : f32
          %add3A_134 = vector.broadcast %add3A_133 : f32 to vector<16xf32>
          %add3A_135 = arith.addf %add3A_134, %exp3A_132 : vector<16xf32>
          %div3A_136 = arith.constant 1.000000e+00 : f32
          %div3A_137 = vector.broadcast %div3A_136 : f32 to vector<16xf32>
          %div3A_138 = arith.divf %div3A_137, %add3A_135 : vector<16xf32>
          %get3A_139 = arith.index_cast %scan3A_82 : i32 to index
          %get3A_140 = arith.constant 16 : index
          %get3A_141 = tpu.vector_load %arg12[%get3A_139, %get3A_140] {strides = array<i32>} : memref<64x128xf32, #tpu.memory_space<vmem>>, vector<1x16xf32>,
          %get3A_142 = vector.shape_cast %get3A_141 : vector<1x16xf32> to vector<16xf32>
          %get3A_143 = arith.index_cast %scan3A_82 : i32 to index
          %get3A_144 = arith.constant 80 : index
          %get3A_145 = tpu.vector_load %arg12[%get3A_143, %get3A_144] {strides = array<i32>} : memref<64x128xf32, #tpu.memory_space<vmem>>, vector<1x16xf32>,
          %get3A_146 = vector.shape_cast %get3A_145 : vector<1x16xf32> to vector<16xf32>
          %mul3A_147 = arith.constant 64 : i32
          %mul3A_148 = arith.muli %arg0, %mul3A_147 : i32
          %add3A_149 = arith.constant 16 : i32
          %add3A_150 = arith.addi %mul3A_148, %add3A_149 : i32
          %get3A_151 = arith.index_cast %scan3A_82 : i32 to index
          %get3A_152 = arith.index_cast %add3A_150 : i32 to index
          %get3A_153 = tpu.vector_load %arg13[%get3A_151, %get3A_152] {strides = array<i32>} : memref<64x128xf32, #tpu.memory_space<vmem>>, vector<1x16xf32>,
          %get3A_154 = vector.shape_cast %get3A_153 : vector<1x16xf32> to vector<16xf32>
          %mul3A_155 = arith.mulf %div3A_138, %get3A_142 : vector<16xf32>
          %swap3A_156 = arith.index_cast %scan3A_82 : i32 to index
          %swap3A_157 = arith.constant 16 : index
          %swap3A_158 = tpu.vector_load %arg14[%swap3A_156, %swap3A_157] {strides = array<i32>} : memref<64x128xf32, #tpu.memory_space<vmem>>, vector<1x16xf32>,
          %swap3A_159 = vector.shape_cast %swap3A_158 : vector<1x16xf32> to vector<16xf32>
          %swap3A_160 = vector.shape_cast %mul3A_155 : vector<16xf32> to vector<1x16xf32>
          tpu.vector_store %arg14[%swap3A_156, %swap3A_157], %swap3A_160 {strides = array<i32>} : memref<64x128xf32, #tpu.memory_space<vmem>>, vector<1x16xf32>,
          %swap3A_161 = arith.index_cast %scan3A_82 : i32 to index
          %swap3A_162 = arith.constant 80 : index
          %swap3A_163 = tpu.vector_load %arg14[%swap3A_161, %swap3A_162] {strides = array<i32>} : memref<64x128xf32, #tpu.memory_space<vmem>>, vector<1x16xf32>,
          %swap3A_164 = vector.shape_cast %swap3A_163 : vector<1x16xf32> to vector<16xf32>
          %swap3A_165 = vector.shape_cast %div3A_138 : vector<16xf32> to vector<1x16xf32>
          tpu.vector_store %arg14[%swap3A_161, %swap3A_162], %swap3A_165 {strides = array<i32>} : memref<64x128xf32, #tpu.memory_space<vmem>>, vector<1x16xf32>,
          %add3A_166 = arith.addf %get3A_146, %get3A_154 : vector<16xf32>
          %swap3A_167 = arith.index_cast %scan3A_82 : i32 to index
          %swap3A_168 = arith.constant 16 : index
          %swap3A_169 = tpu.vector_load %arg15[%swap3A_167, %swap3A_168] {strides = array<i32>} : memref<64x64xf32, #tpu.memory_space<vmem>>, vector<1x16xf32>,
          %swap3A_170 = vector.shape_cast %swap3A_169 : vector<1x16xf32> to vector<16xf32>
          %swap3A_171 = vector.shape_cast %add3A_166 : vector<16xf32> to vector<1x16xf32>
          tpu.vector_store %arg15[%swap3A_167, %swap3A_168], %swap3A_171 {strides = array<i32>} : memref<64x64xf32, #tpu.memory_space<vmem>>, vector<1x16xf32>,
          %get3A_172 = arith.index_cast %scan3A_82 : i32 to index
          %get3A_173 = arith.constant 32 : index
          %get3A_174 = tpu.vector_load %arg9[%get3A_172, %get3A_173] {strides = array<i32>} : memref<64x64xf32, #tpu.memory_space<vmem>>, vector<1x16xf32>,
          %get3A_175 = vector.shape_cast %get3A_174 : vector<1x16xf32> to vector<16xf32>
          %neg3A_176 = arith.constant 0.000000e+00 : f32
          %neg3A_177 = vector.broadcast %neg3A_176 : f32 to vector<16xf32>
          %neg3A_178 = arith.subf %neg3A_177, %get3A_175 : vector<16xf32>
          %exp3A_179 = math.exp %neg3A_178 : vector<16xf32>
          %add3A_180 = arith.constant 1.000000e+00 : f32
          %add3A_181 = vector.broadcast %add3A_180 : f32 to vector<16xf32>
          %add3A_182 = arith.addf %add3A_181, %exp3A_179 : vector<16xf32>
          %div3A_183 = arith.constant 1.000000e+00 : f32
          %div3A_184 = vector.broadcast %div3A_183 : f32 to vector<16xf32>
          %div3A_185 = arith.divf %div3A_184, %add3A_182 : vector<16xf32>
          %get3A_186 = arith.index_cast %scan3A_82 : i32 to index
          %get3A_187 = arith.constant 32 : index
          %get3A_188 = tpu.vector_load %arg12[%get3A_186, %get3A_187] {strides = array<i32>} : memref<64x128xf32, #tpu.memory_space<vmem>>, vector<1x16xf32>,
          %get3A_189 = vector.shape_cast %get3A_188 : vector<1x16xf32> to vector<16xf32>
          %get3A_190 = arith.index_cast %scan3A_82 : i32 to index
          %get3A_191 = arith.constant 96 : index
          %get3A_192 = tpu.vector_load %arg12[%get3A_190, %get3A_191] {strides = array<i32>} : memref<64x128xf32, #tpu.memory_space<vmem>>, vector<1x16xf32>,
          %get3A_193 = vector.shape_cast %get3A_192 : vector<1x16xf32> to vector<16xf32>
          %mul3A_194 = arith.constant 64 : i32
          %mul3A_195 = arith.muli %arg0, %mul3A_194 : i32
          %add3A_196 = arith.constant 32 : i32
          %add3A_197 = arith.addi %mul3A_195, %add3A_196 : i32
          %get3A_198 = arith.index_cast %scan3A_82 : i32 to index
          %get3A_199 = arith.index_cast %add3A_197 : i32 to index
          %get3A_200 = tpu.vector_load %arg13[%get3A_198, %get3A_199] {strides = array<i32>} : memref<64x128xf32, #tpu.memory_space<vmem>>, vector<1x16xf32>,
          %get3A_201 = vector.shape_cast %get3A_200 : vector<1x16xf32> to vector<16xf32>
          %mul3A_202 = arith.mulf %div3A_185, %get3A_189 : vector<16xf32>
          %swap3A_203 = arith.index_cast %scan3A_82 : i32 to index
          %swap3A_204 = arith.constant 32 : index
          %swap3A_205 = tpu.vector_load %arg14[%swap3A_203, %swap3A_204] {strides = array<i32>} : memref<64x128xf32, #tpu.memory_space<vmem>>, vector<1x16xf32>,
          %swap3A_206 = vector.shape_cast %swap3A_205 : vector<1x16xf32> to vector<16xf32>
          %swap3A_207 = vector.shape_cast %mul3A_202 : vector<16xf32> to vector<1x16xf32>
          tpu.vector_store %arg14[%swap3A_203, %swap3A_204], %swap3A_207 {strides = array<i32>} : memref<64x128xf32, #tpu.memory_space<vmem>>, vector<1x16xf32>,
          %swap3A_208 = arith.index_cast %scan3A_82 : i32 to index
          %swap3A_209 = arith.constant 96 : index
          %swap3A_210 = tpu.vector_load %arg14[%swap3A_208, %swap3A_209] {strides = array<i32>} : memref<64x128xf32, #tpu.memory_space<vmem>>, vector<1x16xf32>,
          %swap3A_211 = vector.shape_cast %swap3A_210 : vector<1x16xf32> to vector<16xf32>
          %swap3A_212 = vector.shape_cast %div3A_185 : vector<16xf32> to vector<1x16xf32>
          tpu.vector_store %arg14[%swap3A_208, %swap3A_209], %swap3A_212 {strides = array<i32>} : memref<64x128xf32, #tpu.memory_space<vmem>>, vector<1x16xf32>,
          %add3A_213 = arith.addf %get3A_193, %get3A_201 : vector<16xf32>
          %swap3A_214 = arith.index_cast %scan3A_82 : i32 to index
          %swap3A_215 = arith.constant 32 : index
          %swap3A_216 = tpu.vector_load %arg15[%swap3A_214, %swap3A_215] {strides = array<i32>} : memref<64x64xf32, #tpu.memory_space<vmem>>, vector<1x16xf32>,
          %swap3A_217 = vector.shape_cast %swap3A_216 : vector<1x16xf32> to vector<16xf32>
          %swap3A_218 = vector.shape_cast %add3A_213 : vector<16xf32> to vector<1x16xf32>
          tpu.vector_store %arg15[%swap3A_214, %swap3A_215], %swap3A_218 {strides = array<i32>} : memref<64x64xf32, #tpu.memory_space<vmem>>, vector<1x16xf32>,
          %get3A_219 = arith.index_cast %scan3A_82 : i32 to index
          %get3A_220 = arith.constant 48 : index
          %get3A_221 = tpu.vector_load %arg9[%get3A_219, %get3A_220] {strides = array<i32>} : memref<64x64xf32, #tpu.memory_space<vmem>>, vector<1x16xf32>,
          %get3A_222 = vector.shape_cast %get3A_221 : vector<1x16xf32> to vector<16xf32>
          %neg3A_223 = arith.constant 0.000000e+00 : f32
          %neg3A_224 = vector.broadcast %neg3A_223 : f32 to vector<16xf32>
          %neg3A_225 = arith.subf %neg3A_224, %get3A_222 : vector<16xf32>
          %exp3A_226 = math.exp %neg3A_225 : vector<16xf32>
          %add3A_227 = arith.constant 1.000000e+00 : f32
          %add3A_228 = vector.broadcast %add3A_227 : f32 to vector<16xf32>
          %add3A_229 = arith.addf %add3A_228, %exp3A_226 : vector<16xf32>
          %div3A_230 = arith.constant 1.000000e+00 : f32
          %div3A_231 = vector.broadcast %div3A_230 : f32 to vector<16xf32>
          %div3A_232 = arith.divf %div3A_231, %add3A_229 : vector<16xf32>
          %get3A_233 = arith.index_cast %scan3A_82 : i32 to index
          %get3A_234 = arith.constant 48 : index
          %get3A_235 = tpu.vector_load %arg12[%get3A_233, %get3A_234] {strides = array<i32>} : memref<64x128xf32, #tpu.memory_space<vmem>>, vector<1x16xf32>,
          %get3A_236 = vector.shape_cast %get3A_235 : vector<1x16xf32> to vector<16xf32>
          %get3A_237 = arith.index_cast %scan3A_82 : i32 to index
          %get3A_238 = arith.constant 112 : index
          %get3A_239 = tpu.vector_load %arg12[%get3A_237, %get3A_238] {strides = array<i32>} : memref<64x128xf32, #tpu.memory_space<vmem>>, vector<1x16xf32>,
          %get3A_240 = vector.shape_cast %get3A_239 : vector<1x16xf32> to vector<16xf32>
          %mul3A_241 = arith.constant 64 : i32
          %mul3A_242 = arith.muli %arg0, %mul3A_241 : i32
          %add3A_243 = arith.constant 48 : i32
          %add3A_244 = arith.addi %mul3A_242, %add3A_243 : i32
          %get3A_245 = arith.index_cast %scan3A_82 : i32 to index
          %get3A_246 = arith.index_cast %add3A_244 : i32 to index
          %get3A_247 = tpu.vector_load %arg13[%get3A_245, %get3A_246] {strides = array<i32>} : memref<64x128xf32, #tpu.memory_space<vmem>>, vector<1x16xf32>,
          %get3A_248 = vector.shape_cast %get3A_247 : vector<1x16xf32> to vector<16xf32>
          %mul3A_249 = arith.mulf %div3A_232, %get3A_236 : vector<16xf32>
          %swap3A_250 = arith.index_cast %scan3A_82 : i32 to index
          %swap3A_251 = arith.constant 48 : index
          %swap3A_252 = tpu.vector_load %arg14[%swap3A_250, %swap3A_251] {strides = array<i32>} : memref<64x128xf32, #tpu.memory_space<vmem>>, vector<1x16xf32>,
          %swap3A_253 = vector.shape_cast %swap3A_252 : vector<1x16xf32> to vector<16xf32>
          %swap3A_254 = vector.shape_cast %mul3A_249 : vector<16xf32> to vector<1x16xf32>
          tpu.vector_store %arg14[%swap3A_250, %swap3A_251], %swap3A_254 {strides = array<i32>} : memref<64x128xf32, #tpu.memory_space<vmem>>, vector<1x16xf32>,
          %swap3A_255 = arith.index_cast %scan3A_82 : i32 to index
          %swap3A_256 = arith.constant 112 : index
          %swap3A_257 = tpu.vector_load %arg14[%swap3A_255, %swap3A_256] {strides = array<i32>} : memref<64x128xf32, #tpu.memory_space<vmem>>, vector<1x16xf32>,
          %swap3A_258 = vector.shape_cast %swap3A_257 : vector<1x16xf32> to vector<16xf32>
          %swap3A_259 = vector.shape_cast %div3A_232 : vector<16xf32> to vector<1x16xf32>
          tpu.vector_store %arg14[%swap3A_255, %swap3A_256], %swap3A_259 {strides = array<i32>} : memref<64x128xf32, #tpu.memory_space<vmem>>, vector<1x16xf32>,
          %add3A_260 = arith.addf %get3A_240, %get3A_248 : vector<16xf32>
          %swap3A_261 = arith.index_cast %scan3A_82 : i32 to index
          %swap3A_262 = arith.constant 48 : index
          %swap3A_263 = tpu.vector_load %arg15[%swap3A_261, %swap3A_262] {strides = array<i32>} : memref<64x64xf32, #tpu.memory_space<vmem>>, vector<1x16xf32>,
          %swap3A_264 = vector.shape_cast %swap3A_263 : vector<1x16xf32> to vector<16xf32>
          %swap3A_265 = vector.shape_cast %add3A_260 : vector<16xf32> to vector<1x16xf32>
          tpu.vector_store %arg15[%swap3A_261, %swap3A_262], %swap3A_265 {strides = array<i32>} : memref<64x64xf32, #tpu.memory_space<vmem>>, vector<1x16xf32>,
        }
        %scan3A_81 = arith.constant 64 : i32
        "tpu.region"() ({
          %run_scoped3A = tpu.sem_alloc : memref<!tpu.dma_semaphore, #tpu.memory_space<semaphore_mem>>
          %dma_start3A_82 = arith.constant 0 : i32
          %dma_start3A_83 = arith.constant 0 : i32
          %dma_start3A_84 = tpu.memref_slice %arg17[%dma_start3A_82, %dma_start3A_83] : memref<10000x128xf32, #tpu.memory_space<vmem_shared>> -> memref<10000x128xf32, #tpu.memory_space<vmem_shared>>
          tpu.enqueue_indirect_dma source(%arg14 : memref<64x128xf32, #tpu.memory_space<vmem>>) target(%dma_start3A_84 : memref<10000x128xf32, #tpu.memory_space<vmem_shared>>) offsets(%arg11 : memref<64xi32, #tpu.memory_space<vmem>>) semaphore(%run_scoped3A : memref<!tpu.dma_semaphore, #tpu.memory_space<semaphore_mem>>) {add = true}
          %dma_wait3A_85 = arith.constant 0 : i32
          %dma_wait3A_86 = arith.constant 0 : i32
          %dma_wait3A_87 = tpu.memref_slice %arg17[%dma_wait3A_85, %dma_wait3A_86] : memref<10000x128xf32, #tpu.memory_space<vmem_shared>> -> memref<10000x128xf32, #tpu.memory_space<vmem_shared>>
          tpu.wait_indirect_dma semaphore(%run_scoped3A : memref<!tpu.dma_semaphore, #tpu.memory_space<semaphore_mem>>) src(%arg14 : memref<64x128xf32, #tpu.memory_space<vmem>>) dst(%dma_wait3A_87 : memref<10000x128xf32, #tpu.memory_space<vmem_shared>>)
          tpu.yield
        }) : () -> ()
        "tpu.region"() ({
          %run_scoped3A = tpu.sem_alloc : memref<!tpu.dma_semaphore, #tpu.memory_space<semaphore_mem>>
          %dma_start3A_82 = arith.constant 0 : i32
          %dma_start3A_83 = tpu.memref_slice %arg8[%arg0, %mul3A_59, %dma_start3A_82] : memref<2x320000x64xf32, #tpu.memory_space<hbm>> -> memref<1x64x64xf32, #tpu.memory_space<hbm>>
          %dma_start3A_84 = tpu.memref_squeeze %dma_start3A_83 : memref<1x64x64xf32, #tpu.memory_space<hbm>> -> memref<64x64xf32, #tpu.memory_space<hbm>>
          %dma_start3A_85 = arith.constant 0 : i32
          %dma_start3A_86 = tpu.memref_slice %arg8[%arg0, %mul3A_59, %dma_start3A_85] : memref<2x320000x64xf32, #tpu.memory_space<hbm>> -> memref<1x64x64xf32, #tpu.memory_space<hbm>>
          %dma_start3A_87 = tpu.memref_squeeze %dma_start3A_86 : memref<1x64x64xf32, #tpu.memory_space<hbm>> -> memref<64x64xf32, #tpu.memory_space<hbm>>
          tpu.enqueue_dma source(%arg15 : memref<64x64xf32, #tpu.memory_space<vmem>>) target(%dma_start3A_87 : memref<64x64xf32, #tpu.memory_space<hbm>>) target_semaphore(%run_scoped3A : memref<!tpu.dma_semaphore, #tpu.memory_space<semaphore_mem>>)
          %dma_wait3A_88 = arith.constant 0 : i32
          %dma_wait3A_89 = tpu.memref_slice %arg8[%arg0, %mul3A_59, %dma_wait3A_88] : memref<2x320000x64xf32, #tpu.memory_space<hbm>> -> memref<1x64x64xf32, #tpu.memory_space<hbm>>
          %dma_wait3A_90 = tpu.memref_squeeze %dma_wait3A_89 : memref<1x64x64xf32, #tpu.memory_space<hbm>> -> memref<64x64xf32, #tpu.memory_space<hbm>>
          %dma_wait3A_91 = arith.constant 0 : i32
          %dma_wait3A_92 = tpu.memref_slice %arg8[%arg0, %mul3A_59, %dma_wait3A_91] : memref<2x320000x64xf32, #tpu.memory_space<hbm>> -> memref<1x64x64xf32, #tpu.memory_space<hbm>>
          %dma_wait3A_93 = tpu.memref_squeeze %dma_wait3A_92 : memref<1x64x64xf32, #tpu.memory_space<hbm>> -> memref<64x64xf32, #tpu.memory_space<hbm>>
          tpu.wait_dma2 semaphore(%run_scoped3A : memref<!tpu.dma_semaphore, #tpu.memory_space<semaphore_mem>>) src(%arg15 : memref<64x64xf32, #tpu.memory_space<vmem>>) dst(%dma_wait3A_93 : memref<64x64xf32, #tpu.memory_space<hbm>>)
          tpu.yield
        }) : () -> ()
      } else {
      }
    }
    %scan3A_30 = arith.constant 313 : i32
    %barrier3A_31 = arith.constant 0 : index
    tpu.barrier barrier_id(%barrier3A_31)
    %mul3A_32 = arith.constant 625 : i32
    %mul3A_33 = arith.muli %arg1, %mul3A_32 : i32
    %add3A_34 = arith.constant 0 : i32
    %add3A_35 = arith.addi %mul3A_33, %add3A_34 : i32
    "tpu.region"() ({
      %run_scoped3A = tpu.sem_alloc : memref<!tpu.dma_semaphore, #tpu.memory_space<semaphore_mem>>
      %dma_start3A = arith.constant 0 : i32
      %dma_start3A_52 = tpu.memref_slice %arg7[%arg0, %add3A_35, %dma_start3A] : memref<2x10000x128xf32, #tpu.memory_space<hbm>> -> memref<1x125x128xf32, #tpu.memory_space<hbm>>
      %dma_start3A_53 = tpu.memref_squeeze %dma_start3A_52 : memref<1x125x128xf32, #tpu.memory_space<hbm>> -> memref<125x128xf32, #tpu.memory_space<hbm>>
      %dma_start3A_54 = arith.constant 0 : i32
      %dma_start3A_55 = tpu.memref_slice %arg17[%add3A_35, %dma_start3A_54] : memref<10000x128xf32, #tpu.memory_space<vmem_shared>> -> memref<125x128xf32, #tpu.memory_space<vmem_shared>>
      tpu.enqueue_dma source(%dma_start3A_55 : memref<125x128xf32, #tpu.memory_space<vmem_shared>>) target(%dma_start3A_53 : memref<125x128xf32, #tpu.memory_space<hbm>>) target_semaphore(%run_scoped3A : memref<!tpu.dma_semaphore, #tpu.memory_space<semaphore_mem>>)
      %dma_wait3A = arith.constant 0 : i32
      %dma_wait3A_56 = tpu.memref_slice %arg7[%arg0, %add3A_35, %dma_wait3A] : memref<2x10000x128xf32, #tpu.memory_space<hbm>> -> memref<1x125x128xf32, #tpu.memory_space<hbm>>
      %dma_wait3A_57 = tpu.memref_squeeze %dma_wait3A_56 : memref<1x125x128xf32, #tpu.memory_space<hbm>> -> memref<125x128xf32, #tpu.memory_space<hbm>>
      %dma_wait3A_58 = arith.constant 0 : i32
      %dma_wait3A_59 = tpu.memref_slice %arg17[%add3A_35, %dma_wait3A_58] : memref<10000x128xf32, #tpu.memory_space<vmem_shared>> -> memref<125x128xf32, #tpu.memory_space<vmem_shared>>
      tpu.wait_dma2 semaphore(%run_scoped3A : memref<!tpu.dma_semaphore, #tpu.memory_space<semaphore_mem>>) src(%dma_wait3A_59 : memref<125x128xf32, #tpu.memory_space<vmem_shared>>) dst(%dma_wait3A_57 : memref<125x128xf32, #tpu.memory_space<hbm>>)
      tpu.yield
    }) : () -> ()
    %mul3A_36 = arith.constant 625 : i32
    %mul3A_37 = arith.muli %arg1, %mul3A_36 : i32
    %add3A_38 = arith.constant 125 : i32
    %add3A_39 = arith.addi %mul3A_37, %add3A_38 : i32
    "tpu.region"() ({
      %run_scoped3A = tpu.sem_alloc : memref<!tpu.dma_semaphore, #tpu.memory_space<semaphore_mem>>
      %dma_start3A = arith.constant 0 : i32
      %dma_start3A_52 = tpu.memref_slice %arg7[%arg0, %add3A_39, %dma_start3A] : memref<2x10000x128xf32, #tpu.memory_space<hbm>> -> memref<1x125x128xf32, #tpu.memory_space<hbm>>
      %dma_start3A_53 = tpu.memref_squeeze %dma_start3A_52 : memref<1x125x128xf32, #tpu.memory_space<hbm>> -> memref<125x128xf32, #tpu.memory_space<hbm>>
      %dma_start3A_54 = arith.constant 0 : i32
      %dma_start3A_55 = tpu.memref_slice %arg17[%add3A_39, %dma_start3A_54] : memref<10000x128xf32, #tpu.memory_space<vmem_shared>> -> memref<125x128xf32, #tpu.memory_space<vmem_shared>>
      tpu.enqueue_dma source(%dma_start3A_55 : memref<125x128xf32, #tpu.memory_space<vmem_shared>>) target(%dma_start3A_53 : memref<125x128xf32, #tpu.memory_space<hbm>>) target_semaphore(%run_scoped3A : memref<!tpu.dma_semaphore, #tpu.memory_space<semaphore_mem>>)
      %dma_wait3A = arith.constant 0 : i32
      %dma_wait3A_56 = tpu.memref_slice %arg7[%arg0, %add3A_39, %dma_wait3A] : memref<2x10000x128xf32, #tpu.memory_space<hbm>> -> memref<1x125x128xf32, #tpu.memory_space<hbm>>
      %dma_wait3A_57 = tpu.memref_squeeze %dma_wait3A_56 : memref<1x125x128xf32, #tpu.memory_space<hbm>> -> memref<125x128xf32, #tpu.memory_space<hbm>>
      %dma_wait3A_58 = arith.constant 0 : i32
      %dma_wait3A_59 = tpu.memref_slice %arg17[%add3A_39, %dma_wait3A_58] : memref<10000x128xf32, #tpu.memory_space<vmem_shared>> -> memref<125x128xf32, #tpu.memory_space<vmem_shared>>
      tpu.wait_dma2 semaphore(%run_scoped3A : memref<!tpu.dma_semaphore, #tpu.memory_space<semaphore_mem>>) src(%dma_wait3A_59 : memref<125x128xf32, #tpu.memory_space<vmem_shared>>) dst(%dma_wait3A_57 : memref<125x128xf32, #tpu.memory_space<hbm>>)
      tpu.yield
    }) : () -> ()
    %mul3A_40 = arith.constant 625 : i32
    %mul3A_41 = arith.muli %arg1, %mul3A_40 : i32
    %add3A_42 = arith.constant 250 : i32
    %add3A_43 = arith.addi %mul3A_41, %add3A_42 : i32
    "tpu.region"() ({
      %run_scoped3A = tpu.sem_alloc : memref<!tpu.dma_semaphore, #tpu.memory_space<semaphore_mem>>
      %dma_start3A = arith.constant 0 : i32
      %dma_start3A_52 = tpu.memref_slice %arg7[%arg0, %add3A_43, %dma_start3A] : memref<2x10000x128xf32, #tpu.memory_space<hbm>> -> memref<1x125x128xf32, #tpu.memory_space<hbm>>
      %dma_start3A_53 = tpu.memref_squeeze %dma_start3A_52 : memref<1x125x128xf32, #tpu.memory_space<hbm>> -> memref<125x128xf32, #tpu.memory_space<hbm>>
      %dma_start3A_54 = arith.constant 0 : i32
      %dma_start3A_55 = tpu.memref_slice %arg17[%add3A_43, %dma_start3A_54] : memref<10000x128xf32, #tpu.memory_space<vmem_shared>> -> memref<125x128xf32, #tpu.memory_space<vmem_shared>>
      tpu.enqueue_dma source(%dma_start3A_55 : memref<125x128xf32, #tpu.memory_space<vmem_shared>>) target(%dma_start3A_53 : memref<125x128xf32, #tpu.memory_space<hbm>>) target_semaphore(%run_scoped3A : memref<!tpu.dma_semaphore, #tpu.memory_space<semaphore_mem>>)
      %dma_wait3A = arith.constant 0 : i32
      %dma_wait3A_56 = tpu.memref_slice %arg7[%arg0, %add3A_43, %dma_wait3A] : memref<2x10000x128xf32, #tpu.memory_space<hbm>> -> memref<1x125x128xf32, #tpu.memory_space<hbm>>
      %dma_wait3A_57 = tpu.memref_squeeze %dma_wait3A_56 : memref<1x125x128xf32, #tpu.memory_space<hbm>> -> memref<125x128xf32, #tpu.memory_space<hbm>>
      %dma_wait3A_58 = arith.constant 0 : i32
      %dma_wait3A_59 = tpu.memref_slice %arg17[%add3A_43, %dma_wait3A_58] : memref<10000x128xf32, #tpu.memory_space<vmem_shared>> -> memref<125x128xf32, #tpu.memory_space<vmem_shared>>
      tpu.wait_dma2 semaphore(%run_scoped3A : memref<!tpu.dma_semaphore, #tpu.memory_space<semaphore_mem>>) src(%dma_wait3A_59 : memref<125x128xf32, #tpu.memory_space<vmem_shared>>) dst(%dma_wait3A_57 : memref<125x128xf32, #tpu.memory_space<hbm>>)
      tpu.yield
    }) : () -> ()
    %mul3A_44 = arith.constant 625 : i32
    %mul3A_45 = arith.muli %arg1, %mul3A_44 : i32
    %add3A_46 = arith.constant 375 : i32
    %add3A_47 = arith.addi %mul3A_45, %add3A_46 : i32
    "tpu.region"() ({
      %run_scoped3A = tpu.sem_alloc : memref<!tpu.dma_semaphore, #tpu.memory_space<semaphore_mem>>
      %dma_start3A = arith.constant 0 : i32
      %dma_start3A_52 = tpu.memref_slice %arg7[%arg0, %add3A_47, %dma_start3A] : memref<2x10000x128xf32, #tpu.memory_space<hbm>> -> memref<1x125x128xf32, #tpu.memory_space<hbm>>
      %dma_start3A_53 = tpu.memref_squeeze %dma_start3A_52 : memref<1x125x128xf32, #tpu.memory_space<hbm>> -> memref<125x128xf32, #tpu.memory_space<hbm>>
      %dma_start3A_54 = arith.constant 0 : i32
      %dma_start3A_55 = tpu.memref_slice %arg17[%add3A_47, %dma_start3A_54] : memref<10000x128xf32, #tpu.memory_space<vmem_shared>> -> memref<125x128xf32, #tpu.memory_space<vmem_shared>>
      tpu.enqueue_dma source(%dma_start3A_55 : memref<125x128xf32, #tpu.memory_space<vmem_shared>>) target(%dma_start3A_53 : memref<125x128xf32, #tpu.memory_space<hbm>>) target_semaphore(%run_scoped3A : memref<!tpu.dma_semaphore, #tpu.memory_space<semaphore_mem>>)
      %dma_wait3A = arith.constant 0 : i32
      %dma_wait3A_56 = tpu.memref_slice %arg7[%arg0, %add3A_47, %dma_wait3A] : memref<2x10000x128xf32, #tpu.memory_space<hbm>> -> memref<1x125x128xf32, #tpu.memory_space<hbm>>
      %dma_wait3A_57 = tpu.memref_squeeze %dma_wait3A_56 : memref<1x125x128xf32, #tpu.memory_space<hbm>> -> memref<125x128xf32, #tpu.memory_space<hbm>>
      %dma_wait3A_58 = arith.constant 0 : i32
      %dma_wait3A_59 = tpu.memref_slice %arg17[%add3A_47, %dma_wait3A_58] : memref<10000x128xf32, #tpu.memory_space<vmem_shared>> -> memref<125x128xf32, #tpu.memory_space<vmem_shared>>
      tpu.wait_dma2 semaphore(%run_scoped3A : memref<!tpu.dma_semaphore, #tpu.memory_space<semaphore_mem>>) src(%dma_wait3A_59 : memref<125x128xf32, #tpu.memory_space<vmem_shared>>) dst(%dma_wait3A_57 : memref<125x128xf32, #tpu.memory_space<hbm>>)
      tpu.yield
    }) : () -> ()
    %mul3A_48 = arith.constant 625 : i32
    %mul3A_49 = arith.muli %arg1, %mul3A_48 : i32
    %add3A_50 = arith.constant 500 : i32
    %add3A_51 = arith.addi %mul3A_49, %add3A_50 : i32
    "tpu.region"() ({
      %run_scoped3A = tpu.sem_alloc : memref<!tpu.dma_semaphore, #tpu.memory_space<semaphore_mem>>
      %dma_start3A = arith.constant 0 : i32
      %dma_start3A_52 = tpu.memref_slice %arg7[%arg0, %add3A_51, %dma_start3A] : memref<2x10000x128xf32, #tpu.memory_space<hbm>> -> memref<1x125x128xf32, #tpu.memory_space<hbm>>
      %dma_start3A_53 = tpu.memref_squeeze %dma_start3A_52 : memref<1x125x128xf32, #tpu.memory_space<hbm>> -> memref<125x128xf32, #tpu.memory_space<hbm>>
      %dma_start3A_54 = arith.constant 0 : i32
      %dma_start3A_55 = tpu.memref_slice %arg17[%add3A_51, %dma_start3A_54] : memref<10000x128xf32, #tpu.memory_space<vmem_shared>> -> memref<125x128xf32, #tpu.memory_space<vmem_shared>>
      tpu.enqueue_dma source(%dma_start3A_55 : memref<125x128xf32, #tpu.memory_space<vmem_shared>>) target(%dma_start3A_53 : memref<125x128xf32, #tpu.memory_space<hbm>>) target_semaphore(%run_scoped3A : memref<!tpu.dma_semaphore, #tpu.memory_space<semaphore_mem>>)
      %dma_wait3A = arith.constant 0 : i32
      %dma_wait3A_56 = tpu.memref_slice %arg7[%arg0, %add3A_51, %dma_wait3A] : memref<2x10000x128xf32, #tpu.memory_space<hbm>> -> memref<1x125x128xf32, #tpu.memory_space<hbm>>
      %dma_wait3A_57 = tpu.memref_squeeze %dma_wait3A_56 : memref<1x125x128xf32, #tpu.memory_space<hbm>> -> memref<125x128xf32, #tpu.memory_space<hbm>>
      %dma_wait3A_58 = arith.constant 0 : i32
      %dma_wait3A_59 = tpu.memref_slice %arg17[%add3A_51, %dma_wait3A_58] : memref<10000x128xf32, #tpu.memory_space<vmem_shared>> -> memref<125x128xf32, #tpu.memory_space<vmem_shared>>
      tpu.wait_dma2 semaphore(%run_scoped3A : memref<!tpu.dma_semaphore, #tpu.memory_space<semaphore_mem>>) src(%dma_wait3A_59 : memref<125x128xf32, #tpu.memory_space<vmem_shared>>) dst(%dma_wait3A_57 : memref<125x128xf32, #tpu.memory_space<hbm>>)
      tpu.yield
    }) : () -> ()
    return
  }
}

module attributes {stable_mosaic.version = 14 : i64} {
  func.func @_embed_edge_body(%arg0: i32, %arg1: memref<512x1xf32, #tpu.memory_space<vmem>>, %arg2: memref<1x128xf32, #tpu.memory_space<vmem>>, %arg3: memref<1x128xf32, #tpu.memory_space<vmem>>, %arg4: memref<2x512x64xf32, #tpu.memory_space<vmem>>) attributes {dimension_semantics = [#tpu.dimension_semantics<arbitrary>], iteration_bounds = array<i64: 625>, scalar_prefetch = 0 : i64, scratch_operands = 0 : i64, tpu.core_type = #tpu.core_type<tc>, window_params = [{transform_indices = @transform_0, window_bounds = array<i64: 512, 1>}, {pipeline_mode = #tpu.pipeline_mode<synchronous>, transform_indices = @transform_1, window_bounds = array<i64: 1, 128>}, {pipeline_mode = #tpu.pipeline_mode<synchronous>, transform_indices = @transform_2, window_bounds = array<i64: 1, 128>}, {transform_indices = @transform_3, window_bounds = array<i64: 2, 512, 64>}]} {
    %get3A = arith.constant 0 : index
    %get3A_0 = arith.constant 0 : index
    %get3A_1 = vector.load %arg1[%get3A, %get3A_0] : memref<512x1xf32, #tpu.memory_space<vmem>>, vector<512x1xf32>
    %get3A_2 = arith.constant 0 : index
    %get3A_3 = arith.constant 0 : index
    %get3A_4 = vector.load %arg2[%get3A_2, %get3A_3] : memref<1x128xf32, #tpu.memory_space<vmem>>, vector<1x128xf32>
    %mul3A = vector.broadcast %get3A_1 : vector<512x1xf32> to vector<512x128xf32>
    %mul3A_5 = vector.broadcast %get3A_4 : vector<1x128xf32> to vector<512x128xf32>
    %mul3A_6 = arith.mulf %mul3A, %mul3A_5 : vector<512x128xf32>
    %get3A_7 = arith.constant 0 : index
    %get3A_8 = arith.constant 0 : index
    %get3A_9 = vector.load %arg3[%get3A_7, %get3A_8] : memref<1x128xf32, #tpu.memory_space<vmem>>, vector<1x128xf32>
    %add3A = vector.broadcast %get3A_9 : vector<1x128xf32> to vector<512x128xf32>
    %add3A_10 = arith.addf %mul3A_6, %add3A : vector<512x128xf32>
    %slice3A = vector.extract_strided_slice %add3A_10 {offsets = [0, 0], sizes = [512, 64], strides = [1, 1]} : vector<512x128xf32> to vector<512x64xf32>
    %swap3A = arith.constant 0 : index
    %swap3A_11 = arith.constant 0 : index
    %swap3A_12 = arith.constant 0 : index
    %swap3A_13 = vector.load %arg4[%swap3A, %swap3A_11, %swap3A_12] : memref<2x512x64xf32, #tpu.memory_space<vmem>>, vector<1x512x64xf32>
    %swap3A_14 = vector.shape_cast %swap3A_13 : vector<1x512x64xf32> to vector<512x64xf32>
    %swap3A_15 = vector.shape_cast %slice3A : vector<512x64xf32> to vector<1x512x64xf32>
    tpu.vector_store %arg4[%swap3A, %swap3A_11, %swap3A_12], %swap3A_15 {strides = array<i32>} : memref<2x512x64xf32, #tpu.memory_space<vmem>>, vector<1x512x64xf32>,
    %slice3A_16 = vector.extract_strided_slice %add3A_10 {offsets = [0, 64], sizes = [512, 64], strides = [1, 1]} : vector<512x128xf32> to vector<512x64xf32>
    %swap3A_17 = arith.constant 1 : index
    %swap3A_18 = arith.constant 0 : index
    %swap3A_19 = arith.constant 0 : index
    %swap3A_20 = vector.load %arg4[%swap3A_17, %swap3A_18, %swap3A_19] : memref<2x512x64xf32, #tpu.memory_space<vmem>>, vector<1x512x64xf32>
    %swap3A_21 = vector.shape_cast %swap3A_20 : vector<1x512x64xf32> to vector<512x64xf32>
    %swap3A_22 = vector.shape_cast %slice3A_16 : vector<512x64xf32> to vector<1x512x64xf32>
    tpu.vector_store %arg4[%swap3A_17, %swap3A_18, %swap3A_19], %swap3A_22 {strides = array<i32>} : memref<2x512x64xf32, #tpu.memory_space<vmem>>, vector<1x512x64xf32>,
    return
  }
  func.func @transform_0(%arg0: i32) -> (i32, i32) {
    %c0_i32 = arith.constant 0 : i32
    %c0_i32_0 = arith.constant 0 : i32
    return %arg0, %c0_i32 : i32, i32
  }
  func.func @transform_1(%arg0: i32) -> (i32, i32) {
    %c0_i32 = arith.constant 0 : i32
    %c0_i32_0 = arith.constant 0 : i32
    %c0_i32_1 = arith.constant 0 : i32
    return %c0_i32, %c0_i32_0 : i32, i32
  }
  func.func @transform_2(%arg0: i32) -> (i32, i32) {
    %c0_i32 = arith.constant 0 : i32
    %c0_i32_0 = arith.constant 0 : i32
    %c0_i32_1 = arith.constant 0 : i32
    return %c0_i32, %c0_i32_0 : i32, i32
  }
  func.func @transform_3(%arg0: i32) -> (i32, i32, i32) {
    %c0_i32 = arith.constant 0 : i32
    %c0_i32_0 = arith.constant 0 : i32
    %c0_i32_1 = arith.constant 0 : i32
    return %c0_i32, %arg0, %c0_i32_0 : i32, i32, i32
  }
}

module attributes {stable_mosaic.version = 14 : i64} {
  func.func @_node_tf0_body(%arg0: i32, %arg1: memref<512x2xf32, #tpu.memory_space<vmem>>, %arg2: memref<2x128xf32, #tpu.memory_space<vmem>>, %arg3: memref<1x128xf32, #tpu.memory_space<vmem>>, %arg4: memref<128x512xf32, #tpu.memory_space<vmem>>, %arg5: memref<1x512xf32, #tpu.memory_space<vmem>>, %arg6: memref<512x128xf32, #tpu.memory_space<vmem>>, %arg7: memref<512x128xf32, #tpu.memory_space<vmem>>, %arg8: memref<512x128xf32, #tpu.memory_space<vmem>>, %arg9: memref<512x128xf32, #tpu.memory_space<vmem>>, %arg10: memref<512x128xf32, #tpu.memory_space<vmem>>) attributes {dimension_semantics = [#tpu.dimension_semantics<arbitrary>], iteration_bounds = array<i64: 20>, scalar_prefetch = 0 : i64, scratch_operands = 0 : i64, tpu.core_type = #tpu.core_type<tc>, window_params = [{transform_indices = @transform_0, window_bounds = array<i64: 512, 2>}, {pipeline_mode = #tpu.pipeline_mode<synchronous>, transform_indices = @transform_1, window_bounds = array<i64: 2, 128>}, {pipeline_mode = #tpu.pipeline_mode<synchronous>, transform_indices = @transform_2, window_bounds = array<i64: 1, 128>}, {pipeline_mode = #tpu.pipeline_mode<synchronous>, transform_indices = @transform_3, window_bounds = array<i64: 128, 512>}, {pipeline_mode = #tpu.pipeline_mode<synchronous>, transform_indices = @transform_4, window_bounds = array<i64: 1, 512>}, {transform_indices = @transform_5, window_bounds = array<i64: 512, 128>}, {transform_indices = @transform_6, window_bounds = array<i64: 512, 128>}, {transform_indices = @transform_7, window_bounds = array<i64: 512, 128>}, {transform_indices = @transform_8, window_bounds = array<i64: 512, 128>}, {transform_indices = @transform_9, window_bounds = array<i64: 512, 128>}]} {
    %get3A = arith.constant 0 : index
    %get3A_0 = arith.constant 0 : index
    %get3A_1 = vector.load %arg1[%get3A, %get3A_0] : memref<512x2xf32, #tpu.memory_space<vmem>>, vector<512x2xf32>
    %get3A_2 = arith.constant 0 : index
    %get3A_3 = arith.constant 0 : index
    %get3A_4 = vector.load %arg2[%get3A_2, %get3A_3] : memref<2x128xf32, #tpu.memory_space<vmem>>, vector<2x128xf32>
    %dot_general3A = arith.constant dense<0.000000e+00> : vector<512x128xf32>
    %dot_general3A_5 = tpu.matmul %get3A_1, %get3A_4, %dot_general3A {dimension_numbers = #tpu.dot_dimension_numbers<[1], [0], [0], [1], [0, 0, 1, 1], [], []>, transpose_lhs_hint = false} : vector<512x2xf32>, vector<2x128xf32>, vector<512x128xf32> -> vector<512x128xf32>
    %get3A_6 = arith.constant 0 : index
    %get3A_7 = arith.constant 0 : index
    %get3A_8 = vector.load %arg3[%get3A_6, %get3A_7] : memref<1x128xf32, #tpu.memory_space<vmem>>, vector<1x128xf32>
    %add3A = vector.broadcast %get3A_8 : vector<1x128xf32> to vector<512x128xf32>
    %add3A_9 = arith.addf %dot_general3A_5, %add3A : vector<512x128xf32>
    %swap3A = arith.constant 0 : index
    %swap3A_10 = arith.constant 0 : index
    %swap3A_11 = vector.load %arg6[%swap3A, %swap3A_10] : memref<512x128xf32, #tpu.memory_space<vmem>>, vector<512x128xf32>
    tpu.vector_store %arg6[%swap3A, %swap3A_10], %add3A_9 {strides = array<i32>} : memref<512x128xf32, #tpu.memory_space<vmem>>, vector<512x128xf32>,
    %get3A_12 = arith.constant 0 : index
    %get3A_13 = arith.constant 0 : index
    %get3A_14 = vector.load %arg4[%get3A_12, %get3A_13] : memref<128x512xf32, #tpu.memory_space<vmem>>, vector<128x512xf32>
    %dot_general3A_15 = arith.constant dense<0.000000e+00> : vector<512x512xf32>
    %dot_general3A_16 = tpu.matmul %add3A_9, %get3A_14, %dot_general3A_15 {dimension_numbers = #tpu.dot_dimension_numbers<[1], [0], [0], [1], [0, 0, 1, 1], [], []>, transpose_lhs_hint = false} : vector<512x128xf32>, vector<128x512xf32>, vector<512x512xf32> -> vector<512x512xf32>
    %get3A_17 = arith.constant 0 : index
    %get3A_18 = arith.constant 0 : index
    %get3A_19 = vector.load %arg5[%get3A_17, %get3A_18] : memref<1x512xf32, #tpu.memory_space<vmem>>, vector<1x512xf32>
    %add3A_20 = vector.broadcast %get3A_19 : vector<1x512xf32> to vector<512x512xf32>
    %add3A_21 = arith.addf %dot_general3A_16, %add3A_20 : vector<512x512xf32>
    %slice3A = vector.extract_strided_slice %add3A_21 {offsets = [0, 128], sizes = [512, 128], strides = [1, 1]} : vector<512x512xf32> to vector<512x128xf32>
    %slice3A_22 = vector.extract_strided_slice %add3A_21 {offsets = [0, 256], sizes = [512, 128], strides = [1, 1]} : vector<512x512xf32> to vector<512x128xf32>
    %slice3A_23 = vector.extract_strided_slice %add3A_21 {offsets = [0, 384], sizes = [512, 128], strides = [1, 1]} : vector<512x512xf32> to vector<512x128xf32>
    %slice3A_24 = vector.extract_strided_slice %add3A_21 {offsets = [0, 0], sizes = [512, 128], strides = [1, 1]} : vector<512x512xf32> to vector<512x128xf32>
    %swap3A_25 = arith.constant 0 : index
    %swap3A_26 = arith.constant 0 : index
    %swap3A_27 = vector.load %arg7[%swap3A_25, %swap3A_26] : memref<512x128xf32, #tpu.memory_space<vmem>>, vector<512x128xf32>
    tpu.vector_store %arg7[%swap3A_25, %swap3A_26], %slice3A_24 {strides = array<i32>} : memref<512x128xf32, #tpu.memory_space<vmem>>, vector<512x128xf32>,
    %slice3A_28 = vector.extract_strided_slice %slice3A {offsets = [0, 0], sizes = [512, 64], strides = [1, 1]} : vector<512x128xf32> to vector<512x64xf32>
    %slice3A_29 = vector.extract_strided_slice %slice3A_22 {offsets = [0, 0], sizes = [512, 64], strides = [1, 1]} : vector<512x128xf32> to vector<512x64xf32>
    %concatenate3A = tpu.concatenate %slice3A_28, %slice3A_29 in 1 : vector<512x64xf32>, vector<512x64xf32> -> vector<512x128xf32>
    %swap3A_30 = arith.constant 0 : index
    %swap3A_31 = arith.constant 0 : index
    %swap3A_32 = vector.load %arg8[%swap3A_30, %swap3A_31] : memref<512x128xf32, #tpu.memory_space<vmem>>, vector<512x128xf32>
    tpu.vector_store %arg8[%swap3A_30, %swap3A_31], %concatenate3A {strides = array<i32>} : memref<512x128xf32, #tpu.memory_space<vmem>>, vector<512x128xf32>,
    %slice3A_33 = vector.extract_strided_slice %slice3A {offsets = [0, 64], sizes = [512, 64], strides = [1, 1]} : vector<512x128xf32> to vector<512x64xf32>
    %slice3A_34 = vector.extract_strided_slice %slice3A_22 {offsets = [0, 64], sizes = [512, 64], strides = [1, 1]} : vector<512x128xf32> to vector<512x64xf32>
    %concatenate3A_35 = tpu.concatenate %slice3A_33, %slice3A_34 in 1 : vector<512x64xf32>, vector<512x64xf32> -> vector<512x128xf32>
    %swap3A_36 = arith.constant 0 : index
    %swap3A_37 = arith.constant 0 : index
    %swap3A_38 = vector.load %arg9[%swap3A_36, %swap3A_37] : memref<512x128xf32, #tpu.memory_space<vmem>>, vector<512x128xf32>
    tpu.vector_store %arg9[%swap3A_36, %swap3A_37], %concatenate3A_35 {strides = array<i32>} : memref<512x128xf32, #tpu.memory_space<vmem>>, vector<512x128xf32>,
    %swap3A_39 = arith.constant 0 : index
    %swap3A_40 = arith.constant 0 : index
    %swap3A_41 = vector.load %arg10[%swap3A_39, %swap3A_40] : memref<512x128xf32, #tpu.memory_space<vmem>>, vector<512x128xf32>
    tpu.vector_store %arg10[%swap3A_39, %swap3A_40], %slice3A_23 {strides = array<i32>} : memref<512x128xf32, #tpu.memory_space<vmem>>, vector<512x128xf32>,
    return
  }
  func.func @transform_0(%arg0: i32) -> (i32, i32) {
    %c0_i32 = arith.constant 0 : i32
    %c0_i32_0 = arith.constant 0 : i32
    return %arg0, %c0_i32 : i32, i32
  }
  func.func @transform_1(%arg0: i32) -> (i32, i32) {
    %c0_i32 = arith.constant 0 : i32
    %c0_i32_0 = arith.constant 0 : i32
    %c0_i32_1 = arith.constant 0 : i32
    return %c0_i32, %c0_i32_0 : i32, i32
  }
  func.func @transform_2(%arg0: i32) -> (i32, i32) {
    %c0_i32 = arith.constant 0 : i32
    %c0_i32_0 = arith.constant 0 : i32
    %c0_i32_1 = arith.constant 0 : i32
    return %c0_i32, %c0_i32_0 : i32, i32
  }
  func.func @transform_3(%arg0: i32) -> (i32, i32) {
    %c0_i32 = arith.constant 0 : i32
    %c0_i32_0 = arith.constant 0 : i32
    %c0_i32_1 = arith.constant 0 : i32
    return %c0_i32, %c0_i32_0 : i32, i32
  }
  func.func @transform_4(%arg0: i32) -> (i32, i32) {
    %c0_i32 = arith.constant 0 : i32
    %c0_i32_0 = arith.constant 0 : i32
    %c0_i32_1 = arith.constant 0 : i32
    return %c0_i32, %c0_i32_0 : i32, i32
  }
  func.func @transform_5(%arg0: i32) -> (i32, i32) {
    %c0_i32 = arith.constant 0 : i32
    %c0_i32_0 = arith.constant 0 : i32
    return %arg0, %c0_i32 : i32, i32
  }
  func.func @transform_6(%arg0: i32) -> (i32, i32) {
    %c0_i32 = arith.constant 0 : i32
    %c0_i32_0 = arith.constant 0 : i32
    return %arg0, %c0_i32 : i32, i32
  }
  func.func @transform_7(%arg0: i32) -> (i32, i32) {
    %c0_i32 = arith.constant 0 : i32
    %c0_i32_0 = arith.constant 0 : i32
    return %arg0, %c0_i32 : i32, i32
  }
  func.func @transform_8(%arg0: i32) -> (i32, i32) {
    %c0_i32 = arith.constant 0 : i32
    %c0_i32_0 = arith.constant 0 : i32
    return %arg0, %c0_i32 : i32, i32
  }
  func.func @transform_9(%arg0: i32) -> (i32, i32) {
    %c0_i32 = arith.constant 0 : i32
    %c0_i32_0 = arith.constant 0 : i32
    return %arg0, %c0_i32 : i32, i32
  }
}

module attributes {stable_mosaic.version = 14 : i64} {
  func.func @_edge_body(%arg0: i32, %arg1: memref<2x512x64xf32, #tpu.memory_space<vmem>>, %arg2: memref<2x512x64xf32, #tpu.memory_space<vmem>>, %arg3: memref<128x128xf32, #tpu.memory_space<vmem>>, %arg4: memref<1x128xf32, #tpu.memory_space<vmem>>, %arg5: memref<1x128xf32, #tpu.memory_space<vmem>>, %arg6: memref<1x128xf32, #tpu.memory_space<vmem>>, %arg7: memref<2x512x64xf32, #tpu.memory_space<vmem>>) attributes {dimension_semantics = [#tpu.dimension_semantics<arbitrary>], iteration_bounds = array<i64: 625>, scalar_prefetch = 0 : i64, scratch_operands = 0 : i64, tpu.core_type = #tpu.core_type<tc>, window_params = [{transform_indices = @transform_0, window_bounds = array<i64: 2, 512, 64>}, {transform_indices = @transform_1, window_bounds = array<i64: 2, 512, 64>}, {pipeline_mode = #tpu.pipeline_mode<synchronous>, transform_indices = @transform_2, window_bounds = array<i64: 128, 128>}, {pipeline_mode = #tpu.pipeline_mode<synchronous>, transform_indices = @transform_3, window_bounds = array<i64: 1, 128>}, {pipeline_mode = #tpu.pipeline_mode<synchronous>, transform_indices = @transform_4, window_bounds = array<i64: 1, 128>}, {pipeline_mode = #tpu.pipeline_mode<synchronous>, transform_indices = @transform_5, window_bounds = array<i64: 1, 128>}, {transform_indices = @transform_6, window_bounds = array<i64: 2, 512, 64>}]} {
    %get3A = arith.constant 0 : index
    %get3A_0 = arith.constant 0 : index
    %get3A_1 = arith.constant 0 : index
    %get3A_2 = vector.load %arg1[%get3A, %get3A_0, %get3A_1] : memref<2x512x64xf32, #tpu.memory_space<vmem>>, vector<1x512x64xf32>
    %get3A_3 = vector.shape_cast %get3A_2 : vector<1x512x64xf32> to vector<512x64xf32>
    %get3A_4 = arith.constant 1 : index
    %get3A_5 = arith.constant 0 : index
    %get3A_6 = arith.constant 0 : index
    %get3A_7 = vector.load %arg1[%get3A_4, %get3A_5, %get3A_6] : memref<2x512x64xf32, #tpu.memory_space<vmem>>, vector<1x512x64xf32>
    %get3A_8 = vector.shape_cast %get3A_7 : vector<1x512x64xf32> to vector<512x64xf32>
    %concatenate3A = tpu.concatenate %get3A_3, %get3A_8 in 1 : vector<512x64xf32>, vector<512x64xf32> -> vector<512x128xf32>
    %get3A_9 = arith.constant 0 : index
    %get3A_10 = arith.constant 0 : index
    %get3A_11 = arith.constant 0 : index
    %get3A_12 = vector.load %arg2[%get3A_9, %get3A_10, %get3A_11] : memref<2x512x64xf32, #tpu.memory_space<vmem>>, vector<1x512x64xf32>
    %get3A_13 = vector.shape_cast %get3A_12 : vector<1x512x64xf32> to vector<512x64xf32>
    %get3A_14 = arith.constant 1 : index
    %get3A_15 = arith.constant 0 : index
    %get3A_16 = arith.constant 0 : index
    %get3A_17 = vector.load %arg2[%get3A_14, %get3A_15, %get3A_16] : memref<2x512x64xf32, #tpu.memory_space<vmem>>, vector<1x512x64xf32>
    %get3A_18 = vector.shape_cast %get3A_17 : vector<1x512x64xf32> to vector<512x64xf32>
    %concatenate3A_19 = tpu.concatenate %get3A_13, %get3A_18 in 1 : vector<512x64xf32>, vector<512x64xf32> -> vector<512x128xf32>
    %get3A_20 = arith.constant 0 : index
    %get3A_21 = arith.constant 0 : index
    %get3A_22 = vector.load %arg3[%get3A_20, %get3A_21] : memref<128x128xf32, #tpu.memory_space<vmem>>, vector<128x128xf32>
    %dot_general3A = arith.constant dense<0.000000e+00> : vector<512x128xf32>
    %dot_general3A_23 = tpu.matmul %concatenate3A, %get3A_22, %dot_general3A {dimension_numbers = #tpu.dot_dimension_numbers<[1], [0], [0], [1], [0, 0, 1, 1], [], []>, transpose_lhs_hint = false} : vector<512x128xf32>, vector<128x128xf32>, vector<512x128xf32> -> vector<512x128xf32>
    %get3A_24 = arith.constant 0 : index
    %get3A_25 = arith.constant 0 : index
    %get3A_26 = vector.load %arg4[%get3A_24, %get3A_25] : memref<1x128xf32, #tpu.memory_space<vmem>>, vector<1x128xf32>
    %add3A = vector.broadcast %get3A_26 : vector<1x128xf32> to vector<512x128xf32>
    %add3A_27 = arith.addf %dot_general3A_23, %add3A : vector<512x128xf32>
    %add3A_28 = arith.addf %add3A_27, %concatenate3A_19 : vector<512x128xf32>
    %get3A_29 = arith.constant 0 : index
    %get3A_30 = arith.constant 0 : index
    %get3A_31 = vector.load %arg5[%get3A_29, %get3A_30] : memref<1x128xf32, #tpu.memory_space<vmem>>, vector<1x128xf32>
    %get3A_32 = arith.constant 0 : index
    %get3A_33 = arith.constant 0 : index
    %get3A_34 = vector.load %arg6[%get3A_32, %get3A_33] : memref<1x128xf32, #tpu.memory_space<vmem>>, vector<1x128xf32>
    %reduce_sum3A = arith.constant dense<0.000000e+00> : vector<512xf32>
    %reduce_sum3A_35 = vector.multi_reduction <add>, %add3A_28, %reduce_sum3A [1] : vector<512x128xf32> to vector<512xf32>
    %broadcast_in_dim3A = vector.shape_cast %reduce_sum3A_35 : vector<512xf32> to vector<512x1xf32>
    %div3A = arith.constant 1.280000e+02 : f32
    %div3A_36 = vector.broadcast %div3A : f32 to vector<512x1xf32>
    %div3A_37 = arith.divf %broadcast_in_dim3A, %div3A_36 : vector<512x1xf32>
    %sub3A = vector.broadcast %div3A_37 : vector<512x1xf32> to vector<512x128xf32>
    %sub3A_38 = arith.subf %add3A_28, %sub3A : vector<512x128xf32>
    %mul3A = arith.mulf %sub3A_38, %sub3A_38 : vector<512x128xf32>
    %reduce_sum3A_39 = arith.constant dense<0.000000e+00> : vector<512xf32>
    %reduce_sum3A_40 = vector.multi_reduction <add>, %mul3A, %reduce_sum3A_39 [1] : vector<512x128xf32> to vector<512xf32>
    %broadcast_in_dim3A_41 = vector.shape_cast %reduce_sum3A_40 : vector<512xf32> to vector<512x1xf32>
    %div3A_42 = arith.constant 1.280000e+02 : f32
    %div3A_43 = vector.broadcast %div3A_42 : f32 to vector<512x1xf32>
    %div3A_44 = arith.divf %broadcast_in_dim3A_41, %div3A_43 : vector<512x1xf32>
    %add3A_45 = arith.constant 9.99999974E-6 : f32
    %add3A_46 = vector.broadcast %add3A_45 : f32 to vector<512x1xf32>
    %add3A_47 = arith.addf %div3A_44, %add3A_46 : vector<512x1xf32>
    %rsqrt3A = math.rsqrt %add3A_47 : vector<512x1xf32>
    %mul3A_48 = vector.broadcast %rsqrt3A : vector<512x1xf32> to vector<512x128xf32>
    %mul3A_49 = arith.mulf %sub3A_38, %mul3A_48 : vector<512x128xf32>
    %mul3A_50 = vector.broadcast %get3A_31 : vector<1x128xf32> to vector<512x128xf32>
    %mul3A_51 = arith.mulf %mul3A_49, %mul3A_50 : vector<512x128xf32>
    %add3A_52 = vector.broadcast %get3A_34 : vector<1x128xf32> to vector<512x128xf32>
    %add3A_53 = arith.addf %mul3A_51, %add3A_52 : vector<512x128xf32>
    %max3A = arith.constant 0.000000e+00 : f32
    %max3A_54 = vector.broadcast %max3A : f32 to vector<512x128xf32>
    %max3A_55 = arith.maximumf %add3A_53, %max3A_54 : vector<512x128xf32>
    %add3A_56 = arith.addf %concatenate3A, %max3A_55 : vector<512x128xf32>
    %slice3A = vector.extract_strided_slice %add3A_56 {offsets = [0, 0], sizes = [512, 64], strides = [1, 1]} : vector<512x128xf32> to vector<512x64xf32>
    %swap3A = arith.constant 0 : index
    %swap3A_57 = arith.constant 0 : index
    %swap3A_58 = arith.constant 0 : index
    %swap3A_59 = vector.load %arg7[%swap3A, %swap3A_57, %swap3A_58] : memref<2x512x64xf32, #tpu.memory_space<vmem>>, vector<1x512x64xf32>
    %swap3A_60 = vector.shape_cast %swap3A_59 : vector<1x512x64xf32> to vector<512x64xf32>
    %swap3A_61 = vector.shape_cast %slice3A : vector<512x64xf32> to vector<1x512x64xf32>
    tpu.vector_store %arg7[%swap3A, %swap3A_57, %swap3A_58], %swap3A_61 {strides = array<i32>} : memref<2x512x64xf32, #tpu.memory_space<vmem>>, vector<1x512x64xf32>,
    %slice3A_62 = vector.extract_strided_slice %add3A_56 {offsets = [0, 64], sizes = [512, 64], strides = [1, 1]} : vector<512x128xf32> to vector<512x64xf32>
    %swap3A_63 = arith.constant 1 : index
    %swap3A_64 = arith.constant 0 : index
    %swap3A_65 = arith.constant 0 : index
    %swap3A_66 = vector.load %arg7[%swap3A_63, %swap3A_64, %swap3A_65] : memref<2x512x64xf32, #tpu.memory_space<vmem>>, vector<1x512x64xf32>
    %swap3A_67 = vector.shape_cast %swap3A_66 : vector<1x512x64xf32> to vector<512x64xf32>
    %swap3A_68 = vector.shape_cast %slice3A_62 : vector<512x64xf32> to vector<1x512x64xf32>
    tpu.vector_store %arg7[%swap3A_63, %swap3A_64, %swap3A_65], %swap3A_68 {strides = array<i32>} : memref<2x512x64xf32, #tpu.memory_space<vmem>>, vector<1x512x64xf32>,
    return
  }
  func.func @transform_0(%arg0: i32) -> (i32, i32, i32) {
    %c0_i32 = arith.constant 0 : i32
    %c0_i32_0 = arith.constant 0 : i32
    %c0_i32_1 = arith.constant 0 : i32
    return %c0_i32, %arg0, %c0_i32_0 : i32, i32, i32
  }
  func.func @transform_1(%arg0: i32) -> (i32, i32, i32) {
    %c0_i32 = arith.constant 0 : i32
    %c0_i32_0 = arith.constant 0 : i32
    %c0_i32_1 = arith.constant 0 : i32
    return %c0_i32, %arg0, %c0_i32_0 : i32, i32, i32
  }
  func.func @transform_2(%arg0: i32) -> (i32, i32) {
    %c0_i32 = arith.constant 0 : i32
    %c0_i32_0 = arith.constant 0 : i32
    %c0_i32_1 = arith.constant 0 : i32
    return %c0_i32, %c0_i32_0 : i32, i32
  }
  func.func @transform_3(%arg0: i32) -> (i32, i32) {
    %c0_i32 = arith.constant 0 : i32
    %c0_i32_0 = arith.constant 0 : i32
    %c0_i32_1 = arith.constant 0 : i32
    return %c0_i32, %c0_i32_0 : i32, i32
  }
  func.func @transform_4(%arg0: i32) -> (i32, i32) {
    %c0_i32 = arith.constant 0 : i32
    %c0_i32_0 = arith.constant 0 : i32
    %c0_i32_1 = arith.constant 0 : i32
    return %c0_i32, %c0_i32_0 : i32, i32
  }
  func.func @transform_5(%arg0: i32) -> (i32, i32) {
    %c0_i32 = arith.constant 0 : i32
    %c0_i32_0 = arith.constant 0 : i32
    %c0_i32_1 = arith.constant 0 : i32
    return %c0_i32, %c0_i32_0 : i32, i32
  }
  func.func @transform_6(%arg0: i32) -> (i32, i32, i32) {
    %c0_i32 = arith.constant 0 : i32
    %c0_i32_0 = arith.constant 0 : i32
    %c0_i32_1 = arith.constant 0 : i32
    return %c0_i32, %arg0, %c0_i32_0 : i32, i32, i32
  }
}

module attributes {stable_mosaic.version = 14 : i64} {
  func.func @_node_up_body(%arg0: i32, %arg1: memref<512x128xf32, #tpu.memory_space<vmem>>, %arg2: memref<512x128xf32, #tpu.memory_space<vmem>>, %arg3: memref<512x128xf32, #tpu.memory_space<vmem>>, %arg4: memref<512x128xf32, #tpu.memory_space<vmem>>, %arg5: memref<1x128xf32, #tpu.memory_space<vmem>>, %arg6: memref<1x128xf32, #tpu.memory_space<vmem>>, %arg7: memref<512x128xf32, #tpu.memory_space<vmem>>) attributes {dimension_semantics = [#tpu.dimension_semantics<arbitrary>], iteration_bounds = array<i64: 20>, scalar_prefetch = 0 : i64, scratch_operands = 0 : i64, tpu.core_type = #tpu.core_type<tc>, window_params = [{transform_indices = @transform_0, window_bounds = array<i64: 512, 128>}, {transform_indices = @transform_1, window_bounds = array<i64: 512, 128>}, {transform_indices = @transform_2, window_bounds = array<i64: 512, 128>}, {transform_indices = @transform_3, window_bounds = array<i64: 512, 128>}, {pipeline_mode = #tpu.pipeline_mode<synchronous>, transform_indices = @transform_4, window_bounds = array<i64: 1, 128>}, {pipeline_mode = #tpu.pipeline_mode<synchronous>, transform_indices = @transform_5, window_bounds = array<i64: 1, 128>}, {transform_indices = @transform_6, window_bounds = array<i64: 512, 128>}]} {
    %get3A = arith.constant 0 : index
    %get3A_0 = arith.constant 0 : index
    %get3A_1 = vector.load %arg1[%get3A, %get3A_0] : memref<512x128xf32, #tpu.memory_space<vmem>>, vector<512x128xf32>
    %get3A_2 = arith.constant 0 : index
    %get3A_3 = arith.constant 0 : index
    %get3A_4 = vector.load %arg2[%get3A_2, %get3A_3] : memref<512x128xf32, #tpu.memory_space<vmem>>, vector<512x128xf32>
    %slice3A = vector.extract_strided_slice %get3A_1 {offsets = [0, 0], sizes = [512, 64], strides = [1, 1]} : vector<512x128xf32> to vector<512x64xf32>
    %slice3A_5 = vector.extract_strided_slice %get3A_4 {offsets = [0, 0], sizes = [512, 64], strides = [1, 1]} : vector<512x128xf32> to vector<512x64xf32>
    %concatenate3A = tpu.concatenate %slice3A, %slice3A_5 in 1 : vector<512x64xf32>, vector<512x64xf32> -> vector<512x128xf32>
    %slice3A_6 = vector.extract_strided_slice %get3A_1 {offsets = [0, 64], sizes = [512, 64], strides = [1, 1]} : vector<512x128xf32> to vector<512x64xf32>
    %slice3A_7 = vector.extract_strided_slice %get3A_4 {offsets = [0, 64], sizes = [512, 64], strides = [1, 1]} : vector<512x128xf32> to vector<512x64xf32>
    %concatenate3A_8 = tpu.concatenate %slice3A_6, %slice3A_7 in 1 : vector<512x64xf32>, vector<512x64xf32> -> vector<512x128xf32>
    %get3A_9 = arith.constant 0 : index
    %get3A_10 = arith.constant 0 : index
    %get3A_11 = vector.load %arg3[%get3A_9, %get3A_10] : memref<512x128xf32, #tpu.memory_space<vmem>>, vector<512x128xf32>
    %add3A = arith.constant 9.99999997E-7 : f32
    %add3A_12 = vector.broadcast %add3A : f32 to vector<512x128xf32>
    %add3A_13 = arith.addf %concatenate3A_8, %add3A_12 : vector<512x128xf32>
    %div3A = arith.divf %concatenate3A, %add3A_13 : vector<512x128xf32>
    %add3A_14 = arith.addf %get3A_11, %div3A : vector<512x128xf32>
    %get3A_15 = arith.constant 0 : index
    %get3A_16 = arith.constant 0 : index
    %get3A_17 = vector.load %arg4[%get3A_15, %get3A_16] : memref<512x128xf32, #tpu.memory_space<vmem>>, vector<512x128xf32>
    %get3A_18 = arith.constant 0 : index
    %get3A_19 = arith.constant 0 : index
    %get3A_20 = vector.load %arg5[%get3A_18, %get3A_19] : memref<1x128xf32, #tpu.memory_space<vmem>>, vector<1x128xf32>
    %get3A_21 = arith.constant 0 : index
    %get3A_22 = arith.constant 0 : index
    %get3A_23 = vector.load %arg6[%get3A_21, %get3A_22] : memref<1x128xf32, #tpu.memory_space<vmem>>, vector<1x128xf32>
    %reduce_sum3A = arith.constant dense<0.000000e+00> : vector<512xf32>
    %reduce_sum3A_24 = vector.multi_reduction <add>, %add3A_14, %reduce_sum3A [1] : vector<512x128xf32> to vector<512xf32>
    %broadcast_in_dim3A = vector.shape_cast %reduce_sum3A_24 : vector<512xf32> to vector<512x1xf32>
    %div3A_25 = arith.constant 1.280000e+02 : f32
    %div3A_26 = vector.broadcast %div3A_25 : f32 to vector<512x1xf32>
    %div3A_27 = arith.divf %broadcast_in_dim3A, %div3A_26 : vector<512x1xf32>
    %sub3A = vector.broadcast %div3A_27 : vector<512x1xf32> to vector<512x128xf32>
    %sub3A_28 = arith.subf %add3A_14, %sub3A : vector<512x128xf32>
    %mul3A = arith.mulf %sub3A_28, %sub3A_28 : vector<512x128xf32>
    %reduce_sum3A_29 = arith.constant dense<0.000000e+00> : vector<512xf32>
    %reduce_sum3A_30 = vector.multi_reduction <add>, %mul3A, %reduce_sum3A_29 [1] : vector<512x128xf32> to vector<512xf32>
    %broadcast_in_dim3A_31 = vector.shape_cast %reduce_sum3A_30 : vector<512xf32> to vector<512x1xf32>
    %div3A_32 = arith.constant 1.280000e+02 : f32
    %div3A_33 = vector.broadcast %div3A_32 : f32 to vector<512x1xf32>
    %div3A_34 = arith.divf %broadcast_in_dim3A_31, %div3A_33 : vector<512x1xf32>
    %add3A_35 = arith.constant 9.99999974E-6 : f32
    %add3A_36 = vector.broadcast %add3A_35 : f32 to vector<512x1xf32>
    %add3A_37 = arith.addf %div3A_34, %add3A_36 : vector<512x1xf32>
    %rsqrt3A = math.rsqrt %add3A_37 : vector<512x1xf32>
    %mul3A_38 = vector.broadcast %rsqrt3A : vector<512x1xf32> to vector<512x128xf32>
    %mul3A_39 = arith.mulf %sub3A_28, %mul3A_38 : vector<512x128xf32>
    %mul3A_40 = vector.broadcast %get3A_20 : vector<1x128xf32> to vector<512x128xf32>
    %mul3A_41 = arith.mulf %mul3A_39, %mul3A_40 : vector<512x128xf32>
    %add3A_42 = vector.broadcast %get3A_23 : vector<1x128xf32> to vector<512x128xf32>
    %add3A_43 = arith.addf %mul3A_41, %add3A_42 : vector<512x128xf32>
    %max3A = arith.constant 0.000000e+00 : f32
    %max3A_44 = vector.broadcast %max3A : f32 to vector<512x128xf32>
    %max3A_45 = arith.maximumf %add3A_43, %max3A_44 : vector<512x128xf32>
    %add3A_46 = arith.addf %get3A_17, %max3A_45 : vector<512x128xf32>
    %swap3A = arith.constant 0 : index
    %swap3A_47 = arith.constant 0 : index
    %swap3A_48 = vector.load %arg7[%swap3A, %swap3A_47] : memref<512x128xf32, #tpu.memory_space<vmem>>, vector<512x128xf32>
    tpu.vector_store %arg7[%swap3A, %swap3A_47], %add3A_46 {strides = array<i32>} : memref<512x128xf32, #tpu.memory_space<vmem>>, vector<512x128xf32>,
    return
  }
  func.func @transform_0(%arg0: i32) -> (i32, i32) {
    %c0_i32 = arith.constant 0 : i32
    %c0_i32_0 = arith.constant 0 : i32
    return %arg0, %c0_i32 : i32, i32
  }
  func.func @transform_1(%arg0: i32) -> (i32, i32) {
    %c0_i32 = arith.constant 0 : i32
    %c0_i32_0 = arith.constant 0 : i32
    return %arg0, %c0_i32 : i32, i32
  }
  func.func @transform_2(%arg0: i32) -> (i32, i32) {
    %c0_i32 = arith.constant 0 : i32
    %c0_i32_0 = arith.constant 0 : i32
    return %arg0, %c0_i32 : i32, i32
  }
  func.func @transform_3(%arg0: i32) -> (i32, i32) {
    %c0_i32 = arith.constant 0 : i32
    %c0_i32_0 = arith.constant 0 : i32
    return %arg0, %c0_i32 : i32, i32
  }
  func.func @transform_4(%arg0: i32) -> (i32, i32) {
    %c0_i32 = arith.constant 0 : i32
    %c0_i32_0 = arith.constant 0 : i32
    %c0_i32_1 = arith.constant 0 : i32
    return %c0_i32, %c0_i32_0 : i32, i32
  }
  func.func @transform_5(%arg0: i32) -> (i32, i32) {
    %c0_i32 = arith.constant 0 : i32
    %c0_i32_0 = arith.constant 0 : i32
    %c0_i32_1 = arith.constant 0 : i32
    return %c0_i32, %c0_i32_0 : i32, i32
  }
  func.func @transform_6(%arg0: i32) -> (i32, i32) {
    %c0_i32 = arith.constant 0 : i32
    %c0_i32_0 = arith.constant 0 : i32
    return %arg0, %c0_i32 : i32, i32
  }
}

module attributes {stable_mosaic.version = 14 : i64} {
  func.func @_node_tf_body(%arg0: i32, %arg1: memref<512x128xf32, #tpu.memory_space<vmem>>, %arg2: memref<128x512xf32, #tpu.memory_space<vmem>>, %arg3: memref<1x512xf32, #tpu.memory_space<vmem>>, %arg4: memref<512x128xf32, #tpu.memory_space<vmem>>, %arg5: memref<512x128xf32, #tpu.memory_space<vmem>>, %arg6: memref<512x128xf32, #tpu.memory_space<vmem>>, %arg7: memref<512x128xf32, #tpu.memory_space<vmem>>) attributes {dimension_semantics = [#tpu.dimension_semantics<arbitrary>], iteration_bounds = array<i64: 20>, scalar_prefetch = 0 : i64, scratch_operands = 0 : i64, tpu.core_type = #tpu.core_type<tc>, window_params = [{transform_indices = @transform_0, window_bounds = array<i64: 512, 128>}, {pipeline_mode = #tpu.pipeline_mode<synchronous>, transform_indices = @transform_1, window_bounds = array<i64: 128, 512>}, {pipeline_mode = #tpu.pipeline_mode<synchronous>, transform_indices = @transform_2, window_bounds = array<i64: 1, 512>}, {transform_indices = @transform_3, window_bounds = array<i64: 512, 128>}, {transform_indices = @transform_4, window_bounds = array<i64: 512, 128>}, {transform_indices = @transform_5, window_bounds = array<i64: 512, 128>}, {transform_indices = @transform_6, window_bounds = array<i64: 512, 128>}]} {
    %get3A = arith.constant 0 : index
    %get3A_0 = arith.constant 0 : index
    %get3A_1 = vector.load %arg1[%get3A, %get3A_0] : memref<512x128xf32, #tpu.memory_space<vmem>>, vector<512x128xf32>
    %get3A_2 = arith.constant 0 : index
    %get3A_3 = arith.constant 0 : index
    %get3A_4 = vector.load %arg2[%get3A_2, %get3A_3] : memref<128x512xf32, #tpu.memory_space<vmem>>, vector<128x512xf32>
    %dot_general3A = arith.constant dense<0.000000e+00> : vector<512x512xf32>
    %dot_general3A_5 = tpu.matmul %get3A_1, %get3A_4, %dot_general3A {dimension_numbers = #tpu.dot_dimension_numbers<[1], [0], [0], [1], [0, 0, 1, 1], [], []>, transpose_lhs_hint = false} : vector<512x128xf32>, vector<128x512xf32>, vector<512x512xf32> -> vector<512x512xf32>
    %get3A_6 = arith.constant 0 : index
    %get3A_7 = arith.constant 0 : index
    %get3A_8 = vector.load %arg3[%get3A_6, %get3A_7] : memref<1x512xf32, #tpu.memory_space<vmem>>, vector<1x512xf32>
    %add3A = vector.broadcast %get3A_8 : vector<1x512xf32> to vector<512x512xf32>
    %add3A_9 = arith.addf %dot_general3A_5, %add3A : vector<512x512xf32>
    %slice3A = vector.extract_strided_slice %add3A_9 {offsets = [0, 128], sizes = [512, 128], strides = [1, 1]} : vector<512x512xf32> to vector<512x128xf32>
    %slice3A_10 = vector.extract_strided_slice %add3A_9 {offsets = [0, 256], sizes = [512, 128], strides = [1, 1]} : vector<512x512xf32> to vector<512x128xf32>
    %slice3A_11 = vector.extract_strided_slice %add3A_9 {offsets = [0, 384], sizes = [512, 128], strides = [1, 1]} : vector<512x512xf32> to vector<512x128xf32>
    %slice3A_12 = vector.extract_strided_slice %add3A_9 {offsets = [0, 0], sizes = [512, 128], strides = [1, 1]} : vector<512x512xf32> to vector<512x128xf32>
    %swap3A = arith.constant 0 : index
    %swap3A_13 = arith.constant 0 : index
    %swap3A_14 = vector.load %arg4[%swap3A, %swap3A_13] : memref<512x128xf32, #tpu.memory_space<vmem>>, vector<512x128xf32>
    tpu.vector_store %arg4[%swap3A, %swap3A_13], %slice3A_12 {strides = array<i32>} : memref<512x128xf32, #tpu.memory_space<vmem>>, vector<512x128xf32>,
    %slice3A_15 = vector.extract_strided_slice %slice3A {offsets = [0, 0], sizes = [512, 64], strides = [1, 1]} : vector<512x128xf32> to vector<512x64xf32>
    %slice3A_16 = vector.extract_strided_slice %slice3A_10 {offsets = [0, 0], sizes = [512, 64], strides = [1, 1]} : vector<512x128xf32> to vector<512x64xf32>
    %concatenate3A = tpu.concatenate %slice3A_15, %slice3A_16 in 1 : vector<512x64xf32>, vector<512x64xf32> -> vector<512x128xf32>
    %swap3A_17 = arith.constant 0 : index
    %swap3A_18 = arith.constant 0 : index
    %swap3A_19 = vector.load %arg5[%swap3A_17, %swap3A_18] : memref<512x128xf32, #tpu.memory_space<vmem>>, vector<512x128xf32>
    tpu.vector_store %arg5[%swap3A_17, %swap3A_18], %concatenate3A {strides = array<i32>} : memref<512x128xf32, #tpu.memory_space<vmem>>, vector<512x128xf32>,
    %slice3A_20 = vector.extract_strided_slice %slice3A {offsets = [0, 64], sizes = [512, 64], strides = [1, 1]} : vector<512x128xf32> to vector<512x64xf32>
    %slice3A_21 = vector.extract_strided_slice %slice3A_10 {offsets = [0, 64], sizes = [512, 64], strides = [1, 1]} : vector<512x128xf32> to vector<512x64xf32>
    %concatenate3A_22 = tpu.concatenate %slice3A_20, %slice3A_21 in 1 : vector<512x64xf32>, vector<512x64xf32> -> vector<512x128xf32>
    %swap3A_23 = arith.constant 0 : index
    %swap3A_24 = arith.constant 0 : index
    %swap3A_25 = vector.load %arg6[%swap3A_23, %swap3A_24] : memref<512x128xf32, #tpu.memory_space<vmem>>, vector<512x128xf32>
    tpu.vector_store %arg6[%swap3A_23, %swap3A_24], %concatenate3A_22 {strides = array<i32>} : memref<512x128xf32, #tpu.memory_space<vmem>>, vector<512x128xf32>,
    %swap3A_26 = arith.constant 0 : index
    %swap3A_27 = arith.constant 0 : index
    %swap3A_28 = vector.load %arg7[%swap3A_26, %swap3A_27] : memref<512x128xf32, #tpu.memory_space<vmem>>, vector<512x128xf32>
    tpu.vector_store %arg7[%swap3A_26, %swap3A_27], %slice3A_11 {strides = array<i32>} : memref<512x128xf32, #tpu.memory_space<vmem>>, vector<512x128xf32>,
    return
  }
  func.func @transform_0(%arg0: i32) -> (i32, i32) {
    %c0_i32 = arith.constant 0 : i32
    %c0_i32_0 = arith.constant 0 : i32
    return %arg0, %c0_i32 : i32, i32
  }
  func.func @transform_1(%arg0: i32) -> (i32, i32) {
    %c0_i32 = arith.constant 0 : i32
    %c0_i32_0 = arith.constant 0 : i32
    %c0_i32_1 = arith.constant 0 : i32
    return %c0_i32, %c0_i32_0 : i32, i32
  }
  func.func @transform_2(%arg0: i32) -> (i32, i32) {
    %c0_i32 = arith.constant 0 : i32
    %c0_i32_0 = arith.constant 0 : i32
    %c0_i32_1 = arith.constant 0 : i32
    return %c0_i32, %c0_i32_0 : i32, i32
  }
  func.func @transform_3(%arg0: i32) -> (i32, i32) {
    %c0_i32 = arith.constant 0 : i32
    %c0_i32_0 = arith.constant 0 : i32
    return %arg0, %c0_i32 : i32, i32
  }
  func.func @transform_4(%arg0: i32) -> (i32, i32) {
    %c0_i32 = arith.constant 0 : i32
    %c0_i32_0 = arith.constant 0 : i32
    return %arg0, %c0_i32 : i32, i32
  }
  func.func @transform_5(%arg0: i32) -> (i32, i32) {
    %c0_i32 = arith.constant 0 : i32
    %c0_i32_0 = arith.constant 0 : i32
    return %arg0, %c0_i32 : i32, i32
  }
  func.func @transform_6(%arg0: i32) -> (i32, i32) {
    %c0_i32 = arith.constant 0 : i32
    %c0_i32_0 = arith.constant 0 : i32
    return %arg0, %c0_i32 : i32, i32
  }
}

module attributes {stable_mosaic.version = 14 : i64} {
  func.func @_node_tf_body(%arg0: i32, %arg1: memref<512x128xf32, #tpu.memory_space<vmem>>, %arg2: memref<128x512xf32, #tpu.memory_space<vmem>>, %arg3: memref<1x512xf32, #tpu.memory_space<vmem>>, %arg4: memref<512x128xf32, #tpu.memory_space<vmem>>, %arg5: memref<512x128xf32, #tpu.memory_space<vmem>>, %arg6: memref<512x128xf32, #tpu.memory_space<vmem>>, %arg7: memref<512x128xf32, #tpu.memory_space<vmem>>) attributes {dimension_semantics = [#tpu.dimension_semantics<arbitrary>], iteration_bounds = array<i64: 20>, scalar_prefetch = 0 : i64, scratch_operands = 0 : i64, tpu.core_type = #tpu.core_type<tc>, window_params = [{transform_indices = @transform_0, window_bounds = array<i64: 512, 128>}, {pipeline_mode = #tpu.pipeline_mode<synchronous>, transform_indices = @transform_1, window_bounds = array<i64: 128, 512>}, {pipeline_mode = #tpu.pipeline_mode<synchronous>, transform_indices = @transform_2, window_bounds = array<i64: 1, 512>}, {transform_indices = @transform_3, window_bounds = array<i64: 512, 128>}, {transform_indices = @transform_4, window_bounds = array<i64: 512, 128>}, {transform_indices = @transform_5, window_bounds = array<i64: 512, 128>}, {transform_indices = @transform_6, window_bounds = array<i64: 512, 128>}]} {
    %get3A = arith.constant 0 : index
    %get3A_0 = arith.constant 0 : index
    %get3A_1 = vector.load %arg1[%get3A, %get3A_0] : memref<512x128xf32, #tpu.memory_space<vmem>>, vector<512x128xf32>
    %get3A_2 = arith.constant 0 : index
    %get3A_3 = arith.constant 0 : index
    %get3A_4 = vector.load %arg2[%get3A_2, %get3A_3] : memref<128x512xf32, #tpu.memory_space<vmem>>, vector<128x512xf32>
    %dot_general3A = arith.constant dense<0.000000e+00> : vector<512x512xf32>
    %dot_general3A_5 = tpu.matmul %get3A_1, %get3A_4, %dot_general3A {dimension_numbers = #tpu.dot_dimension_numbers<[1], [0], [0], [1], [0, 0, 1, 1], [], []>, transpose_lhs_hint = false} : vector<512x128xf32>, vector<128x512xf32>, vector<512x512xf32> -> vector<512x512xf32>
    %get3A_6 = arith.constant 0 : index
    %get3A_7 = arith.constant 0 : index
    %get3A_8 = vector.load %arg3[%get3A_6, %get3A_7] : memref<1x512xf32, #tpu.memory_space<vmem>>, vector<1x512xf32>
    %add3A = vector.broadcast %get3A_8 : vector<1x512xf32> to vector<512x512xf32>
    %add3A_9 = arith.addf %dot_general3A_5, %add3A : vector<512x512xf32>
    %slice3A = vector.extract_strided_slice %add3A_9 {offsets = [0, 128], sizes = [512, 128], strides = [1, 1]} : vector<512x512xf32> to vector<512x128xf32>
    %slice3A_10 = vector.extract_strided_slice %add3A_9 {offsets = [0, 256], sizes = [512, 128], strides = [1, 1]} : vector<512x512xf32> to vector<512x128xf32>
    %slice3A_11 = vector.extract_strided_slice %add3A_9 {offsets = [0, 384], sizes = [512, 128], strides = [1, 1]} : vector<512x512xf32> to vector<512x128xf32>
    %slice3A_12 = vector.extract_strided_slice %add3A_9 {offsets = [0, 0], sizes = [512, 128], strides = [1, 1]} : vector<512x512xf32> to vector<512x128xf32>
    %swap3A = arith.constant 0 : index
    %swap3A_13 = arith.constant 0 : index
    %swap3A_14 = vector.load %arg4[%swap3A, %swap3A_13] : memref<512x128xf32, #tpu.memory_space<vmem>>, vector<512x128xf32>
    tpu.vector_store %arg4[%swap3A, %swap3A_13], %slice3A_12 {strides = array<i32>} : memref<512x128xf32, #tpu.memory_space<vmem>>, vector<512x128xf32>,
    %slice3A_15 = vector.extract_strided_slice %slice3A {offsets = [0, 0], sizes = [512, 64], strides = [1, 1]} : vector<512x128xf32> to vector<512x64xf32>
    %slice3A_16 = vector.extract_strided_slice %slice3A_10 {offsets = [0, 0], sizes = [512, 64], strides = [1, 1]} : vector<512x128xf32> to vector<512x64xf32>
    %concatenate3A = tpu.concatenate %slice3A_15, %slice3A_16 in 1 : vector<512x64xf32>, vector<512x64xf32> -> vector<512x128xf32>
    %swap3A_17 = arith.constant 0 : index
    %swap3A_18 = arith.constant 0 : index
    %swap3A_19 = vector.load %arg5[%swap3A_17, %swap3A_18] : memref<512x128xf32, #tpu.memory_space<vmem>>, vector<512x128xf32>
    tpu.vector_store %arg5[%swap3A_17, %swap3A_18], %concatenate3A {strides = array<i32>} : memref<512x128xf32, #tpu.memory_space<vmem>>, vector<512x128xf32>,
    %slice3A_20 = vector.extract_strided_slice %slice3A {offsets = [0, 64], sizes = [512, 64], strides = [1, 1]} : vector<512x128xf32> to vector<512x64xf32>
    %slice3A_21 = vector.extract_strided_slice %slice3A_10 {offsets = [0, 64], sizes = [512, 64], strides = [1, 1]} : vector<512x128xf32> to vector<512x64xf32>
    %concatenate3A_22 = tpu.concatenate %slice3A_20, %slice3A_21 in 1 : vector<512x64xf32>, vector<512x64xf32> -> vector<512x128xf32>
    %swap3A_23 = arith.constant 0 : index
    %swap3A_24 = arith.constant 0 : index
    %swap3A_25 = vector.load %arg6[%swap3A_23, %swap3A_24] : memref<512x128xf32, #tpu.memory_space<vmem>>, vector<512x128xf32>
    tpu.vector_store %arg6[%swap3A_23, %swap3A_24], %concatenate3A_22 {strides = array<i32>} : memref<512x128xf32, #tpu.memory_space<vmem>>, vector<512x128xf32>,
    %swap3A_26 = arith.constant 0 : index
    %swap3A_27 = arith.constant 0 : index
    %swap3A_28 = vector.load %arg7[%swap3A_26, %swap3A_27] : memref<512x128xf32, #tpu.memory_space<vmem>>, vector<512x128xf32>
    tpu.vector_store %arg7[%swap3A_26, %swap3A_27], %slice3A_11 {strides = array<i32>} : memref<512x128xf32, #tpu.memory_space<vmem>>, vector<512x128xf32>,
    return
  }
  func.func @transform_0(%arg0: i32) -> (i32, i32) {
    %c0_i32 = arith.constant 0 : i32
    %c0_i32_0 = arith.constant 0 : i32
    return %arg0, %c0_i32 : i32, i32
  }
  func.func @transform_1(%arg0: i32) -> (i32, i32) {
    %c0_i32 = arith.constant 0 : i32
    %c0_i32_0 = arith.constant 0 : i32
    %c0_i32_1 = arith.constant 0 : i32
    return %c0_i32, %c0_i32_0 : i32, i32
  }
  func.func @transform_2(%arg0: i32) -> (i32, i32) {
    %c0_i32 = arith.constant 0 : i32
    %c0_i32_0 = arith.constant 0 : i32
    %c0_i32_1 = arith.constant 0 : i32
    return %c0_i32, %c0_i32_0 : i32, i32
  }
  func.func @transform_3(%arg0: i32) -> (i32, i32) {
    %c0_i32 = arith.constant 0 : i32
    %c0_i32_0 = arith.constant 0 : i32
    return %arg0, %c0_i32 : i32, i32
  }
  func.func @transform_4(%arg0: i32) -> (i32, i32) {
    %c0_i32 = arith.constant 0 : i32
    %c0_i32_0 = arith.constant 0 : i32
    return %arg0, %c0_i32 : i32, i32
  }
  func.func @transform_5(%arg0: i32) -> (i32, i32) {
    %c0_i32 = arith.constant 0 : i32
    %c0_i32_0 = arith.constant 0 : i32
    return %arg0, %c0_i32 : i32, i32
  }
  func.func @transform_6(%arg0: i32) -> (i32, i32) {
    %c0_i32 = arith.constant 0 : i32
    %c0_i32_0 = arith.constant 0 : i32
    return %arg0, %c0_i32 : i32, i32
  }
}

module attributes {stable_mosaic.version = 14 : i64} {
  func.func @_edge_final_body(%arg0: i32, %arg1: memref<2x512x64xf32, #tpu.memory_space<vmem>>, %arg2: memref<2x512x64xf32, #tpu.memory_space<vmem>>, %arg3: memref<128x128xf32, #tpu.memory_space<vmem>>, %arg4: memref<1x128xf32, #tpu.memory_space<vmem>>, %arg5: memref<1x128xf32, #tpu.memory_space<vmem>>, %arg6: memref<1x128xf32, #tpu.memory_space<vmem>>, %arg7: memref<128x128xf32, #tpu.memory_space<vmem>>, %arg8: memref<1x128xf32, #tpu.memory_space<vmem>>, %arg9: memref<1x128xf32, #tpu.memory_space<vmem>>, %arg10: memref<1x1xf32, #tpu.memory_space<vmem>>, %arg11: memref<512x1xf32, #tpu.memory_space<vmem>>) attributes {dimension_semantics = [#tpu.dimension_semantics<arbitrary>], iteration_bounds = array<i64: 625>, scalar_prefetch = 0 : i64, scratch_operands = 0 : i64, tpu.core_type = #tpu.core_type<tc>, window_params = [{transform_indices = @transform_0, window_bounds = array<i64: 2, 512, 64>}, {transform_indices = @transform_1, window_bounds = array<i64: 2, 512, 64>}, {pipeline_mode = #tpu.pipeline_mode<synchronous>, transform_indices = @transform_2, window_bounds = array<i64: 128, 128>}, {pipeline_mode = #tpu.pipeline_mode<synchronous>, transform_indices = @transform_3, window_bounds = array<i64: 1, 128>}, {pipeline_mode = #tpu.pipeline_mode<synchronous>, transform_indices = @transform_4, window_bounds = array<i64: 1, 128>}, {pipeline_mode = #tpu.pipeline_mode<synchronous>, transform_indices = @transform_5, window_bounds = array<i64: 1, 128>}, {pipeline_mode = #tpu.pipeline_mode<synchronous>, transform_indices = @transform_6, window_bounds = array<i64: 128, 128>}, {pipeline_mode = #tpu.pipeline_mode<synchronous>, transform_indices = @transform_7, window_bounds = array<i64: 1, 128>}, {pipeline_mode = #tpu.pipeline_mode<synchronous>, transform_indices = @transform_8, window_bounds = array<i64: 1, 128>}, {pipeline_mode = #tpu.pipeline_mode<synchronous>, transform_indices = @transform_9, window_bounds = array<i64: 1, 1>}, {transform_indices = @transform_10, window_bounds = array<i64: 512, 1>}]} {
    %get3A = arith.constant 0 : index
    %get3A_0 = arith.constant 0 : index
    %get3A_1 = arith.constant 0 : index
    %get3A_2 = vector.load %arg1[%get3A, %get3A_0, %get3A_1] : memref<2x512x64xf32, #tpu.memory_space<vmem>>, vector<1x512x64xf32>
    %get3A_3 = vector.shape_cast %get3A_2 : vector<1x512x64xf32> to vector<512x64xf32>
    %get3A_4 = arith.constant 1 : index
    %get3A_5 = arith.constant 0 : index
    %get3A_6 = arith.constant 0 : index
    %get3A_7 = vector.load %arg1[%get3A_4, %get3A_5, %get3A_6] : memref<2x512x64xf32, #tpu.memory_space<vmem>>, vector<1x512x64xf32>
    %get3A_8 = vector.shape_cast %get3A_7 : vector<1x512x64xf32> to vector<512x64xf32>
    %concatenate3A = tpu.concatenate %get3A_3, %get3A_8 in 1 : vector<512x64xf32>, vector<512x64xf32> -> vector<512x128xf32>
    %get3A_9 = arith.constant 0 : index
    %get3A_10 = arith.constant 0 : index
    %get3A_11 = arith.constant 0 : index
    %get3A_12 = vector.load %arg2[%get3A_9, %get3A_10, %get3A_11] : memref<2x512x64xf32, #tpu.memory_space<vmem>>, vector<1x512x64xf32>
    %get3A_13 = vector.shape_cast %get3A_12 : vector<1x512x64xf32> to vector<512x64xf32>
    %get3A_14 = arith.constant 1 : index
    %get3A_15 = arith.constant 0 : index
    %get3A_16 = arith.constant 0 : index
    %get3A_17 = vector.load %arg2[%get3A_14, %get3A_15, %get3A_16] : memref<2x512x64xf32, #tpu.memory_space<vmem>>, vector<1x512x64xf32>
    %get3A_18 = vector.shape_cast %get3A_17 : vector<1x512x64xf32> to vector<512x64xf32>
    %concatenate3A_19 = tpu.concatenate %get3A_13, %get3A_18 in 1 : vector<512x64xf32>, vector<512x64xf32> -> vector<512x128xf32>
    %get3A_20 = arith.constant 0 : index
    %get3A_21 = arith.constant 0 : index
    %get3A_22 = vector.load %arg3[%get3A_20, %get3A_21] : memref<128x128xf32, #tpu.memory_space<vmem>>, vector<128x128xf32>
    %dot_general3A = arith.constant dense<0.000000e+00> : vector<512x128xf32>
    %dot_general3A_23 = tpu.matmul %concatenate3A, %get3A_22, %dot_general3A {dimension_numbers = #tpu.dot_dimension_numbers<[1], [0], [0], [1], [0, 0, 1, 1], [], []>, transpose_lhs_hint = false} : vector<512x128xf32>, vector<128x128xf32>, vector<512x128xf32> -> vector<512x128xf32>
    %get3A_24 = arith.constant 0 : index
    %get3A_25 = arith.constant 0 : index
    %get3A_26 = vector.load %arg4[%get3A_24, %get3A_25] : memref<1x128xf32, #tpu.memory_space<vmem>>, vector<1x128xf32>
    %add3A = vector.broadcast %get3A_26 : vector<1x128xf32> to vector<512x128xf32>
    %add3A_27 = arith.addf %dot_general3A_23, %add3A : vector<512x128xf32>
    %add3A_28 = arith.addf %add3A_27, %concatenate3A_19 : vector<512x128xf32>
    %get3A_29 = arith.constant 0 : index
    %get3A_30 = arith.constant 0 : index
    %get3A_31 = vector.load %arg5[%get3A_29, %get3A_30] : memref<1x128xf32, #tpu.memory_space<vmem>>, vector<1x128xf32>
    %get3A_32 = arith.constant 0 : index
    %get3A_33 = arith.constant 0 : index
    %get3A_34 = vector.load %arg6[%get3A_32, %get3A_33] : memref<1x128xf32, #tpu.memory_space<vmem>>, vector<1x128xf32>
    %reduce_sum3A = arith.constant dense<0.000000e+00> : vector<512xf32>
    %reduce_sum3A_35 = vector.multi_reduction <add>, %add3A_28, %reduce_sum3A [1] : vector<512x128xf32> to vector<512xf32>
    %broadcast_in_dim3A = vector.shape_cast %reduce_sum3A_35 : vector<512xf32> to vector<512x1xf32>
    %div3A = arith.constant 1.280000e+02 : f32
    %div3A_36 = vector.broadcast %div3A : f32 to vector<512x1xf32>
    %div3A_37 = arith.divf %broadcast_in_dim3A, %div3A_36 : vector<512x1xf32>
    %sub3A = vector.broadcast %div3A_37 : vector<512x1xf32> to vector<512x128xf32>
    %sub3A_38 = arith.subf %add3A_28, %sub3A : vector<512x128xf32>
    %mul3A = arith.mulf %sub3A_38, %sub3A_38 : vector<512x128xf32>
    %reduce_sum3A_39 = arith.constant dense<0.000000e+00> : vector<512xf32>
    %reduce_sum3A_40 = vector.multi_reduction <add>, %mul3A, %reduce_sum3A_39 [1] : vector<512x128xf32> to vector<512xf32>
    %broadcast_in_dim3A_41 = vector.shape_cast %reduce_sum3A_40 : vector<512xf32> to vector<512x1xf32>
    %div3A_42 = arith.constant 1.280000e+02 : f32
    %div3A_43 = vector.broadcast %div3A_42 : f32 to vector<512x1xf32>
    %div3A_44 = arith.divf %broadcast_in_dim3A_41, %div3A_43 : vector<512x1xf32>
    %add3A_45 = arith.constant 9.99999974E-6 : f32
    %add3A_46 = vector.broadcast %add3A_45 : f32 to vector<512x1xf32>
    %add3A_47 = arith.addf %div3A_44, %add3A_46 : vector<512x1xf32>
    %rsqrt3A = math.rsqrt %add3A_47 : vector<512x1xf32>
    %mul3A_48 = vector.broadcast %rsqrt3A : vector<512x1xf32> to vector<512x128xf32>
    %mul3A_49 = arith.mulf %sub3A_38, %mul3A_48 : vector<512x128xf32>
    %mul3A_50 = vector.broadcast %get3A_31 : vector<1x128xf32> to vector<512x128xf32>
    %mul3A_51 = arith.mulf %mul3A_49, %mul3A_50 : vector<512x128xf32>
    %add3A_52 = vector.broadcast %get3A_34 : vector<1x128xf32> to vector<512x128xf32>
    %add3A_53 = arith.addf %mul3A_51, %add3A_52 : vector<512x128xf32>
    %max3A = arith.constant 0.000000e+00 : f32
    %max3A_54 = vector.broadcast %max3A : f32 to vector<512x128xf32>
    %max3A_55 = arith.maximumf %add3A_53, %max3A_54 : vector<512x128xf32>
    %add3A_56 = arith.addf %concatenate3A, %max3A_55 : vector<512x128xf32>
    %get3A_57 = arith.constant 0 : index
    %get3A_58 = arith.constant 0 : index
    %get3A_59 = vector.load %arg7[%get3A_57, %get3A_58] : memref<128x128xf32, #tpu.memory_space<vmem>>, vector<128x128xf32>
    %dot_general3A_60 = arith.constant dense<0.000000e+00> : vector<512x128xf32>
    %dot_general3A_61 = tpu.matmul %add3A_56, %get3A_59, %dot_general3A_60 {dimension_numbers = #tpu.dot_dimension_numbers<[1], [0], [0], [1], [0, 0, 1, 1], [], []>, transpose_lhs_hint = false} : vector<512x128xf32>, vector<128x128xf32>, vector<512x128xf32> -> vector<512x128xf32>
    %get3A_62 = arith.constant 0 : index
    %get3A_63 = arith.constant 0 : index
    %get3A_64 = vector.load %arg8[%get3A_62, %get3A_63] : memref<1x128xf32, #tpu.memory_space<vmem>>, vector<1x128xf32>
    %add3A_65 = vector.broadcast %get3A_64 : vector<1x128xf32> to vector<512x128xf32>
    %add3A_66 = arith.addf %dot_general3A_61, %add3A_65 : vector<512x128xf32>
    %max3A_67 = arith.constant 0.000000e+00 : f32
    %max3A_68 = vector.broadcast %max3A_67 : f32 to vector<512x128xf32>
    %max3A_69 = arith.maximumf %add3A_66, %max3A_68 : vector<512x128xf32>
    %get3A_70 = arith.constant 0 : index
    %get3A_71 = arith.constant 0 : index
    %get3A_72 = vector.load %arg9[%get3A_70, %get3A_71] : memref<1x128xf32, #tpu.memory_space<vmem>>, vector<1x128xf32>
    %mul3A_73 = vector.broadcast %get3A_72 : vector<1x128xf32> to vector<512x128xf32>
    %mul3A_74 = arith.mulf %max3A_69, %mul3A_73 : vector<512x128xf32>
    %reduce_sum3A_75 = arith.constant dense<0.000000e+00> : vector<512xf32>
    %reduce_sum3A_76 = vector.multi_reduction <add>, %mul3A_74, %reduce_sum3A_75 [1] : vector<512x128xf32> to vector<512xf32>
    %broadcast_in_dim3A_77 = vector.shape_cast %reduce_sum3A_76 : vector<512xf32> to vector<512x1xf32>
    %get3A_78 = arith.constant 0 : index
    %get3A_79 = arith.constant 0 : index
    %get3A_80 = vector.load %arg10[%get3A_78, %get3A_79] : memref<1x1xf32, #tpu.memory_space<vmem>>, vector<1x1xf32>
    %add3A_81 = vector.broadcast %get3A_80 : vector<1x1xf32> to vector<512x1xf32>
    %add3A_82 = arith.addf %broadcast_in_dim3A_77, %add3A_81 : vector<512x1xf32>
    %logistic3A = arith.negf %add3A_82 : vector<512x1xf32>
    %logistic3A_83 = math.exp %logistic3A : vector<512x1xf32>
    %logistic3A_84 = arith.constant 1.000000e+00 : f32
    %logistic3A_85 = vector.broadcast %logistic3A_84 : f32 to vector<512x1xf32>
    %logistic3A_86 = arith.addf %logistic3A_85, %logistic3A_83 : vector<512x1xf32>
    %logistic3A_87 = arith.divf %logistic3A_85, %logistic3A_86 : vector<512x1xf32>
    %swap3A = arith.constant 0 : index
    %swap3A_88 = arith.constant 0 : index
    %swap3A_89 = vector.load %arg11[%swap3A, %swap3A_88] : memref<512x1xf32, #tpu.memory_space<vmem>>, vector<512x1xf32>
    tpu.vector_store %arg11[%swap3A, %swap3A_88], %logistic3A_87 {strides = array<i32>} : memref<512x1xf32, #tpu.memory_space<vmem>>, vector<512x1xf32>,
    return
  }
  func.func @transform_0(%arg0: i32) -> (i32, i32, i32) {
    %c0_i32 = arith.constant 0 : i32
    %c0_i32_0 = arith.constant 0 : i32
    %c0_i32_1 = arith.constant 0 : i32
    return %c0_i32, %arg0, %c0_i32_0 : i32, i32, i32
  }
  func.func @transform_1(%arg0: i32) -> (i32, i32, i32) {
    %c0_i32 = arith.constant 0 : i32
    %c0_i32_0 = arith.constant 0 : i32
    %c0_i32_1 = arith.constant 0 : i32
    return %c0_i32, %arg0, %c0_i32_0 : i32, i32, i32
  }
  func.func @transform_2(%arg0: i32) -> (i32, i32) {
    %c0_i32 = arith.constant 0 : i32
    %c0_i32_0 = arith.constant 0 : i32
    %c0_i32_1 = arith.constant 0 : i32
    return %c0_i32, %c0_i32_0 : i32, i32
  }
  func.func @transform_3(%arg0: i32) -> (i32, i32) {
    %c0_i32 = arith.constant 0 : i32
    %c0_i32_0 = arith.constant 0 : i32
    %c0_i32_1 = arith.constant 0 : i32
    return %c0_i32, %c0_i32_0 : i32, i32
  }
  func.func @transform_4(%arg0: i32) -> (i32, i32) {
    %c0_i32 = arith.constant 0 : i32
    %c0_i32_0 = arith.constant 0 : i32
    %c0_i32_1 = arith.constant 0 : i32
    return %c0_i32, %c0_i32_0 : i32, i32
  }
  func.func @transform_5(%arg0: i32) -> (i32, i32) {
    %c0_i32 = arith.constant 0 : i32
    %c0_i32_0 = arith.constant 0 : i32
    %c0_i32_1 = arith.constant 0 : i32
    return %c0_i32, %c0_i32_0 : i32, i32
  }
  func.func @transform_6(%arg0: i32) -> (i32, i32) {
    %c0_i32 = arith.constant 0 : i32
    %c0_i32_0 = arith.constant 0 : i32
    %c0_i32_1 = arith.constant 0 : i32
    return %c0_i32, %c0_i32_0 : i32, i32
  }
  func.func @transform_7(%arg0: i32) -> (i32, i32) {
    %c0_i32 = arith.constant 0 : i32
    %c0_i32_0 = arith.constant 0 : i32
    %c0_i32_1 = arith.constant 0 : i32
    return %c0_i32, %c0_i32_0 : i32, i32
  }
  func.func @transform_8(%arg0: i32) -> (i32, i32) {
    %c0_i32 = arith.constant 0 : i32
    %c0_i32_0 = arith.constant 0 : i32
    %c0_i32_1 = arith.constant 0 : i32
    return %c0_i32, %c0_i32_0 : i32, i32
  }
  func.func @transform_9(%arg0: i32) -> (i32, i32) {
    %c0_i32 = arith.constant 0 : i32
    %c0_i32_0 = arith.constant 0 : i32
    %c0_i32_1 = arith.constant 0 : i32
    return %c0_i32, %c0_i32_0 : i32, i32
  }
  func.func @transform_10(%arg0: i32) -> (i32, i32) {
    %c0_i32 = arith.constant 0 : i32
    %c0_i32_0 = arith.constant 0 : i32
    return %arg0, %c0_i32 : i32, i32
  }
}

</mosaic_0001>

<sc_bundles>
// kernel: kernel.14.cloned.1.call-start
scs
__scs_entry_jumppad:
0x0: {  	(pc) =	sbr.rel $0x88, $3  }
0x1: {  	(tag) =	ssettag $0x0;
	lr =	simm.s32 $0x1  }
0x2: {  	[smem:$0x3F88] =	sst lr;
	_ =	strace $0xD0000000  }
0x3: {  	_ = 	snop  }
0x4: {  	_ = 	snop  }
0x5: {  	_ = 	snop  }
0x6: {  	_ = 	snop  }
0x7: {  	_ = 	snop  }
__scs_overlays_trampoline_lowered:
0x8: {  	[smem:$0x3F97] =	sst s0  }
0x9: {  	[smem:$0x3F98] =	sst s1  }
0xa: {  	[smem:$0x3F99] =	sst s2  }
0xb: {  	[smem:$0x3F9A] =	sst s3  }
0xc: {  	[smem:$0x3F9B] =	sst s4  }
0xd: {  	[smem:$0x3F9C] =	sst s5  }
0xe: {  	[smem:$0x3F9D] =	sst s6  }
0xf: {  	[smem:$0x3F9E] =	sst s7  }
0x10: {  	[smem:$0x3F9F] =	sst s8  }
0x11: {  	[smem:$0x3FA0] =	sst s9;
	s0 =	simm.s32 @!p0 $0x0  }
0x12: {  	s1 =	sld [smem:$0x3F86];
	s0 =	simm.s32 @p0 $0x1  }
0x13: {  	[smem:$0x3FA1] =	sst s0;
	s0 =	simm.s32 @!p1 $0x0  }
0x14: {  	s2 =	sld [smem:$0x3F85];
	s0 =	simm.s32 @p1 $0x1  }
0x15: {  	[smem:$0x3FA2] =	sst s0;
	s0 =	simm.s32 @!p2 $0x0  }
0x16: {  	s3 =	sld [smem:$0x3FDB];
	s0 =	simm.s32 @p2 $0x1  }
0x17: {  	s4 =	simm.s32 $0x1BF5;
	[smem:$0x3FA4] =	sst s0  }
0x18: {  	s0 =	sld [smem:$0x3F87];
	_ =	swait.ge [sflag:s4], $0x0  }
0x19: {  	s7 =	sld [smem:$0x3F88]  }
0x1a: {  	s8 =	sadd.s32 $0xFFFFE003, lr  }
0x1b: {  	s9 =	sadd.s32 $0xFFFFFEF7, lr;
	s5 =	simm.s32 $0xFFFFFFFF;
	p2 =	slt.u32 s8, $0xFFFFF086  }
0x1c: {  	p1 =	slt.u32 s9, $0xF7A;
	s5 =	simm.s32 @!p2 $0x0  }
0x1d: {  	s5 =	simm.s32 @p1 $0x1;
	p0 =	seq.s32 s7, s2  }
0x1e: {  	s7 =	smul.u32 @!p0 $0xF7A, s2;
	p2 =	seq.s32 @!p0 s5, $0x0  }
0x1f: {  	s9 =	smul.u32 $0xF7A, s1;
	s8 =	simm.s32 @!p0 $0x1BF5;
	p2 =	por !p2, p0  }
0x20: {  	[sflag:s8] =	ssyncset.s32 @!p0 $0xFFFFF086;
	s6 =	sadd.s32 @!p0 s3, s7;
	s7 =	simm.s32 @!p0 $0x108  }
0x21: {  	s3 =	sadd.s32 s3, s9;
	s6 =	sadd.s32 @!p0 $0x88, s6;
	s7 =	simm.s32 @p2 $0x1082  }
0x22: {  	[simem:s7], [sflag:s8] =	dma.local @!p0 [hbm:s6], $0xF7A  }
0x23: {  	s9 =	sor.u32 $0xD0000000, s2;
	s6 =	simm.s32 $0x108;
	_ =	swait.ge @!p0 [sflag:s8], $0x0  }
0x24: {  	s3 =	sadd.s32 $0x88, s3;
	s6 =	simm.s32 @!p1 $0x1082;
	[sflag:s4] =	ssyncset.s32 $0xFFFFF086  }
0x25: {  	[simem:s6], [sflag:s4] =	dma.local [hbm:s3], $0xF7A  }
0x26: {  	[smem:$0x3F88] =	sst s1;
	(tag) =	ssettag s2;
	_ =	strace s9  }
0x27: {  	s1 =	sld [smem:$0x3F98]  }
0x28: {  	s2 =	sld [smem:$0x3F99]  }
0x29: {  	s4 =	sld [smem:$0x3F9B]  }
0x2a: {  	p0 =	seq.s32 s5, $0x0;
	s5 =	sld [smem:$0x3F9C]  }
0x2b: {  	s6 =	sld [smem:$0x3F9D]  }
0x2c: {  	s7 =	sld [smem:$0x3F9E]  }
0x2d: {  	s3 =	simm.s32 $0x108;
	s8 =	sld [smem:$0x3F9F]  }
0x2e: {  	s3 =	simm.s32 @!p0 $0x1082;
	s9 =	sld [smem:$0x3FA0]  }
0x2f: {  	lr =	sadd.s32 s0, s3;
	s0 =	sld [smem:$0x3F97]  }
0x30: {  	s3 =	sld [smem:$0x3F9A]  }
0x31: {  	[smem:$0x3FA3] =	sst s10  }
0x32: {  	s10 =	sld [smem:$0x3FA1];
	_ =	sdelay $0x3  }
0x33: {  	p0 =	seq.s32 s10, $0x1;
	s10 =	sld [smem:$0x3FA3];
	_ =	sdelay $0x3  }
0x34: {  	[smem:$0x3FA3] =	sst s10  }
0x35: {  	s10 =	sld [smem:$0x3FA2];
	_ =	sdelay $0x3  }
0x36: {  	p1 =	seq.s32 s10, $0x1;
	s10 =	sld [smem:$0x3FA3];
	_ =	sdelay $0x3  }
0x37: {  	[smem:$0x3FA3] =	sst s10  }
0x38: {  	s10 =	sld [smem:$0x3FA4]  }
0x39: {  	_ = 	snop;
	(pc) =	sbr.ind lr, $3  }
0x3a: {  	_ = 	snop  }
0x3b: {  	_ = 	snop  }
0x3c: {  	p2 =	seq.s32 s10, $0x1;
	s10 =	sld [smem:$0x3FA3]  }
0x3d: {  	_ =	shalt  }
0x3e: {  	_ =	shalt  }
0x3f: {  	_ =	shalt  }
0x40: {  	_ =	shalt  }
0x41: {  	_ =	shalt  }
0x42: {  	_ =	shalt  }
0x43: {  	_ =	shalt  }
0x44: {  	_ =	shalt  }
0x45: {  	_ =	shalt  }
0x46: {  	_ =	shalt  }
0x47: {  	_ =	shalt  }
0x48: {  	_ =	shalt  }
0x49: {  	_ =	shalt  }
0x4a: {  	_ =	shalt  }
0x4b: {  	_ =	shalt  }
0x4c: {  	_ =	shalt  }
0x4d: {  	_ =	shalt  }
0x4e: {  	_ =	shalt  }
0x4f: {  	_ =	shalt  }
0x50: {  	_ =	shalt  }
0x51: {  	_ =	shalt  }
0x52: {  	_ =	shalt  }
0x53: {  	_ =	shalt  }
0x54: {  	_ =	shalt  }
0x55: {  	_ =	shalt  }
0x56: {  	_ =	shalt  }
0x57: {  	_ =	shalt  }
0x58: {  	_ =	shalt  }
0x59: {  	_ =	shalt  }
0x5a: {  	_ =	shalt  }
0x5b: {  	_ =	shalt  }
0x5c: {  	_ =	shalt  }
0x5d: {  	_ =	shalt  }
0x5e: {  	_ =	shalt  }
0x5f: {  	_ =	shalt  }
0x60: {  	_ =	shalt  }
0x61: {  	_ =	shalt  }
0x62: {  	_ =	shalt  }
0x63: {  	_ =	shalt  }
0x64: {  	_ =	shalt  }
0x65: {  	_ =	shalt  }
0x66: {  	_ =	shalt  }
0x67: {  	_ =	shalt  }
0x68: {  	_ =	shalt  }
0x69: {  	_ =	shalt  }
0x6a: {  	_ =	shalt  }
0x6b: {  	_ =	shalt  }
0x6c: {  	_ =	shalt  }
0x6d: {  	_ =	shalt  }
0x6e: {  	_ =	shalt  }
0x6f: {  	_ =	shalt  }
0x70: {  	_ =	shalt  }
0x71: {  	_ =	shalt  }
0x72: {  	_ =	shalt  }
0x73: {  	_ =	shalt  }
0x74: {  	_ =	shalt  }
0x75: {  	_ =	shalt  }
0x76: {  	_ =	shalt  }
0x77: {  	_ =	shalt  }
0x78: {  	_ =	shalt  }
0x79: {  	_ =	shalt  }
0x7a: {  	_ =	shalt  }
0x7b: {  	_ =	shalt  }
0x7c: {  	_ =	shalt  }
0x7d: {  	_ =	shalt  }
0x7e: {  	_ =	shalt  }
0x7f: {  	_ =	shalt  }
0x80: {  	_ =	shalt  }
0x81: {  	_ =	shalt  }
0x82: {  	_ =	shalt  }
0x83: {  	_ =	shalt  }
0x84: {  	_ =	shalt  }
0x85: {  	_ =	shalt  }
0x86: {  	_ =	shalt  }
0x87: {  	_ =	shalt  }
.Lfunc_end0:
.L_simem_size_0:
called_computation_lowered:
.L_overlay_start_0:
0x88: {  	s2 =	sld [smem:$0x3FD9]  }
0x89: {  	s3 =	sld [smem:$0x3FFE];
	_ =	sdelay $0x1  }
0x8a: {  	s1 =	srdreg.scid  }
0x8b: {  	s0 =	sand.u32 $0x1, s1  }
0x8c: {  	s17 =	sshll.u32 s0, $0xA;
	s2 =	sadd.s32 s3, s2  }
0x8d: {  	s2 =	sadd.s32 s2, s17  }
0x8e: {  	[smem:$0x3FAF] =	sst s2  }
0x8f: {  	_ = 	snop  }
0x90: {  	s2 =	sld [smem:$0x3FD0];
	(tm) =	ssettm $0x1  }
0x91: {  	s18 =	sld [smem:$0x3FFB];
	_ =	sdelay $0x3  }
0x92: {  	_ =	strace s18  }
0x93: {  	s3 =	sld [smem:$0x3FFC];
	_ =	sdelay $0x3  }
0x94: {  	_ =	strace s3  }
0x95: {  	s3 =	sld [smem:$0x3FFD];
	_ =	sdelay $0x3  }
0x96: {  	_ =	strace s3  }
0x97: {  	_ =	strace $0x8FFFFFFF  }
0x98: {  	s19 =	sld [smem:$0x3FDB];
	_ =	sdelay $0x1  }
0x99: {  	s4 =	simm.s32 $_scs_section_size  }
0x9a: {  	s5 =	simm.s32 $_size__tile_overlayer_lowered;
	s6 =	simm.s32 $_tile_overlayer_lowered  }
0x9b: {  	s22 =	simm.s32 $0x1BFF;
	s21 =	sshll.u32 s6, $0x1;
	s3 =	sadd.s32 s4, s19  }
0x9c: {  	s7 =	simm.s32 $0x0;
	s20 =	sshll.u32 s5, $0x1;
	s5 =	sadd.s32 s21, s3  }
0x9d: {  	[timem:s7], [sflag:s22] =	dma.local [hbm:s5], s20  }
0x9e: {  	_ =	swait.ge [sflag:s22], s20  }
0x9f: {  	s4 =	ssub.s32 $0x0, s20;
	[sflag:s22] =	ssyncset.done $0x0  }
0xa0: {  	[sflag:s22] =	ssyncadd.s32 s4;
	_ =	sdelay $0x1  }
0xa1: {  	s23 =	simm.s32 $0x1B8B  }
0xa2: {  	_ =	swait.ge [sflag:s23], $0x1  }
0xa3: {  	[sflag:s23] =	ssyncset.done $0x0  }
0xa4: {  	s25 =	simm.s32 $0x1B8E;
	s24 =	sld [smem:$0x3FFE];
	[sflag:s23] =	ssyncadd.s32 $0xFFFFFFFF  }
0xa5: {  	s26 =	simm.s32 $execute0_lowered;
	[smem:$0x3FD2] =	sst s25  }
0xa6: {  	s5 =	sshll.u32 s26, $0x1;
	_ =	strace $0x80000046;
	[dreg:$0x1] =	wrdreg $0xFFFFFFFF  }
0xa7: {  	s28 =	simm.s32 $_size_execute0_lowered;
	s3 =	sadd.s32 s3, s5;
	[dreg:$0x0] =	wrdreg $0x0  }
0xa8: {  	s5 =	sshll.u32 s28, $0x1;
	[dreg:$0x2] =	wrdreg s3  }
0xa9: {  	[dreg:$0x3] =	wrdreg s5  }
0xaa: {  	[dreg:$0x4] =	wrdreg $0xC0  }
0xab: {  	_ =	task [dreg:s7], $0x5FFFF  }
0xac: {  	[dreg:$0x1] =	wrdreg $0xFFFFFFFF  }
0xad: {  	[dreg:$0x0] =	wrdreg $0x60  }
0xae: {  	[dreg:$0x2] =	wrdreg s24  }
0xaf: {  	[dreg:$0x3] =	wrdreg s2  }
0xb0: {  	[dreg:$0x4] =	wrdreg $0xBF000  }
0xb1: {  	[dreg:$0x5] =	wrdreg $0x9  }
0xb2: {  	_ =	task.clear_ibuf [dreg:s7], $0x6FFFF;
	_ =	strace $0x90000046  }
0xb3: {  	s29 =	simm.s32 $0x9;
	_ =	strace $0x80000048  }
0xb4: {  	_ =	swait.ge [sflag:s29], $0x1  }
0xb5: {  	[sflag:s29] =	ssyncadd.s32 $0xFFFFFFFF  }
0xb6: {  	_ =	strace $0x90000048  }
0xb7: {  	_ =	sfence  }
0xb8: {  	s30 =	sld [smem:$0x0];
	_ =	sdelay $0x2  }
0xb9: {  	s31 =	sshll.u32 s1, $0xD;
	s1 =	sshrl.u32 s1, $0x2  }
0xba: {  	s3 =	sand.u32 $0x4000, s31;
	s1 =	sadd.s32 s1, s30  }
0xbb: {  	s0 =	sor.u32 s3, s0;
	s1 =	sshll.u32 s1, $0x11  }
0xbc: {  	s0 =	sor.u32 s1, s0  }
0xbd: {  	s0 =	sadd.s32 $0x8F2B, s0  }
0xbe: {  	[sflag:s0] =	ssyncadd.remote.s32 $0x1  }
0xbf: {  	_ =	sfence.sel $0xFFFF  }
0xc0: {  	[dreg:$0x0] =	wrdreg $0xFFFFFFFF;
	(pc) =	sbr.abs _section_cstart, $3  }
0xc1: {  	[dreg:$0x1] =	wrdreg $0xFFFFFFFF  }
0xc2: {  	_ =	task.clear_ibuf [dreg:s7], $0x2FFFF;
	_ =	strace $0x9FFFFFFF  }
0xc3: {  	(tm) =	ssettm $0x7FFFFFFF  }
tec
execute0_lowered:
.L_overlay_start_1:
0x0: {  	(tag) =	ssettag $0x1  }
0x1: {  	s0 =	rddreg [dreg:$0x0]  }
0x2: {  	s1 =	rddreg [dreg:$0x1]  }
0x3: {  	s2 =	rddreg [dreg:$0x2];
	s3 =	simm.s32 $0x0  }
0x4: {  	s7 =	srdreg.scid;
	s4 =	stileid.u32;
	s28 =	simm.s32 $0x40  }
0x5: {  	s29 =	simm.s32 $0x1080;
	s30 =	simm.s32 $0x3080;
	[smem:$0x7FF] =	sst s3  }
0x6: {  	s6 =	sadd.s32 $0xF34200, s0;
	s10 =	sand.u32 $0x1, s7;
	s7 =	sadd.s32 $0xEE5E00, s0  }
0x7: {  	s5 =	sadd.s32 $0xA400, s0;
	s12 =	smul.u32 $0x13880, s4;
	s8 =	sadd.s32 $0xED9E00, s0  }
0x8: {  	s31 =	simm.s32 $0x1;
	s13 =	sadd.s32 $0x1464400, s0;
	s9 =	sadd.s32 $0xF82400, s0  }
0x9: {  	_ =	strace $0x80000047;
	s11 =	ssub.s32 $0x2, s10;
	s16 =	smul.u32 $0x2710, s10  }
0xa: {  	s15 =	smul.u32 $0x1388000, s10;
	s14 =	sshrl.u32 s11, $0x1;
	s26 =	sadd.s32 $0x3E80, s12  }
0xb: {  	s18 =	sadd.s32 s12, s2;
	s17 =	sadd.s32 $0x7D00, s12;
	s0 =	ssub.s32 s11, s14  }
0xc: {  	[dreg:$0x4] =	wrdreg s18;
	s19 =	sadd.s32 s26, s2;
	s18 =	sadd.s32 $0xBB80, s12  }
0xd: {  	s20 =	sadd.s32 s17, s2;
	v0 =	vmov s16;
	s16 =	simm.s32 $0x5080;
	[dreg:$0x5] =	wrdreg s19  }
0xe: {  	s19 =	smul.u32 $0x138800, s10;
	[dreg:$0x6] =	wrdreg s20;
	s21 =	sadd.s32 s18, s2  }
0xf: {  	s20 =	sadd.s32 $0xFA00, s12;
	s10 =	sshll.u32 s10, $0x6;
	s0 =	smax.u32 s0, $0x1  }
0x10: {  	[dreg:$0x7] =	wrdreg s21;
	s14 =	sadd.s32 s20, s2;
	s10 =	sor.u32 $0x3080, s10  }
0x11: {  	[dreg:$0xd] =	wrdreg s0;
	s0 =	simm.s32 $0x2;
	s12 =	sadd.s32 s12, s19  }
0x12: {  	s11 =	sadd.s32 s19, s26;
	s22 =	sadd.s32 s19, s17;
	s23 =	sadd.s32 s19, s18  }
0x13: {  	s24 =	sadd.s32 s19, s20;
	s17 =	simm.s32 $0x7080;
	s18 =	simm.s32 $0x0  }
0x14: {  	s12 =	sshrl.u32 s12, $0x3;
	s11 =	sshrl.u32 s11, $0x3;
	s26 =	sshrl.u32 s24, $0x3  }
0x15: {  	s24 =	simm.s32 $0x4;
	s12 =	sadd.s32 s13, s12;
	s11 =	sadd.s32 s13, s11  }
.Ltmp0:
0x16: {  	[dreg:$0x9] =	wrdreg s11;
	s11 =	sshrl.u32 s22, $0x3;
	(pc) =	sbr.rel .LBB2_1-.Ltmp0, $4  }
0x17: {  	[dreg:$0x8] =	wrdreg s12;
	s12 =	sshrl.u32 s23, $0x3;
	s11 =	sadd.s32 s13, s11  }
0x18: {  	s22 =	simm.s32 $0x8080;
	s25 =	sadd.s32 s13, s12;
	[dreg:$0xa] =	wrdreg s11  }
0x19: {  	s23 =	simm.s32 $0x3;
	[dreg:$0xb] =	wrdreg s25;
	s11 =	sadd.s32 s13, s26  }
0x1a: {  	v2 =	vimm.f32 $0.0e+00;
	v1 =	vmov s10;
	s25 =	simm.s32 $0x1000;
	s26 =	simm.s32 $0x1040;
	[dreg:$0xc] =	wrdreg s11  }
.LBB2_9:
0x1b: {  	[bflag:$0x0] =	sbarrier.arrive $0xFFFF  }
0x1c: {  	s10 =	sshll.u32 s4, $0x6;
	s11 =	rddreg [dreg:$0x4]  }
0x1d: {  	s10 =	sor.u32 $0x1C03, s10;
	s12 =	rddreg [dreg:$0x8];
	s11 =	sshrl.u32 s11, $0x3  }
0x1e: {  	[hbm:s12], [sflag:s10] =	dma.local [spmem:s11], $0x7D0  }
0x1f: {  	_ =	swait.ge [sflag:s23], $0x7D0  }
0x20: {  	[sflag:s23] =	ssyncset.done $0x0;
	s13 =	rddreg [dreg:$0x5]  }
0x21: {  	s19 =	rddreg [dreg:$0x9];
	[sflag:s23] =	ssyncadd.s32 $0xFFFFF830;
	s11 =	sshrl.u32 s13, $0x3  }
0x22: {  	[hbm:s19], [sflag:s10] =	dma.local [spmem:s11], $0x7D0  }
0x23: {  	_ =	swait.ge [sflag:s23], $0x7D0  }
0x24: {  	[sflag:s23] =	ssyncset.done $0x0;
	s20 =	rddreg [dreg:$0x6]  }
0x25: {  	s21 =	rddreg [dreg:$0xa];
	[sflag:s23] =	ssyncadd.s32 $0xFFFFF830;
	s11 =	sshrl.u32 s20, $0x3  }
0x26: {  	[hbm:s21], [sflag:s10] =	dma.local [spmem:s11], $0x7D0  }
0x27: {  	_ =	swait.ge [sflag:s23], $0x7D0  }
0x28: {  	[sflag:s23] =	ssyncset.done $0x0;
	s12 =	rddreg [dreg:$0x7]  }
0x29: {  	s13 =	rddreg [dreg:$0xb];
	[sflag:s23] =	ssyncadd.s32 $0xFFFFF830;
	s11 =	sshrl.u32 s12, $0x3  }
0x2a: {  	[hbm:s13], [sflag:s10] =	dma.local [spmem:s11], $0x7D0  }
0x2b: {  	_ =	swait.ge [sflag:s23], $0x7D0  }
0x2c: {  	[sflag:s23] =	ssyncset.done $0x0  }
0x2d: {  	s19 =	sshrl.u32 s14, $0x3;
	s20 =	rddreg [dreg:$0xc];
	[sflag:s23] =	ssyncadd.s32 $0xFFFFF830  }
0x2e: {  	[hbm:s20], [sflag:s10] =	dma.local [spmem:s19], $0x7D0  }
0x2f: {  	_ =	swait.ge [sflag:s23], $0x7D0  }
0x30: {  	s18 =	sadd.s32 $0x1, s18;
	s21 =	rddreg [dreg:$0xd]  }
0x31: {  	p0 =	sne.s32 s18, s21  }
.Ltmp1:
0x32: {  	_ = 	snop;
	(pc) =	sbr.rel @!p0 .LBB2_10-.Ltmp1, $3  }
0x33: {  	_ =	sdelay $0x1  }
0x34: {  	[sflag:s23] =	ssyncset.done $0x0  }
0x35: {  	[sflag:s23] =	ssyncadd.s32 $0xFFFFF830  }
.LBB2_1:
0x36: {  	s10 =	simm.s32 $0x0;
	s11 =	simm.s32 $0x200  }
.LBB2_2:
0x37: {  	p0 =	sne.s32 s11, $0xF800;
	[tilespmem:s10+$0x80F0] =	vst v2  }
0x38: {  	[tilespmem:s10+$0x8080] =	vst v2  }
0x39: {  	[tilespmem:s10+$0x8090] =	vst v2  }
.Ltmp2:
0x3a: {  	[tilespmem:s10+$0x80A0] =	vst v2;
	(pc) =	sbr.rel @p0 .LBB2_2-.Ltmp2, $4  }
0x3b: {  	[tilespmem:s10+$0x80B0] =	vst v2  }
0x3c: {  	[tilespmem:s10+$0x80C0] =	vst v2  }
0x3d: {  	[tilespmem:s10+$0x80D0] =	vst v2  }
0x3e: {  	[tilespmem:s10+$0x80E0] =	vst v2;
	s10 =	sshra.s32 s11, $0x2;
	s11 =	sadd.s32 $0x200, s11  }
0x3f: {  	[tilespmem:s10+$0x80F0] =	vst v2  }
0x40: {  	[tilespmem:s10+$0x8080] =	vst v2  }
0x41: {  	[tilespmem:s10+$0x8090] =	vst v2  }
0x42: {  	[tilespmem:s10+$0x80A0] =	vst v2  }
0x43: {  	[tilespmem:s10+$0x80B0] =	vst v2  }
0x44: {  	[tilespmem:s10+$0x80C0] =	vst v2  }
0x45: {  	[tilespmem:s10+$0x80D0] =	vst v2  }
0x46: {  	[tilespmem:s10+$0x80E0] =	vst v2;
	s13 =	rddreg [dreg:$0x4]  }
0x47: {  	[spmem:s13] =	stream.linear.scatter [tilespmem:s22], [sflag:$0x3], $0x3E80, $0x38;
	[tilespmem:$0x1F780] =	vst v63  }
0x48: {  	_ =	swait.ge [sflag:s23], $0x3E80  }
0x49: {  	[sflag:s23] =	ssyncset.done $0x0  }
0x4a: {  	s19 =	rddreg [dreg:$0x5];
	[sflag:s23] =	ssyncadd.s32 $0xFFFFC180  }
0x4b: {  	[spmem:s19] =	stream.linear.scatter [tilespmem:s22], [sflag:$0x3], $0x3E80, $0x38;
	[tilespmem:$0x1F780] =	vst v63  }
0x4c: {  	_ =	swait.ge [sflag:s23], $0x3E80  }
0x4d: {  	[sflag:s23] =	ssyncset.done $0x0  }
0x4e: {  	s20 =	rddreg [dreg:$0x6];
	[sflag:s23] =	ssyncadd.s32 $0xFFFFC180  }
0x4f: {  	[spmem:s20] =	stream.linear.scatter [tilespmem:s22], [sflag:$0x3], $0x3E80, $0x38;
	[tilespmem:$0x1F780] =	vst v63  }
0x50: {  	_ =	swait.ge [sflag:s23], $0x3E80  }
0x51: {  	[sflag:s23] =	ssyncset.done $0x0  }
0x52: {  	s21 =	rddreg [dreg:$0x7];
	[sflag:s23] =	ssyncadd.s32 $0xFFFFC180  }
0x53: {  	[spmem:s21] =	stream.linear.scatter [tilespmem:s22], [sflag:$0x3], $0x3E80, $0x38;
	[tilespmem:$0x1F780] =	vst v63  }
0x54: {  	_ =	swait.ge [sflag:s23], $0x3E80  }
0x55: {  	[sflag:s23] =	ssyncset.done $0x0  }
0x56: {  	[sflag:s23] =	ssyncadd.s32 $0xFFFFC180  }
0x57: {  	[spmem:s14] =	stream.linear.scatter [tilespmem:s22], [sflag:$0x3], $0x3E80, $0x38;
	[tilespmem:$0x1F780] =	vst v63  }
.Ltmp3:
0x58: {  	_ =	swait.ge [sflag:s23], $0x3E80;
	(pc) =	sbr.rel .LBB2_4-.Ltmp3, $4  }
0x59: {  	[sflag:s23] =	ssyncset.done $0x0  }
0x5a: {  	[sflag:s23] =	ssyncadd.s32 $0xFFFFC180  }
0x5b: {  	[bflag:$0x0] =	sbarrier.arrive $0xFFFF  }
0x5c: {  	s19 =	simm.s32 $0x0  }
.LBB2_8:
0x5d: {  	s19 =	sadd.s32 $0x1, s19  }
0x5e: {  	p0 =	sne.s32 s19, $0x139  }
.Ltmp4:
0x5f: {  	_ = 	snop;
	(pc) =	sbr.rel @!p0 .LBB2_9-.Ltmp4, $1  }
0x60: {  	_ =	sdelay $0x3  }
.LBB2_4:
0x61: {  	s10 =	sshll.u32 s19, $0x4  }
0x62: {  	s10 =	sor.u32 s4, s10  }
0x63: {  	p0 =	sgt.u32 s10, $0x1387  }
.Ltmp5:
0x64: {  	_ = 	snop;
	(pc) =	sbr.rel @p0 .LBB2_8-.Ltmp5, $1  }
0x65: {  	_ =	sdelay $0x3  }
0x66: {  	s11 =	sshll.u32 s10, $0xC  }
0x67: {  	s11 =	sadd.s32 s15, s11  }
0x68: {  	s20 =	sshrl.u32 s11, $0x3  }
0x69: {  	s12 =	simm.s32 $0x0;
	s11 =	sadd.s32 s5, s20  }
0x6a: {  	[tilespmem:s12], [sflag:$0x4] =	stream.linear.gather [hbm4b:s11+s12], $0x1000, $0x38;
	[tilespmem:$0x1F780] =	vst v63  }
0x6b: {  	_ =	swait.ge [sflag:s24], $0x1000  }
0x6c: {  	s13 =	sshll.u32 s10, $0x3;
	[sflag:s24] =	ssyncset.done $0x0  }
0x6d: {  	s21 =	sadd.s32 s8, s13;
	[sflag:s24] =	ssyncadd.s32 $0xFFFFF000  }
0x6e: {  	[tilespmem:s25], [sflag:$0x4] =	stream.linear.gather [hbm4b:s21+s12], $0x40, $0x38;
	[tilespmem:$0x1F780] =	vst v63  }
0x6f: {  	_ =	swait.ge [sflag:s24], $0x40  }
0x70: {  	[sflag:s24] =	ssyncset.done $0x0  }
0x71: {  	s10 =	sadd.s32 s1, s13;
	[sflag:s24] =	ssyncadd.s32 $0xFFFFFFC0  }
0x72: {  	[tilespmem:s26], [sflag:$0x4] =	stream.linear.gather [hbm4b:s10+s12], $0x40, $0x38;
	[tilespmem:$0x1F780] =	vst v63  }
0x73: {  	_ =	swait.ge [sflag:s24], $0x40  }
0x74: {  	[sflag:s24] =	ssyncset.done $0x0  }
0x75: {  	[sflag:s24] =	ssyncadd.s32 $0xFFFFFFC0  }
0x76: {  	v3 =	vld [tilespmem:$0x1000]  }
0x77: {  	v4 =	vld [tilespmem:$0x1010]  }
0x78: {  	v5 =	vld [tilespmem:$0x1020]  }
0x79: {  	v6 =	vld [tilespmem:$0x1030];
	_ =	sdelay $0x1  }
0x7a: {  	v3 =	vadd.s32 v0, v3  }
0x7b: {  	[tilespmem:$0x1000] =	vst v3;
	v3 =	vadd.s32 v0, v4  }
0x7c: {  	[tilespmem:$0x1010] =	vst v3;
	v3 =	vadd.s32 v0, v5  }
0x7d: {  	[tilespmem:$0x1020] =	vst v3;
	v3 =	vadd.s32 v0, v6  }
0x7e: {  	[tilespmem:$0x1030] =	vst v3  }
0x7f: {  	[tilespmem:s29], [sflag:$0x1] =	stream.indirect.gather [hbm4b:s6+s28], $0x80, s25, s28, $0xb8;
	[tilespmem:$0x1F780] =	vst v63  }
0x80: {  	_ = 	snop  }
0x81: {  	[tilespmem:s30], [sflag:$0x2] =	stream.indirect.gather [hbm4b:s7+s28], $0x80, s26, s28, $0xb8;
	[tilespmem:$0x1F780] =	vst v63  }
0x82: {  	_ =	swait.ge [sflag:s31], $0x2000  }
0x83: {  	[sflag:s31] =	ssyncset.done $0x0  }
0x84: {  	[sflag:s31] =	ssyncadd.s32 $0xFFFFE000  }
0x85: {  	_ =	swait.ge [sflag:s0], $0x2000  }
0x86: {  	[sflag:s0] =	ssyncset.done $0x0  }
0x87: {  	s21 =	simm.s32 $0x20;
	[sflag:s0] =	ssyncadd.s32 $0xFFFFE000  }
0x88: {  	v3 =	vld [tilespmem:s21+$0xFFFFFFE0];
	_ =	sdelay $0x4  }
0x89: {  	v3 =	vsub.f32 $0.0e+00, v3;
	_ =	sdelay $0x1  }
0x8a: {  	v3 =	vmul.f32 $1.442695020e+00, v3;
	_ =	sdelay $0x1  }
0x8b: {  	(erf) = vpow2.f32 v3;
	_ =	sdelay $0x8  }
0x8c: {  	v3 =	vpop (erf)  }
0x8d: {  	v3 =	vadd.f32 $1.000000000e+00, v3;
	_ =	sdelay $0x1  }
0x8e: {  	(erf) = vrcp.f32 v3;
	_ =	sdelay $0x2  }
0x8f: {  	s11 =	simm.s32 $0x0  }
0x90: {  	v4 =	vld [tilespmem:s11+$0x1080]  }
0x91: {  	v5 =	vld.idx.msk [tilespmem:v1+s11+$0x0 ss:$0x1], $0xffff  }
0x92: {  	v3 =	vld [tilespmem:s11+$0x10C0];
	_ =	sdelay $0x2  }
0x93: {  	v6 =	vpop (erf)  }
0x94: {  	v4 =	vmul.f32 v6, v4  }
0x95: {  	v3 =	vadd.f32 v5, v3;
	[tilespmem:s11+$0x50C0] =	vst v6  }
0x96: {  	s10 =	simm.s32 $0x70A0;
	[tilespmem:s11+$0x5080] =	vst v4  }
0x97: {  	[tilespmem:s10+$0xFFFFFFE0] =	vst v3  }
0x98: {  	v3 =	vld [tilespmem:s21+$0xFFFFFFF0];
	_ =	sdelay $0x4  }
0x99: {  	v3 =	vsub.f32 $0.0e+00, v3;
	_ =	sdelay $0x1  }
0x9a: {  	v3 =	vmul.f32 $1.442695020e+00, v3;
	_ =	sdelay $0x1  }
0x9b: {  	(erf) = vpow2.f32 v3;
	_ =	sdelay $0x8  }
0x9c: {  	v3 =	vpop (erf)  }
0x9d: {  	v3 =	vadd.f32 $1.000000000e+00, v3;
	_ =	sdelay $0x1  }
0x9e: {  	(erf) = vrcp.f32 v3;
	_ =	sdelay $0x3  }
0x9f: {  	v4 =	vld [tilespmem:s11+$0x1090]  }
0xa0: {  	v5 =	vld [tilespmem:s11+$0x10D0]  }
0xa1: {  	v3 =	vld.idx.msk [tilespmem:v1+s11+$0x10 ss:$0x1], $0xffff;
	_ =	sdelay $0x2  }
0xa2: {  	v6 =	vpop (erf)  }
0xa3: {  	v4 =	vmul.f32 v6, v4  }
0xa4: {  	v3 =	vadd.f32 v3, v5;
	[tilespmem:s11+$0x50D0] =	vst v6  }
0xa5: {  	[tilespmem:s11+$0x5090] =	vst v4  }
0xa6: {  	[tilespmem:s10+$0xFFFFFFF0] =	vst v3  }
0xa7: {  	v3 =	vld [tilespmem:s21+$0x0];
	_ =	sdelay $0x4  }
0xa8: {  	v3 =	vsub.f32 $0.0e+00, v3;
	_ =	sdelay $0x1  }
0xa9: {  	v3 =	vmul.f32 $1.442695020e+00, v3;
	_ =	sdelay $0x1  }
0xaa: {  	(erf) = vpow2.f32 v3;
	_ =	sdelay $0x8  }
0xab: {  	v3 =	vpop (erf)  }
0xac: {  	v3 =	vadd.f32 $1.000000000e+00, v3;
	_ =	sdelay $0x1  }
0xad: {  	(erf) = vrcp.f32 v3;
	_ =	sdelay $0x3  }
0xae: {  	v4 =	vld [tilespmem:s11+$0x10A0]  }
0xaf: {  	v5 =	vld [tilespmem:s11+$0x10E0]  }
0xb0: {  	v3 =	vld.idx.msk [tilespmem:v1+s11+$0x20 ss:$0x1], $0xffff;
	_ =	sdelay $0x2  }
0xb1: {  	v6 =	vpop (erf)  }
0xb2: {  	v4 =	vmul.f32 v6, v4  }
0xb3: {  	v3 =	vadd.f32 v3, v5;
	[tilespmem:s11+$0x50E0] =	vst v6  }
0xb4: {  	[tilespmem:s11+$0x50A0] =	vst v4  }
0xb5: {  	[tilespmem:s10+$0x0] =	vst v3  }
0xb6: {  	v3 =	vld [tilespmem:s21+$0x10];
	_ =	sdelay $0x4  }
0xb7: {  	v3 =	vsub.f32 $0.0e+00, v3;
	_ =	sdelay $0x1  }
0xb8: {  	v3 =	vmul.f32 $1.442695020e+00, v3;
	_ =	sdelay $0x1  }
0xb9: {  	(erf) = vpow2.f32 v3;
	_ =	sdelay $0x8  }
0xba: {  	v3 =	vpop (erf)  }
0xbb: {  	v3 =	vadd.f32 $1.000000000e+00, v3;
	_ =	sdelay $0x1  }
0xbc: {  	(erf) = vrcp.f32 v3;
	_ =	sdelay $0x2  }
0xbd: {  	v5 =	vld.idx.msk [tilespmem:v1+s11+$0x30 ss:$0x1], $0xffff  }
0xbe: {  	v6 =	vld [tilespmem:s11+$0x10F0]  }
0xbf: {  	v3 =	vld [tilespmem:s11+$0x10B0];
	_ =	sdelay $0x3  }
0xc0: {  	v7 =	vpop (erf)  }
0xc1: {  	s13 =	simm.s32 $0x70A0;
	s12 =	simm.s32 $0x200;
	v4 =	vmul.f32 v7, v3;
	[tilespmem:s11+$0x50F0] =	vst v7;
	v3 =	vadd.f32 v5, v6  }
.LBB2_6:
0xc2: {  	p0 =	sne.s32 s12, $0x7E00;
	s10 =	sadd.s32 $0x40, s10;
	s21 =	sadd.s32 $0x40, s21  }
0xc3: {  	[tilespmem:s11+$0x50B0] =	vst v4;
	s11 =	smov.u32 s12;
	s12 =	sadd.s32 $0x200, s12  }
0xc4: {  	[tilespmem:s13+$0x10] =	vst v3;
	s13 =	smov.u32 s10  }
0xc5: {  	v3 =	vld [tilespmem:s21+$0xFFFFFFE0];
	_ =	sdelay $0x4  }
0xc6: {  	v3 =	vsub.f32 $0.0e+00, v3;
	_ =	sdelay $0x1  }
0xc7: {  	v3 =	vmul.f32 $1.442695020e+00, v3;
	_ =	sdelay $0x1  }
0xc8: {  	(erf) = vpow2.f32 v3;
	_ =	sdelay $0x8  }
0xc9: {  	v3 =	vpop (erf)  }
0xca: {  	v3 =	vadd.f32 $1.000000000e+00, v3;
	_ =	sdelay $0x1  }
0xcb: {  	(erf) = vrcp.f32 v3;
	_ =	sdelay $0x1  }
0xcc: {  	s11 =	sshra.s32 s11, $0x2  }
0xcd: {  	v3 =	vld [tilespmem:s11+$0x10C0]  }
0xce: {  	v4 =	vld [tilespmem:s11+$0x1080]  }
0xcf: {  	v5 =	vld.idx.msk [tilespmem:v1+s11+$0x0 ss:$0x1], $0xffff;
	_ =	sdelay $0x3  }
0xd0: {  	v6 =	vpop (erf)  }
0xd1: {  	v4 =	vmul.f32 v6, v4  }
0xd2: {  	v3 =	vadd.f32 v5, v3;
	[tilespmem:s11+$0x50C0] =	vst v6  }
0xd3: {  	[tilespmem:s11+$0x5080] =	vst v4  }
0xd4: {  	[tilespmem:s10+$0xFFFFFFE0] =	vst v3  }
0xd5: {  	v3 =	vld [tilespmem:s21+$0xFFFFFFF0];
	_ =	sdelay $0x4  }
0xd6: {  	v3 =	vsub.f32 $0.0e+00, v3;
	_ =	sdelay $0x1  }
0xd7: {  	v3 =	vmul.f32 $1.442695020e+00, v3;
	_ =	sdelay $0x1  }
0xd8: {  	(erf) = vpow2.f32 v3;
	_ =	sdelay $0x8  }
0xd9: {  	v3 =	vpop (erf)  }
0xda: {  	v3 =	vadd.f32 $1.000000000e+00, v3;
	_ =	sdelay $0x1  }
0xdb: {  	(erf) = vrcp.f32 v3;
	_ =	sdelay $0x2  }
0xdc: {  	v3 =	vld.idx.msk [tilespmem:v1+s11+$0x10 ss:$0x1], $0xffff  }
0xdd: {  	v4 =	vld [tilespmem:s11+$0x1090]  }
0xde: {  	v5 =	vld [tilespmem:s11+$0x10D0];
	_ =	sdelay $0x3  }
0xdf: {  	v6 =	vpop (erf)  }
0xe0: {  	v4 =	vmul.f32 v6, v4;
	[tilespmem:s11+$0x50D0] =	vst v6;
	v3 =	vadd.f32 v3, v5;
	_ =	sdelay $0x1  }
0xe1: {  	[tilespmem:s11+$0x5090] =	vst v4  }
0xe2: {  	[tilespmem:s10+$0xFFFFFFF0] =	vst v3  }
0xe3: {  	v3 =	vld [tilespmem:s21+$0x0]  }
0xe4: {  	v4 =	vld.idx.msk [tilespmem:v1+s11+$0x20 ss:$0x1], $0xffff;
	_ =	sdelay $0x3  }
0xe5: {  	v3 =	vsub.f32 $0.0e+00, v3;
	_ =	sdelay $0x1  }
0xe6: {  	v3 =	vmul.f32 $1.442695020e+00, v3;
	_ =	sdelay $0x1  }
0xe7: {  	(erf) = vpow2.f32 v3;
	_ =	sdelay $0x8  }
0xe8: {  	v3 =	vpop (erf)  }
0xe9: {  	v3 =	vadd.f32 $1.000000000e+00, v3;
	_ =	sdelay $0x1  }
0xea: {  	(erf) = vrcp.f32 v3;
	_ =	sdelay $0x3  }
0xeb: {  	v3 =	vld [tilespmem:s11+$0x10A0]  }
0xec: {  	v5 =	vld [tilespmem:s11+$0x10E0];
	_ =	sdelay $0x3  }
0xed: {  	v6 =	vpop (erf)  }
0xee: {  	v3 =	vmul.f32 v6, v3;
	[tilespmem:s11+$0x50E0] =	vst v6;
	v4 =	vadd.f32 v4, v5;
	_ =	sdelay $0x1  }
0xef: {  	[tilespmem:s11+$0x50A0] =	vst v3  }
0xf0: {  	[tilespmem:s10+$0x0] =	vst v4  }
0xf1: {  	v3 =	vld [tilespmem:s21+$0x10]  }
0xf2: {  	v4 =	vld [tilespmem:s11+$0x10B0]  }
0xf3: {  	v5 =	vld.idx.msk [tilespmem:v1+s11+$0x30 ss:$0x1], $0xffff  }
0xf4: {  	v6 =	vld [tilespmem:s11+$0x10F0];
	_ =	sdelay $0x1  }
0xf5: {  	v3 =	vsub.f32 $0.0e+00, v3;
	_ =	sdelay $0x1  }
0xf6: {  	v3 =	vmul.f32 $1.442695020e+00, v3;
	_ =	sdelay $0x1  }
0xf7: {  	(erf) = vpow2.f32 v3;
	_ =	sdelay $0x8  }
0xf8: {  	v3 =	vpop (erf)  }
0xf9: {  	v3 =	vadd.f32 $1.000000000e+00, v3;
	_ =	sdelay $0x1  }
0xfa: {  	(erf) = vrcp.f32 v3;
	_ =	sdelay $0x5  }
.Ltmp6:
0xfb: {  	(pc) =	sbr.rel @p0 .LBB2_6-.Ltmp6, $3  }
0xfc: {  	_ =	sdelay $0x1  }
0xfd: {  	v3 =	vpop (erf)  }
0xfe: {  	v4 =	vmul.f32 v3, v4;
	[tilespmem:s11+$0x50F0] =	vst v3;
	v3 =	vadd.f32 v5, v6  }
0xff: {  	_ = 	snop  }
0x100: {  	[tilespmem:s11+$0x50B0] =	vst v4  }
0x101: {  	[tilespmem:s13+$0x10] =	vst v3  }
0x102: {  	[spmem:s2] =	stream.indirect.scatter.add.f32 [tilespmem:s16], [sflag:$0x4], $0x80, s26, s28, $0xb8;
	[tilespmem:$0x1F780] =	vst v63  }
0x103: {  	_ =	swait.ge [sflag:s24], $0x2000  }
0x104: {  	[sflag:s24] =	ssyncset.done $0x0  }
.Ltmp7:
0x105: {  	s10 =	sadd.s32 s9, s20;
	[sflag:s24] =	ssyncadd.s32 $0xFFFFE000;
	(pc) =	sbr.rel .LBB2_8-.Ltmp7, $4  }
0x106: {  	[hbm4b:s10+s3] =	stream.linear.scatter [tilespmem:s17], [sflag:$0x3], $0x1000, $0x38;
	[tilespmem:$0x1F780] =	vst v63  }
0x107: {  	_ =	swait.ge [sflag:s23], $0x1000  }
0x108: {  	[sflag:s23] =	ssyncset.done $0x0  }
0x109: {  	[sflag:s23] =	ssyncadd.s32 $0xFFFFF000  }
.LBB2_10:
0x10a: {  	_ =	sfence.sel $0x180000  }
0x10b: {  	[bflag:$0x0] =	sbarrier.arrive $0xFFFF  }
0x10c: {  	_ =	strace $0x90000047  }
0x10d: {  	[bflag:$0x2] =	sbarrier.arrive $0xFFFF  }
0x10e: {  	p0 =	sne.s32 s4, $0x0;
	s0 =	rddreg [dreg:$0x3]  }
0x10f: {  	s0 =	sadd.s32 @!p0 $0x100000, s0  }
0x110: {  	[sflag:s0] =	ssyncadd.tile.s32 @!p0 $0x1;
	_ =	shalt  }
.Lfunc_end2:
_tile_overlayer_lowered:
.L_overlay_start_2:
0x111: {  	(tag) =	ssettag $0x2  }
0x112: {  	s0 =	rddreg [dreg:$0x0];
	s2 =	stileid.u32  }
0x113: {  	s1 =	rddreg [dreg:$0x1];
	p0 =	sne.s32 s2, $0x0  }
0x114: {  	s3 =	rddreg [dreg:$0x2];
	[bflag:$0x3] =	sbarrier.arrive $0xFFFF;
	s2 =	simm.s32 @!p0 $0x1C03  }
0x115: {  	[timem:s3], [sflag:s2] =	dma.local @!p0 [hbm:s0], s1  }
0x116: {  	s0 =	simm.s32 @!p0 $0x3  }
0x117: {  	_ =	swait.ge @!p0 [sflag:s0], s1  }
0x118: {  	s1 =	ssub.s32 @!p0 $0x0, s1;
	[sflag:s0] =	ssyncset.done @!p0 $0x0  }
0x119: {  	[sflag:s0] =	ssyncadd.s32 @!p0 s1  }
0x11a: {  	[bflag:$0x3] =	sbarrier.arrive $0xFFFF  }
0x11b: {  	_ =	shalt  }

// kernel: kernel.17.cloned.1.call-start
scs
__scs_entry_jumppad:
0x0: {  	(pc) =	sbr.rel $0x88, $3  }
0x1: {  	(tag) =	ssettag $0x0;
	lr =	simm.s32 $0x1  }
0x2: {  	[smem:$0x3F88] =	sst lr;
	_ =	strace $0xD0000000  }
0x3: {  	_ = 	snop  }
0x4: {  	_ = 	snop  }
0x5: {  	_ = 	snop  }
0x6: {  	_ = 	snop  }
0x7: {  	_ = 	snop  }
__scs_overlays_trampoline_lowered:
0x8: {  	[smem:$0x3F97] =	sst s0  }
0x9: {  	[smem:$0x3F98] =	sst s1  }
0xa: {  	[smem:$0x3F99] =	sst s2  }
0xb: {  	[smem:$0x3F9A] =	sst s3  }
0xc: {  	[smem:$0x3F9B] =	sst s4  }
0xd: {  	[smem:$0x3F9C] =	sst s5  }
0xe: {  	[smem:$0x3F9D] =	sst s6  }
0xf: {  	[smem:$0x3F9E] =	sst s7  }
0x10: {  	[smem:$0x3F9F] =	sst s8  }
0x11: {  	[smem:$0x3FA0] =	sst s9;
	s0 =	simm.s32 @!p0 $0x0  }
0x12: {  	s1 =	sld [smem:$0x3F86];
	s0 =	simm.s32 @p0 $0x1  }
0x13: {  	[smem:$0x3FA1] =	sst s0;
	s0 =	simm.s32 @!p1 $0x0  }
0x14: {  	s2 =	sld [smem:$0x3F85];
	s0 =	simm.s32 @p1 $0x1  }
0x15: {  	[smem:$0x3FA2] =	sst s0;
	s0 =	simm.s32 @!p2 $0x0  }
0x16: {  	s3 =	sld [smem:$0x3FDB];
	s0 =	simm.s32 @p2 $0x1  }
0x17: {  	s4 =	simm.s32 $0x1BF5;
	[smem:$0x3FA4] =	sst s0  }
0x18: {  	s0 =	sld [smem:$0x3F87];
	_ =	swait.ge [sflag:s4], $0x0  }
0x19: {  	s7 =	sld [smem:$0x3F88]  }
0x1a: {  	s8 =	sadd.s32 $0xFFFFE003, lr  }
0x1b: {  	s9 =	sadd.s32 $0xFFFFFEF7, lr;
	s5 =	simm.s32 $0xFFFFFFFF;
	p2 =	slt.u32 s8, $0xFFFFF086  }
0x1c: {  	p1 =	slt.u32 s9, $0xF7A;
	s5 =	simm.s32 @!p2 $0x0  }
0x1d: {  	s5 =	simm.s32 @p1 $0x1;
	p0 =	seq.s32 s7, s2  }
0x1e: {  	s7 =	smul.u32 @!p0 $0xF7A, s2;
	p2 =	seq.s32 @!p0 s5, $0x0  }
0x1f: {  	s9 =	smul.u32 $0xF7A, s1;
	s8 =	simm.s32 @!p0 $0x1BF5;
	p2 =	por !p2, p0  }
0x20: {  	[sflag:s8] =	ssyncset.s32 @!p0 $0xFFFFF086;
	s6 =	sadd.s32 @!p0 s3, s7;
	s7 =	simm.s32 @!p0 $0x108  }
0x21: {  	s3 =	sadd.s32 s3, s9;
	s6 =	sadd.s32 @!p0 $0x88, s6;
	s7 =	simm.s32 @p2 $0x1082  }
0x22: {  	[simem:s7], [sflag:s8] =	dma.local @!p0 [hbm:s6], $0xF7A  }
0x23: {  	s9 =	sor.u32 $0xD0000000, s2;
	s6 =	simm.s32 $0x108;
	_ =	swait.ge @!p0 [sflag:s8], $0x0  }
0x24: {  	s3 =	sadd.s32 $0x88, s3;
	s6 =	simm.s32 @!p1 $0x1082;
	[sflag:s4] =	ssyncset.s32 $0xFFFFF086  }
0x25: {  	[simem:s6], [sflag:s4] =	dma.local [hbm:s3], $0xF7A  }
0x26: {  	[smem:$0x3F88] =	sst s1;
	(tag) =	ssettag s2;
	_ =	strace s9  }
0x27: {  	s1 =	sld [smem:$0x3F98]  }
0x28: {  	s2 =	sld [smem:$0x3F99]  }
0x29: {  	s4 =	sld [smem:$0x3F9B]  }
0x2a: {  	p0 =	seq.s32 s5, $0x0;
	s5 =	sld [smem:$0x3F9C]  }
0x2b: {  	s6 =	sld [smem:$0x3F9D]  }
0x2c: {  	s7 =	sld [smem:$0x3F9E]  }
0x2d: {  	s3 =	simm.s32 $0x108;
	s8 =	sld [smem:$0x3F9F]  }
0x2e: {  	s3 =	simm.s32 @!p0 $0x1082;
	s9 =	sld [smem:$0x3FA0]  }
0x2f: {  	lr =	sadd.s32 s0, s3;
	s0 =	sld [smem:$0x3F97]  }
0x30: {  	s3 =	sld [smem:$0x3F9A]  }
0x31: {  	[smem:$0x3FA3] =	sst s10  }
0x32: {  	s10 =	sld [smem:$0x3FA1];
	_ =	sdelay $0x3  }
0x33: {  	p0 =	seq.s32 s10, $0x1;
	s10 =	sld [smem:$0x3FA3];
	_ =	sdelay $0x3  }
0x34: {  	[smem:$0x3FA3] =	sst s10  }
0x35: {  	s10 =	sld [smem:$0x3FA2];
	_ =	sdelay $0x3  }
0x36: {  	p1 =	seq.s32 s10, $0x1;
	s10 =	sld [smem:$0x3FA3];
	_ =	sdelay $0x3  }
0x37: {  	[smem:$0x3FA3] =	sst s10  }
0x38: {  	s10 =	sld [smem:$0x3FA4]  }
0x39: {  	_ = 	snop;
	(pc) =	sbr.ind lr, $3  }
0x3a: {  	_ = 	snop  }
0x3b: {  	_ = 	snop  }
0x3c: {  	p2 =	seq.s32 s10, $0x1;
	s10 =	sld [smem:$0x3FA3]  }
0x3d: {  	_ =	shalt  }
0x3e: {  	_ =	shalt  }
0x3f: {  	_ =	shalt  }
0x40: {  	_ =	shalt  }
0x41: {  	_ =	shalt  }
0x42: {  	_ =	shalt  }
0x43: {  	_ =	shalt  }
0x44: {  	_ =	shalt  }
0x45: {  	_ =	shalt  }
0x46: {  	_ =	shalt  }
0x47: {  	_ =	shalt  }
0x48: {  	_ =	shalt  }
0x49: {  	_ =	shalt  }
0x4a: {  	_ =	shalt  }
0x4b: {  	_ =	shalt  }
0x4c: {  	_ =	shalt  }
0x4d: {  	_ =	shalt  }
0x4e: {  	_ =	shalt  }
0x4f: {  	_ =	shalt  }
0x50: {  	_ =	shalt  }
0x51: {  	_ =	shalt  }
0x52: {  	_ =	shalt  }
0x53: {  	_ =	shalt  }
0x54: {  	_ =	shalt  }
0x55: {  	_ =	shalt  }
0x56: {  	_ =	shalt  }
0x57: {  	_ =	shalt  }
0x58: {  	_ =	shalt  }
0x59: {  	_ =	shalt  }
0x5a: {  	_ =	shalt  }
0x5b: {  	_ =	shalt  }
0x5c: {  	_ =	shalt  }
0x5d: {  	_ =	shalt  }
0x5e: {  	_ =	shalt  }
0x5f: {  	_ =	shalt  }
0x60: {  	_ =	shalt  }
0x61: {  	_ =	shalt  }
0x62: {  	_ =	shalt  }
0x63: {  	_ =	shalt  }
0x64: {  	_ =	shalt  }
0x65: {  	_ =	shalt  }
0x66: {  	_ =	shalt  }
0x67: {  	_ =	shalt  }
0x68: {  	_ =	shalt  }
0x69: {  	_ =	shalt  }
0x6a: {  	_ =	shalt  }
0x6b: {  	_ =	shalt  }
0x6c: {  	_ =	shalt  }
0x6d: {  	_ =	shalt  }
0x6e: {  	_ =	shalt  }
0x6f: {  	_ =	shalt  }
0x70: {  	_ =	shalt  }
0x71: {  	_ =	shalt  }
0x72: {  	_ =	shalt  }
0x73: {  	_ =	shalt  }
0x74: {  	_ =	shalt  }
0x75: {  	_ =	shalt  }
0x76: {  	_ =	shalt  }
0x77: {  	_ =	shalt  }
0x78: {  	_ =	shalt  }
0x79: {  	_ =	shalt  }
0x7a: {  	_ =	shalt  }
0x7b: {  	_ =	shalt  }
0x7c: {  	_ =	shalt  }
0x7d: {  	_ =	shalt  }
0x7e: {  	_ =	shalt  }
0x7f: {  	_ =	shalt  }
0x80: {  	_ =	shalt  }
0x81: {  	_ =	shalt  }
0x82: {  	_ =	shalt  }
0x83: {  	_ =	shalt  }
0x84: {  	_ =	shalt  }
0x85: {  	_ =	shalt  }
0x86: {  	_ =	shalt  }
0x87: {  	_ =	shalt  }
.Lfunc_end0:
.L_simem_size_0:
called_computation.1_lowered:
.L_overlay_start_0:
0x88: {  	s2 =	sld [smem:$0x3FD9]  }
0x89: {  	s3 =	sld [smem:$0x3FFE];
	_ =	sdelay $0x1  }
0x8a: {  	s1 =	srdreg.scid  }
0x8b: {  	s0 =	sand.u32 $0x1, s1  }
0x8c: {  	s17 =	sshll.u32 s0, $0xA;
	s2 =	sadd.s32 s3, s2  }
0x8d: {  	s2 =	sadd.s32 s2, s17  }
0x8e: {  	[smem:$0x3FAF] =	sst s2  }
0x8f: {  	_ = 	snop  }
0x90: {  	s2 =	sld [smem:$0x3FD0];
	(tm) =	ssettm $0x1  }
0x91: {  	s18 =	sld [smem:$0x3FFB];
	_ =	sdelay $0x3  }
0x92: {  	_ =	strace s18  }
0x93: {  	s3 =	sld [smem:$0x3FFC];
	_ =	sdelay $0x3  }
0x94: {  	_ =	strace s3  }
0x95: {  	s3 =	sld [smem:$0x3FFD];
	_ =	sdelay $0x3  }
0x96: {  	_ =	strace s3  }
0x97: {  	_ =	strace $0x8FFFFFFF  }
0x98: {  	s19 =	sld [smem:$0x3FDB];
	_ =	sdelay $0x1  }
0x99: {  	s4 =	simm.s32 $_scs_section_size  }
0x9a: {  	s5 =	simm.s32 $_size__tile_overlayer_lowered;
	s6 =	simm.s32 $_tile_overlayer_lowered  }
0x9b: {  	s22 =	simm.s32 $0x1BFF;
	s21 =	sshll.u32 s6, $0x1;
	s3 =	sadd.s32 s4, s19  }
0x9c: {  	s7 =	simm.s32 $0x0;
	s20 =	sshll.u32 s5, $0x1;
	s5 =	sadd.s32 s21, s3  }
0x9d: {  	[timem:s7], [sflag:s22] =	dma.local [hbm:s5], s20  }
0x9e: {  	_ =	swait.ge [sflag:s22], s20  }
0x9f: {  	s4 =	ssub.s32 $0x0, s20;
	[sflag:s22] =	ssyncset.done $0x0  }
0xa0: {  	[sflag:s22] =	ssyncadd.s32 s4;
	_ =	sdelay $0x1  }
0xa1: {  	s23 =	simm.s32 $0x1B8B  }
0xa2: {  	_ =	swait.ge [sflag:s23], $0x1  }
0xa3: {  	[sflag:s23] =	ssyncset.done $0x0  }
0xa4: {  	s25 =	simm.s32 $0x1B8E;
	s24 =	sld [smem:$0x3FFE];
	[sflag:s23] =	ssyncadd.s32 $0xFFFFFFFF  }
0xa5: {  	s26 =	simm.s32 $execute0_lowered;
	[smem:$0x3FD2] =	sst s25  }
0xa6: {  	s5 =	sshll.u32 s26, $0x1;
	_ =	strace $0x80000049;
	[dreg:$0x1] =	wrdreg $0xFFFFFFFF  }
0xa7: {  	s28 =	simm.s32 $_size_execute0_lowered;
	s3 =	sadd.s32 s3, s5;
	[dreg:$0x0] =	wrdreg $0x0  }
0xa8: {  	s5 =	sshll.u32 s28, $0x1;
	[dreg:$0x2] =	wrdreg s3  }
0xa9: {  	[dreg:$0x3] =	wrdreg s5  }
0xaa: {  	[dreg:$0x4] =	wrdreg $0xC0  }
0xab: {  	_ =	task [dreg:s7], $0x5FFFF  }
0xac: {  	[dreg:$0x1] =	wrdreg $0xFFFFFFFF  }
0xad: {  	[dreg:$0x0] =	wrdreg $0x60  }
0xae: {  	[dreg:$0x2] =	wrdreg s24  }
0xaf: {  	[dreg:$0x3] =	wrdreg s2  }
0xb0: {  	[dreg:$0x4] =	wrdreg $0xBF000  }
0xb1: {  	[dreg:$0x5] =	wrdreg $0x9  }
0xb2: {  	_ =	task.clear_ibuf [dreg:s7], $0x6FFFF;
	_ =	strace $0x90000049  }
0xb3: {  	s29 =	simm.s32 $0x9;
	_ =	strace $0x8000004B  }
0xb4: {  	_ =	swait.ge [sflag:s29], $0x1  }
0xb5: {  	[sflag:s29] =	ssyncadd.s32 $0xFFFFFFFF  }
0xb6: {  	_ =	strace $0x9000004B  }
0xb7: {  	_ =	sfence  }
0xb8: {  	s30 =	sld [smem:$0x0];
	_ =	sdelay $0x2  }
0xb9: {  	s31 =	sshll.u32 s1, $0xD;
	s1 =	sshrl.u32 s1, $0x2  }
0xba: {  	s3 =	sand.u32 $0x4000, s31;
	s1 =	sadd.s32 s1, s30  }
0xbb: {  	s0 =	sor.u32 s3, s0;
	s1 =	sshll.u32 s1, $0x11  }
0xbc: {  	s0 =	sor.u32 s1, s0  }
0xbd: {  	s0 =	sadd.s32 $0x8F2B, s0  }
0xbe: {  	[sflag:s0] =	ssyncadd.remote.s32 $0x1  }
0xbf: {  	_ =	sfence.sel $0xFFFF  }
0xc0: {  	[dreg:$0x0] =	wrdreg $0xFFFFFFFF;
	(pc) =	sbr.abs _section_cstart, $3  }
0xc1: {  	[dreg:$0x1] =	wrdreg $0xFFFFFFFF  }
0xc2: {  	_ =	task.clear_ibuf [dreg:s7], $0x2FFFF;
	_ =	strace $0x9FFFFFFF  }
0xc3: {  	(tm) =	ssettm $0x7FFFFFFF  }
tec
execute0_lowered:
.L_overlay_start_1:
0x0: {  	(tag) =	ssettag $0x1  }
0x1: {  	s0 =	rddreg [dreg:$0x0]  }
0x2: {  	s1 =	rddreg [dreg:$0x1]  }
0x3: {  	s2 =	rddreg [dreg:$0x2];
	s3 =	simm.s32 $0x0  }
0x4: {  	s7 =	srdreg.scid;
	s4 =	stileid.u32;
	s28 =	simm.s32 $0x40  }
0x5: {  	s29 =	simm.s32 $0x1080;
	s30 =	simm.s32 $0x3080;
	[smem:$0x7FF] =	sst s3  }
0x6: {  	s5 =	sadd.s32 $0xF34200, s0;
	s6 =	sadd.s32 $0x143D400, s0;
	s10 =	sand.u32 $0x1, s7  }
0x7: {  	s7 =	sadd.s32 $0xF0D000, s0;
	s12 =	smul.u32 $0x13880, s4;
	s8 =	sadd.s32 $0xED9E00, s0  }
0x8: {  	s31 =	simm.s32 $0x1;
	s13 =	sadd.s32 $0x1996A00, s0;
	s9 =	sadd.s32 $0x14B4A00, s0  }
0x9: {  	_ =	strace $0x8000004A;
	s11 =	ssub.s32 $0x2, s10;
	s16 =	smul.u32 $0x2710, s10  }
0xa: {  	s15 =	smul.u32 $0x1388000, s10;
	s14 =	sshrl.u32 s11, $0x1;
	s26 =	sadd.s32 $0x3E80, s12  }
0xb: {  	s18 =	sadd.s32 s12, s2;
	s17 =	sadd.s32 $0x7D00, s12;
	s0 =	ssub.s32 s11, s14  }
0xc: {  	[dreg:$0x4] =	wrdreg s18;
	s19 =	sadd.s32 s26, s2;
	s18 =	sadd.s32 $0xBB80, s12  }
0xd: {  	s20 =	sadd.s32 s17, s2;
	v0 =	vmov s16;
	s16 =	simm.s32 $0x5080;
	[dreg:$0x5] =	wrdreg s19  }
0xe: {  	s19 =	smul.u32 $0x138800, s10;
	[dreg:$0x6] =	wrdreg s20;
	s21 =	sadd.s32 s18, s2  }
0xf: {  	s20 =	sadd.s32 $0xFA00, s12;
	s10 =	sshll.u32 s10, $0x6;
	s0 =	smax.u32 s0, $0x1  }
0x10: {  	[dreg:$0x7] =	wrdreg s21;
	s14 =	sadd.s32 s20, s2;
	s10 =	sor.u32 $0x3080, s10  }
0x11: {  	[dreg:$0xd] =	wrdreg s0;
	s0 =	simm.s32 $0x2;
	s12 =	sadd.s32 s12, s19  }
0x12: {  	s11 =	sadd.s32 s19, s26;
	s22 =	sadd.s32 s19, s17;
	s23 =	sadd.s32 s19, s18  }
0x13: {  	s24 =	sadd.s32 s19, s20;
	s17 =	simm.s32 $0x7080;
	s18 =	simm.s32 $0x0  }
0x14: {  	s12 =	sshrl.u32 s12, $0x3;
	s11 =	sshrl.u32 s11, $0x3;
	s26 =	sshrl.u32 s24, $0x3  }
0x15: {  	s24 =	simm.s32 $0x4;
	s12 =	sadd.s32 s13, s12;
	s11 =	sadd.s32 s13, s11  }
.Ltmp0:
0x16: {  	[dreg:$0x9] =	wrdreg s11;
	s11 =	sshrl.u32 s22, $0x3;
	(pc) =	sbr.rel .LBB2_1-.Ltmp0, $4  }
0x17: {  	[dreg:$0x8] =	wrdreg s12;
	s12 =	sshrl.u32 s23, $0x3;
	s11 =	sadd.s32 s13, s11  }
0x18: {  	s22 =	simm.s32 $0x8080;
	s25 =	sadd.s32 s13, s12;
	[dreg:$0xa] =	wrdreg s11  }
0x19: {  	s23 =	simm.s32 $0x3;
	[dreg:$0xb] =	wrdreg s25;
	s11 =	sadd.s32 s13, s26  }
0x1a: {  	v2 =	vimm.f32 $0.0e+00;
	v1 =	vmov s10;
	s25 =	simm.s32 $0x1000;
	s26 =	simm.s32 $0x1040;
	[dreg:$0xc] =	wrdreg s11  }
.LBB2_9:
0x1b: {  	[bflag:$0x0] =	sbarrier.arrive $0xFFFF  }
0x1c: {  	s10 =	sshll.u32 s4, $0x6;
	s11 =	rddreg [dreg:$0x4]  }
0x1d: {  	s10 =	sor.u32 $0x1C03, s10;
	s12 =	rddreg [dreg:$0x8];
	s11 =	sshrl.u32 s11, $0x3  }
0x1e: {  	[hbm:s12], [sflag:s10] =	dma.local [spmem:s11], $0x7D0  }
0x1f: {  	_ =	swait.ge [sflag:s23], $0x7D0  }
0x20: {  	[sflag:s23] =	ssyncset.done $0x0;
	s13 =	rddreg [dreg:$0x5]  }
0x21: {  	s19 =	rddreg [dreg:$0x9];
	[sflag:s23] =	ssyncadd.s32 $0xFFFFF830;
	s11 =	sshrl.u32 s13, $0x3  }
0x22: {  	[hbm:s19], [sflag:s10] =	dma.local [spmem:s11], $0x7D0  }
0x23: {  	_ =	swait.ge [sflag:s23], $0x7D0  }
0x24: {  	[sflag:s23] =	ssyncset.done $0x0;
	s20 =	rddreg [dreg:$0x6]  }
0x25: {  	s21 =	rddreg [dreg:$0xa];
	[sflag:s23] =	ssyncadd.s32 $0xFFFFF830;
	s11 =	sshrl.u32 s20, $0x3  }
0x26: {  	[hbm:s21], [sflag:s10] =	dma.local [spmem:s11], $0x7D0  }
0x27: {  	_ =	swait.ge [sflag:s23], $0x7D0  }
0x28: {  	[sflag:s23] =	ssyncset.done $0x0;
	s12 =	rddreg [dreg:$0x7]  }
0x29: {  	s13 =	rddreg [dreg:$0xb];
	[sflag:s23] =	ssyncadd.s32 $0xFFFFF830;
	s11 =	sshrl.u32 s12, $0x3  }
0x2a: {  	[hbm:s13], [sflag:s10] =	dma.local [spmem:s11], $0x7D0  }
0x2b: {  	_ =	swait.ge [sflag:s23], $0x7D0  }
0x2c: {  	[sflag:s23] =	ssyncset.done $0x0  }
0x2d: {  	s19 =	sshrl.u32 s14, $0x3;
	s20 =	rddreg [dreg:$0xc];
	[sflag:s23] =	ssyncadd.s32 $0xFFFFF830  }
0x2e: {  	[hbm:s20], [sflag:s10] =	dma.local [spmem:s19], $0x7D0  }
0x2f: {  	_ =	swait.ge [sflag:s23], $0x7D0  }
0x30: {  	s18 =	sadd.s32 $0x1, s18;
	s21 =	rddreg [dreg:$0xd]  }
0x31: {  	p0 =	sne.s32 s18, s21  }
.Ltmp1:
0x32: {  	_ = 	snop;
	(pc) =	sbr.rel @!p0 .LBB2_10-.Ltmp1, $3  }
0x33: {  	_ =	sdelay $0x1  }
0x34: {  	[sflag:s23] =	ssyncset.done $0x0  }
0x35: {  	[sflag:s23] =	ssyncadd.s32 $0xFFFFF830  }
.LBB2_1:
0x36: {  	s10 =	simm.s32 $0x0;
	s11 =	simm.s32 $0x200  }
.LBB2_2:
0x37: {  	p0 =	sne.s32 s11, $0xF800;
	[tilespmem:s10+$0x80F0] =	vst v2  }
0x38: {  	[tilespmem:s10+$0x8080] =	vst v2  }
0x39: {  	[tilespmem:s10+$0x8090] =	vst v2  }
.Ltmp2:
0x3a: {  	[tilespmem:s10+$0x80A0] =	vst v2;
	(pc) =	sbr.rel @p0 .LBB2_2-.Ltmp2, $4  }
0x3b: {  	[tilespmem:s10+$0x80B0] =	vst v2  }
0x3c: {  	[tilespmem:s10+$0x80C0] =	vst v2  }
0x3d: {  	[tilespmem:s10+$0x80D0] =	vst v2  }
0x3e: {  	[tilespmem:s10+$0x80E0] =	vst v2;
	s10 =	sshra.s32 s11, $0x2;
	s11 =	sadd.s32 $0x200, s11  }
0x3f: {  	[tilespmem:s10+$0x80F0] =	vst v2  }
0x40: {  	[tilespmem:s10+$0x8080] =	vst v2  }
0x41: {  	[tilespmem:s10+$0x8090] =	vst v2  }
0x42: {  	[tilespmem:s10+$0x80A0] =	vst v2  }
0x43: {  	[tilespmem:s10+$0x80B0] =	vst v2  }
0x44: {  	[tilespmem:s10+$0x80C0] =	vst v2  }
0x45: {  	[tilespmem:s10+$0x80D0] =	vst v2  }
0x46: {  	[tilespmem:s10+$0x80E0] =	vst v2;
	s13 =	rddreg [dreg:$0x4]  }
0x47: {  	[spmem:s13] =	stream.linear.scatter [tilespmem:s22], [sflag:$0x3], $0x3E80, $0x38;
	[tilespmem:$0x1F780] =	vst v63  }
0x48: {  	_ =	swait.ge [sflag:s23], $0x3E80  }
0x49: {  	[sflag:s23] =	ssyncset.done $0x0  }
0x4a: {  	s19 =	rddreg [dreg:$0x5];
	[sflag:s23] =	ssyncadd.s32 $0xFFFFC180  }
0x4b: {  	[spmem:s19] =	stream.linear.scatter [tilespmem:s22], [sflag:$0x3], $0x3E80, $0x38;
	[tilespmem:$0x1F780] =	vst v63  }
0x4c: {  	_ =	swait.ge [sflag:s23], $0x3E80  }
0x4d: {  	[sflag:s23] =	ssyncset.done $0x0  }
0x4e: {  	s20 =	rddreg [dreg:$0x6];
	[sflag:s23] =	ssyncadd.s32 $0xFFFFC180  }
0x4f: {  	[spmem:s20] =	stream.linear.scatter [tilespmem:s22], [sflag:$0x3], $0x3E80, $0x38;
	[tilespmem:$0x1F780] =	vst v63  }
0x50: {  	_ =	swait.ge [sflag:s23], $0x3E80  }
0x51: {  	[sflag:s23] =	ssyncset.done $0x0  }
0x52: {  	s21 =	rddreg [dreg:$0x7];
	[sflag:s23] =	ssyncadd.s32 $0xFFFFC180  }
0x53: {  	[spmem:s21] =	stream.linear.scatter [tilespmem:s22], [sflag:$0x3], $0x3E80, $0x38;
	[tilespmem:$0x1F780] =	vst v63  }
0x54: {  	_ =	swait.ge [sflag:s23], $0x3E80  }
0x55: {  	[sflag:s23] =	ssyncset.done $0x0  }
0x56: {  	[sflag:s23] =	ssyncadd.s32 $0xFFFFC180  }
0x57: {  	[spmem:s14] =	stream.linear.scatter [tilespmem:s22], [sflag:$0x3], $0x3E80, $0x38;
	[tilespmem:$0x1F780] =	vst v63  }
.Ltmp3:
0x58: {  	_ =	swait.ge [sflag:s23], $0x3E80;
	(pc) =	sbr.rel .LBB2_4-.Ltmp3, $4  }
0x59: {  	[sflag:s23] =	ssyncset.done $0x0  }
0x5a: {  	[sflag:s23] =	ssyncadd.s32 $0xFFFFC180  }
0x5b: {  	[bflag:$0x0] =	sbarrier.arrive $0xFFFF  }
0x5c: {  	s19 =	simm.s32 $0x0  }
.LBB2_8:
0x5d: {  	s19 =	sadd.s32 $0x1, s19  }
0x5e: {  	p0 =	sne.s32 s19, $0x139  }
.Ltmp4:
0x5f: {  	_ = 	snop;
	(pc) =	sbr.rel @!p0 .LBB2_9-.Ltmp4, $1  }
0x60: {  	_ =	sdelay $0x3  }
.LBB2_4:
0x61: {  	s10 =	sshll.u32 s19, $0x4  }
0x62: {  	s10 =	sor.u32 s4, s10  }
0x63: {  	p0 =	sgt.u32 s10, $0x1387  }
.Ltmp5:
0x64: {  	_ = 	snop;
	(pc) =	sbr.rel @p0 .LBB2_8-.Ltmp5, $1  }
0x65: {  	_ =	sdelay $0x3  }
0x66: {  	s11 =	sshll.u32 s10, $0xC  }
0x67: {  	s11 =	sadd.s32 s15, s11  }
0x68: {  	s20 =	sshrl.u32 s11, $0x3  }
0x69: {  	s12 =	simm.s32 $0x0;
	s11 =	sadd.s32 s5, s20  }
0x6a: {  	[tilespmem:s12], [sflag:$0x4] =	stream.linear.gather [hbm4b:s11+s12], $0x1000, $0x38;
	[tilespmem:$0x1F780] =	vst v63  }
0x6b: {  	_ =	swait.ge [sflag:s24], $0x1000  }
0x6c: {  	s13 =	sshll.u32 s10, $0x3;
	[sflag:s24] =	ssyncset.done $0x0  }
0x6d: {  	s21 =	sadd.s32 s8, s13;
	[sflag:s24] =	ssyncadd.s32 $0xFFFFF000  }
0x6e: {  	[tilespmem:s25], [sflag:$0x4] =	stream.linear.gather [hbm4b:s21+s12], $0x40, $0x38;
	[tilespmem:$0x1F780] =	vst v63  }
0x6f: {  	_ =	swait.ge [sflag:s24], $0x40  }
0x70: {  	[sflag:s24] =	ssyncset.done $0x0  }
0x71: {  	s10 =	sadd.s32 s1, s13;
	[sflag:s24] =	ssyncadd.s32 $0xFFFFFFC0  }
0x72: {  	[tilespmem:s26], [sflag:$0x4] =	stream.linear.gather [hbm4b:s10+s12], $0x40, $0x38;
	[tilespmem:$0x1F780] =	vst v63  }
0x73: {  	_ =	swait.ge [sflag:s24], $0x40  }
0x74: {  	[sflag:s24] =	ssyncset.done $0x0  }
0x75: {  	[sflag:s24] =	ssyncadd.s32 $0xFFFFFFC0  }
0x76: {  	v3 =	vld [tilespmem:$0x1000]  }
0x77: {  	v4 =	vld [tilespmem:$0x1010]  }
0x78: {  	v5 =	vld [tilespmem:$0x1020]  }
0x79: {  	v6 =	vld [tilespmem:$0x1030];
	_ =	sdelay $0x1  }
0x7a: {  	v3 =	vadd.s32 v0, v3  }
0x7b: {  	[tilespmem:$0x1000] =	vst v3;
	v3 =	vadd.s32 v0, v4  }
0x7c: {  	[tilespmem:$0x1010] =	vst v3;
	v3 =	vadd.s32 v0, v5  }
0x7d: {  	[tilespmem:$0x1020] =	vst v3;
	v3 =	vadd.s32 v0, v6  }
0x7e: {  	[tilespmem:$0x1030] =	vst v3  }
0x7f: {  	[tilespmem:s29], [sflag:$0x1] =	stream.indirect.gather [hbm4b:s6+s28], $0x80, s25, s28, $0xb8;
	[tilespmem:$0x1F780] =	vst v63  }
0x80: {  	_ = 	snop  }
0x81: {  	[tilespmem:s30], [sflag:$0x2] =	stream.indirect.gather [hbm4b:s7+s28], $0x80, s26, s28, $0xb8;
	[tilespmem:$0x1F780] =	vst v63  }
0x82: {  	_ =	swait.ge [sflag:s31], $0x2000  }
0x83: {  	[sflag:s31] =	ssyncset.done $0x0  }
0x84: {  	[sflag:s31] =	ssyncadd.s32 $0xFFFFE000  }
0x85: {  	_ =	swait.ge [sflag:s0], $0x2000  }
0x86: {  	[sflag:s0] =	ssyncset.done $0x0  }
0x87: {  	s21 =	simm.s32 $0x20;
	[sflag:s0] =	ssyncadd.s32 $0xFFFFE000  }
0x88: {  	v3 =	vld [tilespmem:s21+$0xFFFFFFE0];
	_ =	sdelay $0x4  }
0x89: {  	v3 =	vsub.f32 $0.0e+00, v3;
	_ =	sdelay $0x1  }
0x8a: {  	v3 =	vmul.f32 $1.442695020e+00, v3;
	_ =	sdelay $0x1  }
0x8b: {  	(erf) = vpow2.f32 v3;
	_ =	sdelay $0x8  }
0x8c: {  	v3 =	vpop (erf)  }
0x8d: {  	v3 =	vadd.f32 $1.000000000e+00, v3;
	_ =	sdelay $0x1  }
0x8e: {  	(erf) = vrcp.f32 v3;
	_ =	sdelay $0x2  }
0x8f: {  	s11 =	simm.s32 $0x0  }
0x90: {  	v4 =	vld [tilespmem:s11+$0x1080]  }
0x91: {  	v5 =	vld.idx.msk [tilespmem:v1+s11+$0x0 ss:$0x1], $0xffff  }
0x92: {  	v3 =	vld [tilespmem:s11+$0x10C0];
	_ =	sdelay $0x2  }
0x93: {  	v6 =	vpop (erf)  }
0x94: {  	v4 =	vmul.f32 v6, v4  }
0x95: {  	v3 =	vadd.f32 v5, v3;
	[tilespmem:s11+$0x50C0] =	vst v6  }
0x96: {  	s10 =	simm.s32 $0x70A0;
	[tilespmem:s11+$0x5080] =	vst v4  }
0x97: {  	[tilespmem:s10+$0xFFFFFFE0] =	vst v3  }
0x98: {  	v3 =	vld [tilespmem:s21+$0xFFFFFFF0];
	_ =	sdelay $0x4  }
0x99: {  	v3 =	vsub.f32 $0.0e+00, v3;
	_ =	sdelay $0x1  }
0x9a: {  	v3 =	vmul.f32 $1.442695020e+00, v3;
	_ =	sdelay $0x1  }
0x9b: {  	(erf) = vpow2.f32 v3;
	_ =	sdelay $0x8  }
0x9c: {  	v3 =	vpop (erf)  }
0x9d: {  	v3 =	vadd.f32 $1.000000000e+00, v3;
	_ =	sdelay $0x1  }
0x9e: {  	(erf) = vrcp.f32 v3;
	_ =	sdelay $0x3  }
0x9f: {  	v4 =	vld [tilespmem:s11+$0x1090]  }
0xa0: {  	v5 =	vld [tilespmem:s11+$0x10D0]  }
0xa1: {  	v3 =	vld.idx.msk [tilespmem:v1+s11+$0x10 ss:$0x1], $0xffff;
	_ =	sdelay $0x2  }
0xa2: {  	v6 =	vpop (erf)  }
0xa3: {  	v4 =	vmul.f32 v6, v4  }
0xa4: {  	v3 =	vadd.f32 v3, v5;
	[tilespmem:s11+$0x50D0] =	vst v6  }
0xa5: {  	[tilespmem:s11+$0x5090] =	vst v4  }
0xa6: {  	[tilespmem:s10+$0xFFFFFFF0] =	vst v3  }
0xa7: {  	v3 =	vld [tilespmem:s21+$0x0];
	_ =	sdelay $0x4  }
0xa8: {  	v3 =	vsub.f32 $0.0e+00, v3;
	_ =	sdelay $0x1  }
0xa9: {  	v3 =	vmul.f32 $1.442695020e+00, v3;
	_ =	sdelay $0x1  }
0xaa: {  	(erf) = vpow2.f32 v3;
	_ =	sdelay $0x8  }
0xab: {  	v3 =	vpop (erf)  }
0xac: {  	v3 =	vadd.f32 $1.000000000e+00, v3;
	_ =	sdelay $0x1  }
0xad: {  	(erf) = vrcp.f32 v3;
	_ =	sdelay $0x3  }
0xae: {  	v4 =	vld [tilespmem:s11+$0x10A0]  }
0xaf: {  	v5 =	vld [tilespmem:s11+$0x10E0]  }
0xb0: {  	v3 =	vld.idx.msk [tilespmem:v1+s11+$0x20 ss:$0x1], $0xffff;
	_ =	sdelay $0x2  }
0xb1: {  	v6 =	vpop (erf)  }
0xb2: {  	v4 =	vmul.f32 v6, v4  }
0xb3: {  	v3 =	vadd.f32 v3, v5;
	[tilespmem:s11+$0x50E0] =	vst v6  }
0xb4: {  	[tilespmem:s11+$0x50A0] =	vst v4  }
0xb5: {  	[tilespmem:s10+$0x0] =	vst v3  }
0xb6: {  	v3 =	vld [tilespmem:s21+$0x10];
	_ =	sdelay $0x4  }
0xb7: {  	v3 =	vsub.f32 $0.0e+00, v3;
	_ =	sdelay $0x1  }
0xb8: {  	v3 =	vmul.f32 $1.442695020e+00, v3;
	_ =	sdelay $0x1  }
0xb9: {  	(erf) = vpow2.f32 v3;
	_ =	sdelay $0x8  }
0xba: {  	v3 =	vpop (erf)  }
0xbb: {  	v3 =	vadd.f32 $1.000000000e+00, v3;
	_ =	sdelay $0x1  }
0xbc: {  	(erf) = vrcp.f32 v3;
	_ =	sdelay $0x2  }
0xbd: {  	v5 =	vld.idx.msk [tilespmem:v1+s11+$0x30 ss:$0x1], $0xffff  }
0xbe: {  	v6 =	vld [tilespmem:s11+$0x10F0]  }
0xbf: {  	v3 =	vld [tilespmem:s11+$0x10B0];
	_ =	sdelay $0x3  }
0xc0: {  	v7 =	vpop (erf)  }
0xc1: {  	s13 =	simm.s32 $0x70A0;
	s12 =	simm.s32 $0x200;
	v4 =	vmul.f32 v7, v3;
	[tilespmem:s11+$0x50F0] =	vst v7;
	v3 =	vadd.f32 v5, v6  }
.LBB2_6:
0xc2: {  	p0 =	sne.s32 s12, $0x7E00;
	s10 =	sadd.s32 $0x40, s10;
	s21 =	sadd.s32 $0x40, s21  }
0xc3: {  	[tilespmem:s11+$0x50B0] =	vst v4;
	s11 =	smov.u32 s12;
	s12 =	sadd.s32 $0x200, s12  }
0xc4: {  	[tilespmem:s13+$0x10] =	vst v3;
	s13 =	smov.u32 s10  }
0xc5: {  	v3 =	vld [tilespmem:s21+$0xFFFFFFE0];
	_ =	sdelay $0x4  }
0xc6: {  	v3 =	vsub.f32 $0.0e+00, v3;
	_ =	sdelay $0x1  }
0xc7: {  	v3 =	vmul.f32 $1.442695020e+00, v3;
	_ =	sdelay $0x1  }
0xc8: {  	(erf) = vpow2.f32 v3;
	_ =	sdelay $0x8  }
0xc9: {  	v3 =	vpop (erf)  }
0xca: {  	v3 =	vadd.f32 $1.000000000e+00, v3;
	_ =	sdelay $0x1  }
0xcb: {  	(erf) = vrcp.f32 v3;
	_ =	sdelay $0x1  }
0xcc: {  	s11 =	sshra.s32 s11, $0x2  }
0xcd: {  	v3 =	vld [tilespmem:s11+$0x10C0]  }
0xce: {  	v4 =	vld [tilespmem:s11+$0x1080]  }
0xcf: {  	v5 =	vld.idx.msk [tilespmem:v1+s11+$0x0 ss:$0x1], $0xffff;
	_ =	sdelay $0x3  }
0xd0: {  	v6 =	vpop (erf)  }
0xd1: {  	v4 =	vmul.f32 v6, v4  }
0xd2: {  	v3 =	vadd.f32 v5, v3;
	[tilespmem:s11+$0x50C0] =	vst v6  }
0xd3: {  	[tilespmem:s11+$0x5080] =	vst v4  }
0xd4: {  	[tilespmem:s10+$0xFFFFFFE0] =	vst v3  }
0xd5: {  	v3 =	vld [tilespmem:s21+$0xFFFFFFF0];
	_ =	sdelay $0x4  }
0xd6: {  	v3 =	vsub.f32 $0.0e+00, v3;
	_ =	sdelay $0x1  }
0xd7: {  	v3 =	vmul.f32 $1.442695020e+00, v3;
	_ =	sdelay $0x1  }
0xd8: {  	(erf) = vpow2.f32 v3;
	_ =	sdelay $0x8  }
0xd9: {  	v3 =	vpop (erf)  }
0xda: {  	v3 =	vadd.f32 $1.000000000e+00, v3;
	_ =	sdelay $0x1  }
0xdb: {  	(erf) = vrcp.f32 v3;
	_ =	sdelay $0x2  }
0xdc: {  	v3 =	vld.idx.msk [tilespmem:v1+s11+$0x10 ss:$0x1], $0xffff  }
0xdd: {  	v4 =	vld [tilespmem:s11+$0x1090]  }
0xde: {  	v5 =	vld [tilespmem:s11+$0x10D0];
	_ =	sdelay $0x3  }
0xdf: {  	v6 =	vpop (erf)  }
0xe0: {  	v4 =	vmul.f32 v6, v4;
	[tilespmem:s11+$0x50D0] =	vst v6;
	v3 =	vadd.f32 v3, v5;
	_ =	sdelay $0x1  }
0xe1: {  	[tilespmem:s11+$0x5090] =	vst v4  }
0xe2: {  	[tilespmem:s10+$0xFFFFFFF0] =	vst v3  }
0xe3: {  	v3 =	vld [tilespmem:s21+$0x0]  }
0xe4: {  	v4 =	vld.idx.msk [tilespmem:v1+s11+$0x20 ss:$0x1], $0xffff;
	_ =	sdelay $0x3  }
0xe5: {  	v3 =	vsub.f32 $0.0e+00, v3;
	_ =	sdelay $0x1  }
0xe6: {  	v3 =	vmul.f32 $1.442695020e+00, v3;
	_ =	sdelay $0x1  }
0xe7: {  	(erf) = vpow2.f32 v3;
	_ =	sdelay $0x8  }
0xe8: {  	v3 =	vpop (erf)  }
0xe9: {  	v3 =	vadd.f32 $1.000000000e+00, v3;
	_ =	sdelay $0x1  }
0xea: {  	(erf) = vrcp.f32 v3;
	_ =	sdelay $0x3  }
0xeb: {  	v3 =	vld [tilespmem:s11+$0x10A0]  }
0xec: {  	v5 =	vld [tilespmem:s11+$0x10E0];
	_ =	sdelay $0x3  }
0xed: {  	v6 =	vpop (erf)  }
0xee: {  	v3 =	vmul.f32 v6, v3;
	[tilespmem:s11+$0x50E0] =	vst v6;
	v4 =	vadd.f32 v4, v5;
	_ =	sdelay $0x1  }
0xef: {  	[tilespmem:s11+$0x50A0] =	vst v3  }
0xf0: {  	[tilespmem:s10+$0x0] =	vst v4  }
0xf1: {  	v3 =	vld [tilespmem:s21+$0x10]  }
0xf2: {  	v4 =	vld [tilespmem:s11+$0x10B0]  }
0xf3: {  	v5 =	vld.idx.msk [tilespmem:v1+s11+$0x30 ss:$0x1], $0xffff  }
0xf4: {  	v6 =	vld [tilespmem:s11+$0x10F0];
	_ =	sdelay $0x1  }
0xf5: {  	v3 =	vsub.f32 $0.0e+00, v3;
	_ =	sdelay $0x1  }
0xf6: {  	v3 =	vmul.f32 $1.442695020e+00, v3;
	_ =	sdelay $0x1  }
0xf7: {  	(erf) = vpow2.f32 v3;
	_ =	sdelay $0x8  }
0xf8: {  	v3 =	vpop (erf)  }
0xf9: {  	v3 =	vadd.f32 $1.000000000e+00, v3;
	_ =	sdelay $0x1  }
0xfa: {  	(erf) = vrcp.f32 v3;
	_ =	sdelay $0x5  }
.Ltmp6:
0xfb: {  	(pc) =	sbr.rel @p0 .LBB2_6-.Ltmp6, $3  }
0xfc: {  	_ =	sdelay $0x1  }
0xfd: {  	v3 =	vpop (erf)  }
0xfe: {  	v4 =	vmul.f32 v3, v4;
	[tilespmem:s11+$0x50F0] =	vst v3;
	v3 =	vadd.f32 v5, v6  }
0xff: {  	_ = 	snop  }
0x100: {  	[tilespmem:s11+$0x50B0] =	vst v4  }
0x101: {  	[tilespmem:s13+$0x10] =	vst v3  }
0x102: {  	[spmem:s2] =	stream.indirect.scatter.add.f32 [tilespmem:s16], [sflag:$0x4], $0x80, s26, s28, $0xb8;
	[tilespmem:$0x1F780] =	vst v63  }
0x103: {  	_ =	swait.ge [sflag:s24], $0x2000  }
0x104: {  	[sflag:s24] =	ssyncset.done $0x0  }
.Ltmp7:
0x105: {  	s10 =	sadd.s32 s9, s20;
	[sflag:s24] =	ssyncadd.s32 $0xFFFFE000;
	(pc) =	sbr.rel .LBB2_8-.Ltmp7, $4  }
0x106: {  	[hbm4b:s10+s3] =	stream.linear.scatter [tilespmem:s17], [sflag:$0x3], $0x1000, $0x38;
	[tilespmem:$0x1F780] =	vst v63  }
0x107: {  	_ =	swait.ge [sflag:s23], $0x1000  }
0x108: {  	[sflag:s23] =	ssyncset.done $0x0  }
0x109: {  	[sflag:s23] =	ssyncadd.s32 $0xFFFFF000  }
.LBB2_10:
0x10a: {  	_ =	sfence.sel $0x180000  }
0x10b: {  	[bflag:$0x0] =	sbarrier.arrive $0xFFFF  }
0x10c: {  	_ =	strace $0x9000004A  }
0x10d: {  	[bflag:$0x2] =	sbarrier.arrive $0xFFFF  }
0x10e: {  	p0 =	sne.s32 s4, $0x0;
	s0 =	rddreg [dreg:$0x3]  }
0x10f: {  	s0 =	sadd.s32 @!p0 $0x100000, s0  }
0x110: {  	[sflag:s0] =	ssyncadd.tile.s32 @!p0 $0x1;
	_ =	shalt  }
.Lfunc_end2:
_tile_overlayer_lowered:
.L_overlay_start_2:
0x111: {  	(tag) =	ssettag $0x2  }
0x112: {  	s0 =	rddreg [dreg:$0x0];
	s2 =	stileid.u32  }
0x113: {  	s1 =	rddreg [dreg:$0x1];
	p0 =	sne.s32 s2, $0x0  }
0x114: {  	s3 =	rddreg [dreg:$0x2];
	[bflag:$0x3] =	sbarrier.arrive $0xFFFF;
	s2 =	simm.s32 @!p0 $0x1C03  }
0x115: {  	[timem:s3], [sflag:s2] =	dma.local @!p0 [hbm:s0], s1  }
0x116: {  	s0 =	simm.s32 @!p0 $0x3  }
0x117: {  	_ =	swait.ge @!p0 [sflag:s0], s1  }
0x118: {  	s1 =	ssub.s32 @!p0 $0x0, s1;
	[sflag:s0] =	ssyncset.done @!p0 $0x0  }
0x119: {  	[sflag:s0] =	ssyncadd.s32 @!p0 s1  }
0x11a: {  	[bflag:$0x3] =	sbarrier.arrive $0xFFFF  }
0x11b: {  	_ =	shalt  }

// kernel: kernel.20.cloned.1.call-start
scs
__scs_entry_jumppad:
0x0: {  	(pc) =	sbr.rel $0x88, $3  }
0x1: {  	(tag) =	ssettag $0x0;
	lr =	simm.s32 $0x1  }
0x2: {  	[smem:$0x3F88] =	sst lr;
	_ =	strace $0xD0000000  }
0x3: {  	_ = 	snop  }
0x4: {  	_ = 	snop  }
0x5: {  	_ = 	snop  }
0x6: {  	_ = 	snop  }
0x7: {  	_ = 	snop  }
__scs_overlays_trampoline_lowered:
0x8: {  	[smem:$0x3F97] =	sst s0  }
0x9: {  	[smem:$0x3F98] =	sst s1  }
0xa: {  	[smem:$0x3F99] =	sst s2  }
0xb: {  	[smem:$0x3F9A] =	sst s3  }
0xc: {  	[smem:$0x3F9B] =	sst s4  }
0xd: {  	[smem:$0x3F9C] =	sst s5  }
0xe: {  	[smem:$0x3F9D] =	sst s6  }
0xf: {  	[smem:$0x3F9E] =	sst s7  }
0x10: {  	[smem:$0x3F9F] =	sst s8  }
0x11: {  	[smem:$0x3FA0] =	sst s9;
	s0 =	simm.s32 @!p0 $0x0  }
0x12: {  	s1 =	sld [smem:$0x3F86];
	s0 =	simm.s32 @p0 $0x1  }
0x13: {  	[smem:$0x3FA1] =	sst s0;
	s0 =	simm.s32 @!p1 $0x0  }
0x14: {  	s2 =	sld [smem:$0x3F85];
	s0 =	simm.s32 @p1 $0x1  }
0x15: {  	[smem:$0x3FA2] =	sst s0;
	s0 =	simm.s32 @!p2 $0x0  }
0x16: {  	s3 =	sld [smem:$0x3FDB];
	s0 =	simm.s32 @p2 $0x1  }
0x17: {  	s4 =	simm.s32 $0x1BF5;
	[smem:$0x3FA4] =	sst s0  }
0x18: {  	s0 =	sld [smem:$0x3F87];
	_ =	swait.ge [sflag:s4], $0x0  }
0x19: {  	s7 =	sld [smem:$0x3F88]  }
0x1a: {  	s8 =	sadd.s32 $0xFFFFE003, lr  }
0x1b: {  	s9 =	sadd.s32 $0xFFFFFEF7, lr;
	s5 =	simm.s32 $0xFFFFFFFF;
	p2 =	slt.u32 s8, $0xFFFFF086  }
0x1c: {  	p1 =	slt.u32 s9, $0xF7A;
	s5 =	simm.s32 @!p2 $0x0  }
0x1d: {  	s5 =	simm.s32 @p1 $0x1;
	p0 =	seq.s32 s7, s2  }
0x1e: {  	s7 =	smul.u32 @!p0 $0xF7A, s2;
	p2 =	seq.s32 @!p0 s5, $0x0  }
0x1f: {  	s9 =	smul.u32 $0xF7A, s1;
	s8 =	simm.s32 @!p0 $0x1BF5;
	p2 =	por !p2, p0  }
0x20: {  	[sflag:s8] =	ssyncset.s32 @!p0 $0xFFFFF086;
	s6 =	sadd.s32 @!p0 s3, s7;
	s7 =	simm.s32 @!p0 $0x108  }
0x21: {  	s3 =	sadd.s32 s3, s9;
	s6 =	sadd.s32 @!p0 $0x88, s6;
	s7 =	simm.s32 @p2 $0x1082  }
0x22: {  	[simem:s7], [sflag:s8] =	dma.local @!p0 [hbm:s6], $0xF7A  }
0x23: {  	s9 =	sor.u32 $0xD0000000, s2;
	s6 =	simm.s32 $0x108;
	_ =	swait.ge @!p0 [sflag:s8], $0x0  }
0x24: {  	s3 =	sadd.s32 $0x88, s3;
	s6 =	simm.s32 @!p1 $0x1082;
	[sflag:s4] =	ssyncset.s32 $0xFFFFF086  }
0x25: {  	[simem:s6], [sflag:s4] =	dma.local [hbm:s3], $0xF7A  }
0x26: {  	[smem:$0x3F88] =	sst s1;
	(tag) =	ssettag s2;
	_ =	strace s9  }
0x27: {  	s1 =	sld [smem:$0x3F98]  }
0x28: {  	s2 =	sld [smem:$0x3F99]  }
0x29: {  	s4 =	sld [smem:$0x3F9B]  }
0x2a: {  	p0 =	seq.s32 s5, $0x0;
	s5 =	sld [smem:$0x3F9C]  }
0x2b: {  	s6 =	sld [smem:$0x3F9D]  }
0x2c: {  	s7 =	sld [smem:$0x3F9E]  }
0x2d: {  	s3 =	simm.s32 $0x108;
	s8 =	sld [smem:$0x3F9F]  }
0x2e: {  	s3 =	simm.s32 @!p0 $0x1082;
	s9 =	sld [smem:$0x3FA0]  }
0x2f: {  	lr =	sadd.s32 s0, s3;
	s0 =	sld [smem:$0x3F97]  }
0x30: {  	s3 =	sld [smem:$0x3F9A]  }
0x31: {  	[smem:$0x3FA3] =	sst s10  }
0x32: {  	s10 =	sld [smem:$0x3FA1];
	_ =	sdelay $0x3  }
0x33: {  	p0 =	seq.s32 s10, $0x1;
	s10 =	sld [smem:$0x3FA3];
	_ =	sdelay $0x3  }
0x34: {  	[smem:$0x3FA3] =	sst s10  }
0x35: {  	s10 =	sld [smem:$0x3FA2];
	_ =	sdelay $0x3  }
0x36: {  	p1 =	seq.s32 s10, $0x1;
	s10 =	sld [smem:$0x3FA3];
	_ =	sdelay $0x3  }
0x37: {  	[smem:$0x3FA3] =	sst s10  }
0x38: {  	s10 =	sld [smem:$0x3FA4]  }
0x39: {  	_ = 	snop;
	(pc) =	sbr.ind lr, $3  }
0x3a: {  	_ = 	snop  }
0x3b: {  	_ = 	snop  }
0x3c: {  	p2 =	seq.s32 s10, $0x1;
	s10 =	sld [smem:$0x3FA3]  }
0x3d: {  	_ =	shalt  }
0x3e: {  	_ =	shalt  }
0x3f: {  	_ =	shalt  }
0x40: {  	_ =	shalt  }
0x41: {  	_ =	shalt  }
0x42: {  	_ =	shalt  }
0x43: {  	_ =	shalt  }
0x44: {  	_ =	shalt  }
0x45: {  	_ =	shalt  }
0x46: {  	_ =	shalt  }
0x47: {  	_ =	shalt  }
0x48: {  	_ =	shalt  }
0x49: {  	_ =	shalt  }
0x4a: {  	_ =	shalt  }
0x4b: {  	_ =	shalt  }
0x4c: {  	_ =	shalt  }
0x4d: {  	_ =	shalt  }
0x4e: {  	_ =	shalt  }
0x4f: {  	_ =	shalt  }
0x50: {  	_ =	shalt  }
0x51: {  	_ =	shalt  }
0x52: {  	_ =	shalt  }
0x53: {  	_ =	shalt  }
0x54: {  	_ =	shalt  }
0x55: {  	_ =	shalt  }
0x56: {  	_ =	shalt  }
0x57: {  	_ =	shalt  }
0x58: {  	_ =	shalt  }
0x59: {  	_ =	shalt  }
0x5a: {  	_ =	shalt  }
0x5b: {  	_ =	shalt  }
0x5c: {  	_ =	shalt  }
0x5d: {  	_ =	shalt  }
0x5e: {  	_ =	shalt  }
0x5f: {  	_ =	shalt  }
0x60: {  	_ =	shalt  }
0x61: {  	_ =	shalt  }
0x62: {  	_ =	shalt  }
0x63: {  	_ =	shalt  }
0x64: {  	_ =	shalt  }
0x65: {  	_ =	shalt  }
0x66: {  	_ =	shalt  }
0x67: {  	_ =	shalt  }
0x68: {  	_ =	shalt  }
0x69: {  	_ =	shalt  }
0x6a: {  	_ =	shalt  }
0x6b: {  	_ =	shalt  }
0x6c: {  	_ =	shalt  }
0x6d: {  	_ =	shalt  }
0x6e: {  	_ =	shalt  }
0x6f: {  	_ =	shalt  }
0x70: {  	_ =	shalt  }
0x71: {  	_ =	shalt  }
0x72: {  	_ =	shalt  }
0x73: {  	_ =	shalt  }
0x74: {  	_ =	shalt  }
0x75: {  	_ =	shalt  }
0x76: {  	_ =	shalt  }
0x77: {  	_ =	shalt  }
0x78: {  	_ =	shalt  }
0x79: {  	_ =	shalt  }
0x7a: {  	_ =	shalt  }
0x7b: {  	_ =	shalt  }
0x7c: {  	_ =	shalt  }
0x7d: {  	_ =	shalt  }
0x7e: {  	_ =	shalt  }
0x7f: {  	_ =	shalt  }
0x80: {  	_ =	shalt  }
0x81: {  	_ =	shalt  }
0x82: {  	_ =	shalt  }
0x83: {  	_ =	shalt  }
0x84: {  	_ =	shalt  }
0x85: {  	_ =	shalt  }
0x86: {  	_ =	shalt  }
0x87: {  	_ =	shalt  }
.Lfunc_end0:
.L_simem_size_0:
called_computation.2_lowered:
.L_overlay_start_0:
0x88: {  	s2 =	sld [smem:$0x3FD9]  }
0x89: {  	s3 =	sld [smem:$0x3FFE];
	_ =	sdelay $0x1  }
0x8a: {  	s1 =	srdreg.scid  }
0x8b: {  	s0 =	sand.u32 $0x1, s1  }
0x8c: {  	s17 =	sshll.u32 s0, $0xA;
	s2 =	sadd.s32 s3, s2  }
0x8d: {  	s2 =	sadd.s32 s2, s17  }
0x8e: {  	[smem:$0x3FAF] =	sst s2  }
0x8f: {  	_ = 	snop  }
0x90: {  	s2 =	sld [smem:$0x3FD0];
	(tm) =	ssettm $0x1  }
0x91: {  	s18 =	sld [smem:$0x3FFB];
	_ =	sdelay $0x3  }
0x92: {  	_ =	strace s18  }
0x93: {  	s3 =	sld [smem:$0x3FFC];
	_ =	sdelay $0x3  }
0x94: {  	_ =	strace s3  }
0x95: {  	s3 =	sld [smem:$0x3FFD];
	_ =	sdelay $0x3  }
0x96: {  	_ =	strace s3  }
0x97: {  	_ =	strace $0x8FFFFFFF  }
0x98: {  	s19 =	sld [smem:$0x3FDB];
	_ =	sdelay $0x1  }
0x99: {  	s4 =	simm.s32 $_scs_section_size  }
0x9a: {  	s5 =	simm.s32 $_size__tile_overlayer_lowered;
	s6 =	simm.s32 $_tile_overlayer_lowered  }
0x9b: {  	s22 =	simm.s32 $0x1BFF;
	s21 =	sshll.u32 s6, $0x1;
	s3 =	sadd.s32 s4, s19  }
0x9c: {  	s7 =	simm.s32 $0x0;
	s20 =	sshll.u32 s5, $0x1;
	s5 =	sadd.s32 s21, s3  }
0x9d: {  	[timem:s7], [sflag:s22] =	dma.local [hbm:s5], s20  }
0x9e: {  	_ =	swait.ge [sflag:s22], s20  }
0x9f: {  	s4 =	ssub.s32 $0x0, s20;
	[sflag:s22] =	ssyncset.done $0x0  }
0xa0: {  	[sflag:s22] =	ssyncadd.s32 s4;
	_ =	sdelay $0x1  }
0xa1: {  	s23 =	simm.s32 $0x1B8B  }
0xa2: {  	_ =	swait.ge [sflag:s23], $0x1  }
0xa3: {  	[sflag:s23] =	ssyncset.done $0x0  }
0xa4: {  	s25 =	simm.s32 $0x1B8E;
	s24 =	sld [smem:$0x3FFE];
	[sflag:s23] =	ssyncadd.s32 $0xFFFFFFFF  }
0xa5: {  	s26 =	simm.s32 $execute0_lowered;
	[smem:$0x3FD2] =	sst s25  }
0xa6: {  	s5 =	sshll.u32 s26, $0x1;
	_ =	strace $0x8000004C;
	[dreg:$0x1] =	wrdreg $0xFFFFFFFF  }
0xa7: {  	s28 =	simm.s32 $_size_execute0_lowered;
	s3 =	sadd.s32 s3, s5;
	[dreg:$0x0] =	wrdreg $0x0  }
0xa8: {  	s5 =	sshll.u32 s28, $0x1;
	[dreg:$0x2] =	wrdreg s3  }
0xa9: {  	[dreg:$0x3] =	wrdreg s5  }
0xaa: {  	[dreg:$0x4] =	wrdreg $0xC0  }
0xab: {  	_ =	task [dreg:s7], $0x5FFFF  }
0xac: {  	[dreg:$0x1] =	wrdreg $0xFFFFFFFF  }
0xad: {  	[dreg:$0x0] =	wrdreg $0x60  }
0xae: {  	[dreg:$0x2] =	wrdreg s24  }
0xaf: {  	[dreg:$0x3] =	wrdreg s2  }
0xb0: {  	[dreg:$0x4] =	wrdreg $0xBF000  }
0xb1: {  	[dreg:$0x5] =	wrdreg $0x9  }
0xb2: {  	_ =	task.clear_ibuf [dreg:s7], $0x6FFFF;
	_ =	strace $0x9000004C  }
0xb3: {  	s29 =	simm.s32 $0x9;
	_ =	strace $0x8000004E  }
0xb4: {  	_ =	swait.ge [sflag:s29], $0x1  }
0xb5: {  	[sflag:s29] =	ssyncadd.s32 $0xFFFFFFFF  }
0xb6: {  	_ =	strace $0x9000004E  }
0xb7: {  	_ =	sfence  }
0xb8: {  	s30 =	sld [smem:$0x0];
	_ =	sdelay $0x2  }
0xb9: {  	s31 =	sshll.u32 s1, $0xD;
	s1 =	sshrl.u32 s1, $0x2  }
0xba: {  	s3 =	sand.u32 $0x4000, s31;
	s1 =	sadd.s32 s1, s30  }
0xbb: {  	s0 =	sor.u32 s3, s0;
	s1 =	sshll.u32 s1, $0x11  }
0xbc: {  	s0 =	sor.u32 s1, s0  }
0xbd: {  	s0 =	sadd.s32 $0x8F2B, s0  }
0xbe: {  	[sflag:s0] =	ssyncadd.remote.s32 $0x1  }
0xbf: {  	_ =	sfence.sel $0xFFFF  }
0xc0: {  	[dreg:$0x0] =	wrdreg $0xFFFFFFFF;
	(pc) =	sbr.abs _section_cstart, $3  }
0xc1: {  	[dreg:$0x1] =	wrdreg $0xFFFFFFFF  }
0xc2: {  	_ =	task.clear_ibuf [dreg:s7], $0x2FFFF;
	_ =	strace $0x9FFFFFFF  }
0xc3: {  	(tm) =	ssettm $0x7FFFFFFF  }
tec
execute0_lowered:
.L_overlay_start_1:
0x0: {  	(tag) =	ssettag $0x1  }
0x1: {  	s0 =	rddreg [dreg:$0x0]  }
0x2: {  	s1 =	rddreg [dreg:$0x1]  }
0x3: {  	s2 =	rddreg [dreg:$0x2];
	s3 =	simm.s32 $0x0  }
0x4: {  	s7 =	srdreg.scid;
	s4 =	stileid.u32;
	s28 =	simm.s32 $0x40  }
0x5: {  	s29 =	simm.s32 $0x1080;
	s30 =	simm.s32 $0x3080;
	[smem:$0x7FF] =	sst s3  }
0x6: {  	s31 =	simm.s32 $0x1;
	s5 =	sadd.s32 $0x14B4A00, s0;
	s6 =	sadd.s32 $0xF0AE00, s0  }
0x7: {  	s10 =	sand.u32 $0x1, s7;
	s7 =	sadd.s32 $0xEE3C00, s0;
	s8 =	sadd.s32 $0xED9E00, s0  }
0x8: {  	s12 =	smul.u32 $0x13880, s4;
	s13 =	sadd.s32 $0xF59000, s0;
	s9 =	sadd.s32 $0xFA7200, s0  }
0x9: {  	_ =	strace $0x8000004D;
	s11 =	ssub.s32 $0x2, s10;
	s16 =	smul.u32 $0x2710, s10  }
0xa: {  	s15 =	smul.u32 $0x1388000, s10;
	s14 =	sshrl.u32 s11, $0x1;
	s26 =	sadd.s32 $0x3E80, s12  }
0xb: {  	s18 =	sadd.s32 s12, s2;
	s17 =	sadd.s32 $0x7D00, s12;
	s0 =	ssub.s32 s11, s14  }
0xc: {  	[dreg:$0x4] =	wrdreg s18;
	s19 =	sadd.s32 s26, s2;
	s18 =	sadd.s32 $0xBB80, s12  }
0xd: {  	s20 =	sadd.s32 s17, s2;
	v0 =	vmov s16;
	s16 =	simm.s32 $0x5080;
	[dreg:$0x5] =	wrdreg s19  }
0xe: {  	s19 =	smul.u32 $0x138800, s10;
	[dreg:$0x6] =	wrdreg s20;
	s21 =	sadd.s32 s18, s2  }
0xf: {  	s20 =	sadd.s32 $0xFA00, s12;
	s10 =	sshll.u32 s10, $0x6;
	s0 =	smax.u32 s0, $0x1  }
0x10: {  	[dreg:$0x7] =	wrdreg s21;
	s14 =	sadd.s32 s20, s2;
	s10 =	sor.u32 $0x3080, s10  }
0x11: {  	[dreg:$0xd] =	wrdreg s0;
	s0 =	simm.s32 $0x2;
	s12 =	sadd.s32 s12, s19  }
0x12: {  	s11 =	sadd.s32 s19, s26;
	s22 =	sadd.s32 s19, s17;
	s23 =	sadd.s32 s19, s18  }
0x13: {  	s24 =	sadd.s32 s19, s20;
	s17 =	simm.s32 $0x7080;
	s18 =	simm.s32 $0x0  }
0x14: {  	s12 =	sshrl.u32 s12, $0x3;
	s11 =	sshrl.u32 s11, $0x3;
	s26 =	sshrl.u32 s24, $0x3  }
0x15: {  	s24 =	simm.s32 $0x4;
	s12 =	sadd.s32 s13, s12;
	s11 =	sadd.s32 s13, s11  }
.Ltmp0:
0x16: {  	[dreg:$0x9] =	wrdreg s11;
	s11 =	sshrl.u32 s22, $0x3;
	(pc) =	sbr.rel .LBB2_1-.Ltmp0, $4  }
0x17: {  	[dreg:$0x8] =	wrdreg s12;
	s12 =	sshrl.u32 s23, $0x3;
	s11 =	sadd.s32 s13, s11  }
0x18: {  	s22 =	simm.s32 $0x8080;
	s25 =	sadd.s32 s13, s12;
	[dreg:$0xa] =	wrdreg s11  }
0x19: {  	s23 =	simm.s32 $0x3;
	[dreg:$0xb] =	wrdreg s25;
	s11 =	sadd.s32 s13, s26  }
0x1a: {  	v2 =	vimm.f32 $0.0e+00;
	v1 =	vmov s10;
	s25 =	simm.s32 $0x1000;
	s26 =	simm.s32 $0x1040;
	[dreg:$0xc] =	wrdreg s11  }
.LBB2_9:
0x1b: {  	[bflag:$0x0] =	sbarrier.arrive $0xFFFF  }
0x1c: {  	s10 =	sshll.u32 s4, $0x6;
	s11 =	rddreg [dreg:$0x4]  }
0x1d: {  	s10 =	sor.u32 $0x1C03, s10;
	s12 =	rddreg [dreg:$0x8];
	s11 =	sshrl.u32 s11, $0x3  }
0x1e: {  	[hbm:s12], [sflag:s10] =	dma.local [spmem:s11], $0x7D0  }
0x1f: {  	_ =	swait.ge [sflag:s23], $0x7D0  }
0x20: {  	[sflag:s23] =	ssyncset.done $0x0;
	s13 =	rddreg [dreg:$0x5]  }
0x21: {  	s19 =	rddreg [dreg:$0x9];
	[sflag:s23] =	ssyncadd.s32 $0xFFFFF830;
	s11 =	sshrl.u32 s13, $0x3  }
0x22: {  	[hbm:s19], [sflag:s10] =	dma.local [spmem:s11], $0x7D0  }
0x23: {  	_ =	swait.ge [sflag:s23], $0x7D0  }
0x24: {  	[sflag:s23] =	ssyncset.done $0x0;
	s20 =	rddreg [dreg:$0x6]  }
0x25: {  	s21 =	rddreg [dreg:$0xa];
	[sflag:s23] =	ssyncadd.s32 $0xFFFFF830;
	s11 =	sshrl.u32 s20, $0x3  }
0x26: {  	[hbm:s21], [sflag:s10] =	dma.local [spmem:s11], $0x7D0  }
0x27: {  	_ =	swait.ge [sflag:s23], $0x7D0  }
0x28: {  	[sflag:s23] =	ssyncset.done $0x0;
	s12 =	rddreg [dreg:$0x7]  }
0x29: {  	s13 =	rddreg [dreg:$0xb];
	[sflag:s23] =	ssyncadd.s32 $0xFFFFF830;
	s11 =	sshrl.u32 s12, $0x3  }
0x2a: {  	[hbm:s13], [sflag:s10] =	dma.local [spmem:s11], $0x7D0  }
0x2b: {  	_ =	swait.ge [sflag:s23], $0x7D0  }
0x2c: {  	[sflag:s23] =	ssyncset.done $0x0  }
0x2d: {  	s19 =	sshrl.u32 s14, $0x3;
	s20 =	rddreg [dreg:$0xc];
	[sflag:s23] =	ssyncadd.s32 $0xFFFFF830  }
0x2e: {  	[hbm:s20], [sflag:s10] =	dma.local [spmem:s19], $0x7D0  }
0x2f: {  	_ =	swait.ge [sflag:s23], $0x7D0  }
0x30: {  	s18 =	sadd.s32 $0x1, s18;
	s21 =	rddreg [dreg:$0xd]  }
0x31: {  	p0 =	sne.s32 s18, s21  }
.Ltmp1:
0x32: {  	_ = 	snop;
	(pc) =	sbr.rel @!p0 .LBB2_10-.Ltmp1, $3  }
0x33: {  	_ =	sdelay $0x1  }
0x34: {  	[sflag:s23] =	ssyncset.done $0x0  }
0x35: {  	[sflag:s23] =	ssyncadd.s32 $0xFFFFF830  }
.LBB2_1:
0x36: {  	s10 =	simm.s32 $0x0;
	s11 =	simm.s32 $0x200  }
.LBB2_2:
0x37: {  	p0 =	sne.s32 s11, $0xF800;
	[tilespmem:s10+$0x80F0] =	vst v2  }
0x38: {  	[tilespmem:s10+$0x8080] =	vst v2  }
0x39: {  	[tilespmem:s10+$0x8090] =	vst v2  }
.Ltmp2:
0x3a: {  	[tilespmem:s10+$0x80A0] =	vst v2;
	(pc) =	sbr.rel @p0 .LBB2_2-.Ltmp2, $4  }
0x3b: {  	[tilespmem:s10+$0x80B0] =	vst v2  }
0x3c: {  	[tilespmem:s10+$0x80C0] =	vst v2  }
0x3d: {  	[tilespmem:s10+$0x80D0] =	vst v2  }
0x3e: {  	[tilespmem:s10+$0x80E0] =	vst v2;
	s10 =	sshra.s32 s11, $0x2;
	s11 =	sadd.s32 $0x200, s11  }
0x3f: {  	[tilespmem:s10+$0x80F0] =	vst v2  }
0x40: {  	[tilespmem:s10+$0x8080] =	vst v2  }
0x41: {  	[tilespmem:s10+$0x8090] =	vst v2  }
0x42: {  	[tilespmem:s10+$0x80A0] =	vst v2  }
0x43: {  	[tilespmem:s10+$0x80B0] =	vst v2  }
0x44: {  	[tilespmem:s10+$0x80C0] =	vst v2  }
0x45: {  	[tilespmem:s10+$0x80D0] =	vst v2  }
0x46: {  	[tilespmem:s10+$0x80E0] =	vst v2;
	s13 =	rddreg [dreg:$0x4]  }
0x47: {  	[spmem:s13] =	stream.linear.scatter [tilespmem:s22], [sflag:$0x3], $0x3E80, $0x38;
	[tilespmem:$0x1F780] =	vst v63  }
0x48: {  	_ =	swait.ge [sflag:s23], $0x3E80  }
0x49: {  	[sflag:s23] =	ssyncset.done $0x0  }
0x4a: {  	s19 =	rddreg [dreg:$0x5];
	[sflag:s23] =	ssyncadd.s32 $0xFFFFC180  }
0x4b: {  	[spmem:s19] =	stream.linear.scatter [tilespmem:s22], [sflag:$0x3], $0x3E80, $0x38;
	[tilespmem:$0x1F780] =	vst v63  }
0x4c: {  	_ =	swait.ge [sflag:s23], $0x3E80  }
0x4d: {  	[sflag:s23] =	ssyncset.done $0x0  }
0x4e: {  	s20 =	rddreg [dreg:$0x6];
	[sflag:s23] =	ssyncadd.s32 $0xFFFFC180  }
0x4f: {  	[spmem:s20] =	stream.linear.scatter [tilespmem:s22], [sflag:$0x3], $0x3E80, $0x38;
	[tilespmem:$0x1F780] =	vst v63  }
0x50: {  	_ =	swait.ge [sflag:s23], $0x3E80  }
0x51: {  	[sflag:s23] =	ssyncset.done $0x0  }
0x52: {  	s21 =	rddreg [dreg:$0x7];
	[sflag:s23] =	ssyncadd.s32 $0xFFFFC180  }
0x53: {  	[spmem:s21] =	stream.linear.scatter [tilespmem:s22], [sflag:$0x3], $0x3E80, $0x38;
	[tilespmem:$0x1F780] =	vst v63  }
0x54: {  	_ =	swait.ge [sflag:s23], $0x3E80  }
0x55: {  	[sflag:s23] =	ssyncset.done $0x0  }
0x56: {  	[sflag:s23] =	ssyncadd.s32 $0xFFFFC180  }
0x57: {  	[spmem:s14] =	stream.linear.scatter [tilespmem:s22], [sflag:$0x3], $0x3E80, $0x38;
	[tilespmem:$0x1F780] =	vst v63  }
.Ltmp3:
0x58: {  	_ =	swait.ge [sflag:s23], $0x3E80;
	(pc) =	sbr.rel .LBB2_4-.Ltmp3, $4  }
0x59: {  	[sflag:s23] =	ssyncset.done $0x0  }
0x5a: {  	[sflag:s23] =	ssyncadd.s32 $0xFFFFC180  }
0x5b: {  	[bflag:$0x0] =	sbarrier.arrive $0xFFFF  }
0x5c: {  	s19 =	simm.s32 $0x0  }
.LBB2_8:
0x5d: {  	s19 =	sadd.s32 $0x1, s19  }
0x5e: {  	p0 =	sne.s32 s19, $0x139  }
.Ltmp4:
0x5f: {  	_ = 	snop;
	(pc) =	sbr.rel @!p0 .LBB2_9-.Ltmp4, $1  }
0x60: {  	_ =	sdelay $0x3  }
.LBB2_4:
0x61: {  	s10 =	sshll.u32 s19, $0x4  }
0x62: {  	s10 =	sor.u32 s4, s10  }
0x63: {  	p0 =	sgt.u32 s10, $0x1387  }
.Ltmp5:
0x64: {  	_ = 	snop;
	(pc) =	sbr.rel @p0 .LBB2_8-.Ltmp5, $1  }
0x65: {  	_ =	sdelay $0x3  }
0x66: {  	s11 =	sshll.u32 s10, $0xC  }
0x67: {  	s11 =	sadd.s32 s15, s11  }
0x68: {  	s20 =	sshrl.u32 s11, $0x3  }
0x69: {  	s12 =	simm.s32 $0x0;
	s11 =	sadd.s32 s5, s20  }
0x6a: {  	[tilespmem:s12], [sflag:$0x4] =	stream.linear.gather [hbm4b:s11+s12], $0x1000, $0x38;
	[tilespmem:$0x1F780] =	vst v63  }
0x6b: {  	_ =	swait.ge [sflag:s24], $0x1000  }
0x6c: {  	s13 =	sshll.u32 s10, $0x3;
	[sflag:s24] =	ssyncset.done $0x0  }
0x6d: {  	s21 =	sadd.s32 s8, s13;
	[sflag:s24] =	ssyncadd.s32 $0xFFFFF000  }
0x6e: {  	[tilespmem:s25], [sflag:$0x4] =	stream.linear.gather [hbm4b:s21+s12], $0x40, $0x38;
	[tilespmem:$0x1F780] =	vst v63  }
0x6f: {  	_ =	swait.ge [sflag:s24], $0x40  }
0x70: {  	[sflag:s24] =	ssyncset.done $0x0  }
0x71: {  	s10 =	sadd.s32 s1, s13;
	[sflag:s24] =	ssyncadd.s32 $0xFFFFFFC0  }
0x72: {  	[tilespmem:s26], [sflag:$0x4] =	stream.linear.gather [hbm4b:s10+s12], $0x40, $0x38;
	[tilespmem:$0x1F780] =	vst v63  }
0x73: {  	_ =	swait.ge [sflag:s24], $0x40  }
0x74: {  	[sflag:s24] =	ssyncset.done $0x0  }
0x75: {  	[sflag:s24] =	ssyncadd.s32 $0xFFFFFFC0  }
0x76: {  	v3 =	vld [tilespmem:$0x1000]  }
0x77: {  	v4 =	vld [tilespmem:$0x1010]  }
0x78: {  	v5 =	vld [tilespmem:$0x1020]  }
0x79: {  	v6 =	vld [tilespmem:$0x1030];
	_ =	sdelay $0x1  }
0x7a: {  	v3 =	vadd.s32 v0, v3  }
0x7b: {  	[tilespmem:$0x1000] =	vst v3;
	v3 =	vadd.s32 v0, v4  }
0x7c: {  	[tilespmem:$0x1010] =	vst v3;
	v3 =	vadd.s32 v0, v5  }
0x7d: {  	[tilespmem:$0x1020] =	vst v3;
	v3 =	vadd.s32 v0, v6  }
0x7e: {  	[tilespmem:$0x1030] =	vst v3  }
0x7f: {  	[tilespmem:s29], [sflag:$0x1] =	stream.indirect.gather [hbm4b:s6+s28], $0x80, s25, s28, $0xb8;
	[tilespmem:$0x1F780] =	vst v63  }
0x80: {  	_ = 	snop  }
0x81: {  	[tilespmem:s30], [sflag:$0x2] =	stream.indirect.gather [hbm4b:s7+s28], $0x80, s26, s28, $0xb8;
	[tilespmem:$0x1F780] =	vst v63  }
0x82: {  	_ =	swait.ge [sflag:s31], $0x2000  }
0x83: {  	[sflag:s31] =	ssyncset.done $0x0  }
0x84: {  	[sflag:s31] =	ssyncadd.s32 $0xFFFFE000  }
0x85: {  	_ =	swait.ge [sflag:s0], $0x2000  }
0x86: {  	[sflag:s0] =	ssyncset.done $0x0  }
0x87: {  	s21 =	simm.s32 $0x20;
	[sflag:s0] =	ssyncadd.s32 $0xFFFFE000  }
0x88: {  	v3 =	vld [tilespmem:s21+$0xFFFFFFE0];
	_ =	sdelay $0x4  }
0x89: {  	v3 =	vsub.f32 $0.0e+00, v3;
	_ =	sdelay $0x1  }
0x8a: {  	v3 =	vmul.f32 $1.442695020e+00, v3;
	_ =	sdelay $0x1  }
0x8b: {  	(erf) = vpow2.f32 v3;
	_ =	sdelay $0x8  }
0x8c: {  	v3 =	vpop (erf)  }
0x8d: {  	v3 =	vadd.f32 $1.000000000e+00, v3;
	_ =	sdelay $0x1  }
0x8e: {  	(erf) = vrcp.f32 v3;
	_ =	sdelay $0x2  }
0x8f: {  	s11 =	simm.s32 $0x0  }
0x90: {  	v4 =	vld [tilespmem:s11+$0x1080]  }
0x91: {  	v5 =	vld.idx.msk [tilespmem:v1+s11+$0x0 ss:$0x1], $0xffff  }
0x92: {  	v3 =	vld [tilespmem:s11+$0x10C0];
	_ =	sdelay $0x2  }
0x93: {  	v6 =	vpop (erf)  }
0x94: {  	v4 =	vmul.f32 v6, v4  }
0x95: {  	v3 =	vadd.f32 v5, v3;
	[tilespmem:s11+$0x50C0] =	vst v6  }
0x96: {  	s10 =	simm.s32 $0x70A0;
	[tilespmem:s11+$0x5080] =	vst v4  }
0x97: {  	[tilespmem:s10+$0xFFFFFFE0] =	vst v3  }
0x98: {  	v3 =	vld [tilespmem:s21+$0xFFFFFFF0];
	_ =	sdelay $0x4  }
0x99: {  	v3 =	vsub.f32 $0.0e+00, v3;
	_ =	sdelay $0x1  }
0x9a: {  	v3 =	vmul.f32 $1.442695020e+00, v3;
	_ =	sdelay $0x1  }
0x9b: {  	(erf) = vpow2.f32 v3;
	_ =	sdelay $0x8  }
0x9c: {  	v3 =	vpop (erf)  }
0x9d: {  	v3 =	vadd.f32 $1.000000000e+00, v3;
	_ =	sdelay $0x1  }
0x9e: {  	(erf) = vrcp.f32 v3;
	_ =	sdelay $0x3  }
0x9f: {  	v4 =	vld [tilespmem:s11+$0x1090]  }
0xa0: {  	v5 =	vld [tilespmem:s11+$0x10D0]  }
0xa1: {  	v3 =	vld.idx.msk [tilespmem:v1+s11+$0x10 ss:$0x1], $0xffff;
	_ =	sdelay $0x2  }
0xa2: {  	v6 =	vpop (erf)  }
0xa3: {  	v4 =	vmul.f32 v6, v4  }
0xa4: {  	v3 =	vadd.f32 v3, v5;
	[tilespmem:s11+$0x50D0] =	vst v6  }
0xa5: {  	[tilespmem:s11+$0x5090] =	vst v4  }
0xa6: {  	[tilespmem:s10+$0xFFFFFFF0] =	vst v3  }
0xa7: {  	v3 =	vld [tilespmem:s21+$0x0];
	_ =	sdelay $0x4  }
0xa8: {  	v3 =	vsub.f32 $0.0e+00, v3;
	_ =	sdelay $0x1  }
0xa9: {  	v3 =	vmul.f32 $1.442695020e+00, v3;
	_ =	sdelay $0x1  }
0xaa: {  	(erf) = vpow2.f32 v3;
	_ =	sdelay $0x8  }
0xab: {  	v3 =	vpop (erf)  }
0xac: {  	v3 =	vadd.f32 $1.000000000e+00, v3;
	_ =	sdelay $0x1  }
0xad: {  	(erf) = vrcp.f32 v3;
	_ =	sdelay $0x3  }
0xae: {  	v4 =	vld [tilespmem:s11+$0x10A0]  }
0xaf: {  	v5 =	vld [tilespmem:s11+$0x10E0]  }
0xb0: {  	v3 =	vld.idx.msk [tilespmem:v1+s11+$0x20 ss:$0x1], $0xffff;
	_ =	sdelay $0x2  }
0xb1: {  	v6 =	vpop (erf)  }
0xb2: {  	v4 =	vmul.f32 v6, v4  }
0xb3: {  	v3 =	vadd.f32 v3, v5;
	[tilespmem:s11+$0x50E0] =	vst v6  }
0xb4: {  	[tilespmem:s11+$0x50A0] =	vst v4  }
0xb5: {  	[tilespmem:s10+$0x0] =	vst v3  }
0xb6: {  	v3 =	vld [tilespmem:s21+$0x10];
	_ =	sdelay $0x4  }
0xb7: {  	v3 =	vsub.f32 $0.0e+00, v3;
	_ =	sdelay $0x1  }
0xb8: {  	v3 =	vmul.f32 $1.442695020e+00, v3;
	_ =	sdelay $0x1  }
0xb9: {  	(erf) = vpow2.f32 v3;
	_ =	sdelay $0x8  }
0xba: {  	v3 =	vpop (erf)  }
0xbb: {  	v3 =	vadd.f32 $1.000000000e+00, v3;
	_ =	sdelay $0x1  }
0xbc: {  	(erf) = vrcp.f32 v3;
	_ =	sdelay $0x2  }
0xbd: {  	v5 =	vld.idx.msk [tilespmem:v1+s11+$0x30 ss:$0x1], $0xffff  }
0xbe: {  	v6 =	vld [tilespmem:s11+$0x10F0]  }
0xbf: {  	v3 =	vld [tilespmem:s11+$0x10B0];
	_ =	sdelay $0x3  }
0xc0: {  	v7 =	vpop (erf)  }
0xc1: {  	s13 =	simm.s32 $0x70A0;
	s12 =	simm.s32 $0x200;
	v4 =	vmul.f32 v7, v3;
	[tilespmem:s11+$0x50F0] =	vst v7;
	v3 =	vadd.f32 v5, v6  }
.LBB2_6:
0xc2: {  	p0 =	sne.s32 s12, $0x7E00;
	s10 =	sadd.s32 $0x40, s10;
	s21 =	sadd.s32 $0x40, s21  }
0xc3: {  	[tilespmem:s11+$0x50B0] =	vst v4;
	s11 =	smov.u32 s12;
	s12 =	sadd.s32 $0x200, s12  }
0xc4: {  	[tilespmem:s13+$0x10] =	vst v3;
	s13 =	smov.u32 s10  }
0xc5: {  	v3 =	vld [tilespmem:s21+$0xFFFFFFE0];
	_ =	sdelay $0x4  }
0xc6: {  	v3 =	vsub.f32 $0.0e+00, v3;
	_ =	sdelay $0x1  }
0xc7: {  	v3 =	vmul.f32 $1.442695020e+00, v3;
	_ =	sdelay $0x1  }
0xc8: {  	(erf) = vpow2.f32 v3;
	_ =	sdelay $0x8  }
0xc9: {  	v3 =	vpop (erf)  }
0xca: {  	v3 =	vadd.f32 $1.000000000e+00, v3;
	_ =	sdelay $0x1  }
0xcb: {  	(erf) = vrcp.f32 v3;
	_ =	sdelay $0x1  }
0xcc: {  	s11 =	sshra.s32 s11, $0x2  }
0xcd: {  	v3 =	vld [tilespmem:s11+$0x10C0]  }
0xce: {  	v4 =	vld [tilespmem:s11+$0x1080]  }
0xcf: {  	v5 =	vld.idx.msk [tilespmem:v1+s11+$0x0 ss:$0x1], $0xffff;
	_ =	sdelay $0x3  }
0xd0: {  	v6 =	vpop (erf)  }
0xd1: {  	v4 =	vmul.f32 v6, v4  }
0xd2: {  	v3 =	vadd.f32 v5, v3;
	[tilespmem:s11+$0x50C0] =	vst v6  }
0xd3: {  	[tilespmem:s11+$0x5080] =	vst v4  }
0xd4: {  	[tilespmem:s10+$0xFFFFFFE0] =	vst v3  }
0xd5: {  	v3 =	vld [tilespmem:s21+$0xFFFFFFF0];
	_ =	sdelay $0x4  }
0xd6: {  	v3 =	vsub.f32 $0.0e+00, v3;
	_ =	sdelay $0x1  }
0xd7: {  	v3 =	vmul.f32 $1.442695020e+00, v3;
	_ =	sdelay $0x1  }
0xd8: {  	(erf) = vpow2.f32 v3;
	_ =	sdelay $0x8  }
0xd9: {  	v3 =	vpop (erf)  }
0xda: {  	v3 =	vadd.f32 $1.000000000e+00, v3;
	_ =	sdelay $0x1  }
0xdb: {  	(erf) = vrcp.f32 v3;
	_ =	sdelay $0x2  }
0xdc: {  	v3 =	vld.idx.msk [tilespmem:v1+s11+$0x10 ss:$0x1], $0xffff  }
0xdd: {  	v4 =	vld [tilespmem:s11+$0x1090]  }
0xde: {  	v5 =	vld [tilespmem:s11+$0x10D0];
	_ =	sdelay $0x3  }
0xdf: {  	v6 =	vpop (erf)  }
0xe0: {  	v4 =	vmul.f32 v6, v4;
	[tilespmem:s11+$0x50D0] =	vst v6;
	v3 =	vadd.f32 v3, v5;
	_ =	sdelay $0x1  }
0xe1: {  	[tilespmem:s11+$0x5090] =	vst v4  }
0xe2: {  	[tilespmem:s10+$0xFFFFFFF0] =	vst v3  }
0xe3: {  	v3 =	vld [tilespmem:s21+$0x0]  }
0xe4: {  	v4 =	vld.idx.msk [tilespmem:v1+s11+$0x20 ss:$0x1], $0xffff;
	_ =	sdelay $0x3  }
0xe5: {  	v3 =	vsub.f32 $0.0e+00, v3;
	_ =	sdelay $0x1  }
0xe6: {  	v3 =	vmul.f32 $1.442695020e+00, v3;
	_ =	sdelay $0x1  }
0xe7: {  	(erf) = vpow2.f32 v3;
	_ =	sdelay $0x8  }
0xe8: {  	v3 =	vpop (erf)  }
0xe9: {  	v3 =	vadd.f32 $1.000000000e+00, v3;
	_ =	sdelay $0x1  }
0xea: {  	(erf) = vrcp.f32 v3;
	_ =	sdelay $0x3  }
0xeb: {  	v3 =	vld [tilespmem:s11+$0x10A0]  }
0xec: {  	v5 =	vld [tilespmem:s11+$0x10E0];
	_ =	sdelay $0x3  }
0xed: {  	v6 =	vpop (erf)  }
0xee: {  	v3 =	vmul.f32 v6, v3;
	[tilespmem:s11+$0x50E0] =	vst v6;
	v4 =	vadd.f32 v4, v5;
	_ =	sdelay $0x1  }
0xef: {  	[tilespmem:s11+$0x50A0] =	vst v3  }
0xf0: {  	[tilespmem:s10+$0x0] =	vst v4  }
0xf1: {  	v3 =	vld [tilespmem:s21+$0x10]  }
0xf2: {  	v4 =	vld [tilespmem:s11+$0x10B0]  }
0xf3: {  	v5 =	vld.idx.msk [tilespmem:v1+s11+$0x30 ss:$0x1], $0xffff  }
0xf4: {  	v6 =	vld [tilespmem:s11+$0x10F0];
	_ =	sdelay $0x1  }
0xf5: {  	v3 =	vsub.f32 $0.0e+00, v3;
	_ =	sdelay $0x1  }
0xf6: {  	v3 =	vmul.f32 $1.442695020e+00, v3;
	_ =	sdelay $0x1  }
0xf7: {  	(erf) = vpow2.f32 v3;
	_ =	sdelay $0x8  }
0xf8: {  	v3 =	vpop (erf)  }
0xf9: {  	v3 =	vadd.f32 $1.000000000e+00, v3;
	_ =	sdelay $0x1  }
0xfa: {  	(erf) = vrcp.f32 v3;
	_ =	sdelay $0x5  }
.Ltmp6:
0xfb: {  	(pc) =	sbr.rel @p0 .LBB2_6-.Ltmp6, $3  }
0xfc: {  	_ =	sdelay $0x1  }
0xfd: {  	v3 =	vpop (erf)  }
0xfe: {  	v4 =	vmul.f32 v3, v4;
	[tilespmem:s11+$0x50F0] =	vst v3;
	v3 =	vadd.f32 v5, v6  }
0xff: {  	_ = 	snop  }
0x100: {  	[tilespmem:s11+$0x50B0] =	vst v4  }
0x101: {  	[tilespmem:s13+$0x10] =	vst v3  }
0x102: {  	[spmem:s2] =	stream.indirect.scatter.add.f32 [tilespmem:s16], [sflag:$0x4], $0x80, s26, s28, $0xb8;
	[tilespmem:$0x1F780] =	vst v63  }
0x103: {  	_ =	swait.ge [sflag:s24], $0x2000  }
0x104: {  	[sflag:s24] =	ssyncset.done $0x0  }
.Ltmp7:
0x105: {  	s10 =	sadd.s32 s9, s20;
	[sflag:s24] =	ssyncadd.s32 $0xFFFFE000;
	(pc) =	sbr.rel .LBB2_8-.Ltmp7, $4  }
0x106: {  	[hbm4b:s10+s3] =	stream.linear.scatter [tilespmem:s17], [sflag:$0x3], $0x1000, $0x38;
	[tilespmem:$0x1F780] =	vst v63  }
0x107: {  	_ =	swait.ge [sflag:s23], $0x1000  }
0x108: {  	[sflag:s23] =	ssyncset.done $0x0  }
0x109: {  	[sflag:s23] =	ssyncadd.s32 $0xFFFFF000  }
.LBB2_10:
0x10a: {  	_ =	sfence.sel $0x180000  }
0x10b: {  	[bflag:$0x0] =	sbarrier.arrive $0xFFFF  }
0x10c: {  	_ =	strace $0x9000004D  }
0x10d: {  	[bflag:$0x2] =	sbarrier.arrive $0xFFFF  }
0x10e: {  	p0 =	sne.s32 s4, $0x0;
	s0 =	rddreg [dreg:$0x3]  }
0x10f: {  	s0 =	sadd.s32 @!p0 $0x100000, s0  }
0x110: {  	[sflag:s0] =	ssyncadd.tile.s32 @!p0 $0x1;
	_ =	shalt  }
.Lfunc_end2:
_tile_overlayer_lowered:
.L_overlay_start_2:
0x111: {  	(tag) =	ssettag $0x2  }
0x112: {  	s0 =	rddreg [dreg:$0x0];
	s2 =	stileid.u32  }
0x113: {  	s1 =	rddreg [dreg:$0x1];
	p0 =	sne.s32 s2, $0x0  }
0x114: {  	s3 =	rddreg [dreg:$0x2];
	[bflag:$0x3] =	sbarrier.arrive $0xFFFF;
	s2 =	simm.s32 @!p0 $0x1C03  }
0x115: {  	[timem:s3], [sflag:s2] =	dma.local @!p0 [hbm:s0], s1  }
0x116: {  	s0 =	simm.s32 @!p0 $0x3  }
0x117: {  	_ =	swait.ge @!p0 [sflag:s0], s1  }
0x118: {  	s1 =	ssub.s32 @!p0 $0x0, s1;
	[sflag:s0] =	ssyncset.done @!p0 $0x0  }
0x119: {  	[sflag:s0] =	ssyncadd.s32 @!p0 s1  }
0x11a: {  	[bflag:$0x3] =	sbarrier.arrive $0xFFFF  }
0x11b: {  	_ =	shalt  }

</sc_bundles>
